<compile_context>
chip_gen: v7x
topology: tpu7x:2x2x1
jax: 0.10.2.dev20260603
libtpu: 0.0.44.dev20260713+nightly
codegen_flags: <defaults>
</compile_context>

<pallas_src>
import functools

import jax
import jax.numpy as jnp
from jax import lax
from jax.experimental import pallas as pl
from jax.experimental.pallas import tpu as pltpu
from jax.experimental.pallas import tpu_sc as plsc

N = 10000
NPAD = 10240
E = 320000
EC = 128
HID = 128
B = 64
K = 30
KP = 32
NEG = -1e30
BN = 2048
NT = 32

def _pc(body, grid, in_specs, out_specs, out_shape, scratch_shapes=()):
    return pl.pallas_call(
        body,
        grid=grid,
        in_specs=in_specs,
        out_specs=out_specs,
        out_shape=out_shape,
        scratch_shapes=list(scratch_shapes),
    )


EF = E + N
EPAD2 = 331776
EPT2 = EPAD2 // 32


def _scmsg_body(hw_hbm, row_hbm, norm_hbm, out_hbm, rowv, normv, gbuf, sem):
    cid = lax.axis_index("c")
    sid = lax.axis_index("s")
    wid = cid * 16 + sid

    def step(i, carry):
        base = wid * EPT2 + i * EC
        pltpu.sync_copy(row_hbm.at[pl.ds(base, EC)], rowv)
        pltpu.sync_copy(norm_hbm.at[pl.ds(base, EC)], normv.at[pl.ds(0, EC)])
        pltpu.async_copy(hw_hbm.at[rowv], gbuf, sem).wait()

        def erow(e, c2):
            nv = normv[pl.ds(e, 16)][0]
            for k in range(HID // 16):
                gbuf[e, pl.ds(k * 16, 16)] = gbuf[e, pl.ds(k * 16, 16)] * nv
            return c2

        lax.fori_loop(0, EC, erow, 0)
        pltpu.sync_copy(gbuf, out_hbm.at[pl.ds(base, EC)])
        return carry

    lax.fori_loop(0, EPT2 // EC, step, 0)


def _scmsg(hw, row_e, norm_e):
    return pl.kernel(
        _scmsg_body,
        out_type=jax.ShapeDtypeStruct((EPAD2, HID), jnp.float32),
        mesh=plsc.VectorSubcoreMesh(core_axis_name="c", subcore_axis_name="s"),
        scratch_types=[
            pltpu.VMEM((EC,), jnp.int32),
            pltpu.VMEM((EC + 16,), jnp.float32),
            pltpu.VMEM((EC, HID), jnp.float32),
            pltpu.SemaphoreType.DMA,
        ],
    )(hw, row_e, norm_e)


def _a0_body(hist_ref, h0_ref, w_ref, dinv_ref, g_ref):
    deg = jnp.sum(hist_ref[...], axis=1, keepdims=True) + 1.0
    dinv = jax.lax.rsqrt(deg)
    dinv_ref[...] = dinv
    g_ref[...] = jnp.dot(
        h0_ref[...], w_ref[...], preferred_element_type=jnp.float32)


def _a0(hist_t, h0, w0):
    grid = (NPAD // BN,)
    return _pc(
        _a0_body, grid,
        in_specs=[
            pl.BlockSpec((BN, NT), lambda i: (i, 0)),
            pl.BlockSpec((BN, HID), lambda i: (i, 0)),
            pl.BlockSpec((HID, HID), lambda i: (0, 0)),
        ],
        out_specs=[
            pl.BlockSpec((BN, 1), lambda i: (i, 0)),
            pl.BlockSpec((BN, HID), lambda i: (i, 0)),
        ],
        out_shape=[
            jax.ShapeDtypeStruct((NPAD, 1), jnp.float32),
            jax.ShapeDtypeStruct((NPAD, HID), jnp.float32),
        ],
    )(hist_t, h0, w0)


def _amid_body(sp_ref, g_ref, b_ref, dinv_ref, w_ref, h_ref, gout_ref):
    pre = sp_ref[0] + b_ref[...]
    h = jnp.tanh(pre)
    h_ref[...] = h
    gout_ref[...] = jnp.dot(h, w_ref[...], preferred_element_type=jnp.float32)


def _layer(sp, g, b, dinv, w_next, out_cols):
    grid = (NPAD // BN,)
    return _pc(
        _amid_body, grid,
        in_specs=[
            pl.BlockSpec((1, BN, HID), lambda i: (0, i, 0)),
            pl.BlockSpec((BN, HID), lambda i: (i, 0)),
            pl.BlockSpec((1, HID), lambda i: (0, 0)),
            pl.BlockSpec((BN, 1), lambda i: (i, 0)),
            pl.BlockSpec((HID, out_cols), lambda i: (0, 0)),
        ],
        out_specs=[
            pl.BlockSpec((BN, HID), lambda i: (i, 0)),
            pl.BlockSpec((BN, out_cols), lambda i: (i, 0)),
        ],
        out_shape=[
            jax.ShapeDtypeStruct((NPAD, HID), jnp.float32),
            jax.ShapeDtypeStruct((NPAD, out_cols), jnp.float32),
        ],
    )(sp, g, b, dinv, w_next)


def _topk_body(sp_ref, g3_ref, dinv_ref, batch_ref, b3_ref,
               idx_ref, val_ref, msk_ref, km_ref):
    s = jnp.tanh(jnp.sum(sp_ref[...], axis=0, keepdims=True)
                 + 0.0 * (dinv_ref[...] + g3_ref[...]) + b3_ref[0, 0])
    bid = jax.lax.broadcasted_iota(jnp.int32, (B, NPAD), 0)
    sm = jnp.broadcast_to(s, (B, NPAD))
    km_ref[...] = jnp.where(jnp.broadcast_to(batch_ref[...], (B, NPAD)) == bid,
                            sm, NEG)
    cols = jax.lax.broadcasted_iota(jnp.int32, (B, NPAD), 1)
    kcol = jax.lax.broadcasted_iota(jnp.int32, (B, KP), 1)

    def body(k, carry):
        idxa, vala = carry
        km = km_ref[...]
        m = jnp.max(km, axis=1, keepdims=True)
        am = jnp.min(jnp.where(km >= m, cols, NPAD), axis=1, keepdims=True)
        km_ref[...] = jnp.where(cols == am, NEG, km)
        sel = kcol == k
        idxa = jnp.where(sel, am, idxa)
        vala = jnp.where(sel, m, vala)
        return idxa, vala

    idxa0 = jnp.zeros((B, KP), jnp.int32)
    vala0 = jnp.full((B, KP), NEG, jnp.float32)
    idxa, vala = jax.lax.fori_loop(0, K, body, (idxa0, vala0))
    valid = vala > -1e29
    idx_ref[...] = idxa
    val_ref[...] = jnp.where(valid, vala, 0.0)
    msk_ref[...] = valid.astype(jnp.float32)


def _topk(sp, g3_row, dinv_row, batch_row, b3):
    full = lambda *shape: pl.BlockSpec(shape, lambda i: (0,) * len(shape))
    return _pc(
        _topk_body, (1,),
        in_specs=[
            full(NT, NPAD),
            full(1, NPAD),
            full(1, NPAD),
            full(1, NPAD),
            full(1, 1),
        ],
        out_specs=[full(B, KP), full(B, KP), full(B, KP)],
        out_shape=[
            jax.ShapeDtypeStruct((B, KP), jnp.int32),
            jax.ShapeDtypeStruct((B, KP), jnp.float32),
            jax.ShapeDtypeStruct((B, KP), jnp.float32),
        ],
        scratch_shapes=[pltpu.VMEM((B, NPAD), jnp.float32)],
    )(sp, g3_row, dinv_row, batch_row, b3)


def _head_body(t1_ref, t2_ref, t3_ref, sv_ref, vm_ref,
               u1_ref, u2_ref, u3_ref, u4_ref, b1_ref,
               w2blk_ref, b2blk_ref, w1p_ref, mb1_ref, w2_ref, mb2_ref,
               out_ref):
    dot = functools.partial(jnp.dot, preferred_element_type=jnp.float32,
                            precision=jax.lax.Precision.HIGHEST)
    lin = (dot(t1_ref[...], u1_ref[...]) + dot(t2_ref[...], u2_ref[...])
           + dot(t3_ref[...], u3_ref[...]) + sv_ref[...] * u4_ref[...])
    r = jnp.maximum(lin * vm_ref[...] + b1_ref[...], 0.0)
    r3 = r.reshape(B, KP, 16)
    ms = [jnp.maximum(r3[:, 2 * j, :], r3[:, 2 * j + 1, :]) for j in range(15)]
    zbig = jnp.concatenate(
        [ms[p + dt] for p in range(11) for dt in range(5)], axis=1)
    y2 = jnp.maximum(dot(zbig, w2blk_ref[...]) + b2blk_ref[...], 0.0)
    hid = jnp.maximum(dot(y2, w1p_ref[...]) + mb1_ref[...], 0.0)
    out_ref[...] = dot(hid, w2_ref[...]) + mb2_ref[...]


def _head(t1, t2, t3, sv, vm, u1, u2, u3, u4, b1,
          w2blk, b2blk, w1p, mb1, w2, mb2):
    full = lambda *shape: pl.BlockSpec(shape, lambda i: (0,) * len(shape))
    return _pc(
        _head_body, (1,),
        in_specs=[
            full(B * KP, HID), full(B * KP, HID), full(B * KP, HID),
            full(B * KP, 1), full(B * KP, 1),
            full(HID, 16), full(HID, 16), full(HID, 16), full(1, 16),
            full(1, 16),
            full(880, 352), full(1, 352), full(352, HID), full(1, HID),
            full(HID, 1), full(1, 1),
        ],
        out_specs=[full(B, 1)],
        out_shape=[jax.ShapeDtypeStruct((B, 1), jnp.float32)],
    )(t1, t2, t3, sv, vm, u1, u2, u3, u4, b1, w2blk, b2blk, w1p, mb1, w2, mb2)[0]


def kernel(num_nodes, z, edge_index, batch, z_table,
           W0, b0, W1, b1, W2, b2, W3, b3,
           conv1_w, conv1_b, conv2_w, conv2_b,
           mlp_w1, mlp_b1, mlp_w2, mlp_b2):
    row = edge_index[0].astype(jnp.int32)
    col = edge_index[1].astype(jnp.int32)
    z_p = jnp.concatenate([z.astype(jnp.int32), jnp.zeros((NPAD - N,), jnp.int32)])
    batch_p = jnp.concatenate(
        [batch.astype(jnp.int32), jnp.full((NPAD - N,), B, jnp.int32)])

    h0 = z_table[z_p]
    indeg = jax.ops.segment_sum(jnp.ones((E,), jnp.float32), col, num_segments=NPAD)
    hist_t = jnp.zeros((NPAD, NT), jnp.float32).at[:, 0].set(indeg)

    dinv, hw0 = _a0(hist_t, h0, W0)
    dinv1 = dinv[:, 0]
    loops = jnp.arange(N, dtype=jnp.int32)
    row_f = jnp.concatenate([row, loops])
    col_f = jnp.concatenate([col, loops])
    norm1 = dinv1[row_f] * dinv1[col_f]
    row_e = jnp.concatenate([row_f, jnp.zeros((EPAD2 - EF,), jnp.int32)])
    norm_e = jnp.concatenate([norm1, jnp.zeros((EPAD2 - EF,), jnp.float32)])

    def agg(hw):
        m = _scmsg(hw, row_e, norm_e)[:EF]
        s = jax.ops.segment_sum(m, col_f, num_segments=N)
        return jnp.concatenate([s, jnp.zeros((NPAD - N, HID), jnp.float32)])[None]

    h1, hw1 = _layer(agg(hw0), hw0, b0[None, :], dinv, W1, HID)
    h2, hw2 = _layer(agg(hw1), hw1, b1[None, :], dinv, W2, HID)
    h3, hw3c = _layer(agg(hw2), hw2, b2[None, :], dinv, W3, 1)

    s3 = jax.ops.segment_sum((hw3c[:, 0])[row_f] * norm1, col_f,
                             num_segments=N)
    s3p = jnp.zeros((NT, NPAD), jnp.float32).at[0, :N].set(s3)

    idxq, valq, mskq = _topk(s3p, hw3c.T, dinv.T, batch_p[None, :],
                             b3.reshape(1, 1))
    idx_flat = idxq.reshape(-1)
    t1 = h1[idx_flat]
    t2 = h2[idx_flat]
    t3 = h3[idx_flat]

    c1 = conv1_w[:, 0, :]
    u1 = c1[:, 0:HID].T
    u2 = c1[:, HID:2 * HID].T
    u3 = c1[:, 2 * HID:3 * HID].T
    u4 = c1[:, 3 * HID][None, :]
    blk = conv2_w.transpose(2, 1, 0).reshape(80, 32)
    w2blk = jnp.kron(jnp.eye(11, dtype=jnp.float32), blk)
    b2blk = jnp.tile(conv2_b, 11)[None, :]
    w1p = mlp_w1.reshape(32, 11, HID).transpose(1, 0, 2).reshape(352, HID)

    return _head(t1, t2, t3, valq.reshape(-1, 1), mskq.reshape(-1, 1),
                 u1, u2, u3, u4, conv1_b[None, :],
                 w2blk, b2blk, w1p, mlp_b1[None, :], mlp_w2,
                 mlp_b2.reshape(1, 1))

# --- scband reference (transcript-rebuilt; emitter-appended) ---
"""Pipeline reference for scband-dgcnn-1254130450623 (READ-ONLY COPY).

The authoritative reference and input builder live on the scoring server;
editing this copy changes nothing except your own understanding.
"""

import jax, jax.numpy as jnp
import numpy as np

N = 10000
E = 320000
HID = 128
NUM_LAYERS = 3
B = 64
K = 30
MAXZ = 1000
OUT_CH = 1
D = HID * NUM_LAYERS + 1
DENSE_DIM = (((K - 2) // 2 + 1) - 5 + 1) * 32


def _gcn(x, W, b, row, col, dinv, n):
    h = x @ W
    norm = (dinv[row] * dinv[col])[:, None]
    return jax.ops.segment_sum(h[row] * norm, col, num_segments=n) + b


def _forward(num_nodes, z, edge_index, batch, z_table, W0, b0, W1, b1, W2, b2, W3, b3, conv1_w, conv1_b, conv2_w, conv2_b, mlp_w1, mlp_b1, mlp_w2, mlp_b2):
    n = z.shape[0]
    loops = jnp.arange(n)
    row = jnp.concatenate([edge_index[0], loops])
    col = jnp.concatenate([edge_index[1], loops])
    deg = jax.ops.segment_sum(jnp.ones(row.shape[0], jnp.float32), col, num_segments=n)
    dinv = jnp.where(deg > 0, 1.0 / jnp.sqrt(deg), 0.0)
    h = z_table[z]
    xs = []
    for W, b in ((W0, b0), (W1, b1), (W2, b2), (W3, b3)):
        h = jnp.tanh(_gcn(h, W, b, row, col, dinv, n))
        xs.append(h)
    xcat = jnp.concatenate(xs, axis=-1)
    counts = jnp.bincount(batch, length=B)
    ptr = jnp.concatenate([jnp.zeros((1,), counts.dtype), jnp.cumsum(counts)])
    pos = jnp.arange(n) - ptr[batch]
    node_ok = jnp.arange(n) < num_nodes
    M = max(n, K)
    dense = jnp.zeros((B, M, D), jnp.float32).at[batch, pos].set(xcat)
    valid = jnp.zeros((B, M), bool).at[batch, pos].set(node_ok)
    skey = jnp.where(valid, dense[:, :, -1], -jnp.inf)
    order = jnp.argsort(-skey, axis=1)[:, :K]
    topk = jnp.take_along_axis(dense, order[:, :, None], axis=1)
    tvalid = jnp.take_along_axis(valid, order, axis=1)
    topk = topk * tvalid[:, :, None].astype(topk.dtype)
    xf = topk.reshape(B, 1, K * D)
    y = jax.lax.conv_general_dilated(xf, conv1_w, (D,), 'VALID', dimension_numbers=('NCH', 'OIH', 'NCH'))
    y = jax.nn.relu(y + conv1_b[None, :, None])
    y = jax.lax.reduce_window(y, -jnp.inf, jax.lax.max, (1, 1, 2), (1, 1, 2), 'VALID')
    y = jax.lax.conv_general_dilated(y, conv2_w, (1,), 'VALID', dimension_numbers=('NCH', 'OIH', 'NCH'))
    y = jax.nn.relu(y + conv2_b[None, :, None])
    y = y.reshape(B, -1)
    y = jax.nn.relu(y @ mlp_w1 + mlp_b1)
    return y @ mlp_w2 + mlp_b2


def setup_inputs(seed: int = 0):
    key = jax.random.key(seed)
    ks = jax.random.split(key, 16)
    s = 0.05
    return {
        'num_nodes': N,
        'z': jax.random.randint(ks[0], (N,), 0, MAXZ),
        'edge_index': jax.random.randint(ks[1], (2, E), 0, N),
        'batch': jnp.sort(jax.random.randint(ks[2], (N,), 0, B)),
        'z_table': jax.random.normal(ks[3], (MAXZ, HID), jnp.float32) * s,
        'W0': jax.random.normal(ks[4], (HID, HID), jnp.float32) * s,
        'b0': jnp.zeros((HID,), jnp.float32),
        'W1': jax.random.normal(ks[5], (HID, HID), jnp.float32) * s,
        'b1': jnp.zeros((HID,), jnp.float32),
        'W2': jax.random.normal(ks[6], (HID, HID), jnp.float32) * s,
        'b2': jnp.zeros((HID,), jnp.float32),
        'W3': jax.random.normal(ks[7], (HID, 1), jnp.float32) * s,
        'b3': jnp.zeros((1,), jnp.float32),
        'conv1_w': jax.random.normal(ks[8], (16, 1, D), jnp.float32) * s,
        'conv1_b': jnp.zeros((16,), jnp.float32),
        'conv2_w': jax.random.normal(ks[9], (32, 16, 5), jnp.float32) * s,
        'conv2_b': jnp.zeros((32,), jnp.float32),
        'mlp_w1': jax.random.normal(ks[10], (DENSE_DIM, 128), jnp.float32) * s,
        'mlp_b1': jnp.zeros((128,), jnp.float32),
        'mlp_w2': jax.random.normal(ks[11], (128, OUT_CH), jnp.float32) * s,
        'mlp_b2': jnp.zeros((OUT_CH,), jnp.float32),
    }


def reference(num_nodes, z, edge_index, batch, z_table, W0, b0, W1, b1, W2, b2, W3, b3, conv1_w, conv1_b, conv2_w, conv2_b, mlp_w1, mlp_b1, mlp_w2, mlp_b2):
    return _forward(num_nodes, z, edge_index, batch, z_table, W0, b0, W1, b1, W2, b2, W3, b3, conv1_w, conv1_b, conv2_w, conv2_b, mlp_w1, mlp_b1, mlp_w2, mlp_b2)

if __name__ == "__main__":
    import jax
    _d = setup_inputs()
    print(jax.jit(kernel)(*tuple(_d.values())))

</pallas_src>

<mosaic_0001>
#map = affine_map<(d0, d1) -> (0, 0)>
#map1 = affine_map<(d0, d1) -> (0)>
module attributes {stable_mosaic.version = 14 : i64} {
  func.func @_scmsg_body(%arg0: i32, %arg1: i32, %arg2: memref<10240x128xf32, #tpu.memory_space<hbm>>, %arg3: memref<331776xi32, #tpu.memory_space<hbm>>, %arg4: memref<331776xf32, #tpu.memory_space<hbm>>, %arg5: memref<331776x128xf32, #tpu.memory_space<hbm>>, %arg6: memref<128xi32, #tpu.memory_space<vmem>>, %arg7: memref<144xf32, #tpu.memory_space<vmem>>, %arg8: memref<128x128xf32, #tpu.memory_space<vmem>>, %arg9: memref<!tpu.dma_semaphore, #tpu.memory_space<semaphore_mem>>) attributes {dimension_semantics = [#tpu.dimension_semantics<core_parallel>, #tpu.dimension_semantics<subcore_parallel>], iteration_bounds = array<i64: 2, 16>, scalar_prefetch = 0 : i64, scratch_operands = 4 : i64, tpu.core_type = #tpu.core_type<sc_vector_subcore>, window_params = [{transform_indices = #map}, {transform_indices = #map1}, {transform_indices = #map1}, {transform_indices = #map}]} {
    %mul3A = arith.constant 16 : i32
    %mul3A_0 = arith.muli %arg0, %mul3A : i32
    %add3A = arith.addi %mul3A_0, %arg1 : i32
    %scan3A = arith.constant 0 : i32
    %scan3A_1 = arith.constant 0 : i32
    %scan3A_2 = arith.constant 81 : i32
    %scan3A_3 = arith.addi %scan3A_1, %scan3A_2 : i32
    %scan3A_4 = arith.constant 1 : i32
    scf.for %scan3A_6 = %scan3A_1 to %scan3A_3 step %scan3A_4  : i32 {
      %mul3A_7 = arith.constant 10368 : i32
      %mul3A_8 = arith.muli %add3A, %mul3A_7 : i32
      %mul3A_9 = arith.constant 128 : i32
      %mul3A_10 = arith.muli %scan3A_6, %mul3A_9 : i32
      %add3A_11 = arith.addi %mul3A_8, %mul3A_10 : i32
      "tpu.region"() ({
        %run_scoped3A = tpu.sem_alloc : memref<!tpu.dma_semaphore, #tpu.memory_space<semaphore_mem>>
        %dma_start3A_22 = tpu.memref_slice %arg3[%add3A_11] : memref<331776xi32, #tpu.memory_space<hbm>> -> memref<128xi32, #tpu.memory_space<hbm>>
        %dma_start3A_23 = tpu.memref_slice %arg3[%add3A_11] : memref<331776xi32, #tpu.memory_space<hbm>> -> memref<128xi32, #tpu.memory_space<hbm>>
        tpu.enqueue_dma source(%dma_start3A_23 : memref<128xi32, #tpu.memory_space<hbm>>) target(%arg6 : memref<128xi32, #tpu.memory_space<vmem>>) target_semaphore(%run_scoped3A : memref<!tpu.dma_semaphore, #tpu.memory_space<semaphore_mem>>)
        %dma_wait3A_24 = tpu.memref_slice %arg3[%add3A_11] : memref<331776xi32, #tpu.memory_space<hbm>> -> memref<128xi32, #tpu.memory_space<hbm>>
        %dma_wait3A_25 = tpu.memref_slice %arg3[%add3A_11] : memref<331776xi32, #tpu.memory_space<hbm>> -> memref<128xi32, #tpu.memory_space<hbm>>
        tpu.wait_dma2 semaphore(%run_scoped3A : memref<!tpu.dma_semaphore, #tpu.memory_space<semaphore_mem>>) src(%dma_wait3A_25 : memref<128xi32, #tpu.memory_space<hbm>>) dst(%arg6 : memref<128xi32, #tpu.memory_space<vmem>>)
        tpu.yield
      }) : () -> ()
      "tpu.region"() ({
        %run_scoped3A = tpu.sem_alloc : memref<!tpu.dma_semaphore, #tpu.memory_space<semaphore_mem>>
        %dma_start3A_22 = arith.constant 0 : i32
        %dma_start3A_23 = tpu.memref_slice %arg7[%dma_start3A_22] : memref<144xf32, #tpu.memory_space<vmem>> -> memref<128xf32, #tpu.memory_space<vmem>>
        %dma_start3A_24 = tpu.memref_slice %arg4[%add3A_11] : memref<331776xf32, #tpu.memory_space<hbm>> -> memref<128xf32, #tpu.memory_space<hbm>>
        %dma_start3A_25 = arith.constant 0 : i32
        %dma_start3A_26 = tpu.memref_slice %arg7[%dma_start3A_25] : memref<144xf32, #tpu.memory_space<vmem>> -> memref<128xf32, #tpu.memory_space<vmem>>
        %dma_start3A_27 = tpu.memref_slice %arg4[%add3A_11] : memref<331776xf32, #tpu.memory_space<hbm>> -> memref<128xf32, #tpu.memory_space<hbm>>
        tpu.enqueue_dma source(%dma_start3A_27 : memref<128xf32, #tpu.memory_space<hbm>>) target(%dma_start3A_26 : memref<128xf32, #tpu.memory_space<vmem>>) target_semaphore(%run_scoped3A : memref<!tpu.dma_semaphore, #tpu.memory_space<semaphore_mem>>)
        %dma_wait3A_28 = arith.constant 0 : i32
        %dma_wait3A_29 = tpu.memref_slice %arg7[%dma_wait3A_28] : memref<144xf32, #tpu.memory_space<vmem>> -> memref<128xf32, #tpu.memory_space<vmem>>
        %dma_wait3A_30 = tpu.memref_slice %arg4[%add3A_11] : memref<331776xf32, #tpu.memory_space<hbm>> -> memref<128xf32, #tpu.memory_space<hbm>>
        %dma_wait3A_31 = arith.constant 0 : i32
        %dma_wait3A_32 = tpu.memref_slice %arg7[%dma_wait3A_31] : memref<144xf32, #tpu.memory_space<vmem>> -> memref<128xf32, #tpu.memory_space<vmem>>
        %dma_wait3A_33 = tpu.memref_slice %arg4[%add3A_11] : memref<331776xf32, #tpu.memory_space<hbm>> -> memref<128xf32, #tpu.memory_space<hbm>>
        tpu.wait_dma2 semaphore(%run_scoped3A : memref<!tpu.dma_semaphore, #tpu.memory_space<semaphore_mem>>) src(%dma_wait3A_33 : memref<128xf32, #tpu.memory_space<hbm>>) dst(%dma_wait3A_32 : memref<128xf32, #tpu.memory_space<vmem>>)
        tpu.yield
      }) : () -> ()
      %dma_start3A = arith.constant 0 : i32
      %dma_start3A_12 = arith.constant 0 : i32
      %dma_start3A_13 = tpu.memref_slice %arg2[%dma_start3A, %dma_start3A_12] : memref<10240x128xf32, #tpu.memory_space<hbm>> -> memref<10240x128xf32, #tpu.memory_space<hbm>>
      tpu.enqueue_indirect_dma source(%dma_start3A_13 : memref<10240x128xf32, #tpu.memory_space<hbm>>) target(%arg8 : memref<128x128xf32, #tpu.memory_space<vmem>>) offsets(%arg6 : memref<128xi32, #tpu.memory_space<vmem>>) semaphore(%arg9 : memref<!tpu.dma_semaphore, #tpu.memory_space<semaphore_mem>>)
      %dma_wait3A = arith.constant 0 : i32
      %dma_wait3A_14 = arith.constant 0 : i32
      %dma_wait3A_15 = tpu.memref_slice %arg2[%dma_wait3A, %dma_wait3A_14] : memref<10240x128xf32, #tpu.memory_space<hbm>> -> memref<10240x128xf32, #tpu.memory_space<hbm>>
      tpu.wait_indirect_dma semaphore(%arg9 : memref<!tpu.dma_semaphore, #tpu.memory_space<semaphore_mem>>) src(%dma_wait3A_15 : memref<10240x128xf32, #tpu.memory_space<hbm>>) dst(%arg8 : memref<128x128xf32, #tpu.memory_space<vmem>>)
      %scan3A_16 = arith.constant 0 : i32
      %scan3A_17 = arith.constant 0 : i32
      %scan3A_18 = arith.constant 128 : i32
      %scan3A_19 = arith.addi %scan3A_17, %scan3A_18 : i32
      %scan3A_20 = arith.constant 1 : i32
      scf.for %scan3A_22 = %scan3A_17 to %scan3A_19 step %scan3A_20  : i32 {
        %get3A = arith.index_cast %scan3A_22 : i32 to index
        %get3A_23 = tpu.vector_load %arg7[%get3A] {strides = array<i32>} : memref<144xf32, #tpu.memory_space<vmem>>, vector<16xf32>,
        %get3A_24 = vector.shape_cast %get3A_23 : vector<16xf32> to vector<16xf32>
        %slice3A = vector.extract_strided_slice %get3A_24 {offsets = [0], sizes = [1], strides = [1]} : vector<16xf32> to vector<1xf32>
        %squeeze3A = vector.extract %slice3A[0] : f32 from vector<1xf32>
        %get3A_25 = arith.index_cast %scan3A_22 : i32 to index
        %get3A_26 = arith.constant 0 : index
        %get3A_27 = tpu.vector_load %arg8[%get3A_25, %get3A_26] {strides = array<i32>} : memref<128x128xf32, #tpu.memory_space<vmem>>, vector<1x16xf32>,
        %get3A_28 = vector.shape_cast %get3A_27 : vector<1x16xf32> to vector<16xf32>
        %mul3A_29 = vector.broadcast %squeeze3A : f32 to vector<16xf32>
        %mul3A_30 = arith.mulf %get3A_28, %mul3A_29 : vector<16xf32>
        %swap3A = arith.index_cast %scan3A_22 : i32 to index
        %swap3A_31 = arith.constant 0 : index
        %swap3A_32 = tpu.vector_load %arg8[%swap3A, %swap3A_31] {strides = array<i32>} : memref<128x128xf32, #tpu.memory_space<vmem>>, vector<1x16xf32>,
        %swap3A_33 = vector.shape_cast %swap3A_32 : vector<1x16xf32> to vector<16xf32>
        %swap3A_34 = vector.shape_cast %mul3A_30 : vector<16xf32> to vector<1x16xf32>
        tpu.vector_store %arg8[%swap3A, %swap3A_31], %swap3A_34 {strides = array<i32>} : memref<128x128xf32, #tpu.memory_space<vmem>>, vector<1x16xf32>,
        %get3A_35 = arith.index_cast %scan3A_22 : i32 to index
        %get3A_36 = arith.constant 16 : index
        %get3A_37 = tpu.vector_load %arg8[%get3A_35, %get3A_36] {strides = array<i32>} : memref<128x128xf32, #tpu.memory_space<vmem>>, vector<1x16xf32>,
        %get3A_38 = vector.shape_cast %get3A_37 : vector<1x16xf32> to vector<16xf32>
        %mul3A_39 = vector.broadcast %squeeze3A : f32 to vector<16xf32>
        %mul3A_40 = arith.mulf %get3A_38, %mul3A_39 : vector<16xf32>
        %swap3A_41 = arith.index_cast %scan3A_22 : i32 to index
        %swap3A_42 = arith.constant 16 : index
        %swap3A_43 = tpu.vector_load %arg8[%swap3A_41, %swap3A_42] {strides = array<i32>} : memref<128x128xf32, #tpu.memory_space<vmem>>, vector<1x16xf32>,
        %swap3A_44 = vector.shape_cast %swap3A_43 : vector<1x16xf32> to vector<16xf32>
        %swap3A_45 = vector.shape_cast %mul3A_40 : vector<16xf32> to vector<1x16xf32>
        tpu.vector_store %arg8[%swap3A_41, %swap3A_42], %swap3A_45 {strides = array<i32>} : memref<128x128xf32, #tpu.memory_space<vmem>>, vector<1x16xf32>,
        %get3A_46 = arith.index_cast %scan3A_22 : i32 to index
        %get3A_47 = arith.constant 32 : index
        %get3A_48 = tpu.vector_load %arg8[%get3A_46, %get3A_47] {strides = array<i32>} : memref<128x128xf32, #tpu.memory_space<vmem>>, vector<1x16xf32>,
        %get3A_49 = vector.shape_cast %get3A_48 : vector<1x16xf32> to vector<16xf32>
        %mul3A_50 = vector.broadcast %squeeze3A : f32 to vector<16xf32>
        %mul3A_51 = arith.mulf %get3A_49, %mul3A_50 : vector<16xf32>
        %swap3A_52 = arith.index_cast %scan3A_22 : i32 to index
        %swap3A_53 = arith.constant 32 : index
        %swap3A_54 = tpu.vector_load %arg8[%swap3A_52, %swap3A_53] {strides = array<i32>} : memref<128x128xf32, #tpu.memory_space<vmem>>, vector<1x16xf32>,
        %swap3A_55 = vector.shape_cast %swap3A_54 : vector<1x16xf32> to vector<16xf32>
        %swap3A_56 = vector.shape_cast %mul3A_51 : vector<16xf32> to vector<1x16xf32>
        tpu.vector_store %arg8[%swap3A_52, %swap3A_53], %swap3A_56 {strides = array<i32>} : memref<128x128xf32, #tpu.memory_space<vmem>>, vector<1x16xf32>,
        %get3A_57 = arith.index_cast %scan3A_22 : i32 to index
        %get3A_58 = arith.constant 48 : index
        %get3A_59 = tpu.vector_load %arg8[%get3A_57, %get3A_58] {strides = array<i32>} : memref<128x128xf32, #tpu.memory_space<vmem>>, vector<1x16xf32>,
        %get3A_60 = vector.shape_cast %get3A_59 : vector<1x16xf32> to vector<16xf32>
        %mul3A_61 = vector.broadcast %squeeze3A : f32 to vector<16xf32>
        %mul3A_62 = arith.mulf %get3A_60, %mul3A_61 : vector<16xf32>
        %swap3A_63 = arith.index_cast %scan3A_22 : i32 to index
        %swap3A_64 = arith.constant 48 : index
        %swap3A_65 = tpu.vector_load %arg8[%swap3A_63, %swap3A_64] {strides = array<i32>} : memref<128x128xf32, #tpu.memory_space<vmem>>, vector<1x16xf32>,
        %swap3A_66 = vector.shape_cast %swap3A_65 : vector<1x16xf32> to vector<16xf32>
        %swap3A_67 = vector.shape_cast %mul3A_62 : vector<16xf32> to vector<1x16xf32>
        tpu.vector_store %arg8[%swap3A_63, %swap3A_64], %swap3A_67 {strides = array<i32>} : memref<128x128xf32, #tpu.memory_space<vmem>>, vector<1x16xf32>,
        %get3A_68 = arith.index_cast %scan3A_22 : i32 to index
        %get3A_69 = arith.constant 64 : index
        %get3A_70 = tpu.vector_load %arg8[%get3A_68, %get3A_69] {strides = array<i32>} : memref<128x128xf32, #tpu.memory_space<vmem>>, vector<1x16xf32>,
        %get3A_71 = vector.shape_cast %get3A_70 : vector<1x16xf32> to vector<16xf32>
        %mul3A_72 = vector.broadcast %squeeze3A : f32 to vector<16xf32>
        %mul3A_73 = arith.mulf %get3A_71, %mul3A_72 : vector<16xf32>
        %swap3A_74 = arith.index_cast %scan3A_22 : i32 to index
        %swap3A_75 = arith.constant 64 : index
        %swap3A_76 = tpu.vector_load %arg8[%swap3A_74, %swap3A_75] {strides = array<i32>} : memref<128x128xf32, #tpu.memory_space<vmem>>, vector<1x16xf32>,
        %swap3A_77 = vector.shape_cast %swap3A_76 : vector<1x16xf32> to vector<16xf32>
        %swap3A_78 = vector.shape_cast %mul3A_73 : vector<16xf32> to vector<1x16xf32>
        tpu.vector_store %arg8[%swap3A_74, %swap3A_75], %swap3A_78 {strides = array<i32>} : memref<128x128xf32, #tpu.memory_space<vmem>>, vector<1x16xf32>,
        %get3A_79 = arith.index_cast %scan3A_22 : i32 to index
        %get3A_80 = arith.constant 80 : index
        %get3A_81 = tpu.vector_load %arg8[%get3A_79, %get3A_80] {strides = array<i32>} : memref<128x128xf32, #tpu.memory_space<vmem>>, vector<1x16xf32>,
        %get3A_82 = vector.shape_cast %get3A_81 : vector<1x16xf32> to vector<16xf32>
        %mul3A_83 = vector.broadcast %squeeze3A : f32 to vector<16xf32>
        %mul3A_84 = arith.mulf %get3A_82, %mul3A_83 : vector<16xf32>
        %swap3A_85 = arith.index_cast %scan3A_22 : i32 to index
        %swap3A_86 = arith.constant 80 : index
        %swap3A_87 = tpu.vector_load %arg8[%swap3A_85, %swap3A_86] {strides = array<i32>} : memref<128x128xf32, #tpu.memory_space<vmem>>, vector<1x16xf32>,
        %swap3A_88 = vector.shape_cast %swap3A_87 : vector<1x16xf32> to vector<16xf32>
        %swap3A_89 = vector.shape_cast %mul3A_84 : vector<16xf32> to vector<1x16xf32>
        tpu.vector_store %arg8[%swap3A_85, %swap3A_86], %swap3A_89 {strides = array<i32>} : memref<128x128xf32, #tpu.memory_space<vmem>>, vector<1x16xf32>,
        %get3A_90 = arith.index_cast %scan3A_22 : i32 to index
        %get3A_91 = arith.constant 96 : index
        %get3A_92 = tpu.vector_load %arg8[%get3A_90, %get3A_91] {strides = array<i32>} : memref<128x128xf32, #tpu.memory_space<vmem>>, vector<1x16xf32>,
        %get3A_93 = vector.shape_cast %get3A_92 : vector<1x16xf32> to vector<16xf32>
        %mul3A_94 = vector.broadcast %squeeze3A : f32 to vector<16xf32>
        %mul3A_95 = arith.mulf %get3A_93, %mul3A_94 : vector<16xf32>
        %swap3A_96 = arith.index_cast %scan3A_22 : i32 to index
        %swap3A_97 = arith.constant 96 : index
        %swap3A_98 = tpu.vector_load %arg8[%swap3A_96, %swap3A_97] {strides = array<i32>} : memref<128x128xf32, #tpu.memory_space<vmem>>, vector<1x16xf32>,
        %swap3A_99 = vector.shape_cast %swap3A_98 : vector<1x16xf32> to vector<16xf32>
        %swap3A_100 = vector.shape_cast %mul3A_95 : vector<16xf32> to vector<1x16xf32>
        tpu.vector_store %arg8[%swap3A_96, %swap3A_97], %swap3A_100 {strides = array<i32>} : memref<128x128xf32, #tpu.memory_space<vmem>>, vector<1x16xf32>,
        %get3A_101 = arith.index_cast %scan3A_22 : i32 to index
        %get3A_102 = arith.constant 112 : index
        %get3A_103 = tpu.vector_load %arg8[%get3A_101, %get3A_102] {strides = array<i32>} : memref<128x128xf32, #tpu.memory_space<vmem>>, vector<1x16xf32>,
        %get3A_104 = vector.shape_cast %get3A_103 : vector<1x16xf32> to vector<16xf32>
        %mul3A_105 = vector.broadcast %squeeze3A : f32 to vector<16xf32>
        %mul3A_106 = arith.mulf %get3A_104, %mul3A_105 : vector<16xf32>
        %swap3A_107 = arith.index_cast %scan3A_22 : i32 to index
        %swap3A_108 = arith.constant 112 : index
        %swap3A_109 = tpu.vector_load %arg8[%swap3A_107, %swap3A_108] {strides = array<i32>} : memref<128x128xf32, #tpu.memory_space<vmem>>, vector<1x16xf32>,
        %swap3A_110 = vector.shape_cast %swap3A_109 : vector<1x16xf32> to vector<16xf32>
        %swap3A_111 = vector.shape_cast %mul3A_106 : vector<16xf32> to vector<1x16xf32>
        tpu.vector_store %arg8[%swap3A_107, %swap3A_108], %swap3A_111 {strides = array<i32>} : memref<128x128xf32, #tpu.memory_space<vmem>>, vector<1x16xf32>,
      }
      %scan3A_21 = arith.constant 128 : i32
      "tpu.region"() ({
        %run_scoped3A = tpu.sem_alloc : memref<!tpu.dma_semaphore, #tpu.memory_space<semaphore_mem>>
        %dma_start3A_22 = arith.constant 0 : i32
        %dma_start3A_23 = tpu.memref_slice %arg5[%add3A_11, %dma_start3A_22] : memref<331776x128xf32, #tpu.memory_space<hbm>> -> memref<128x128xf32, #tpu.memory_space<hbm>>
        %dma_start3A_24 = arith.constant 0 : i32
        %dma_start3A_25 = tpu.memref_slice %arg5[%add3A_11, %dma_start3A_24] : memref<331776x128xf32, #tpu.memory_space<hbm>> -> memref<128x128xf32, #tpu.memory_space<hbm>>
        tpu.enqueue_dma source(%arg8 : memref<128x128xf32, #tpu.memory_space<vmem>>) target(%dma_start3A_25 : memref<128x128xf32, #tpu.memory_space<hbm>>) target_semaphore(%run_scoped3A : memref<!tpu.dma_semaphore, #tpu.memory_space<semaphore_mem>>)
        %dma_wait3A_26 = arith.constant 0 : i32
        %dma_wait3A_27 = tpu.memref_slice %arg5[%add3A_11, %dma_wait3A_26] : memref<331776x128xf32, #tpu.memory_space<hbm>> -> memref<128x128xf32, #tpu.memory_space<hbm>>
        %dma_wait3A_28 = arith.constant 0 : i32
        %dma_wait3A_29 = tpu.memref_slice %arg5[%add3A_11, %dma_wait3A_28] : memref<331776x128xf32, #tpu.memory_space<hbm>> -> memref<128x128xf32, #tpu.memory_space<hbm>>
        tpu.wait_dma2 semaphore(%run_scoped3A : memref<!tpu.dma_semaphore, #tpu.memory_space<semaphore_mem>>) src(%arg8 : memref<128x128xf32, #tpu.memory_space<vmem>>) dst(%dma_wait3A_29 : memref<128x128xf32, #tpu.memory_space<hbm>>)
        tpu.yield
      }) : () -> ()
    }
    %scan3A_5 = arith.constant 81 : i32
    return
  }
}

#map = affine_map<(d0, d1) -> (0, 0)>
#map1 = affine_map<(d0, d1) -> (0)>
module attributes {stable_mosaic.version = 14 : i64} {
  func.func @_scmsg_body(%arg0: i32, %arg1: i32, %arg2: memref<10240x128xf32, #tpu.memory_space<hbm>>, %arg3: memref<331776xi32, #tpu.memory_space<hbm>>, %arg4: memref<331776xf32, #tpu.memory_space<hbm>>, %arg5: memref<331776x128xf32, #tpu.memory_space<hbm>>, %arg6: memref<128xi32, #tpu.memory_space<vmem>>, %arg7: memref<144xf32, #tpu.memory_space<vmem>>, %arg8: memref<128x128xf32, #tpu.memory_space<vmem>>, %arg9: memref<!tpu.dma_semaphore, #tpu.memory_space<semaphore_mem>>) attributes {dimension_semantics = [#tpu.dimension_semantics<core_parallel>, #tpu.dimension_semantics<subcore_parallel>], iteration_bounds = array<i64: 2, 16>, scalar_prefetch = 0 : i64, scratch_operands = 4 : i64, tpu.core_type = #tpu.core_type<sc_vector_subcore>, window_params = [{transform_indices = #map}, {transform_indices = #map1}, {transform_indices = #map1}, {transform_indices = #map}]} {
    %mul3A = arith.constant 16 : i32
    %mul3A_0 = arith.muli %arg0, %mul3A : i32
    %add3A = arith.addi %mul3A_0, %arg1 : i32
    %scan3A = arith.constant 0 : i32
    %scan3A_1 = arith.constant 0 : i32
    %scan3A_2 = arith.constant 81 : i32
    %scan3A_3 = arith.addi %scan3A_1, %scan3A_2 : i32
    %scan3A_4 = arith.constant 1 : i32
    scf.for %scan3A_6 = %scan3A_1 to %scan3A_3 step %scan3A_4  : i32 {
      %mul3A_7 = arith.constant 10368 : i32
      %mul3A_8 = arith.muli %add3A, %mul3A_7 : i32
      %mul3A_9 = arith.constant 128 : i32
      %mul3A_10 = arith.muli %scan3A_6, %mul3A_9 : i32
      %add3A_11 = arith.addi %mul3A_8, %mul3A_10 : i32
      "tpu.region"() ({
        %run_scoped3A = tpu.sem_alloc : memref<!tpu.dma_semaphore, #tpu.memory_space<semaphore_mem>>
        %dma_start3A_22 = tpu.memref_slice %arg3[%add3A_11] : memref<331776xi32, #tpu.memory_space<hbm>> -> memref<128xi32, #tpu.memory_space<hbm>>
        %dma_start3A_23 = tpu.memref_slice %arg3[%add3A_11] : memref<331776xi32, #tpu.memory_space<hbm>> -> memref<128xi32, #tpu.memory_space<hbm>>
        tpu.enqueue_dma source(%dma_start3A_23 : memref<128xi32, #tpu.memory_space<hbm>>) target(%arg6 : memref<128xi32, #tpu.memory_space<vmem>>) target_semaphore(%run_scoped3A : memref<!tpu.dma_semaphore, #tpu.memory_space<semaphore_mem>>)
        %dma_wait3A_24 = tpu.memref_slice %arg3[%add3A_11] : memref<331776xi32, #tpu.memory_space<hbm>> -> memref<128xi32, #tpu.memory_space<hbm>>
        %dma_wait3A_25 = tpu.memref_slice %arg3[%add3A_11] : memref<331776xi32, #tpu.memory_space<hbm>> -> memref<128xi32, #tpu.memory_space<hbm>>
        tpu.wait_dma2 semaphore(%run_scoped3A : memref<!tpu.dma_semaphore, #tpu.memory_space<semaphore_mem>>) src(%dma_wait3A_25 : memref<128xi32, #tpu.memory_space<hbm>>) dst(%arg6 : memref<128xi32, #tpu.memory_space<vmem>>)
        tpu.yield
      }) : () -> ()
      "tpu.region"() ({
        %run_scoped3A = tpu.sem_alloc : memref<!tpu.dma_semaphore, #tpu.memory_space<semaphore_mem>>
        %dma_start3A_22 = arith.constant 0 : i32
        %dma_start3A_23 = tpu.memref_slice %arg7[%dma_start3A_22] : memref<144xf32, #tpu.memory_space<vmem>> -> memref<128xf32, #tpu.memory_space<vmem>>
        %dma_start3A_24 = tpu.memref_slice %arg4[%add3A_11] : memref<331776xf32, #tpu.memory_space<hbm>> -> memref<128xf32, #tpu.memory_space<hbm>>
        %dma_start3A_25 = arith.constant 0 : i32
        %dma_start3A_26 = tpu.memref_slice %arg7[%dma_start3A_25] : memref<144xf32, #tpu.memory_space<vmem>> -> memref<128xf32, #tpu.memory_space<vmem>>
        %dma_start3A_27 = tpu.memref_slice %arg4[%add3A_11] : memref<331776xf32, #tpu.memory_space<hbm>> -> memref<128xf32, #tpu.memory_space<hbm>>
        tpu.enqueue_dma source(%dma_start3A_27 : memref<128xf32, #tpu.memory_space<hbm>>) target(%dma_start3A_26 : memref<128xf32, #tpu.memory_space<vmem>>) target_semaphore(%run_scoped3A : memref<!tpu.dma_semaphore, #tpu.memory_space<semaphore_mem>>)
        %dma_wait3A_28 = arith.constant 0 : i32
        %dma_wait3A_29 = tpu.memref_slice %arg7[%dma_wait3A_28] : memref<144xf32, #tpu.memory_space<vmem>> -> memref<128xf32, #tpu.memory_space<vmem>>
        %dma_wait3A_30 = tpu.memref_slice %arg4[%add3A_11] : memref<331776xf32, #tpu.memory_space<hbm>> -> memref<128xf32, #tpu.memory_space<hbm>>
        %dma_wait3A_31 = arith.constant 0 : i32
        %dma_wait3A_32 = tpu.memref_slice %arg7[%dma_wait3A_31] : memref<144xf32, #tpu.memory_space<vmem>> -> memref<128xf32, #tpu.memory_space<vmem>>
        %dma_wait3A_33 = tpu.memref_slice %arg4[%add3A_11] : memref<331776xf32, #tpu.memory_space<hbm>> -> memref<128xf32, #tpu.memory_space<hbm>>
        tpu.wait_dma2 semaphore(%run_scoped3A : memref<!tpu.dma_semaphore, #tpu.memory_space<semaphore_mem>>) src(%dma_wait3A_33 : memref<128xf32, #tpu.memory_space<hbm>>) dst(%dma_wait3A_32 : memref<128xf32, #tpu.memory_space<vmem>>)
        tpu.yield
      }) : () -> ()
      %dma_start3A = arith.constant 0 : i32
      %dma_start3A_12 = arith.constant 0 : i32
      %dma_start3A_13 = tpu.memref_slice %arg2[%dma_start3A, %dma_start3A_12] : memref<10240x128xf32, #tpu.memory_space<hbm>> -> memref<10240x128xf32, #tpu.memory_space<hbm>>
      tpu.enqueue_indirect_dma source(%dma_start3A_13 : memref<10240x128xf32, #tpu.memory_space<hbm>>) target(%arg8 : memref<128x128xf32, #tpu.memory_space<vmem>>) offsets(%arg6 : memref<128xi32, #tpu.memory_space<vmem>>) semaphore(%arg9 : memref<!tpu.dma_semaphore, #tpu.memory_space<semaphore_mem>>)
      %dma_wait3A = arith.constant 0 : i32
      %dma_wait3A_14 = arith.constant 0 : i32
      %dma_wait3A_15 = tpu.memref_slice %arg2[%dma_wait3A, %dma_wait3A_14] : memref<10240x128xf32, #tpu.memory_space<hbm>> -> memref<10240x128xf32, #tpu.memory_space<hbm>>
      tpu.wait_indirect_dma semaphore(%arg9 : memref<!tpu.dma_semaphore, #tpu.memory_space<semaphore_mem>>) src(%dma_wait3A_15 : memref<10240x128xf32, #tpu.memory_space<hbm>>) dst(%arg8 : memref<128x128xf32, #tpu.memory_space<vmem>>)
      %scan3A_16 = arith.constant 0 : i32
      %scan3A_17 = arith.constant 0 : i32
      %scan3A_18 = arith.constant 128 : i32
      %scan3A_19 = arith.addi %scan3A_17, %scan3A_18 : i32
      %scan3A_20 = arith.constant 1 : i32
      scf.for %scan3A_22 = %scan3A_17 to %scan3A_19 step %scan3A_20  : i32 {
        %get3A = arith.index_cast %scan3A_22 : i32 to index
        %get3A_23 = tpu.vector_load %arg7[%get3A] {strides = array<i32>} : memref<144xf32, #tpu.memory_space<vmem>>, vector<16xf32>,
        %get3A_24 = vector.shape_cast %get3A_23 : vector<16xf32> to vector<16xf32>
        %slice3A = vector.extract_strided_slice %get3A_24 {offsets = [0], sizes = [1], strides = [1]} : vector<16xf32> to vector<1xf32>
        %squeeze3A = vector.extract %slice3A[0] : f32 from vector<1xf32>
        %get3A_25 = arith.index_cast %scan3A_22 : i32 to index
        %get3A_26 = arith.constant 0 : index
        %get3A_27 = tpu.vector_load %arg8[%get3A_25, %get3A_26] {strides = array<i32>} : memref<128x128xf32, #tpu.memory_space<vmem>>, vector<1x16xf32>,
        %get3A_28 = vector.shape_cast %get3A_27 : vector<1x16xf32> to vector<16xf32>
        %mul3A_29 = vector.broadcast %squeeze3A : f32 to vector<16xf32>
        %mul3A_30 = arith.mulf %get3A_28, %mul3A_29 : vector<16xf32>
        %swap3A = arith.index_cast %scan3A_22 : i32 to index
        %swap3A_31 = arith.constant 0 : index
        %swap3A_32 = tpu.vector_load %arg8[%swap3A, %swap3A_31] {strides = array<i32>} : memref<128x128xf32, #tpu.memory_space<vmem>>, vector<1x16xf32>,
        %swap3A_33 = vector.shape_cast %swap3A_32 : vector<1x16xf32> to vector<16xf32>
        %swap3A_34 = vector.shape_cast %mul3A_30 : vector<16xf32> to vector<1x16xf32>
        tpu.vector_store %arg8[%swap3A, %swap3A_31], %swap3A_34 {strides = array<i32>} : memref<128x128xf32, #tpu.memory_space<vmem>>, vector<1x16xf32>,
        %get3A_35 = arith.index_cast %scan3A_22 : i32 to index
        %get3A_36 = arith.constant 16 : index
        %get3A_37 = tpu.vector_load %arg8[%get3A_35, %get3A_36] {strides = array<i32>} : memref<128x128xf32, #tpu.memory_space<vmem>>, vector<1x16xf32>,
        %get3A_38 = vector.shape_cast %get3A_37 : vector<1x16xf32> to vector<16xf32>
        %mul3A_39 = vector.broadcast %squeeze3A : f32 to vector<16xf32>
        %mul3A_40 = arith.mulf %get3A_38, %mul3A_39 : vector<16xf32>
        %swap3A_41 = arith.index_cast %scan3A_22 : i32 to index
        %swap3A_42 = arith.constant 16 : index
        %swap3A_43 = tpu.vector_load %arg8[%swap3A_41, %swap3A_42] {strides = array<i32>} : memref<128x128xf32, #tpu.memory_space<vmem>>, vector<1x16xf32>,
        %swap3A_44 = vector.shape_cast %swap3A_43 : vector<1x16xf32> to vector<16xf32>
        %swap3A_45 = vector.shape_cast %mul3A_40 : vector<16xf32> to vector<1x16xf32>
        tpu.vector_store %arg8[%swap3A_41, %swap3A_42], %swap3A_45 {strides = array<i32>} : memref<128x128xf32, #tpu.memory_space<vmem>>, vector<1x16xf32>,
        %get3A_46 = arith.index_cast %scan3A_22 : i32 to index
        %get3A_47 = arith.constant 32 : index
        %get3A_48 = tpu.vector_load %arg8[%get3A_46, %get3A_47] {strides = array<i32>} : memref<128x128xf32, #tpu.memory_space<vmem>>, vector<1x16xf32>,
        %get3A_49 = vector.shape_cast %get3A_48 : vector<1x16xf32> to vector<16xf32>
        %mul3A_50 = vector.broadcast %squeeze3A : f32 to vector<16xf32>
        %mul3A_51 = arith.mulf %get3A_49, %mul3A_50 : vector<16xf32>
        %swap3A_52 = arith.index_cast %scan3A_22 : i32 to index
        %swap3A_53 = arith.constant 32 : index
        %swap3A_54 = tpu.vector_load %arg8[%swap3A_52, %swap3A_53] {strides = array<i32>} : memref<128x128xf32, #tpu.memory_space<vmem>>, vector<1x16xf32>,
        %swap3A_55 = vector.shape_cast %swap3A_54 : vector<1x16xf32> to vector<16xf32>
        %swap3A_56 = vector.shape_cast %mul3A_51 : vector<16xf32> to vector<1x16xf32>
        tpu.vector_store %arg8[%swap3A_52, %swap3A_53], %swap3A_56 {strides = array<i32>} : memref<128x128xf32, #tpu.memory_space<vmem>>, vector<1x16xf32>,
        %get3A_57 = arith.index_cast %scan3A_22 : i32 to index
        %get3A_58 = arith.constant 48 : index
        %get3A_59 = tpu.vector_load %arg8[%get3A_57, %get3A_58] {strides = array<i32>} : memref<128x128xf32, #tpu.memory_space<vmem>>, vector<1x16xf32>,
        %get3A_60 = vector.shape_cast %get3A_59 : vector<1x16xf32> to vector<16xf32>
        %mul3A_61 = vector.broadcast %squeeze3A : f32 to vector<16xf32>
        %mul3A_62 = arith.mulf %get3A_60, %mul3A_61 : vector<16xf32>
        %swap3A_63 = arith.index_cast %scan3A_22 : i32 to index
        %swap3A_64 = arith.constant 48 : index
        %swap3A_65 = tpu.vector_load %arg8[%swap3A_63, %swap3A_64] {strides = array<i32>} : memref<128x128xf32, #tpu.memory_space<vmem>>, vector<1x16xf32>,
        %swap3A_66 = vector.shape_cast %swap3A_65 : vector<1x16xf32> to vector<16xf32>
        %swap3A_67 = vector.shape_cast %mul3A_62 : vector<16xf32> to vector<1x16xf32>
        tpu.vector_store %arg8[%swap3A_63, %swap3A_64], %swap3A_67 {strides = array<i32>} : memref<128x128xf32, #tpu.memory_space<vmem>>, vector<1x16xf32>,
        %get3A_68 = arith.index_cast %scan3A_22 : i32 to index
        %get3A_69 = arith.constant 64 : index
        %get3A_70 = tpu.vector_load %arg8[%get3A_68, %get3A_69] {strides = array<i32>} : memref<128x128xf32, #tpu.memory_space<vmem>>, vector<1x16xf32>,
        %get3A_71 = vector.shape_cast %get3A_70 : vector<1x16xf32> to vector<16xf32>
        %mul3A_72 = vector.broadcast %squeeze3A : f32 to vector<16xf32>
        %mul3A_73 = arith.mulf %get3A_71, %mul3A_72 : vector<16xf32>
        %swap3A_74 = arith.index_cast %scan3A_22 : i32 to index
        %swap3A_75 = arith.constant 64 : index
        %swap3A_76 = tpu.vector_load %arg8[%swap3A_74, %swap3A_75] {strides = array<i32>} : memref<128x128xf32, #tpu.memory_space<vmem>>, vector<1x16xf32>,
        %swap3A_77 = vector.shape_cast %swap3A_76 : vector<1x16xf32> to vector<16xf32>
        %swap3A_78 = vector.shape_cast %mul3A_73 : vector<16xf32> to vector<1x16xf32>
        tpu.vector_store %arg8[%swap3A_74, %swap3A_75], %swap3A_78 {strides = array<i32>} : memref<128x128xf32, #tpu.memory_space<vmem>>, vector<1x16xf32>,
        %get3A_79 = arith.index_cast %scan3A_22 : i32 to index
        %get3A_80 = arith.constant 80 : index
        %get3A_81 = tpu.vector_load %arg8[%get3A_79, %get3A_80] {strides = array<i32>} : memref<128x128xf32, #tpu.memory_space<vmem>>, vector<1x16xf32>,
        %get3A_82 = vector.shape_cast %get3A_81 : vector<1x16xf32> to vector<16xf32>
        %mul3A_83 = vector.broadcast %squeeze3A : f32 to vector<16xf32>
        %mul3A_84 = arith.mulf %get3A_82, %mul3A_83 : vector<16xf32>
        %swap3A_85 = arith.index_cast %scan3A_22 : i32 to index
        %swap3A_86 = arith.constant 80 : index
        %swap3A_87 = tpu.vector_load %arg8[%swap3A_85, %swap3A_86] {strides = array<i32>} : memref<128x128xf32, #tpu.memory_space<vmem>>, vector<1x16xf32>,
        %swap3A_88 = vector.shape_cast %swap3A_87 : vector<1x16xf32> to vector<16xf32>
        %swap3A_89 = vector.shape_cast %mul3A_84 : vector<16xf32> to vector<1x16xf32>
        tpu.vector_store %arg8[%swap3A_85, %swap3A_86], %swap3A_89 {strides = array<i32>} : memref<128x128xf32, #tpu.memory_space<vmem>>, vector<1x16xf32>,
        %get3A_90 = arith.index_cast %scan3A_22 : i32 to index
        %get3A_91 = arith.constant 96 : index
        %get3A_92 = tpu.vector_load %arg8[%get3A_90, %get3A_91] {strides = array<i32>} : memref<128x128xf32, #tpu.memory_space<vmem>>, vector<1x16xf32>,
        %get3A_93 = vector.shape_cast %get3A_92 : vector<1x16xf32> to vector<16xf32>
        %mul3A_94 = vector.broadcast %squeeze3A : f32 to vector<16xf32>
        %mul3A_95 = arith.mulf %get3A_93, %mul3A_94 : vector<16xf32>
        %swap3A_96 = arith.index_cast %scan3A_22 : i32 to index
        %swap3A_97 = arith.constant 96 : index
        %swap3A_98 = tpu.vector_load %arg8[%swap3A_96, %swap3A_97] {strides = array<i32>} : memref<128x128xf32, #tpu.memory_space<vmem>>, vector<1x16xf32>,
        %swap3A_99 = vector.shape_cast %swap3A_98 : vector<1x16xf32> to vector<16xf32>
        %swap3A_100 = vector.shape_cast %mul3A_95 : vector<16xf32> to vector<1x16xf32>
        tpu.vector_store %arg8[%swap3A_96, %swap3A_97], %swap3A_100 {strides = array<i32>} : memref<128x128xf32, #tpu.memory_space<vmem>>, vector<1x16xf32>,
        %get3A_101 = arith.index_cast %scan3A_22 : i32 to index
        %get3A_102 = arith.constant 112 : index
        %get3A_103 = tpu.vector_load %arg8[%get3A_101, %get3A_102] {strides = array<i32>} : memref<128x128xf32, #tpu.memory_space<vmem>>, vector<1x16xf32>,
        %get3A_104 = vector.shape_cast %get3A_103 : vector<1x16xf32> to vector<16xf32>
        %mul3A_105 = vector.broadcast %squeeze3A : f32 to vector<16xf32>
        %mul3A_106 = arith.mulf %get3A_104, %mul3A_105 : vector<16xf32>
        %swap3A_107 = arith.index_cast %scan3A_22 : i32 to index
        %swap3A_108 = arith.constant 112 : index
        %swap3A_109 = tpu.vector_load %arg8[%swap3A_107, %swap3A_108] {strides = array<i32>} : memref<128x128xf32, #tpu.memory_space<vmem>>, vector<1x16xf32>,
        %swap3A_110 = vector.shape_cast %swap3A_109 : vector<1x16xf32> to vector<16xf32>
        %swap3A_111 = vector.shape_cast %mul3A_106 : vector<16xf32> to vector<1x16xf32>
        tpu.vector_store %arg8[%swap3A_107, %swap3A_108], %swap3A_111 {strides = array<i32>} : memref<128x128xf32, #tpu.memory_space<vmem>>, vector<1x16xf32>,
      }
      %scan3A_21 = arith.constant 128 : i32
      "tpu.region"() ({
        %run_scoped3A = tpu.sem_alloc : memref<!tpu.dma_semaphore, #tpu.memory_space<semaphore_mem>>
        %dma_start3A_22 = arith.constant 0 : i32
        %dma_start3A_23 = tpu.memref_slice %arg5[%add3A_11, %dma_start3A_22] : memref<331776x128xf32, #tpu.memory_space<hbm>> -> memref<128x128xf32, #tpu.memory_space<hbm>>
        %dma_start3A_24 = arith.constant 0 : i32
        %dma_start3A_25 = tpu.memref_slice %arg5[%add3A_11, %dma_start3A_24] : memref<331776x128xf32, #tpu.memory_space<hbm>> -> memref<128x128xf32, #tpu.memory_space<hbm>>
        tpu.enqueue_dma source(%arg8 : memref<128x128xf32, #tpu.memory_space<vmem>>) target(%dma_start3A_25 : memref<128x128xf32, #tpu.memory_space<hbm>>) target_semaphore(%run_scoped3A : memref<!tpu.dma_semaphore, #tpu.memory_space<semaphore_mem>>)
        %dma_wait3A_26 = arith.constant 0 : i32
        %dma_wait3A_27 = tpu.memref_slice %arg5[%add3A_11, %dma_wait3A_26] : memref<331776x128xf32, #tpu.memory_space<hbm>> -> memref<128x128xf32, #tpu.memory_space<hbm>>
        %dma_wait3A_28 = arith.constant 0 : i32
        %dma_wait3A_29 = tpu.memref_slice %arg5[%add3A_11, %dma_wait3A_28] : memref<331776x128xf32, #tpu.memory_space<hbm>> -> memref<128x128xf32, #tpu.memory_space<hbm>>
        tpu.wait_dma2 semaphore(%run_scoped3A : memref<!tpu.dma_semaphore, #tpu.memory_space<semaphore_mem>>) src(%arg8 : memref<128x128xf32, #tpu.memory_space<vmem>>) dst(%dma_wait3A_29 : memref<128x128xf32, #tpu.memory_space<hbm>>)
        tpu.yield
      }) : () -> ()
    }
    %scan3A_5 = arith.constant 81 : i32
    return
  }
}

#map = affine_map<(d0, d1) -> (0, 0)>
#map1 = affine_map<(d0, d1) -> (0)>
module attributes {stable_mosaic.version = 14 : i64} {
  func.func @_scmsg_body(%arg0: i32, %arg1: i32, %arg2: memref<10240x128xf32, #tpu.memory_space<hbm>>, %arg3: memref<331776xi32, #tpu.memory_space<hbm>>, %arg4: memref<331776xf32, #tpu.memory_space<hbm>>, %arg5: memref<331776x128xf32, #tpu.memory_space<hbm>>, %arg6: memref<128xi32, #tpu.memory_space<vmem>>, %arg7: memref<144xf32, #tpu.memory_space<vmem>>, %arg8: memref<128x128xf32, #tpu.memory_space<vmem>>, %arg9: memref<!tpu.dma_semaphore, #tpu.memory_space<semaphore_mem>>) attributes {dimension_semantics = [#tpu.dimension_semantics<core_parallel>, #tpu.dimension_semantics<subcore_parallel>], iteration_bounds = array<i64: 2, 16>, scalar_prefetch = 0 : i64, scratch_operands = 4 : i64, tpu.core_type = #tpu.core_type<sc_vector_subcore>, window_params = [{transform_indices = #map}, {transform_indices = #map1}, {transform_indices = #map1}, {transform_indices = #map}]} {
    %mul3A = arith.constant 16 : i32
    %mul3A_0 = arith.muli %arg0, %mul3A : i32
    %add3A = arith.addi %mul3A_0, %arg1 : i32
    %scan3A = arith.constant 0 : i32
    %scan3A_1 = arith.constant 0 : i32
    %scan3A_2 = arith.constant 81 : i32
    %scan3A_3 = arith.addi %scan3A_1, %scan3A_2 : i32
    %scan3A_4 = arith.constant 1 : i32
    scf.for %scan3A_6 = %scan3A_1 to %scan3A_3 step %scan3A_4  : i32 {
      %mul3A_7 = arith.constant 10368 : i32
      %mul3A_8 = arith.muli %add3A, %mul3A_7 : i32
      %mul3A_9 = arith.constant 128 : i32
      %mul3A_10 = arith.muli %scan3A_6, %mul3A_9 : i32
      %add3A_11 = arith.addi %mul3A_8, %mul3A_10 : i32
      "tpu.region"() ({
        %run_scoped3A = tpu.sem_alloc : memref<!tpu.dma_semaphore, #tpu.memory_space<semaphore_mem>>
        %dma_start3A_22 = tpu.memref_slice %arg3[%add3A_11] : memref<331776xi32, #tpu.memory_space<hbm>> -> memref<128xi32, #tpu.memory_space<hbm>>
        %dma_start3A_23 = tpu.memref_slice %arg3[%add3A_11] : memref<331776xi32, #tpu.memory_space<hbm>> -> memref<128xi32, #tpu.memory_space<hbm>>
        tpu.enqueue_dma source(%dma_start3A_23 : memref<128xi32, #tpu.memory_space<hbm>>) target(%arg6 : memref<128xi32, #tpu.memory_space<vmem>>) target_semaphore(%run_scoped3A : memref<!tpu.dma_semaphore, #tpu.memory_space<semaphore_mem>>)
        %dma_wait3A_24 = tpu.memref_slice %arg3[%add3A_11] : memref<331776xi32, #tpu.memory_space<hbm>> -> memref<128xi32, #tpu.memory_space<hbm>>
        %dma_wait3A_25 = tpu.memref_slice %arg3[%add3A_11] : memref<331776xi32, #tpu.memory_space<hbm>> -> memref<128xi32, #tpu.memory_space<hbm>>
        tpu.wait_dma2 semaphore(%run_scoped3A : memref<!tpu.dma_semaphore, #tpu.memory_space<semaphore_mem>>) src(%dma_wait3A_25 : memref<128xi32, #tpu.memory_space<hbm>>) dst(%arg6 : memref<128xi32, #tpu.memory_space<vmem>>)
        tpu.yield
      }) : () -> ()
      "tpu.region"() ({
        %run_scoped3A = tpu.sem_alloc : memref<!tpu.dma_semaphore, #tpu.memory_space<semaphore_mem>>
        %dma_start3A_22 = arith.constant 0 : i32
        %dma_start3A_23 = tpu.memref_slice %arg7[%dma_start3A_22] : memref<144xf32, #tpu.memory_space<vmem>> -> memref<128xf32, #tpu.memory_space<vmem>>
        %dma_start3A_24 = tpu.memref_slice %arg4[%add3A_11] : memref<331776xf32, #tpu.memory_space<hbm>> -> memref<128xf32, #tpu.memory_space<hbm>>
        %dma_start3A_25 = arith.constant 0 : i32
        %dma_start3A_26 = tpu.memref_slice %arg7[%dma_start3A_25] : memref<144xf32, #tpu.memory_space<vmem>> -> memref<128xf32, #tpu.memory_space<vmem>>
        %dma_start3A_27 = tpu.memref_slice %arg4[%add3A_11] : memref<331776xf32, #tpu.memory_space<hbm>> -> memref<128xf32, #tpu.memory_space<hbm>>
        tpu.enqueue_dma source(%dma_start3A_27 : memref<128xf32, #tpu.memory_space<hbm>>) target(%dma_start3A_26 : memref<128xf32, #tpu.memory_space<vmem>>) target_semaphore(%run_scoped3A : memref<!tpu.dma_semaphore, #tpu.memory_space<semaphore_mem>>)
        %dma_wait3A_28 = arith.constant 0 : i32
        %dma_wait3A_29 = tpu.memref_slice %arg7[%dma_wait3A_28] : memref<144xf32, #tpu.memory_space<vmem>> -> memref<128xf32, #tpu.memory_space<vmem>>
        %dma_wait3A_30 = tpu.memref_slice %arg4[%add3A_11] : memref<331776xf32, #tpu.memory_space<hbm>> -> memref<128xf32, #tpu.memory_space<hbm>>
        %dma_wait3A_31 = arith.constant 0 : i32
        %dma_wait3A_32 = tpu.memref_slice %arg7[%dma_wait3A_31] : memref<144xf32, #tpu.memory_space<vmem>> -> memref<128xf32, #tpu.memory_space<vmem>>
        %dma_wait3A_33 = tpu.memref_slice %arg4[%add3A_11] : memref<331776xf32, #tpu.memory_space<hbm>> -> memref<128xf32, #tpu.memory_space<hbm>>
        tpu.wait_dma2 semaphore(%run_scoped3A : memref<!tpu.dma_semaphore, #tpu.memory_space<semaphore_mem>>) src(%dma_wait3A_33 : memref<128xf32, #tpu.memory_space<hbm>>) dst(%dma_wait3A_32 : memref<128xf32, #tpu.memory_space<vmem>>)
        tpu.yield
      }) : () -> ()
      %dma_start3A = arith.constant 0 : i32
      %dma_start3A_12 = arith.constant 0 : i32
      %dma_start3A_13 = tpu.memref_slice %arg2[%dma_start3A, %dma_start3A_12] : memref<10240x128xf32, #tpu.memory_space<hbm>> -> memref<10240x128xf32, #tpu.memory_space<hbm>>
      tpu.enqueue_indirect_dma source(%dma_start3A_13 : memref<10240x128xf32, #tpu.memory_space<hbm>>) target(%arg8 : memref<128x128xf32, #tpu.memory_space<vmem>>) offsets(%arg6 : memref<128xi32, #tpu.memory_space<vmem>>) semaphore(%arg9 : memref<!tpu.dma_semaphore, #tpu.memory_space<semaphore_mem>>)
      %dma_wait3A = arith.constant 0 : i32
      %dma_wait3A_14 = arith.constant 0 : i32
      %dma_wait3A_15 = tpu.memref_slice %arg2[%dma_wait3A, %dma_wait3A_14] : memref<10240x128xf32, #tpu.memory_space<hbm>> -> memref<10240x128xf32, #tpu.memory_space<hbm>>
      tpu.wait_indirect_dma semaphore(%arg9 : memref<!tpu.dma_semaphore, #tpu.memory_space<semaphore_mem>>) src(%dma_wait3A_15 : memref<10240x128xf32, #tpu.memory_space<hbm>>) dst(%arg8 : memref<128x128xf32, #tpu.memory_space<vmem>>)
      %scan3A_16 = arith.constant 0 : i32
      %scan3A_17 = arith.constant 0 : i32
      %scan3A_18 = arith.constant 128 : i32
      %scan3A_19 = arith.addi %scan3A_17, %scan3A_18 : i32
      %scan3A_20 = arith.constant 1 : i32
      scf.for %scan3A_22 = %scan3A_17 to %scan3A_19 step %scan3A_20  : i32 {
        %get3A = arith.index_cast %scan3A_22 : i32 to index
        %get3A_23 = tpu.vector_load %arg7[%get3A] {strides = array<i32>} : memref<144xf32, #tpu.memory_space<vmem>>, vector<16xf32>,
        %get3A_24 = vector.shape_cast %get3A_23 : vector<16xf32> to vector<16xf32>
        %slice3A = vector.extract_strided_slice %get3A_24 {offsets = [0], sizes = [1], strides = [1]} : vector<16xf32> to vector<1xf32>
        %squeeze3A = vector.extract %slice3A[0] : f32 from vector<1xf32>
        %get3A_25 = arith.index_cast %scan3A_22 : i32 to index
        %get3A_26 = arith.constant 0 : index
        %get3A_27 = tpu.vector_load %arg8[%get3A_25, %get3A_26] {strides = array<i32>} : memref<128x128xf32, #tpu.memory_space<vmem>>, vector<1x16xf32>,
        %get3A_28 = vector.shape_cast %get3A_27 : vector<1x16xf32> to vector<16xf32>
        %mul3A_29 = vector.broadcast %squeeze3A : f32 to vector<16xf32>
        %mul3A_30 = arith.mulf %get3A_28, %mul3A_29 : vector<16xf32>
        %swap3A = arith.index_cast %scan3A_22 : i32 to index
        %swap3A_31 = arith.constant 0 : index
        %swap3A_32 = tpu.vector_load %arg8[%swap3A, %swap3A_31] {strides = array<i32>} : memref<128x128xf32, #tpu.memory_space<vmem>>, vector<1x16xf32>,
        %swap3A_33 = vector.shape_cast %swap3A_32 : vector<1x16xf32> to vector<16xf32>
        %swap3A_34 = vector.shape_cast %mul3A_30 : vector<16xf32> to vector<1x16xf32>
        tpu.vector_store %arg8[%swap3A, %swap3A_31], %swap3A_34 {strides = array<i32>} : memref<128x128xf32, #tpu.memory_space<vmem>>, vector<1x16xf32>,
        %get3A_35 = arith.index_cast %scan3A_22 : i32 to index
        %get3A_36 = arith.constant 16 : index
        %get3A_37 = tpu.vector_load %arg8[%get3A_35, %get3A_36] {strides = array<i32>} : memref<128x128xf32, #tpu.memory_space<vmem>>, vector<1x16xf32>,
        %get3A_38 = vector.shape_cast %get3A_37 : vector<1x16xf32> to vector<16xf32>
        %mul3A_39 = vector.broadcast %squeeze3A : f32 to vector<16xf32>
        %mul3A_40 = arith.mulf %get3A_38, %mul3A_39 : vector<16xf32>
        %swap3A_41 = arith.index_cast %scan3A_22 : i32 to index
        %swap3A_42 = arith.constant 16 : index
        %swap3A_43 = tpu.vector_load %arg8[%swap3A_41, %swap3A_42] {strides = array<i32>} : memref<128x128xf32, #tpu.memory_space<vmem>>, vector<1x16xf32>,
        %swap3A_44 = vector.shape_cast %swap3A_43 : vector<1x16xf32> to vector<16xf32>
        %swap3A_45 = vector.shape_cast %mul3A_40 : vector<16xf32> to vector<1x16xf32>
        tpu.vector_store %arg8[%swap3A_41, %swap3A_42], %swap3A_45 {strides = array<i32>} : memref<128x128xf32, #tpu.memory_space<vmem>>, vector<1x16xf32>,
        %get3A_46 = arith.index_cast %scan3A_22 : i32 to index
        %get3A_47 = arith.constant 32 : index
        %get3A_48 = tpu.vector_load %arg8[%get3A_46, %get3A_47] {strides = array<i32>} : memref<128x128xf32, #tpu.memory_space<vmem>>, vector<1x16xf32>,
        %get3A_49 = vector.shape_cast %get3A_48 : vector<1x16xf32> to vector<16xf32>
        %mul3A_50 = vector.broadcast %squeeze3A : f32 to vector<16xf32>
        %mul3A_51 = arith.mulf %get3A_49, %mul3A_50 : vector<16xf32>
        %swap3A_52 = arith.index_cast %scan3A_22 : i32 to index
        %swap3A_53 = arith.constant 32 : index
        %swap3A_54 = tpu.vector_load %arg8[%swap3A_52, %swap3A_53] {strides = array<i32>} : memref<128x128xf32, #tpu.memory_space<vmem>>, vector<1x16xf32>,
        %swap3A_55 = vector.shape_cast %swap3A_54 : vector<1x16xf32> to vector<16xf32>
        %swap3A_56 = vector.shape_cast %mul3A_51 : vector<16xf32> to vector<1x16xf32>
        tpu.vector_store %arg8[%swap3A_52, %swap3A_53], %swap3A_56 {strides = array<i32>} : memref<128x128xf32, #tpu.memory_space<vmem>>, vector<1x16xf32>,
        %get3A_57 = arith.index_cast %scan3A_22 : i32 to index
        %get3A_58 = arith.constant 48 : index
        %get3A_59 = tpu.vector_load %arg8[%get3A_57, %get3A_58] {strides = array<i32>} : memref<128x128xf32, #tpu.memory_space<vmem>>, vector<1x16xf32>,
        %get3A_60 = vector.shape_cast %get3A_59 : vector<1x16xf32> to vector<16xf32>
        %mul3A_61 = vector.broadcast %squeeze3A : f32 to vector<16xf32>
        %mul3A_62 = arith.mulf %get3A_60, %mul3A_61 : vector<16xf32>
        %swap3A_63 = arith.index_cast %scan3A_22 : i32 to index
        %swap3A_64 = arith.constant 48 : index
        %swap3A_65 = tpu.vector_load %arg8[%swap3A_63, %swap3A_64] {strides = array<i32>} : memref<128x128xf32, #tpu.memory_space<vmem>>, vector<1x16xf32>,
        %swap3A_66 = vector.shape_cast %swap3A_65 : vector<1x16xf32> to vector<16xf32>
        %swap3A_67 = vector.shape_cast %mul3A_62 : vector<16xf32> to vector<1x16xf32>
        tpu.vector_store %arg8[%swap3A_63, %swap3A_64], %swap3A_67 {strides = array<i32>} : memref<128x128xf32, #tpu.memory_space<vmem>>, vector<1x16xf32>,
        %get3A_68 = arith.index_cast %scan3A_22 : i32 to index
        %get3A_69 = arith.constant 64 : index
        %get3A_70 = tpu.vector_load %arg8[%get3A_68, %get3A_69] {strides = array<i32>} : memref<128x128xf32, #tpu.memory_space<vmem>>, vector<1x16xf32>,
        %get3A_71 = vector.shape_cast %get3A_70 : vector<1x16xf32> to vector<16xf32>
        %mul3A_72 = vector.broadcast %squeeze3A : f32 to vector<16xf32>
        %mul3A_73 = arith.mulf %get3A_71, %mul3A_72 : vector<16xf32>
        %swap3A_74 = arith.index_cast %scan3A_22 : i32 to index
        %swap3A_75 = arith.constant 64 : index
        %swap3A_76 = tpu.vector_load %arg8[%swap3A_74, %swap3A_75] {strides = array<i32>} : memref<128x128xf32, #tpu.memory_space<vmem>>, vector<1x16xf32>,
        %swap3A_77 = vector.shape_cast %swap3A_76 : vector<1x16xf32> to vector<16xf32>
        %swap3A_78 = vector.shape_cast %mul3A_73 : vector<16xf32> to vector<1x16xf32>
        tpu.vector_store %arg8[%swap3A_74, %swap3A_75], %swap3A_78 {strides = array<i32>} : memref<128x128xf32, #tpu.memory_space<vmem>>, vector<1x16xf32>,
        %get3A_79 = arith.index_cast %scan3A_22 : i32 to index
        %get3A_80 = arith.constant 80 : index
        %get3A_81 = tpu.vector_load %arg8[%get3A_79, %get3A_80] {strides = array<i32>} : memref<128x128xf32, #tpu.memory_space<vmem>>, vector<1x16xf32>,
        %get3A_82 = vector.shape_cast %get3A_81 : vector<1x16xf32> to vector<16xf32>
        %mul3A_83 = vector.broadcast %squeeze3A : f32 to vector<16xf32>
        %mul3A_84 = arith.mulf %get3A_82, %mul3A_83 : vector<16xf32>
        %swap3A_85 = arith.index_cast %scan3A_22 : i32 to index
        %swap3A_86 = arith.constant 80 : index
        %swap3A_87 = tpu.vector_load %arg8[%swap3A_85, %swap3A_86] {strides = array<i32>} : memref<128x128xf32, #tpu.memory_space<vmem>>, vector<1x16xf32>,
        %swap3A_88 = vector.shape_cast %swap3A_87 : vector<1x16xf32> to vector<16xf32>
        %swap3A_89 = vector.shape_cast %mul3A_84 : vector<16xf32> to vector<1x16xf32>
        tpu.vector_store %arg8[%swap3A_85, %swap3A_86], %swap3A_89 {strides = array<i32>} : memref<128x128xf32, #tpu.memory_space<vmem>>, vector<1x16xf32>,
        %get3A_90 = arith.index_cast %scan3A_22 : i32 to index
        %get3A_91 = arith.constant 96 : index
        %get3A_92 = tpu.vector_load %arg8[%get3A_90, %get3A_91] {strides = array<i32>} : memref<128x128xf32, #tpu.memory_space<vmem>>, vector<1x16xf32>,
        %get3A_93 = vector.shape_cast %get3A_92 : vector<1x16xf32> to vector<16xf32>
        %mul3A_94 = vector.broadcast %squeeze3A : f32 to vector<16xf32>
        %mul3A_95 = arith.mulf %get3A_93, %mul3A_94 : vector<16xf32>
        %swap3A_96 = arith.index_cast %scan3A_22 : i32 to index
        %swap3A_97 = arith.constant 96 : index
        %swap3A_98 = tpu.vector_load %arg8[%swap3A_96, %swap3A_97] {strides = array<i32>} : memref<128x128xf32, #tpu.memory_space<vmem>>, vector<1x16xf32>,
        %swap3A_99 = vector.shape_cast %swap3A_98 : vector<1x16xf32> to vector<16xf32>
        %swap3A_100 = vector.shape_cast %mul3A_95 : vector<16xf32> to vector<1x16xf32>
        tpu.vector_store %arg8[%swap3A_96, %swap3A_97], %swap3A_100 {strides = array<i32>} : memref<128x128xf32, #tpu.memory_space<vmem>>, vector<1x16xf32>,
        %get3A_101 = arith.index_cast %scan3A_22 : i32 to index
        %get3A_102 = arith.constant 112 : index
        %get3A_103 = tpu.vector_load %arg8[%get3A_101, %get3A_102] {strides = array<i32>} : memref<128x128xf32, #tpu.memory_space<vmem>>, vector<1x16xf32>,
        %get3A_104 = vector.shape_cast %get3A_103 : vector<1x16xf32> to vector<16xf32>
        %mul3A_105 = vector.broadcast %squeeze3A : f32 to vector<16xf32>
        %mul3A_106 = arith.mulf %get3A_104, %mul3A_105 : vector<16xf32>
        %swap3A_107 = arith.index_cast %scan3A_22 : i32 to index
        %swap3A_108 = arith.constant 112 : index
        %swap3A_109 = tpu.vector_load %arg8[%swap3A_107, %swap3A_108] {strides = array<i32>} : memref<128x128xf32, #tpu.memory_space<vmem>>, vector<1x16xf32>,
        %swap3A_110 = vector.shape_cast %swap3A_109 : vector<1x16xf32> to vector<16xf32>
        %swap3A_111 = vector.shape_cast %mul3A_106 : vector<16xf32> to vector<1x16xf32>
        tpu.vector_store %arg8[%swap3A_107, %swap3A_108], %swap3A_111 {strides = array<i32>} : memref<128x128xf32, #tpu.memory_space<vmem>>, vector<1x16xf32>,
      }
      %scan3A_21 = arith.constant 128 : i32
      "tpu.region"() ({
        %run_scoped3A = tpu.sem_alloc : memref<!tpu.dma_semaphore, #tpu.memory_space<semaphore_mem>>
        %dma_start3A_22 = arith.constant 0 : i32
        %dma_start3A_23 = tpu.memref_slice %arg5[%add3A_11, %dma_start3A_22] : memref<331776x128xf32, #tpu.memory_space<hbm>> -> memref<128x128xf32, #tpu.memory_space<hbm>>
        %dma_start3A_24 = arith.constant 0 : i32
        %dma_start3A_25 = tpu.memref_slice %arg5[%add3A_11, %dma_start3A_24] : memref<331776x128xf32, #tpu.memory_space<hbm>> -> memref<128x128xf32, #tpu.memory_space<hbm>>
        tpu.enqueue_dma source(%arg8 : memref<128x128xf32, #tpu.memory_space<vmem>>) target(%dma_start3A_25 : memref<128x128xf32, #tpu.memory_space<hbm>>) target_semaphore(%run_scoped3A : memref<!tpu.dma_semaphore, #tpu.memory_space<semaphore_mem>>)
        %dma_wait3A_26 = arith.constant 0 : i32
        %dma_wait3A_27 = tpu.memref_slice %arg5[%add3A_11, %dma_wait3A_26] : memref<331776x128xf32, #tpu.memory_space<hbm>> -> memref<128x128xf32, #tpu.memory_space<hbm>>
        %dma_wait3A_28 = arith.constant 0 : i32
        %dma_wait3A_29 = tpu.memref_slice %arg5[%add3A_11, %dma_wait3A_28] : memref<331776x128xf32, #tpu.memory_space<hbm>> -> memref<128x128xf32, #tpu.memory_space<hbm>>
        tpu.wait_dma2 semaphore(%run_scoped3A : memref<!tpu.dma_semaphore, #tpu.memory_space<semaphore_mem>>) src(%arg8 : memref<128x128xf32, #tpu.memory_space<vmem>>) dst(%dma_wait3A_29 : memref<128x128xf32, #tpu.memory_space<hbm>>)
        tpu.yield
      }) : () -> ()
    }
    %scan3A_5 = arith.constant 81 : i32
    return
  }
}

module attributes {stable_mosaic.version = 14 : i64} {
  func.func @_a0_body(%arg0: i32, %arg1: memref<2048x32xf32, #tpu.memory_space<vmem>>, %arg2: memref<2048x128xf32, #tpu.memory_space<vmem>>, %arg3: memref<128x128xf32, #tpu.memory_space<vmem>>, %arg4: memref<2048x1xf32, #tpu.memory_space<vmem>>, %arg5: memref<2048x128xf32, #tpu.memory_space<vmem>>) attributes {dimension_semantics = [#tpu.dimension_semantics<arbitrary>], iteration_bounds = array<i64: 5>, scalar_prefetch = 0 : i64, scratch_operands = 0 : i64, tpu.core_type = #tpu.core_type<tc>, window_params = [{transform_indices = @transform_0, window_bounds = array<i64: 2048, 32>}, {transform_indices = @transform_1, window_bounds = array<i64: 2048, 128>}, {pipeline_mode = #tpu.pipeline_mode<synchronous>, transform_indices = @transform_2, window_bounds = array<i64: 128, 128>}, {transform_indices = @transform_3, window_bounds = array<i64: 2048, 1>}, {transform_indices = @transform_4, window_bounds = array<i64: 2048, 128>}]} {
    %get3A = arith.constant 0 : index
    %get3A_0 = arith.constant 0 : index
    %get3A_1 = vector.load %arg1[%get3A, %get3A_0] : memref<2048x32xf32, #tpu.memory_space<vmem>>, vector<2048x32xf32>
    %reduce_sum3A = arith.constant dense<0.000000e+00> : vector<2048xf32>
    %reduce_sum3A_2 = vector.multi_reduction <add>, %get3A_1, %reduce_sum3A [1] : vector<2048x32xf32> to vector<2048xf32>
    %broadcast_in_dim3A = vector.shape_cast %reduce_sum3A_2 : vector<2048xf32> to vector<2048x1xf32>
    %add3A = arith.constant 1.000000e+00 : f32
    %add3A_3 = vector.broadcast %add3A : f32 to vector<2048x1xf32>
    %add3A_4 = arith.addf %broadcast_in_dim3A, %add3A_3 : vector<2048x1xf32>
    %rsqrt3A = math.rsqrt %add3A_4 : vector<2048x1xf32>
    %swap3A = arith.constant 0 : index
    %swap3A_5 = arith.constant 0 : index
    %swap3A_6 = vector.load %arg4[%swap3A, %swap3A_5] : memref<2048x1xf32, #tpu.memory_space<vmem>>, vector<2048x1xf32>
    tpu.vector_store %arg4[%swap3A, %swap3A_5], %rsqrt3A {strides = array<i32>} : memref<2048x1xf32, #tpu.memory_space<vmem>>, vector<2048x1xf32>,
    %get3A_7 = arith.constant 0 : index
    %get3A_8 = arith.constant 0 : index
    %get3A_9 = vector.load %arg2[%get3A_7, %get3A_8] : memref<2048x128xf32, #tpu.memory_space<vmem>>, vector<2048x128xf32>
    %get3A_10 = arith.constant 0 : index
    %get3A_11 = arith.constant 0 : index
    %get3A_12 = vector.load %arg3[%get3A_10, %get3A_11] : memref<128x128xf32, #tpu.memory_space<vmem>>, vector<128x128xf32>
    %dot_general3A = arith.constant dense<0.000000e+00> : vector<2048x128xf32>
    %dot_general3A_13 = tpu.matmul %get3A_9, %get3A_12, %dot_general3A {dimension_numbers = #tpu.dot_dimension_numbers<[1], [0], [0], [1], [0, 0, 1, 1], [], []>, transpose_lhs_hint = false} : vector<2048x128xf32>, vector<128x128xf32>, vector<2048x128xf32> -> vector<2048x128xf32>
    %swap3A_14 = arith.constant 0 : index
    %swap3A_15 = arith.constant 0 : index
    %swap3A_16 = vector.load %arg5[%swap3A_14, %swap3A_15] : memref<2048x128xf32, #tpu.memory_space<vmem>>, vector<2048x128xf32>
    tpu.vector_store %arg5[%swap3A_14, %swap3A_15], %dot_general3A_13 {strides = array<i32>} : memref<2048x128xf32, #tpu.memory_space<vmem>>, vector<2048x128xf32>,
    return
  }
  func.func @transform_0(%arg0: i32) -> (i32, i32) {
    %c0_i32 = arith.constant 0 : i32
    %c0_i32_0 = arith.constant 0 : i32
    return %arg0, %c0_i32 : i32, i32
  }
  func.func @transform_1(%arg0: i32) -> (i32, i32) {
    %c0_i32 = arith.constant 0 : i32
    %c0_i32_0 = arith.constant 0 : i32
    return %arg0, %c0_i32 : i32, i32
  }
  func.func @transform_2(%arg0: i32) -> (i32, i32) {
    %c0_i32 = arith.constant 0 : i32
    %c0_i32_0 = arith.constant 0 : i32
    %c0_i32_1 = arith.constant 0 : i32
    return %c0_i32, %c0_i32_0 : i32, i32
  }
  func.func @transform_3(%arg0: i32) -> (i32, i32) {
    %c0_i32 = arith.constant 0 : i32
    %c0_i32_0 = arith.constant 0 : i32
    return %arg0, %c0_i32 : i32, i32
  }
  func.func @transform_4(%arg0: i32) -> (i32, i32) {
    %c0_i32 = arith.constant 0 : i32
    %c0_i32_0 = arith.constant 0 : i32
    return %arg0, %c0_i32 : i32, i32
  }
}

module attributes {stable_mosaic.version = 14 : i64} {
  func.func @_amid_body(%arg0: i32, %arg1: memref<1x2048x128xf32, #tpu.memory_space<vmem>>, %arg2: memref<2048x128xf32, #tpu.memory_space<vmem>>, %arg3: memref<1x128xf32, #tpu.memory_space<vmem>>, %arg4: memref<2048x1xf32, #tpu.memory_space<vmem>>, %arg5: memref<128x128xf32, #tpu.memory_space<vmem>>, %arg6: memref<2048x128xf32, #tpu.memory_space<vmem>>, %arg7: memref<2048x128xf32, #tpu.memory_space<vmem>>) attributes {dimension_semantics = [#tpu.dimension_semantics<arbitrary>], iteration_bounds = array<i64: 5>, scalar_prefetch = 0 : i64, scratch_operands = 0 : i64, tpu.core_type = #tpu.core_type<tc>, window_params = [{transform_indices = @transform_0, window_bounds = array<i64: 1, 2048, 128>}, {transform_indices = @transform_1, window_bounds = array<i64: 2048, 128>}, {pipeline_mode = #tpu.pipeline_mode<synchronous>, transform_indices = @transform_2, window_bounds = array<i64: 1, 128>}, {transform_indices = @transform_3, window_bounds = array<i64: 2048, 1>}, {pipeline_mode = #tpu.pipeline_mode<synchronous>, transform_indices = @transform_4, window_bounds = array<i64: 128, 128>}, {transform_indices = @transform_5, window_bounds = array<i64: 2048, 128>}, {transform_indices = @transform_6, window_bounds = array<i64: 2048, 128>}]} {
    %get3A = arith.constant 0 : index
    %get3A_0 = arith.constant 0 : index
    %get3A_1 = arith.constant 0 : index
    %get3A_2 = vector.load %arg1[%get3A, %get3A_0, %get3A_1] : memref<1x2048x128xf32, #tpu.memory_space<vmem>>, vector<1x2048x128xf32>
    %get3A_3 = vector.shape_cast %get3A_2 : vector<1x2048x128xf32> to vector<2048x128xf32>
    %get3A_4 = arith.constant 0 : index
    %get3A_5 = arith.constant 0 : index
    %get3A_6 = vector.load %arg3[%get3A_4, %get3A_5] : memref<1x128xf32, #tpu.memory_space<vmem>>, vector<1x128xf32>
    %add3A = vector.broadcast %get3A_6 : vector<1x128xf32> to vector<2048x128xf32>
    %add3A_7 = arith.addf %get3A_3, %add3A : vector<2048x128xf32>
    %tanh3A = math.tanh %add3A_7 : vector<2048x128xf32>
    %swap3A = arith.constant 0 : index
    %swap3A_8 = arith.constant 0 : index
    %swap3A_9 = vector.load %arg6[%swap3A, %swap3A_8] : memref<2048x128xf32, #tpu.memory_space<vmem>>, vector<2048x128xf32>
    tpu.vector_store %arg6[%swap3A, %swap3A_8], %tanh3A {strides = array<i32>} : memref<2048x128xf32, #tpu.memory_space<vmem>>, vector<2048x128xf32>,
    %get3A_10 = arith.constant 0 : index
    %get3A_11 = arith.constant 0 : index
    %get3A_12 = vector.load %arg5[%get3A_10, %get3A_11] : memref<128x128xf32, #tpu.memory_space<vmem>>, vector<128x128xf32>
    %dot_general3A = arith.constant dense<0.000000e+00> : vector<2048x128xf32>
    %dot_general3A_13 = tpu.matmul %tanh3A, %get3A_12, %dot_general3A {dimension_numbers = #tpu.dot_dimension_numbers<[1], [0], [0], [1], [0, 0, 1, 1], [], []>, transpose_lhs_hint = false} : vector<2048x128xf32>, vector<128x128xf32>, vector<2048x128xf32> -> vector<2048x128xf32>
    %swap3A_14 = arith.constant 0 : index
    %swap3A_15 = arith.constant 0 : index
    %swap3A_16 = vector.load %arg7[%swap3A_14, %swap3A_15] : memref<2048x128xf32, #tpu.memory_space<vmem>>, vector<2048x128xf32>
    tpu.vector_store %arg7[%swap3A_14, %swap3A_15], %dot_general3A_13 {strides = array<i32>} : memref<2048x128xf32, #tpu.memory_space<vmem>>, vector<2048x128xf32>,
    return
  }
  func.func @transform_0(%arg0: i32) -> (i32, i32, i32) {
    %c0_i32 = arith.constant 0 : i32
    %c0_i32_0 = arith.constant 0 : i32
    %c0_i32_1 = arith.constant 0 : i32
    return %c0_i32, %arg0, %c0_i32_0 : i32, i32, i32
  }
  func.func @transform_1(%arg0: i32) -> (i32, i32) {
    %c0_i32 = arith.constant 0 : i32
    %c0_i32_0 = arith.constant 0 : i32
    return %arg0, %c0_i32 : i32, i32
  }
  func.func @transform_2(%arg0: i32) -> (i32, i32) {
    %c0_i32 = arith.constant 0 : i32
    %c0_i32_0 = arith.constant 0 : i32
    %c0_i32_1 = arith.constant 0 : i32
    return %c0_i32, %c0_i32_0 : i32, i32
  }
  func.func @transform_3(%arg0: i32) -> (i32, i32) {
    %c0_i32 = arith.constant 0 : i32
    %c0_i32_0 = arith.constant 0 : i32
    return %arg0, %c0_i32 : i32, i32
  }
  func.func @transform_4(%arg0: i32) -> (i32, i32) {
    %c0_i32 = arith.constant 0 : i32
    %c0_i32_0 = arith.constant 0 : i32
    %c0_i32_1 = arith.constant 0 : i32
    return %c0_i32, %c0_i32_0 : i32, i32
  }
  func.func @transform_5(%arg0: i32) -> (i32, i32) {
    %c0_i32 = arith.constant 0 : i32
    %c0_i32_0 = arith.constant 0 : i32
    return %arg0, %c0_i32 : i32, i32
  }
  func.func @transform_6(%arg0: i32) -> (i32, i32) {
    %c0_i32 = arith.constant 0 : i32
    %c0_i32_0 = arith.constant 0 : i32
    return %arg0, %c0_i32 : i32, i32
  }
}

module attributes {stable_mosaic.version = 14 : i64} {
  func.func @_amid_body(%arg0: i32, %arg1: memref<1x2048x128xf32, #tpu.memory_space<vmem>>, %arg2: memref<2048x128xf32, #tpu.memory_space<vmem>>, %arg3: memref<1x128xf32, #tpu.memory_space<vmem>>, %arg4: memref<2048x1xf32, #tpu.memory_space<vmem>>, %arg5: memref<128x1xf32, #tpu.memory_space<vmem>>, %arg6: memref<2048x128xf32, #tpu.memory_space<vmem>>, %arg7: memref<2048x1xf32, #tpu.memory_space<vmem>>) attributes {dimension_semantics = [#tpu.dimension_semantics<arbitrary>], iteration_bounds = array<i64: 5>, scalar_prefetch = 0 : i64, scratch_operands = 0 : i64, tpu.core_type = #tpu.core_type<tc>, window_params = [{transform_indices = @transform_0, window_bounds = array<i64: 1, 2048, 128>}, {transform_indices = @transform_1, window_bounds = array<i64: 2048, 128>}, {pipeline_mode = #tpu.pipeline_mode<synchronous>, transform_indices = @transform_2, window_bounds = array<i64: 1, 128>}, {transform_indices = @transform_3, window_bounds = array<i64: 2048, 1>}, {pipeline_mode = #tpu.pipeline_mode<synchronous>, transform_indices = @transform_4, window_bounds = array<i64: 128, 1>}, {transform_indices = @transform_5, window_bounds = array<i64: 2048, 128>}, {transform_indices = @transform_6, window_bounds = array<i64: 2048, 1>}]} {
    %get3A = arith.constant 0 : index
    %get3A_0 = arith.constant 0 : index
    %get3A_1 = arith.constant 0 : index
    %get3A_2 = vector.load %arg1[%get3A, %get3A_0, %get3A_1] : memref<1x2048x128xf32, #tpu.memory_space<vmem>>, vector<1x2048x128xf32>
    %get3A_3 = vector.shape_cast %get3A_2 : vector<1x2048x128xf32> to vector<2048x128xf32>
    %get3A_4 = arith.constant 0 : index
    %get3A_5 = arith.constant 0 : index
    %get3A_6 = vector.load %arg3[%get3A_4, %get3A_5] : memref<1x128xf32, #tpu.memory_space<vmem>>, vector<1x128xf32>
    %add3A = vector.broadcast %get3A_6 : vector<1x128xf32> to vector<2048x128xf32>
    %add3A_7 = arith.addf %get3A_3, %add3A : vector<2048x128xf32>
    %tanh3A = math.tanh %add3A_7 : vector<2048x128xf32>
    %swap3A = arith.constant 0 : index
    %swap3A_8 = arith.constant 0 : index
    %swap3A_9 = vector.load %arg6[%swap3A, %swap3A_8] : memref<2048x128xf32, #tpu.memory_space<vmem>>, vector<2048x128xf32>
    tpu.vector_store %arg6[%swap3A, %swap3A_8], %tanh3A {strides = array<i32>} : memref<2048x128xf32, #tpu.memory_space<vmem>>, vector<2048x128xf32>,
    %get3A_10 = arith.constant 0 : index
    %get3A_11 = arith.constant 0 : index
    %get3A_12 = vector.load %arg5[%get3A_10, %get3A_11] : memref<128x1xf32, #tpu.memory_space<vmem>>, vector<128x1xf32>
    %dot_general3A = arith.constant dense<0.000000e+00> : vector<2048x1xf32>
    %dot_general3A_13 = tpu.matmul %tanh3A, %get3A_12, %dot_general3A {dimension_numbers = #tpu.dot_dimension_numbers<[1], [0], [0], [1], [0, 0, 1, 1], [], []>, transpose_lhs_hint = false} : vector<2048x128xf32>, vector<128x1xf32>, vector<2048x1xf32> -> vector<2048x1xf32>
    %swap3A_14 = arith.constant 0 : index
    %swap3A_15 = arith.constant 0 : index
    %swap3A_16 = vector.load %arg7[%swap3A_14, %swap3A_15] : memref<2048x1xf32, #tpu.memory_space<vmem>>, vector<2048x1xf32>
    tpu.vector_store %arg7[%swap3A_14, %swap3A_15], %dot_general3A_13 {strides = array<i32>} : memref<2048x1xf32, #tpu.memory_space<vmem>>, vector<2048x1xf32>,
    return
  }
  func.func @transform_0(%arg0: i32) -> (i32, i32, i32) {
    %c0_i32 = arith.constant 0 : i32
    %c0_i32_0 = arith.constant 0 : i32
    %c0_i32_1 = arith.constant 0 : i32
    return %c0_i32, %arg0, %c0_i32_0 : i32, i32, i32
  }
  func.func @transform_1(%arg0: i32) -> (i32, i32) {
    %c0_i32 = arith.constant 0 : i32
    %c0_i32_0 = arith.constant 0 : i32
    return %arg0, %c0_i32 : i32, i32
  }
  func.func @transform_2(%arg0: i32) -> (i32, i32) {
    %c0_i32 = arith.constant 0 : i32
    %c0_i32_0 = arith.constant 0 : i32
    %c0_i32_1 = arith.constant 0 : i32
    return %c0_i32, %c0_i32_0 : i32, i32
  }
  func.func @transform_3(%arg0: i32) -> (i32, i32) {
    %c0_i32 = arith.constant 0 : i32
    %c0_i32_0 = arith.constant 0 : i32
    return %arg0, %c0_i32 : i32, i32
  }
  func.func @transform_4(%arg0: i32) -> (i32, i32) {
    %c0_i32 = arith.constant 0 : i32
    %c0_i32_0 = arith.constant 0 : i32
    %c0_i32_1 = arith.constant 0 : i32
    return %c0_i32, %c0_i32_0 : i32, i32
  }
  func.func @transform_5(%arg0: i32) -> (i32, i32) {
    %c0_i32 = arith.constant 0 : i32
    %c0_i32_0 = arith.constant 0 : i32
    return %arg0, %c0_i32 : i32, i32
  }
  func.func @transform_6(%arg0: i32) -> (i32, i32) {
    %c0_i32 = arith.constant 0 : i32
    %c0_i32_0 = arith.constant 0 : i32
    return %arg0, %c0_i32 : i32, i32
  }
}

module attributes {stable_mosaic.version = 14 : i64} {
  func.func @_topk_body(%arg0: i32, %arg1: memref<32x10240xf32, #tpu.memory_space<vmem>>, %arg2: memref<1x10240xf32, #tpu.memory_space<vmem>>, %arg3: memref<1x10240xf32, #tpu.memory_space<vmem>>, %arg4: memref<1x10240xi32, #tpu.memory_space<vmem>>, %arg5: memref<1x1xf32, #tpu.memory_space<vmem>>, %arg6: memref<64x32xi32, #tpu.memory_space<vmem>>, %arg7: memref<64x32xf32, #tpu.memory_space<vmem>>, %arg8: memref<64x32xf32, #tpu.memory_space<vmem>>, %arg9: memref<64x10240xf32, #tpu.memory_space<vmem>>) attributes {dimension_semantics = [#tpu.dimension_semantics<arbitrary>], iteration_bounds = array<i64: 1>, scalar_prefetch = 0 : i64, scratch_operands = 1 : i64, tpu.core_type = #tpu.core_type<tc>, window_params = [{pipeline_mode = #tpu.pipeline_mode<synchronous>, transform_indices = @transform_0, window_bounds = array<i64: 32, 10240>}, {pipeline_mode = #tpu.pipeline_mode<synchronous>, transform_indices = @transform_1, window_bounds = array<i64: 1, 10240>}, {pipeline_mode = #tpu.pipeline_mode<synchronous>, transform_indices = @transform_2, window_bounds = array<i64: 1, 10240>}, {pipeline_mode = #tpu.pipeline_mode<synchronous>, transform_indices = @transform_3, window_bounds = array<i64: 1, 10240>}, {pipeline_mode = #tpu.pipeline_mode<synchronous>, transform_indices = @transform_4, window_bounds = array<i64: 1, 1>}, {pipeline_mode = #tpu.pipeline_mode<synchronous>, transform_indices = @transform_5, window_bounds = array<i64: 64, 32>}, {pipeline_mode = #tpu.pipeline_mode<synchronous>, transform_indices = @transform_6, window_bounds = array<i64: 64, 32>}, {pipeline_mode = #tpu.pipeline_mode<synchronous>, transform_indices = @transform_7, window_bounds = array<i64: 64, 32>}]} {
    %get3A = arith.constant 0 : index
    %get3A_0 = arith.constant 0 : index
    %get3A_1 = vector.load %arg1[%get3A, %get3A_0] : memref<32x10240xf32, #tpu.memory_space<vmem>>, vector<32x10240xf32>
    %reduce_sum3A = arith.constant dense<0.000000e+00> : vector<10240xf32>
    %reduce_sum3A_2 = vector.multi_reduction <add>, %get3A_1, %reduce_sum3A [0] : vector<32x10240xf32> to vector<10240xf32>
    %broadcast_in_dim3A = vector.shape_cast %reduce_sum3A_2 : vector<10240xf32> to vector<1x10240xf32>
    %get3A_3 = arith.constant 0 : index
    %get3A_4 = arith.constant 0 : index
    %get3A_5 = vector.load %arg3[%get3A_3, %get3A_4] : memref<1x10240xf32, #tpu.memory_space<vmem>>, vector<1x10240xf32>
    %get3A_6 = arith.constant 0 : index
    %get3A_7 = arith.constant 0 : index
    %get3A_8 = vector.load %arg2[%get3A_6, %get3A_7] : memref<1x10240xf32, #tpu.memory_space<vmem>>, vector<1x10240xf32>
    %add3A = arith.addf %get3A_5, %get3A_8 : vector<1x10240xf32>
    %mul3A = arith.constant 0.000000e+00 : f32
    %mul3A_9 = vector.broadcast %mul3A : f32 to vector<1x10240xf32>
    %mul3A_10 = arith.mulf %mul3A_9, %add3A : vector<1x10240xf32>
    %add3A_11 = arith.addf %broadcast_in_dim3A, %mul3A_10 : vector<1x10240xf32>
    %get3A_12 = arith.constant 0 : index
    %get3A_13 = arith.constant 0 : index
    %get3A_14 = vector.load %arg5[%get3A_12, %get3A_13] : memref<1x1xf32, #tpu.memory_space<vmem>>, vector<1x1xf32>
    %get3A_15 = vector.extract %get3A_14[0, 0] : f32 from vector<1x1xf32>
    %add3A_16 = vector.broadcast %get3A_15 : f32 to vector<1x10240xf32>
    %add3A_17 = arith.addf %add3A_11, %add3A_16 : vector<1x10240xf32>
    %tanh3A = math.tanh %add3A_17 : vector<1x10240xf32>
    %iota3A = tpu.iota {dimensions = array<i32: 0>} : vector<64x10240xi32>
    %broadcast_in_dim3A_18 = vector.shape_cast %tanh3A : vector<1x10240xf32> to vector<1x10240xf32>
    %broadcast_in_dim3A_19 = vector.broadcast %broadcast_in_dim3A_18 : vector<1x10240xf32> to vector<64x10240xf32>
    %get3A_20 = arith.constant 0 : index
    %get3A_21 = arith.constant 0 : index
    %get3A_22 = vector.load %arg4[%get3A_20, %get3A_21] : memref<1x10240xi32, #tpu.memory_space<vmem>>, vector<1x10240xi32>
    %broadcast_in_dim3A_23 = vector.shape_cast %get3A_22 : vector<1x10240xi32> to vector<1x10240xi32>
    %broadcast_in_dim3A_24 = vector.broadcast %broadcast_in_dim3A_23 : vector<1x10240xi32> to vector<64x10240xi32>
    %eq3A = arith.cmpi eq, %broadcast_in_dim3A_24, %iota3A : vector<64x10240xi32>
    %jit3A = arith.constant -1.000000e+30 : f32
    %broadcast_in_dim3A_25 = vector.broadcast %jit3A : f32 to vector<64x10240xf32>
    %select_n3A = arith.select %eq3A, %broadcast_in_dim3A_19, %broadcast_in_dim3A_25 : vector<64x10240xi1>, vector<64x10240xf32>
    %swap3A = arith.constant 0 : index
    %swap3A_26 = arith.constant 0 : index
    %swap3A_27 = vector.load %arg9[%swap3A, %swap3A_26] : memref<64x10240xf32, #tpu.memory_space<vmem>>, vector<64x10240xf32>
    tpu.vector_store %arg9[%swap3A, %swap3A_26], %select_n3A {strides = array<i32>} : memref<64x10240xf32, #tpu.memory_space<vmem>>, vector<64x10240xf32>,
    %iota3A_28 = tpu.iota {dimensions = array<i32: 1>} : vector<64x10240xi32>
    %iota3A_29 = tpu.iota {dimensions = array<i32: 1>} : vector<64x32xi32>
    %broadcast_in_dim3A_30 = arith.constant 0 : i32
    %broadcast_in_dim3A_31 = vector.broadcast %broadcast_in_dim3A_30 : i32 to vector<64x32xi32>
    %broadcast_in_dim3A_32 = arith.constant -1.000000e+30 : f32
    %broadcast_in_dim3A_33 = vector.broadcast %broadcast_in_dim3A_32 : f32 to vector<64x32xf32>
    %scan3A = arith.constant 0 : i32
    %scan3A_34 = arith.constant 30 : i32
    %scan3A_35 = arith.addi %scan3A, %scan3A_34 : i32
    %scan3A_36 = arith.constant 1 : i32
    %scan3A_37:2 = scf.for %scan3A_54 = %scan3A to %scan3A_35 step %scan3A_36 iter_args(%scan3A_55 = %broadcast_in_dim3A_31, %scan3A_56 = %broadcast_in_dim3A_33) -> (vector<64x32xi32>, vector<64x32xf32>)  : i32 {
      %get3A_57 = arith.constant 0 : index
      %get3A_58 = arith.constant 0 : index
      %get3A_59 = vector.load %arg9[%get3A_57, %get3A_58] : memref<64x10240xf32, #tpu.memory_space<vmem>>, vector<64x10240xf32>
      %reduce_max3A = arith.constant dense<0xFF800000> : vector<64xf32>
      %reduce_max3A_60 = vector.multi_reduction <maximumf>, %get3A_59, %reduce_max3A [1] : vector<64x10240xf32> to vector<64xf32>
      %broadcast_in_dim3A_61 = vector.shape_cast %reduce_max3A_60 : vector<64xf32> to vector<64x1xf32>
      %ge3A = vector.broadcast %broadcast_in_dim3A_61 : vector<64x1xf32> to vector<64x10240xf32>
      %ge3A_62 = arith.cmpf oge, %get3A_59, %ge3A : vector<64x10240xf32>
      %jit3A_63 = arith.constant 10240 : i32
      %broadcast_in_dim3A_64 = vector.broadcast %jit3A_63 : i32 to vector<64x10240xi32>
      %select_n3A_65 = arith.select %ge3A_62, %iota3A_28, %broadcast_in_dim3A_64 : vector<64x10240xi1>, vector<64x10240xi32>
      %reduce_min3A = arith.constant dense<2147483647> : vector<64xi32>
      %reduce_min3A_66 = vector.multi_reduction <minsi>, %select_n3A_65, %reduce_min3A [1] : vector<64x10240xi32> to vector<64xi32>
      %broadcast_in_dim3A_67 = vector.shape_cast %reduce_min3A_66 : vector<64xi32> to vector<64x1xi32>
      %eq3A_68 = vector.broadcast %broadcast_in_dim3A_67 : vector<64x1xi32> to vector<64x10240xi32>
      %eq3A_69 = arith.cmpi eq, %iota3A_28, %eq3A_68 : vector<64x10240xi32>
      %jit3A_70 = arith.constant -1.000000e+30 : f32
      %broadcast_in_dim3A_71 = vector.broadcast %jit3A_70 : f32 to vector<64x10240xf32>
      %select_n3A_72 = arith.select %eq3A_69, %broadcast_in_dim3A_71, %get3A_59 : vector<64x10240xi1>, vector<64x10240xf32>
      %swap3A_73 = arith.constant 0 : index
      %swap3A_74 = arith.constant 0 : index
      %swap3A_75 = vector.load %arg9[%swap3A_73, %swap3A_74] : memref<64x10240xf32, #tpu.memory_space<vmem>>, vector<64x10240xf32>
      tpu.vector_store %arg9[%swap3A_73, %swap3A_74], %select_n3A_72 {strides = array<i32>} : memref<64x10240xf32, #tpu.memory_space<vmem>>, vector<64x10240xf32>,
      %eq3A_76 = vector.broadcast %scan3A_54 : i32 to vector<64x32xi32>
      %eq3A_77 = arith.cmpi eq, %iota3A_29, %eq3A_76 : vector<64x32xi32>
      %broadcast_in_dim3A_78 = vector.shape_cast %broadcast_in_dim3A_67 : vector<64x1xi32> to vector<64x1xi32>
      %broadcast_in_dim3A_79 = vector.broadcast %broadcast_in_dim3A_78 : vector<64x1xi32> to vector<64x32xi32>
      %select_n3A_80 = arith.select %eq3A_77, %broadcast_in_dim3A_79, %scan3A_55 : vector<64x32xi1>, vector<64x32xi32>
      %broadcast_in_dim3A_81 = vector.shape_cast %broadcast_in_dim3A_61 : vector<64x1xf32> to vector<64x1xf32>
      %broadcast_in_dim3A_82 = vector.broadcast %broadcast_in_dim3A_81 : vector<64x1xf32> to vector<64x32xf32>
      %select_n3A_83 = arith.select %eq3A_77, %broadcast_in_dim3A_82, %scan3A_56 : vector<64x32xi1>, vector<64x32xf32>
      scf.yield %select_n3A_80, %select_n3A_83 : vector<64x32xi32>, vector<64x32xf32>
    }
    %scan3A_38 = arith.constant 30 : i32
    %gt3A = arith.constant -1.000000e+29 : f32
    %gt3A_39 = vector.broadcast %gt3A : f32 to vector<64x32xf32>
    %gt3A_40 = arith.cmpf ogt, %scan3A_37#1, %gt3A_39 : vector<64x32xf32>
    %swap3A_41 = arith.constant 0 : index
    %swap3A_42 = arith.constant 0 : index
    %swap3A_43 = vector.load %arg6[%swap3A_41, %swap3A_42] : memref<64x32xi32, #tpu.memory_space<vmem>>, vector<64x32xi32>
    tpu.vector_store %arg6[%swap3A_41, %swap3A_42], %scan3A_37#0 {strides = array<i32>} : memref<64x32xi32, #tpu.memory_space<vmem>>, vector<64x32xi32>,
    %jit3A_44 = arith.constant 0.000000e+00 : f32
    %broadcast_in_dim3A_45 = vector.broadcast %jit3A_44 : f32 to vector<64x32xf32>
    %select_n3A_46 = arith.select %gt3A_40, %scan3A_37#1, %broadcast_in_dim3A_45 : vector<64x32xi1>, vector<64x32xf32>
    %swap3A_47 = arith.constant 0 : index
    %swap3A_48 = arith.constant 0 : index
    %swap3A_49 = vector.load %arg7[%swap3A_47, %swap3A_48] : memref<64x32xf32, #tpu.memory_space<vmem>>, vector<64x32xf32>
    tpu.vector_store %arg7[%swap3A_47, %swap3A_48], %select_n3A_46 {strides = array<i32>} : memref<64x32xf32, #tpu.memory_space<vmem>>, vector<64x32xf32>,
    %convert_element_type3A = arith.extui %gt3A_40 : vector<64x32xi1> to vector<64x32xi32>
    %convert_element_type3A_50 = arith.sitofp %convert_element_type3A : vector<64x32xi32> to vector<64x32xf32>
    %swap3A_51 = arith.constant 0 : index
    %swap3A_52 = arith.constant 0 : index
    %swap3A_53 = vector.load %arg8[%swap3A_51, %swap3A_52] : memref<64x32xf32, #tpu.memory_space<vmem>>, vector<64x32xf32>
    tpu.vector_store %arg8[%swap3A_51, %swap3A_52], %convert_element_type3A_50 {strides = array<i32>} : memref<64x32xf32, #tpu.memory_space<vmem>>, vector<64x32xf32>,
    return
  }
  func.func @transform_0(%arg0: i32) -> (i32, i32) {
    %c0_i32 = arith.constant 0 : i32
    %c0_i32_0 = arith.constant 0 : i32
    %c0_i32_1 = arith.constant 0 : i32
    return %c0_i32, %c0_i32_0 : i32, i32
  }
  func.func @transform_1(%arg0: i32) -> (i32, i32) {
    %c0_i32 = arith.constant 0 : i32
    %c0_i32_0 = arith.constant 0 : i32
    %c0_i32_1 = arith.constant 0 : i32
    return %c0_i32, %c0_i32_0 : i32, i32
  }
  func.func @transform_2(%arg0: i32) -> (i32, i32) {
    %c0_i32 = arith.constant 0 : i32
    %c0_i32_0 = arith.constant 0 : i32
    %c0_i32_1 = arith.constant 0 : i32
    return %c0_i32, %c0_i32_0 : i32, i32
  }
  func.func @transform_3(%arg0: i32) -> (i32, i32) {
    %c0_i32 = arith.constant 0 : i32
    %c0_i32_0 = arith.constant 0 : i32
    %c0_i32_1 = arith.constant 0 : i32
    return %c0_i32, %c0_i32_0 : i32, i32
  }
  func.func @transform_4(%arg0: i32) -> (i32, i32) {
    %c0_i32 = arith.constant 0 : i32
    %c0_i32_0 = arith.constant 0 : i32
    %c0_i32_1 = arith.constant 0 : i32
    return %c0_i32, %c0_i32_0 : i32, i32
  }
  func.func @transform_5(%arg0: i32) -> (i32, i32) {
    %c0_i32 = arith.constant 0 : i32
    %c0_i32_0 = arith.constant 0 : i32
    %c0_i32_1 = arith.constant 0 : i32
    return %c0_i32, %c0_i32_0 : i32, i32
  }
  func.func @transform_6(%arg0: i32) -> (i32, i32) {
    %c0_i32 = arith.constant 0 : i32
    %c0_i32_0 = arith.constant 0 : i32
    %c0_i32_1 = arith.constant 0 : i32
    return %c0_i32, %c0_i32_0 : i32, i32
  }
  func.func @transform_7(%arg0: i32) -> (i32, i32) {
    %c0_i32 = arith.constant 0 : i32
    %c0_i32_0 = arith.constant 0 : i32
    %c0_i32_1 = arith.constant 0 : i32
    return %c0_i32, %c0_i32_0 : i32, i32
  }
}

module attributes {stable_mosaic.version = 14 : i64} {
  func.func @_head_body(%arg0: i32, %arg1: memref<2048x128xf32, #tpu.memory_space<vmem>>, %arg2: memref<2048x128xf32, #tpu.memory_space<vmem>>, %arg3: memref<2048x128xf32, #tpu.memory_space<vmem>>, %arg4: memref<2048x1xf32, #tpu.memory_space<vmem>>, %arg5: memref<2048x1xf32, #tpu.memory_space<vmem>>, %arg6: memref<128x16xf32, #tpu.memory_space<vmem>>, %arg7: memref<128x16xf32, #tpu.memory_space<vmem>>, %arg8: memref<128x16xf32, #tpu.memory_space<vmem>>, %arg9: memref<1x16xf32, #tpu.memory_space<vmem>>, %arg10: memref<1x16xf32, #tpu.memory_space<vmem>>, %arg11: memref<880x352xf32, #tpu.memory_space<vmem>>, %arg12: memref<1x352xf32, #tpu.memory_space<vmem>>, %arg13: memref<352x128xf32, #tpu.memory_space<vmem>>, %arg14: memref<1x128xf32, #tpu.memory_space<vmem>>, %arg15: memref<128x1xf32, #tpu.memory_space<vmem>>, %arg16: memref<1x1xf32, #tpu.memory_space<vmem>>, %arg17: memref<64x1xf32, #tpu.memory_space<vmem>>) attributes {dimension_semantics = [#tpu.dimension_semantics<arbitrary>], iteration_bounds = array<i64: 1>, scalar_prefetch = 0 : i64, scratch_operands = 0 : i64, tpu.core_type = #tpu.core_type<tc>, window_params = [{pipeline_mode = #tpu.pipeline_mode<synchronous>, transform_indices = @transform_0, window_bounds = array<i64: 2048, 128>}, {pipeline_mode = #tpu.pipeline_mode<synchronous>, transform_indices = @transform_1, window_bounds = array<i64: 2048, 128>}, {pipeline_mode = #tpu.pipeline_mode<synchronous>, transform_indices = @transform_2, window_bounds = array<i64: 2048, 128>}, {pipeline_mode = #tpu.pipeline_mode<synchronous>, transform_indices = @transform_3, window_bounds = array<i64: 2048, 1>}, {pipeline_mode = #tpu.pipeline_mode<synchronous>, transform_indices = @transform_4, window_bounds = array<i64: 2048, 1>}, {pipeline_mode = #tpu.pipeline_mode<synchronous>, transform_indices = @transform_5, window_bounds = array<i64: 128, 16>}, {pipeline_mode = #tpu.pipeline_mode<synchronous>, transform_indices = @transform_6, window_bounds = array<i64: 128, 16>}, {pipeline_mode = #tpu.pipeline_mode<synchronous>, transform_indices = @transform_7, window_bounds = array<i64: 128, 16>}, {pipeline_mode = #tpu.pipeline_mode<synchronous>, transform_indices = @transform_8, window_bounds = array<i64: 1, 16>}, {pipeline_mode = #tpu.pipeline_mode<synchronous>, transform_indices = @transform_9, window_bounds = array<i64: 1, 16>}, {pipeline_mode = #tpu.pipeline_mode<synchronous>, transform_indices = @transform_10, window_bounds = array<i64: 880, 352>}, {pipeline_mode = #tpu.pipeline_mode<synchronous>, transform_indices = @transform_11, window_bounds = array<i64: 1, 352>}, {pipeline_mode = #tpu.pipeline_mode<synchronous>, transform_indices = @transform_12, window_bounds = array<i64: 352, 128>}, {pipeline_mode = #tpu.pipeline_mode<synchronous>, transform_indices = @transform_13, window_bounds = array<i64: 1, 128>}, {pipeline_mode = #tpu.pipeline_mode<synchronous>, transform_indices = @transform_14, window_bounds = array<i64: 128, 1>}, {pipeline_mode = #tpu.pipeline_mode<synchronous>, transform_indices = @transform_15, window_bounds = array<i64: 1, 1>}, {pipeline_mode = #tpu.pipeline_mode<synchronous>, transform_indices = @transform_16, window_bounds = array<i64: 64, 1>}]} {
    %get3A = arith.constant 0 : index
    %get3A_0 = arith.constant 0 : index
    %get3A_1 = vector.load %arg1[%get3A, %get3A_0] : memref<2048x128xf32, #tpu.memory_space<vmem>>, vector<2048x128xf32>
    %get3A_2 = arith.constant 0 : index
    %get3A_3 = arith.constant 0 : index
    %get3A_4 = vector.load %arg6[%get3A_2, %get3A_3] : memref<128x16xf32, #tpu.memory_space<vmem>>, vector<128x16xf32>
    %dot_general3A = arith.constant dense<0.000000e+00> : vector<2048x16xf32>
    %dot_general3A_5 = tpu.matmul %get3A_1, %get3A_4, %dot_general3A {dimension_numbers = #tpu.dot_dimension_numbers<[1], [0], [0], [1], [0, 0, 1, 1], [], []>, precision = #tpu.contract_precision<fp32>, transpose_lhs_hint = false} : vector<2048x128xf32>, vector<128x16xf32>, vector<2048x16xf32> -> vector<2048x16xf32>
    %get3A_6 = arith.constant 0 : index
    %get3A_7 = arith.constant 0 : index
    %get3A_8 = vector.load %arg2[%get3A_6, %get3A_7] : memref<2048x128xf32, #tpu.memory_space<vmem>>, vector<2048x128xf32>
    %get3A_9 = arith.constant 0 : index
    %get3A_10 = arith.constant 0 : index
    %get3A_11 = vector.load %arg7[%get3A_9, %get3A_10] : memref<128x16xf32, #tpu.memory_space<vmem>>, vector<128x16xf32>
    %dot_general3A_12 = arith.constant dense<0.000000e+00> : vector<2048x16xf32>
    %dot_general3A_13 = tpu.matmul %get3A_8, %get3A_11, %dot_general3A_12 {dimension_numbers = #tpu.dot_dimension_numbers<[1], [0], [0], [1], [0, 0, 1, 1], [], []>, precision = #tpu.contract_precision<fp32>, transpose_lhs_hint = false} : vector<2048x128xf32>, vector<128x16xf32>, vector<2048x16xf32> -> vector<2048x16xf32>
    %add3A = arith.addf %dot_general3A_5, %dot_general3A_13 : vector<2048x16xf32>
    %get3A_14 = arith.constant 0 : index
    %get3A_15 = arith.constant 0 : index
    %get3A_16 = vector.load %arg3[%get3A_14, %get3A_15] : memref<2048x128xf32, #tpu.memory_space<vmem>>, vector<2048x128xf32>
    %get3A_17 = arith.constant 0 : index
    %get3A_18 = arith.constant 0 : index
    %get3A_19 = vector.load %arg8[%get3A_17, %get3A_18] : memref<128x16xf32, #tpu.memory_space<vmem>>, vector<128x16xf32>
    %dot_general3A_20 = arith.constant dense<0.000000e+00> : vector<2048x16xf32>
    %dot_general3A_21 = tpu.matmul %get3A_16, %get3A_19, %dot_general3A_20 {dimension_numbers = #tpu.dot_dimension_numbers<[1], [0], [0], [1], [0, 0, 1, 1], [], []>, precision = #tpu.contract_precision<fp32>, transpose_lhs_hint = false} : vector<2048x128xf32>, vector<128x16xf32>, vector<2048x16xf32> -> vector<2048x16xf32>
    %add3A_22 = arith.addf %add3A, %dot_general3A_21 : vector<2048x16xf32>
    %get3A_23 = arith.constant 0 : index
    %get3A_24 = arith.constant 0 : index
    %get3A_25 = vector.load %arg4[%get3A_23, %get3A_24] : memref<2048x1xf32, #tpu.memory_space<vmem>>, vector<2048x1xf32>
    %get3A_26 = arith.constant 0 : index
    %get3A_27 = arith.constant 0 : index
    %get3A_28 = vector.load %arg9[%get3A_26, %get3A_27] : memref<1x16xf32, #tpu.memory_space<vmem>>, vector<1x16xf32>
    %mul3A = vector.broadcast %get3A_25 : vector<2048x1xf32> to vector<2048x16xf32>
    %mul3A_29 = vector.broadcast %get3A_28 : vector<1x16xf32> to vector<2048x16xf32>
    %mul3A_30 = arith.mulf %mul3A, %mul3A_29 : vector<2048x16xf32>
    %add3A_31 = arith.addf %add3A_22, %mul3A_30 : vector<2048x16xf32>
    %get3A_32 = arith.constant 0 : index
    %get3A_33 = arith.constant 0 : index
    %get3A_34 = vector.load %arg5[%get3A_32, %get3A_33] : memref<2048x1xf32, #tpu.memory_space<vmem>>, vector<2048x1xf32>
    %mul3A_35 = vector.broadcast %get3A_34 : vector<2048x1xf32> to vector<2048x16xf32>
    %mul3A_36 = arith.mulf %add3A_31, %mul3A_35 : vector<2048x16xf32>
    %get3A_37 = arith.constant 0 : index
    %get3A_38 = arith.constant 0 : index
    %get3A_39 = vector.load %arg10[%get3A_37, %get3A_38] : memref<1x16xf32, #tpu.memory_space<vmem>>, vector<1x16xf32>
    %add3A_40 = vector.broadcast %get3A_39 : vector<1x16xf32> to vector<2048x16xf32>
    %add3A_41 = arith.addf %mul3A_36, %add3A_40 : vector<2048x16xf32>
    %max3A = arith.constant 0.000000e+00 : f32
    %max3A_42 = vector.broadcast %max3A : f32 to vector<2048x16xf32>
    %max3A_43 = arith.maximumf %add3A_41, %max3A_42 : vector<2048x16xf32>
    %reshape3A = vector.shape_cast %max3A_43 : vector<2048x16xf32> to vector<64x32x16xf32>
    %slice3A = vector.extract_strided_slice %reshape3A {offsets = [0, 0, 0], sizes = [64, 1, 16], strides = [1, 1, 1]} : vector<64x32x16xf32> to vector<64x1x16xf32>
    %squeeze3A = vector.shape_cast %slice3A : vector<64x1x16xf32> to vector<64x16xf32>
    %slice3A_44 = vector.extract_strided_slice %reshape3A {offsets = [0, 1, 0], sizes = [64, 1, 16], strides = [1, 1, 1]} : vector<64x32x16xf32> to vector<64x1x16xf32>
    %squeeze3A_45 = vector.shape_cast %slice3A_44 : vector<64x1x16xf32> to vector<64x16xf32>
    %max3A_46 = arith.maximumf %squeeze3A, %squeeze3A_45 : vector<64x16xf32>
    %slice3A_47 = vector.extract_strided_slice %reshape3A {offsets = [0, 2, 0], sizes = [64, 1, 16], strides = [1, 1, 1]} : vector<64x32x16xf32> to vector<64x1x16xf32>
    %squeeze3A_48 = vector.shape_cast %slice3A_47 : vector<64x1x16xf32> to vector<64x16xf32>
    %slice3A_49 = vector.extract_strided_slice %reshape3A {offsets = [0, 3, 0], sizes = [64, 1, 16], strides = [1, 1, 1]} : vector<64x32x16xf32> to vector<64x1x16xf32>
    %squeeze3A_50 = vector.shape_cast %slice3A_49 : vector<64x1x16xf32> to vector<64x16xf32>
    %max3A_51 = arith.maximumf %squeeze3A_48, %squeeze3A_50 : vector<64x16xf32>
    %slice3A_52 = vector.extract_strided_slice %reshape3A {offsets = [0, 4, 0], sizes = [64, 1, 16], strides = [1, 1, 1]} : vector<64x32x16xf32> to vector<64x1x16xf32>
    %squeeze3A_53 = vector.shape_cast %slice3A_52 : vector<64x1x16xf32> to vector<64x16xf32>
    %slice3A_54 = vector.extract_strided_slice %reshape3A {offsets = [0, 5, 0], sizes = [64, 1, 16], strides = [1, 1, 1]} : vector<64x32x16xf32> to vector<64x1x16xf32>
    %squeeze3A_55 = vector.shape_cast %slice3A_54 : vector<64x1x16xf32> to vector<64x16xf32>
    %max3A_56 = arith.maximumf %squeeze3A_53, %squeeze3A_55 : vector<64x16xf32>
    %slice3A_57 = vector.extract_strided_slice %reshape3A {offsets = [0, 6, 0], sizes = [64, 1, 16], strides = [1, 1, 1]} : vector<64x32x16xf32> to vector<64x1x16xf32>
    %squeeze3A_58 = vector.shape_cast %slice3A_57 : vector<64x1x16xf32> to vector<64x16xf32>
    %slice3A_59 = vector.extract_strided_slice %reshape3A {offsets = [0, 7, 0], sizes = [64, 1, 16], strides = [1, 1, 1]} : vector<64x32x16xf32> to vector<64x1x16xf32>
    %squeeze3A_60 = vector.shape_cast %slice3A_59 : vector<64x1x16xf32> to vector<64x16xf32>
    %max3A_61 = arith.maximumf %squeeze3A_58, %squeeze3A_60 : vector<64x16xf32>
    %slice3A_62 = vector.extract_strided_slice %reshape3A {offsets = [0, 8, 0], sizes = [64, 1, 16], strides = [1, 1, 1]} : vector<64x32x16xf32> to vector<64x1x16xf32>
    %squeeze3A_63 = vector.shape_cast %slice3A_62 : vector<64x1x16xf32> to vector<64x16xf32>
    %slice3A_64 = vector.extract_strided_slice %reshape3A {offsets = [0, 9, 0], sizes = [64, 1, 16], strides = [1, 1, 1]} : vector<64x32x16xf32> to vector<64x1x16xf32>
    %squeeze3A_65 = vector.shape_cast %slice3A_64 : vector<64x1x16xf32> to vector<64x16xf32>
    %max3A_66 = arith.maximumf %squeeze3A_63, %squeeze3A_65 : vector<64x16xf32>
    %slice3A_67 = vector.extract_strided_slice %reshape3A {offsets = [0, 10, 0], sizes = [64, 1, 16], strides = [1, 1, 1]} : vector<64x32x16xf32> to vector<64x1x16xf32>
    %squeeze3A_68 = vector.shape_cast %slice3A_67 : vector<64x1x16xf32> to vector<64x16xf32>
    %slice3A_69 = vector.extract_strided_slice %reshape3A {offsets = [0, 11, 0], sizes = [64, 1, 16], strides = [1, 1, 1]} : vector<64x32x16xf32> to vector<64x1x16xf32>
    %squeeze3A_70 = vector.shape_cast %slice3A_69 : vector<64x1x16xf32> to vector<64x16xf32>
    %max3A_71 = arith.maximumf %squeeze3A_68, %squeeze3A_70 : vector<64x16xf32>
    %slice3A_72 = vector.extract_strided_slice %reshape3A {offsets = [0, 12, 0], sizes = [64, 1, 16], strides = [1, 1, 1]} : vector<64x32x16xf32> to vector<64x1x16xf32>
    %squeeze3A_73 = vector.shape_cast %slice3A_72 : vector<64x1x16xf32> to vector<64x16xf32>
    %slice3A_74 = vector.extract_strided_slice %reshape3A {offsets = [0, 13, 0], sizes = [64, 1, 16], strides = [1, 1, 1]} : vector<64x32x16xf32> to vector<64x1x16xf32>
    %squeeze3A_75 = vector.shape_cast %slice3A_74 : vector<64x1x16xf32> to vector<64x16xf32>
    %max3A_76 = arith.maximumf %squeeze3A_73, %squeeze3A_75 : vector<64x16xf32>
    %slice3A_77 = vector.extract_strided_slice %reshape3A {offsets = [0, 14, 0], sizes = [64, 1, 16], strides = [1, 1, 1]} : vector<64x32x16xf32> to vector<64x1x16xf32>
    %squeeze3A_78 = vector.shape_cast %slice3A_77 : vector<64x1x16xf32> to vector<64x16xf32>
    %slice3A_79 = vector.extract_strided_slice %reshape3A {offsets = [0, 15, 0], sizes = [64, 1, 16], strides = [1, 1, 1]} : vector<64x32x16xf32> to vector<64x1x16xf32>
    %squeeze3A_80 = vector.shape_cast %slice3A_79 : vector<64x1x16xf32> to vector<64x16xf32>
    %max3A_81 = arith.maximumf %squeeze3A_78, %squeeze3A_80 : vector<64x16xf32>
    %slice3A_82 = vector.extract_strided_slice %reshape3A {offsets = [0, 16, 0], sizes = [64, 1, 16], strides = [1, 1, 1]} : vector<64x32x16xf32> to vector<64x1x16xf32>
    %squeeze3A_83 = vector.shape_cast %slice3A_82 : vector<64x1x16xf32> to vector<64x16xf32>
    %slice3A_84 = vector.extract_strided_slice %reshape3A {offsets = [0, 17, 0], sizes = [64, 1, 16], strides = [1, 1, 1]} : vector<64x32x16xf32> to vector<64x1x16xf32>
    %squeeze3A_85 = vector.shape_cast %slice3A_84 : vector<64x1x16xf32> to vector<64x16xf32>
    %max3A_86 = arith.maximumf %squeeze3A_83, %squeeze3A_85 : vector<64x16xf32>
    %slice3A_87 = vector.extract_strided_slice %reshape3A {offsets = [0, 18, 0], sizes = [64, 1, 16], strides = [1, 1, 1]} : vector<64x32x16xf32> to vector<64x1x16xf32>
    %squeeze3A_88 = vector.shape_cast %slice3A_87 : vector<64x1x16xf32> to vector<64x16xf32>
    %slice3A_89 = vector.extract_strided_slice %reshape3A {offsets = [0, 19, 0], sizes = [64, 1, 16], strides = [1, 1, 1]} : vector<64x32x16xf32> to vector<64x1x16xf32>
    %squeeze3A_90 = vector.shape_cast %slice3A_89 : vector<64x1x16xf32> to vector<64x16xf32>
    %max3A_91 = arith.maximumf %squeeze3A_88, %squeeze3A_90 : vector<64x16xf32>
    %slice3A_92 = vector.extract_strided_slice %reshape3A {offsets = [0, 20, 0], sizes = [64, 1, 16], strides = [1, 1, 1]} : vector<64x32x16xf32> to vector<64x1x16xf32>
    %squeeze3A_93 = vector.shape_cast %slice3A_92 : vector<64x1x16xf32> to vector<64x16xf32>
    %slice3A_94 = vector.extract_strided_slice %reshape3A {offsets = [0, 21, 0], sizes = [64, 1, 16], strides = [1, 1, 1]} : vector<64x32x16xf32> to vector<64x1x16xf32>
    %squeeze3A_95 = vector.shape_cast %slice3A_94 : vector<64x1x16xf32> to vector<64x16xf32>
    %max3A_96 = arith.maximumf %squeeze3A_93, %squeeze3A_95 : vector<64x16xf32>
    %slice3A_97 = vector.extract_strided_slice %reshape3A {offsets = [0, 22, 0], sizes = [64, 1, 16], strides = [1, 1, 1]} : vector<64x32x16xf32> to vector<64x1x16xf32>
    %squeeze3A_98 = vector.shape_cast %slice3A_97 : vector<64x1x16xf32> to vector<64x16xf32>
    %slice3A_99 = vector.extract_strided_slice %reshape3A {offsets = [0, 23, 0], sizes = [64, 1, 16], strides = [1, 1, 1]} : vector<64x32x16xf32> to vector<64x1x16xf32>
    %squeeze3A_100 = vector.shape_cast %slice3A_99 : vector<64x1x16xf32> to vector<64x16xf32>
    %max3A_101 = arith.maximumf %squeeze3A_98, %squeeze3A_100 : vector<64x16xf32>
    %slice3A_102 = vector.extract_strided_slice %reshape3A {offsets = [0, 24, 0], sizes = [64, 1, 16], strides = [1, 1, 1]} : vector<64x32x16xf32> to vector<64x1x16xf32>
    %squeeze3A_103 = vector.shape_cast %slice3A_102 : vector<64x1x16xf32> to vector<64x16xf32>
    %slice3A_104 = vector.extract_strided_slice %reshape3A {offsets = [0, 25, 0], sizes = [64, 1, 16], strides = [1, 1, 1]} : vector<64x32x16xf32> to vector<64x1x16xf32>
    %squeeze3A_105 = vector.shape_cast %slice3A_104 : vector<64x1x16xf32> to vector<64x16xf32>
    %max3A_106 = arith.maximumf %squeeze3A_103, %squeeze3A_105 : vector<64x16xf32>
    %slice3A_107 = vector.extract_strided_slice %reshape3A {offsets = [0, 26, 0], sizes = [64, 1, 16], strides = [1, 1, 1]} : vector<64x32x16xf32> to vector<64x1x16xf32>
    %squeeze3A_108 = vector.shape_cast %slice3A_107 : vector<64x1x16xf32> to vector<64x16xf32>
    %slice3A_109 = vector.extract_strided_slice %reshape3A {offsets = [0, 27, 0], sizes = [64, 1, 16], strides = [1, 1, 1]} : vector<64x32x16xf32> to vector<64x1x16xf32>
    %squeeze3A_110 = vector.shape_cast %slice3A_109 : vector<64x1x16xf32> to vector<64x16xf32>
    %max3A_111 = arith.maximumf %squeeze3A_108, %squeeze3A_110 : vector<64x16xf32>
    %slice3A_112 = vector.extract_strided_slice %reshape3A {offsets = [0, 28, 0], sizes = [64, 1, 16], strides = [1, 1, 1]} : vector<64x32x16xf32> to vector<64x1x16xf32>
    %squeeze3A_113 = vector.shape_cast %slice3A_112 : vector<64x1x16xf32> to vector<64x16xf32>
    %slice3A_114 = vector.extract_strided_slice %reshape3A {offsets = [0, 29, 0], sizes = [64, 1, 16], strides = [1, 1, 1]} : vector<64x32x16xf32> to vector<64x1x16xf32>
    %squeeze3A_115 = vector.shape_cast %slice3A_114 : vector<64x1x16xf32> to vector<64x16xf32>
    %max3A_116 = arith.maximumf %squeeze3A_113, %squeeze3A_115 : vector<64x16xf32>
    %concatenate3A = tpu.concatenate %max3A_46, %max3A_51, %max3A_56, %max3A_61, %max3A_66, %max3A_51, %max3A_56, %max3A_61, %max3A_66, %max3A_71, %max3A_56, %max3A_61, %max3A_66, %max3A_71, %max3A_76, %max3A_61, %max3A_66, %max3A_71, %max3A_76, %max3A_81, %max3A_66, %max3A_71, %max3A_76, %max3A_81, %max3A_86, %max3A_71, %max3A_76, %max3A_81, %max3A_86, %max3A_91, %max3A_76, %max3A_81, %max3A_86, %max3A_91, %max3A_96, %max3A_81, %max3A_86, %max3A_91, %max3A_96, %max3A_101, %max3A_86, %max3A_91, %max3A_96, %max3A_101, %max3A_106, %max3A_91, %max3A_96, %max3A_101, %max3A_106, %max3A_111, %max3A_96, %max3A_101, %max3A_106, %max3A_111, %max3A_116 in 1 : vector<64x16xf32>, vector<64x16xf32>, vector<64x16xf32>, vector<64x16xf32>, vector<64x16xf32>, vector<64x16xf32>, vector<64x16xf32>, vector<64x16xf32>, vector<64x16xf32>, vector<64x16xf32>, vector<64x16xf32>, vector<64x16xf32>, vector<64x16xf32>, vector<64x16xf32>, vector<64x16xf32>, vector<64x16xf32>, vector<64x16xf32>, vector<64x16xf32>, vector<64x16xf32>, vector<64x16xf32>, vector<64x16xf32>, vector<64x16xf32>, vector<64x16xf32>, vector<64x16xf32>, vector<64x16xf32>, vector<64x16xf32>, vector<64x16xf32>, vector<64x16xf32>, vector<64x16xf32>, vector<64x16xf32>, vector<64x16xf32>, vector<64x16xf32>, vector<64x16xf32>, vector<64x16xf32>, vector<64x16xf32>, vector<64x16xf32>, vector<64x16xf32>, vector<64x16xf32>, vector<64x16xf32>, vector<64x16xf32>, vector<64x16xf32>, vector<64x16xf32>, vector<64x16xf32>, vector<64x16xf32>, vector<64x16xf32>, vector<64x16xf32>, vector<64x16xf32>, vector<64x16xf32>, vector<64x16xf32>, vector<64x16xf32>, vector<64x16xf32>, vector<64x16xf32>, vector<64x16xf32>, vector<64x16xf32>, vector<64x16xf32> -> vector<64x880xf32>
    %get3A_117 = arith.constant 0 : index
    %get3A_118 = arith.constant 0 : index
    %get3A_119 = vector.load %arg11[%get3A_117, %get3A_118] : memref<880x352xf32, #tpu.memory_space<vmem>>, vector<880x352xf32>
    %dot_general3A_120 = arith.constant dense<0.000000e+00> : vector<64x352xf32>
    %dot_general3A_121 = tpu.matmul %concatenate3A, %get3A_119, %dot_general3A_120 {dimension_numbers = #tpu.dot_dimension_numbers<[1], [0], [0], [1], [0, 0, 1, 1], [], []>, precision = #tpu.contract_precision<fp32>, transpose_lhs_hint = false} : vector<64x880xf32>, vector<880x352xf32>, vector<64x352xf32> -> vector<64x352xf32>
    %get3A_122 = arith.constant 0 : index
    %get3A_123 = arith.constant 0 : index
    %get3A_124 = vector.load %arg12[%get3A_122, %get3A_123] : memref<1x352xf32, #tpu.memory_space<vmem>>, vector<1x352xf32>
    %add3A_125 = vector.broadcast %get3A_124 : vector<1x352xf32> to vector<64x352xf32>
    %add3A_126 = arith.addf %dot_general3A_121, %add3A_125 : vector<64x352xf32>
    %max3A_127 = arith.constant 0.000000e+00 : f32
    %max3A_128 = vector.broadcast %max3A_127 : f32 to vector<64x352xf32>
    %max3A_129 = arith.maximumf %add3A_126, %max3A_128 : vector<64x352xf32>
    %get3A_130 = arith.constant 0 : index
    %get3A_131 = arith.constant 0 : index
    %get3A_132 = vector.load %arg13[%get3A_130, %get3A_131] : memref<352x128xf32, #tpu.memory_space<vmem>>, vector<352x128xf32>
    %dot_general3A_133 = arith.constant dense<0.000000e+00> : vector<64x128xf32>
    %dot_general3A_134 = tpu.matmul %max3A_129, %get3A_132, %dot_general3A_133 {dimension_numbers = #tpu.dot_dimension_numbers<[1], [0], [0], [1], [0, 0, 1, 1], [], []>, precision = #tpu.contract_precision<fp32>, transpose_lhs_hint = false} : vector<64x352xf32>, vector<352x128xf32>, vector<64x128xf32> -> vector<64x128xf32>
    %get3A_135 = arith.constant 0 : index
    %get3A_136 = arith.constant 0 : index
    %get3A_137 = vector.load %arg14[%get3A_135, %get3A_136] : memref<1x128xf32, #tpu.memory_space<vmem>>, vector<1x128xf32>
    %add3A_138 = vector.broadcast %get3A_137 : vector<1x128xf32> to vector<64x128xf32>
    %add3A_139 = arith.addf %dot_general3A_134, %add3A_138 : vector<64x128xf32>
    %max3A_140 = arith.constant 0.000000e+00 : f32
    %max3A_141 = vector.broadcast %max3A_140 : f32 to vector<64x128xf32>
    %max3A_142 = arith.maximumf %add3A_139, %max3A_141 : vector<64x128xf32>
    %get3A_143 = arith.constant 0 : index
    %get3A_144 = arith.constant 0 : index
    %get3A_145 = vector.load %arg15[%get3A_143, %get3A_144] : memref<128x1xf32, #tpu.memory_space<vmem>>, vector<128x1xf32>
    %dot_general3A_146 = arith.constant dense<0.000000e+00> : vector<64x1xf32>
    %dot_general3A_147 = tpu.matmul %max3A_142, %get3A_145, %dot_general3A_146 {dimension_numbers = #tpu.dot_dimension_numbers<[1], [0], [0], [1], [0, 0, 1, 1], [], []>, precision = #tpu.contract_precision<fp32>, transpose_lhs_hint = false} : vector<64x128xf32>, vector<128x1xf32>, vector<64x1xf32> -> vector<64x1xf32>
    %get3A_148 = arith.constant 0 : index
    %get3A_149 = arith.constant 0 : index
    %get3A_150 = vector.load %arg16[%get3A_148, %get3A_149] : memref<1x1xf32, #tpu.memory_space<vmem>>, vector<1x1xf32>
    %add3A_151 = vector.broadcast %get3A_150 : vector<1x1xf32> to vector<64x1xf32>
    %add3A_152 = arith.addf %dot_general3A_147, %add3A_151 : vector<64x1xf32>
    %swap3A = arith.constant 0 : index
    %swap3A_153 = arith.constant 0 : index
    %swap3A_154 = vector.load %arg17[%swap3A, %swap3A_153] : memref<64x1xf32, #tpu.memory_space<vmem>>, vector<64x1xf32>
    tpu.vector_store %arg17[%swap3A, %swap3A_153], %add3A_152 {strides = array<i32>} : memref<64x1xf32, #tpu.memory_space<vmem>>, vector<64x1xf32>,
    return
  }
  func.func @transform_0(%arg0: i32) -> (i32, i32) {
    %c0_i32 = arith.constant 0 : i32
    %c0_i32_0 = arith.constant 0 : i32
    %c0_i32_1 = arith.constant 0 : i32
    return %c0_i32, %c0_i32_0 : i32, i32
  }
  func.func @transform_1(%arg0: i32) -> (i32, i32) {
    %c0_i32 = arith.constant 0 : i32
    %c0_i32_0 = arith.constant 0 : i32
    %c0_i32_1 = arith.constant 0 : i32
    return %c0_i32, %c0_i32_0 : i32, i32
  }
  func.func @transform_2(%arg0: i32) -> (i32, i32) {
    %c0_i32 = arith.constant 0 : i32
    %c0_i32_0 = arith.constant 0 : i32
    %c0_i32_1 = arith.constant 0 : i32
    return %c0_i32, %c0_i32_0 : i32, i32
  }
  func.func @transform_3(%arg0: i32) -> (i32, i32) {
    %c0_i32 = arith.constant 0 : i32
    %c0_i32_0 = arith.constant 0 : i32
    %c0_i32_1 = arith.constant 0 : i32
    return %c0_i32, %c0_i32_0 : i32, i32
  }
  func.func @transform_4(%arg0: i32) -> (i32, i32) {
    %c0_i32 = arith.constant 0 : i32
    %c0_i32_0 = arith.constant 0 : i32
    %c0_i32_1 = arith.constant 0 : i32
    return %c0_i32, %c0_i32_0 : i32, i32
  }
  func.func @transform_5(%arg0: i32) -> (i32, i32) {
    %c0_i32 = arith.constant 0 : i32
    %c0_i32_0 = arith.constant 0 : i32
    %c0_i32_1 = arith.constant 0 : i32
    return %c0_i32, %c0_i32_0 : i32, i32
  }
  func.func @transform_6(%arg0: i32) -> (i32, i32) {
    %c0_i32 = arith.constant 0 : i32
    %c0_i32_0 = arith.constant 0 : i32
    %c0_i32_1 = arith.constant 0 : i32
    return %c0_i32, %c0_i32_0 : i32, i32
  }
  func.func @transform_7(%arg0: i32) -> (i32, i32) {
    %c0_i32 = arith.constant 0 : i32
    %c0_i32_0 = arith.constant 0 : i32
    %c0_i32_1 = arith.constant 0 : i32
    return %c0_i32, %c0_i32_0 : i32, i32
  }
  func.func @transform_8(%arg0: i32) -> (i32, i32) {
    %c0_i32 = arith.constant 0 : i32
    %c0_i32_0 = arith.constant 0 : i32
    %c0_i32_1 = arith.constant 0 : i32
    return %c0_i32, %c0_i32_0 : i32, i32
  }
  func.func @transform_9(%arg0: i32) -> (i32, i32) {
    %c0_i32 = arith.constant 0 : i32
    %c0_i32_0 = arith.constant 0 : i32
    %c0_i32_1 = arith.constant 0 : i32
    return %c0_i32, %c0_i32_0 : i32, i32
  }
  func.func @transform_10(%arg0: i32) -> (i32, i32) {
    %c0_i32 = arith.constant 0 : i32
    %c0_i32_0 = arith.constant 0 : i32
    %c0_i32_1 = arith.constant 0 : i32
    return %c0_i32, %c0_i32_0 : i32, i32
  }
  func.func @transform_11(%arg0: i32) -> (i32, i32) {
    %c0_i32 = arith.constant 0 : i32
    %c0_i32_0 = arith.constant 0 : i32
    %c0_i32_1 = arith.constant 0 : i32
    return %c0_i32, %c0_i32_0 : i32, i32
  }
  func.func @transform_12(%arg0: i32) -> (i32, i32) {
    %c0_i32 = arith.constant 0 : i32
    %c0_i32_0 = arith.constant 0 : i32
    %c0_i32_1 = arith.constant 0 : i32
    return %c0_i32, %c0_i32_0 : i32, i32
  }
  func.func @transform_13(%arg0: i32) -> (i32, i32) {
    %c0_i32 = arith.constant 0 : i32
    %c0_i32_0 = arith.constant 0 : i32
    %c0_i32_1 = arith.constant 0 : i32
    return %c0_i32, %c0_i32_0 : i32, i32
  }
  func.func @transform_14(%arg0: i32) -> (i32, i32) {
    %c0_i32 = arith.constant 0 : i32
    %c0_i32_0 = arith.constant 0 : i32
    %c0_i32_1 = arith.constant 0 : i32
    return %c0_i32, %c0_i32_0 : i32, i32
  }
  func.func @transform_15(%arg0: i32) -> (i32, i32) {
    %c0_i32 = arith.constant 0 : i32
    %c0_i32_0 = arith.constant 0 : i32
    %c0_i32_1 = arith.constant 0 : i32
    return %c0_i32, %c0_i32_0 : i32, i32
  }
  func.func @transform_16(%arg0: i32) -> (i32, i32) {
    %c0_i32 = arith.constant 0 : i32
    %c0_i32_0 = arith.constant 0 : i32
    %c0_i32_1 = arith.constant 0 : i32
    return %c0_i32, %c0_i32_0 : i32, i32
  }
}

</mosaic_0001>

<sc_bundles>
// kernel: gather_offload_async_start.1
scs
__scs_entry_jumppad:
0x0: {  	(pc) =	sbr.rel $0x88, $3  }
0x1: {  	(tag) =	ssettag $0x0;
	lr =	simm.s32 $0x1  }
0x2: {  	[smem:$0x3F8D] =	sst lr;
	_ =	strace $0xD0000000  }
0x3: {  	_ = 	snop  }
0x4: {  	_ = 	snop  }
0x5: {  	_ = 	snop  }
0x6: {  	_ = 	snop  }
0x7: {  	_ = 	snop  }
__scs_overlays_trampoline_lowered:
0x8: {  	[smem:$0x3F9C] =	sst s0  }
0x9: {  	[smem:$0x3F9D] =	sst s1  }
0xa: {  	[smem:$0x3F9E] =	sst s2  }
0xb: {  	[smem:$0x3F9F] =	sst s3  }
0xc: {  	[smem:$0x3FA0] =	sst s4  }
0xd: {  	[smem:$0x3FA1] =	sst s5  }
0xe: {  	[smem:$0x3FA2] =	sst s6  }
0xf: {  	[smem:$0x3FA3] =	sst s7  }
0x10: {  	[smem:$0x3FA4] =	sst s8  }
0x11: {  	[smem:$0x3FA5] =	sst s9;
	s0 =	simm.s32 @!p0 $0x0  }
0x12: {  	s1 =	sld [smem:$0x3F8B];
	s0 =	simm.s32 @p0 $0x1  }
0x13: {  	[smem:$0x3FA6] =	sst s0;
	s0 =	simm.s32 @!p1 $0x0  }
0x14: {  	s2 =	sld [smem:$0x3F8A];
	s0 =	simm.s32 @p1 $0x1  }
0x15: {  	[smem:$0x3FA7] =	sst s0;
	s0 =	simm.s32 @!p2 $0x0  }
0x16: {  	s3 =	sld [smem:$0x3FDB];
	s0 =	simm.s32 @p2 $0x1  }
0x17: {  	s4 =	simm.s32 $0x1BF5;
	[smem:$0x3FA9] =	sst s0  }
0x18: {  	s0 =	sld [smem:$0x3F8C];
	_ =	swait.ge [sflag:s4], $0x0  }
0x19: {  	s7 =	sld [smem:$0x3F8D]  }
0x1a: {  	s8 =	sadd.s32 $0xFFFFE003, lr  }
0x1b: {  	s9 =	sadd.s32 $0xFFFFFEF7, lr;
	s5 =	simm.s32 $0xFFFFFFFF;
	p2 =	slt.u32 s8, $0xFFFFF086  }
0x1c: {  	p1 =	slt.u32 s9, $0xF7A;
	s5 =	simm.s32 @!p2 $0x0  }
0x1d: {  	s5 =	simm.s32 @p1 $0x1;
	p0 =	seq.s32 s7, s2  }
0x1e: {  	s7 =	smul.u32 @!p0 $0xF7A, s2;
	p2 =	seq.s32 @!p0 s5, $0x0  }
0x1f: {  	s9 =	smul.u32 $0xF7A, s1;
	s8 =	simm.s32 @!p0 $0x1BF5;
	p2 =	por !p2, p0  }
0x20: {  	[sflag:s8] =	ssyncset.s32 @!p0 $0xFFFFF086;
	s6 =	sadd.s32 @!p0 s3, s7;
	s7 =	simm.s32 @!p0 $0x108  }
0x21: {  	s3 =	sadd.s32 s3, s9;
	s6 =	sadd.s32 @!p0 $0x88, s6;
	s7 =	simm.s32 @p2 $0x1082  }
0x22: {  	[simem:s7], [sflag:s8] =	dma.local @!p0 [hbm:s6], $0xF7A  }
0x23: {  	s9 =	sor.u32 $0xD0000000, s2;
	s6 =	simm.s32 $0x108;
	_ =	swait.ge @!p0 [sflag:s8], $0x0  }
0x24: {  	s3 =	sadd.s32 $0x88, s3;
	s6 =	simm.s32 @!p1 $0x1082;
	[sflag:s4] =	ssyncset.s32 $0xFFFFF086  }
0x25: {  	[simem:s6], [sflag:s4] =	dma.local [hbm:s3], $0xF7A  }
0x26: {  	[smem:$0x3F8D] =	sst s1;
	(tag) =	ssettag s2;
	_ =	strace s9  }
0x27: {  	s1 =	sld [smem:$0x3F9D]  }
0x28: {  	s2 =	sld [smem:$0x3F9E]  }
0x29: {  	s4 =	sld [smem:$0x3FA0]  }
0x2a: {  	p0 =	seq.s32 s5, $0x0;
	s5 =	sld [smem:$0x3FA1]  }
0x2b: {  	s6 =	sld [smem:$0x3FA2]  }
0x2c: {  	s7 =	sld [smem:$0x3FA3]  }
0x2d: {  	s3 =	simm.s32 $0x108;
	s8 =	sld [smem:$0x3FA4]  }
0x2e: {  	s3 =	simm.s32 @!p0 $0x1082;
	s9 =	sld [smem:$0x3FA5]  }
0x2f: {  	lr =	sadd.s32 s0, s3;
	s0 =	sld [smem:$0x3F9C]  }
0x30: {  	s3 =	sld [smem:$0x3F9F]  }
0x31: {  	[smem:$0x3FA8] =	sst s10  }
0x32: {  	s10 =	sld [smem:$0x3FA6];
	_ =	sdelay $0x3  }
0x33: {  	p0 =	seq.s32 s10, $0x1;
	s10 =	sld [smem:$0x3FA8];
	_ =	sdelay $0x3  }
0x34: {  	[smem:$0x3FA8] =	sst s10  }
0x35: {  	s10 =	sld [smem:$0x3FA7];
	_ =	sdelay $0x3  }
0x36: {  	p1 =	seq.s32 s10, $0x1;
	s10 =	sld [smem:$0x3FA8];
	_ =	sdelay $0x3  }
0x37: {  	[smem:$0x3FA8] =	sst s10  }
0x38: {  	s10 =	sld [smem:$0x3FA9]  }
0x39: {  	_ = 	snop;
	(pc) =	sbr.ind lr, $3  }
0x3a: {  	_ = 	snop  }
0x3b: {  	_ = 	snop  }
0x3c: {  	p2 =	seq.s32 s10, $0x1;
	s10 =	sld [smem:$0x3FA8]  }
0x3d: {  	_ =	shalt  }
0x3e: {  	_ =	shalt  }
0x3f: {  	_ =	shalt  }
0x40: {  	_ =	shalt  }
0x41: {  	_ =	shalt  }
0x42: {  	_ =	shalt  }
0x43: {  	_ =	shalt  }
0x44: {  	_ =	shalt  }
0x45: {  	_ =	shalt  }
0x46: {  	_ =	shalt  }
0x47: {  	_ =	shalt  }
0x48: {  	_ =	shalt  }
0x49: {  	_ =	shalt  }
0x4a: {  	_ =	shalt  }
0x4b: {  	_ =	shalt  }
0x4c: {  	_ =	shalt  }
0x4d: {  	_ =	shalt  }
0x4e: {  	_ =	shalt  }
0x4f: {  	_ =	shalt  }
0x50: {  	_ =	shalt  }
0x51: {  	_ =	shalt  }
0x52: {  	_ =	shalt  }
0x53: {  	_ =	shalt  }
0x54: {  	_ =	shalt  }
0x55: {  	_ =	shalt  }
0x56: {  	_ =	shalt  }
0x57: {  	_ =	shalt  }
0x58: {  	_ =	shalt  }
0x59: {  	_ =	shalt  }
0x5a: {  	_ =	shalt  }
0x5b: {  	_ =	shalt  }
0x5c: {  	_ =	shalt  }
0x5d: {  	_ =	shalt  }
0x5e: {  	_ =	shalt  }
0x5f: {  	_ =	shalt  }
0x60: {  	_ =	shalt  }
0x61: {  	_ =	shalt  }
0x62: {  	_ =	shalt  }
0x63: {  	_ =	shalt  }
0x64: {  	_ =	shalt  }
0x65: {  	_ =	shalt  }
0x66: {  	_ =	shalt  }
0x67: {  	_ =	shalt  }
0x68: {  	_ =	shalt  }
0x69: {  	_ =	shalt  }
0x6a: {  	_ =	shalt  }
0x6b: {  	_ =	shalt  }
0x6c: {  	_ =	shalt  }
0x6d: {  	_ =	shalt  }
0x6e: {  	_ =	shalt  }
0x6f: {  	_ =	shalt  }
0x70: {  	_ =	shalt  }
0x71: {  	_ =	shalt  }
0x72: {  	_ =	shalt  }
0x73: {  	_ =	shalt  }
0x74: {  	_ =	shalt  }
0x75: {  	_ =	shalt  }
0x76: {  	_ =	shalt  }
0x77: {  	_ =	shalt  }
0x78: {  	_ =	shalt  }
0x79: {  	_ =	shalt  }
0x7a: {  	_ =	shalt  }
0x7b: {  	_ =	shalt  }
0x7c: {  	_ =	shalt  }
0x7d: {  	_ =	shalt  }
0x7e: {  	_ =	shalt  }
0x7f: {  	_ =	shalt  }
0x80: {  	_ =	shalt  }
0x81: {  	_ =	shalt  }
0x82: {  	_ =	shalt  }
0x83: {  	_ =	shalt  }
0x84: {  	_ =	shalt  }
0x85: {  	_ =	shalt  }
0x86: {  	_ =	shalt  }
0x87: {  	_ =	shalt  }
.Lfunc_end0:
.L_simem_size_0:
called_computation.6_lowered:
.L_overlay_start_0:
0x88: {  	s2 =	sld [smem:$0x3FD9]  }
0x89: {  	s3 =	sld [smem:$0x3FFE];
	_ =	sdelay $0x1  }
0x8a: {  	s1 =	srdreg.scid  }
0x8b: {  	s0 =	sand.u32 $0x1, s1  }
0x8c: {  	s17 =	sshll.u32 s0, $0xA;
	s2 =	sadd.s32 s3, s2  }
0x8d: {  	s2 =	sadd.s32 s2, s17  }
0x8e: {  	[smem:$0x3FB4] =	sst s2  }
0x8f: {  	_ = 	snop  }
0x90: {  	(tm) =	ssettm $0x1  }
0x91: {  	s18 =	sld [smem:$0x3FFB];
	_ =	sdelay $0x3  }
0x92: {  	_ =	strace s18  }
0x93: {  	s2 =	sld [smem:$0x3FFC];
	_ =	sdelay $0x3  }
0x94: {  	_ =	strace s2  }
0x95: {  	s2 =	sld [smem:$0x3FFD];
	_ =	sdelay $0x3  }
0x96: {  	_ =	strace s2  }
0x97: {  	_ =	strace $0x8FFFFFFF  }
0x98: {  	s19 =	sld [smem:$0x3FDB];
	_ =	sdelay $0x1  }
0x99: {  	s20 =	simm.s32 $_scs_section_size  }
0x9a: {  	s4 =	simm.s32 $_size__tile_overlayer_lowered;
	s5 =	simm.s32 $_tile_overlayer_lowered  }
0x9b: {  	s6 =	simm.s32 $0x1BFF;
	s21 =	sshll.u32 s5, $0x1;
	s3 =	sadd.s32 s20, s19  }
0x9c: {  	s22 =	simm.s32 $0x0;
	s4 =	sshll.u32 s4, $0x1;
	s5 =	sadd.s32 s21, s3  }
0x9d: {  	[timem:s22], [sflag:s6] =	dma.local [hbm:s5], s4  }
0x9e: {  	_ =	swait.ge [sflag:s6], s4  }
0x9f: {  	s4 =	ssub.s32 $0x0, s4;
	[sflag:s6] =	ssyncset.done $0x0  }
0xa0: {  	[sflag:s6] =	ssyncadd.s32 s4;
	_ =	sdelay $0x1  }
0xa1: {  	s23 =	simm.s32 $0x1B8B  }
0xa2: {  	_ =	swait.ge [sflag:s23], $0x1  }
0xa3: {  	[sflag:s23] =	ssyncset.done $0x0  }
0xa4: {  	[sflag:s23] =	ssyncadd.s32 $0xFFFFFFFF  }
0xa5: {  	s4 =	sld [smem:$0x0]  }
0xa6: {  	s5 =	sand.u32 $0xFFFFFFFE, s1  }
0xa7: {  	p0 =	sne.s32 s1, s5  }
0xa8: {  	s5 =	sshll.u32 @p0 s5, $0xE  }
0xa9: {  	s5 =	sadd.s32 @p0 $0x11B8D, s5;
	s6 =	sshll.u32 @p0 s4, $0x11  }
0xaa: {  	s5 =	sor.u32 @p0 s6, s5  }
0xab: {  	[sflag:s5] =	ssyncadd.remote.s32 @p0 $0x1;
	_ =	sdelay $0x1  }
0xac: {  	s5 =	simm.s32 @p0 $0x1B8D  }
0xad: {  	_ =	swait.eq @p0 [sflag:s5], $0x1  }
0xae: {  	[sflag:s5] =	ssyncadd.s32 @p0 $0xFFFFFFFF  }
0xaf: {  	s6 =	sshll.u32 @!p0 s1, $0xE  }
0xb0: {  	s6 =	sor.u32 @!p0 $0x4000, s6;
	s5 =	simm.s32 @!p0 $0x1B8D  }
0xb1: {  	s4 =	sshll.u32 @!p0 s4, $0x11;
	s6 =	sadd.s32 @!p0 $0x11B8D, s6;
	_ =	swait.eq @!p0 [sflag:s5], $0x1  }
0xb2: {  	s4 =	sor.u32 @!p0 s4, s6;
	[sflag:s5] =	ssyncadd.s32 @!p0 $0xFFFFFFFF  }
0xb3: {  	s25 =	simm.s32 $0x1B8E;
	s24 =	sld [smem:$0x3FFE];
	[sflag:s4] =	ssyncadd.remote.s32 @!p0 $0x1  }
0xb4: {  	s26 =	simm.s32 $execute0_lowered;
	[smem:$0x3FD2] =	sst s25  }
0xb5: {  	s5 =	sshll.u32 s26, $0x1;
	_ =	strace $0x80000067;
	[dreg:$0x1] =	wrdreg $0xFFFFFFFF  }
0xb6: {  	s28 =	simm.s32 $_size_execute0_lowered;
	s3 =	sadd.s32 s3, s5;
	[dreg:$0x0] =	wrdreg $0x0  }
0xb7: {  	s5 =	sshll.u32 s28, $0x1;
	[dreg:$0x2] =	wrdreg s3  }
0xb8: {  	[dreg:$0x3] =	wrdreg s5  }
0xb9: {  	[dreg:$0x4] =	wrdreg $0xC0  }
0xba: {  	_ =	task [dreg:s22], $0x5FFFF  }
0xbb: {  	[dreg:$0x1] =	wrdreg $0xFFFFFFFF  }
0xbc: {  	[dreg:$0x0] =	wrdreg $0x60  }
0xbd: {  	[dreg:$0x2] =	wrdreg s24  }
0xbe: {  	[dreg:$0x3] =	wrdreg $0xA  }
0xbf: {  	_ =	task.clear_ibuf [dreg:s22], $0x4FFFF;
	_ =	strace $0x90000067  }
0xc0: {  	s29 =	simm.s32 $0xA;
	_ =	strace $0x80000069  }
0xc1: {  	_ =	swait.ge [sflag:s29], $0x1  }
0xc2: {  	[sflag:s29] =	ssyncadd.s32 $0xFFFFFFFF  }
0xc3: {  	_ =	strace $0x90000069  }
0xc4: {  	_ =	sfence  }
0xc5: {  	s30 =	sld [smem:$0x0];
	_ =	sdelay $0x2  }
0xc6: {  	s31 =	sshll.u32 s1, $0xD;
	s1 =	sshrl.u32 s1, $0x2  }
0xc7: {  	s4 =	sand.u32 $0x4000, s31;
	s1 =	sadd.s32 s1, s30  }
0xc8: {  	s0 =	sor.u32 s4, s0;
	s1 =	sshll.u32 s1, $0x11  }
0xc9: {  	s0 =	sor.u32 s1, s0  }
0xca: {  	s0 =	sadd.s32 $0x8F2B, s0  }
0xcb: {  	[sflag:s0] =	ssyncadd.remote.s32 $0x1  }
0xcc: {  	_ =	sfence.sel $0xFFFF  }
0xcd: {  	[dreg:$0x0] =	wrdreg $0xFFFFFFFF;
	(pc) =	sbr.abs _section_cstart, $3  }
0xce: {  	[dreg:$0x1] =	wrdreg $0xFFFFFFFF  }
0xcf: {  	_ =	task.clear_ibuf [dreg:s22], $0x2FFFF;
	_ =	strace $0x9FFFFFFF  }
0xd0: {  	(tm) =	ssettm $0x7FFFFFFF  }
0xd1: {  	_ =	shalt  }
tec
execute0_lowered:
.L_overlay_start_1:
0x0: {  	(tag) =	ssettag $0x1  }
0x1: {  	s7 =	rddreg [dreg:$0x0]  }
0x2: {  	s0 =	rddreg [dreg:$0x1];
	_ =	strace $0x80000068  }
0x3: {  	s1 =	srdreg.scid;
	s4 =	simm.s32 $0x1;
	s9 =	simm.s32 $0x3  }
0x4: {  	s12 =	simm.s32 $0x0;
	s10 =	simm.s32 $0x0;
	s5 =	sshll.u32 s1, $0x4  }
.Ltmp0:
0x5: {  	s1 =	stileid.u32;
	s5 =	sand.u32 $0x10, s5;
	(pc) =	sbr.rel .LBB2_1-.Ltmp0, $4  }
0x6: {  	s2 =	sadd.s32 $0xEAC00, s7;
	s3 =	sadd.s32 $0x38E00, s7;
	s6 =	sor.u32 s1, s5  }
0x7: {  	[sflag:s4] =	ssyncpa.u1 $0x0;
	s5 =	simm.s32 $0x2;
	s6 =	sshll.u32 s6, $0x6  }
0x8: {  	s7 =	sadd.s32 $0x39000, s7;
	[sflag:s5] =	ssyncpa.u1 $0x0;
	s8 =	sadd.s32 $0x40, s6  }
0x9: {  	vm0 =	vmmov $0xff;
	vm1 =	vcmask $0x3F20;
	[sflag:s9] =	ssyncpa.u1 $0x0;
	s9 =	simm.s32 $0x40;
	s11 =	smov.u32 s6  }
.LBB2_9:
0xa: {  	p0 =	seq.s32 s10, $0x2  }
.Ltmp1:
0xb: {  	_ = 	snop;
	(pc) =	sbr.rel @p0 .LBB2_11-.Ltmp1, $1  }
0xc: {  	_ =	sdelay $0x3  }
.LBB2_10:
0xd: {  	s12 =	sadd.s32 $0x40, s11  }
0xe: {  	s13 =	smov.u32 s6;
	p0 =	slt.s32 s12, s8  }
0xf: {  	s13 =	smov.u32 @p0 s12  }
0x10: {  	s10 =	sadd.s32 $0x1, s10;
	s12 =	smov.u32 s11;
	s11 =	smov.u32 s13  }
.LBB2_1:
0x11: {  	p0 =	sne.s32 s10, $0x0  }
.Ltmp2:
0x12: {  	_ = 	snop;
	(pc) =	sbr.rel @!p0 .LBB2_2-.Ltmp2, $1  }
0x13: {  	_ =	sdelay $0x3  }
0x14: {  	s13 =	sand.u32 $0x1, s10  }
0x15: {  	p0 =	seq.s32 s13, $0x0  }
.Ltmp3:
0x16: {  	_ = 	snop;
	(pc) =	sbr.rel @p0 .LBB2_9-.Ltmp3, $1  }
0x17: {  	_ =	sdelay $0x3  }
0x18: {  	_ =	swait.ge [sflag:s5], $0x40  }
0x19: {  	[sflag:s5] =	ssyncset.done $0x0  }
0x1a: {  	s13 =	simm.s32 $0x0;
	[sflag:s5] =	ssyncadd.s32 $0xFFFFFFC0  }
0x1b: {  	v0 =	vld.msk [tilespmem:s13+$0x40 ss:$0x1], $0xffff;
	_ =	sdelay $0x4  }
0x1c: {  	vm2 =	vgt.s32 v0, $0x0  }
0x1d: {  	v0 =	vnsel vm2, $0x0, v0  }
0x1e: {  	v0 =	vmin.u32 v0, $0x27FF  }
0x1f: {  	v0 =	vshll.u32 v0, $0x4;
	_ =	sdelay $0x3  }
0x20: {  	s13 =	simm.s32 $0x2080  }
0x21: {  	[tilespmem:s13], [sflag:$0x1] =	stream.indirect_vreg.gather [hbm:s2], $0x80, v0, vm0, $0x38;
	[tilespmem:$0x4080] =	vst v63  }
0x22: {  	s14 =	simm.s32 $0x2480;
	s31 =	simm.s32 $0x10  }
0x23: {  	[tilespmem:s14], [sflag:$0x1] =	stream.indirect_vreg.gather [hbm:s2], $0x80, v0, vm1, $0x38;
	[tilespmem:$0x4080] =	vst v63  }
0x24: {  	s14 =	simm.s32 $0x80;
	v0 =	vld.msk [tilespmem:s31+$0x40 ss:$0x1], $0xffff  }
.LBB2_5:
0x25: {  	p0 =	sne.s32 s14, $0xC0;
	_ =	sdelay $0x4  }
0x26: {  	vm2 =	vgt.s32 v0, $0x0  }
0x27: {  	v0 =	vnsel vm2, $0x0, v0  }
0x28: {  	v0 =	vmin.u32 v0, $0x27FF  }
0x29: {  	v0 =	vshll.u32 v0, $0x4;
	_ =	sdelay $0x3  }
.Ltmp4:
0x2a: {  	s13 =	sadd.s32 $0x800, s13;
	(pc) =	sbr.rel @p0 .LBB2_5-.Ltmp4, $4  }
0x2b: {  	[tilespmem:s13], [sflag:$0x1] =	stream.indirect_vreg.gather [hbm:s2], $0x80, v0, vm0, $0x38;
	[tilespmem:$0x4080] =	vst v63  }
0x2c: {  	s15 =	sshra.s32 s14, $0x2;
	s16 =	sadd.s32 $0x400, s13  }
0x2d: {  	[tilespmem:s16], [sflag:$0x1] =	stream.indirect_vreg.gather [hbm:s2], $0x80, v0, vm1, $0x38;
	[tilespmem:$0x4080] =	vst v63  }
0x2e: {  	s14 =	sadd.s32 $0x40, s14;
	v0 =	vld.msk [tilespmem:s15+$0x40 ss:$0x1], $0xffff  }
0x2f: {  	_ =	sdelay $0x3  }
0x30: {  	vm2 =	vgt.s32 v0, $0x0  }
0x31: {  	v0 =	vnsel vm2, $0x0, v0  }
0x32: {  	v0 =	vmin.u32 v0, $0x27FF  }
0x33: {  	v0 =	vshll.u32 v0, $0x4;
	_ =	sdelay $0x3  }
0x34: {  	s13 =	sadd.s32 $0x800, s13  }
0x35: {  	[tilespmem:s13], [sflag:$0x1] =	stream.indirect_vreg.gather [hbm:s2], $0x80, v0, vm0, $0x38;
	[tilespmem:$0x4080] =	vst v63  }
0x36: {  	s13 =	sadd.s32 $0x400, s13  }
0x37: {  	[tilespmem:s13], [sflag:$0x1] =	stream.indirect_vreg.gather [hbm:s2], $0x80, v0, vm1, $0x38;
	[tilespmem:$0x4080] =	vst v63  }
0x38: {  	s12 =	sshll.u32 s12, $0x4;
	s14 =	simm.s32 $0x80;
	_ =	swait.ge [sflag:s4], $0x2000  }
0x39: {  	s15 =	simm.s32 $0x2480;
	s12 =	sadd.s32 s12, s7;
	[sflag:s4] =	ssyncset.done $0x0  }
0x3a: {  	s16 =	sadd.s32 $0x0, s12;
	s13 =	simm.s32 $0x2080;
	[sflag:s4] =	ssyncadd.s32 $0xFFFFE000  }
.LBB2_7:
0x3b: {  	[hbm:s16] =	stream.linear.scatter [tilespmem:s13], [sflag:$0x3], $0x400, $0x38;
	[tilespmem:$0x4080] =	vst v63  }
0x3c: {  	s16 =	smov.u32 s14;
	s13 =	smov.u32 s15;
	p0 =	sne.s32 s14, $0x380  }
.Ltmp5:
0x3d: {  	s14 =	sadd.s32 $0x80, s14;
	(pc) =	sbr.rel @p0 .LBB2_7-.Ltmp5, $2  }
0x3e: {  	_ =	sdelay $0x2  }
0x3f: {  	s15 =	sadd.s32 $0x400, s15;
	s16 =	sadd.s32 s16, s12  }
.Ltmp6:
0x40: {  	(pc) =	sbr.rel .LBB2_9-.Ltmp6, $2  }
0x41: {  	_ =	sdelay $0x2  }
0x42: {  	[hbm:s16] =	stream.linear.scatter [tilespmem:s13], [sflag:$0x3], $0x400, $0x38;
	[tilespmem:$0x4080] =	vst v63  }
.LBB2_2:
.Ltmp7:
0x43: {  	(pc) =	sbr.rel .LBB2_10-.Ltmp7, $4  }
0x44: {  	_ = 	snop  }
0x45: {  	s12 =	sshrl.u32 s11, $0x3  }
0x46: {  	s13 =	sand.u32 $0x7, s11;
	s12 =	sadd.s32 s3, s12  }
0x47: {  	[tilespmem:s9], [sflag:$0x2] =	stream.linear.gather [hbm4b:s12+s13], $0x40, $0x38;
	[tilespmem:$0x4080] =	vst v63  }
.LBB2_11:
0x48: {  	s2 =	simm.s32 $0x3  }
0x49: {  	_ =	swait.ge [sflag:s2], $0x2000  }
0x4a: {  	[sflag:s2] =	ssyncset.done $0x0  }
0x4b: {  	[sflag:s2] =	ssyncadd.s32 $0xFFFFE000  }
0x4c: {  	_ =	sfence.sel $0x180000  }
0x4d: {  	s3 =	simm.s32 $0x2;
	[bflag:$0x0] =	sbarrier.arrive $0xFFFF  }
0x4e: {  	[sflag:s3] =	ssyncpa.u1 $0x1  }
0x4f: {  	s31 =	simm.s32 $0x1;
	[sflag:s2] =	ssyncpa.u1 $0x1  }
0x50: {  	[sflag:s31] =	ssyncpa.u1 $0x1  }
0x51: {  	p0 =	sne.s32 s1, $0x0;
	_ =	strace $0x90000068  }
0x52: {  	s0 =	sadd.s32 @!p0 $0x100000, s0;
	[bflag:$0x2] =	sbarrier.arrive $0xFFFF  }
0x53: {  	[sflag:s0] =	ssyncadd.tile.s32 @!p0 $0x1;
	_ =	shalt  }
.Lfunc_end2:
_tile_overlayer_lowered:
.L_overlay_start_2:
0x54: {  	(tag) =	ssettag $0x2  }
0x55: {  	s0 =	rddreg [dreg:$0x0];
	s2 =	stileid.u32  }
0x56: {  	s1 =	rddreg [dreg:$0x1];
	p0 =	sne.s32 s2, $0x0  }
0x57: {  	s3 =	rddreg [dreg:$0x2];
	[bflag:$0x3] =	sbarrier.arrive $0xFFFF;
	s2 =	simm.s32 @!p0 $0x1C01  }
0x58: {  	[timem:s3], [sflag:s2] =	dma.local @!p0 [hbm:s0], s1  }
0x59: {  	s0 =	simm.s32 @!p0 $0x1  }
0x5a: {  	_ =	swait.ge @!p0 [sflag:s0], s1  }
0x5b: {  	s1 =	ssub.s32 @!p0 $0x0, s1;
	[sflag:s0] =	ssyncset.done @!p0 $0x0  }
0x5c: {  	[sflag:s0] =	ssyncadd.s32 @!p0 s1  }
0x5d: {  	[bflag:$0x3] =	sbarrier.arrive $0xFFFF  }
0x5e: {  	_ =	shalt  }

// kernel: gather_offload_async_start.2
scs
__scs_entry_jumppad:
0x0: {  	(pc) =	sbr.rel $0x88, $3  }
0x1: {  	(tag) =	ssettag $0x0;
	lr =	simm.s32 $0x1  }
0x2: {  	[smem:$0x3F8D] =	sst lr;
	_ =	strace $0xD0000000  }
0x3: {  	_ = 	snop  }
0x4: {  	_ = 	snop  }
0x5: {  	_ = 	snop  }
0x6: {  	_ = 	snop  }
0x7: {  	_ = 	snop  }
__scs_overlays_trampoline_lowered:
0x8: {  	[smem:$0x3F9C] =	sst s0  }
0x9: {  	[smem:$0x3F9D] =	sst s1  }
0xa: {  	[smem:$0x3F9E] =	sst s2  }
0xb: {  	[smem:$0x3F9F] =	sst s3  }
0xc: {  	[smem:$0x3FA0] =	sst s4  }
0xd: {  	[smem:$0x3FA1] =	sst s5  }
0xe: {  	[smem:$0x3FA2] =	sst s6  }
0xf: {  	[smem:$0x3FA3] =	sst s7  }
0x10: {  	[smem:$0x3FA4] =	sst s8  }
0x11: {  	[smem:$0x3FA5] =	sst s9;
	s0 =	simm.s32 @!p0 $0x0  }
0x12: {  	s1 =	sld [smem:$0x3F8B];
	s0 =	simm.s32 @p0 $0x1  }
0x13: {  	[smem:$0x3FA6] =	sst s0;
	s0 =	simm.s32 @!p1 $0x0  }
0x14: {  	s2 =	sld [smem:$0x3F8A];
	s0 =	simm.s32 @p1 $0x1  }
0x15: {  	[smem:$0x3FA7] =	sst s0;
	s0 =	simm.s32 @!p2 $0x0  }
0x16: {  	s3 =	sld [smem:$0x3FDB];
	s0 =	simm.s32 @p2 $0x1  }
0x17: {  	s4 =	simm.s32 $0x1BF5;
	[smem:$0x3FA9] =	sst s0  }
0x18: {  	s0 =	sld [smem:$0x3F8C];
	_ =	swait.ge [sflag:s4], $0x0  }
0x19: {  	s7 =	sld [smem:$0x3F8D]  }
0x1a: {  	s8 =	sadd.s32 $0xFFFFE003, lr  }
0x1b: {  	s9 =	sadd.s32 $0xFFFFFEF7, lr;
	s5 =	simm.s32 $0xFFFFFFFF;
	p2 =	slt.u32 s8, $0xFFFFF086  }
0x1c: {  	p1 =	slt.u32 s9, $0xF7A;
	s5 =	simm.s32 @!p2 $0x0  }
0x1d: {  	s5 =	simm.s32 @p1 $0x1;
	p0 =	seq.s32 s7, s2  }
0x1e: {  	s7 =	smul.u32 @!p0 $0xF7A, s2;
	p2 =	seq.s32 @!p0 s5, $0x0  }
0x1f: {  	s9 =	smul.u32 $0xF7A, s1;
	s8 =	simm.s32 @!p0 $0x1BF5;
	p2 =	por !p2, p0  }
0x20: {  	[sflag:s8] =	ssyncset.s32 @!p0 $0xFFFFF086;
	s6 =	sadd.s32 @!p0 s3, s7;
	s7 =	simm.s32 @!p0 $0x108  }
0x21: {  	s3 =	sadd.s32 s3, s9;
	s6 =	sadd.s32 @!p0 $0x88, s6;
	s7 =	simm.s32 @p2 $0x1082  }
0x22: {  	[simem:s7], [sflag:s8] =	dma.local @!p0 [hbm:s6], $0xF7A  }
0x23: {  	s9 =	sor.u32 $0xD0000000, s2;
	s6 =	simm.s32 $0x108;
	_ =	swait.ge @!p0 [sflag:s8], $0x0  }
0x24: {  	s3 =	sadd.s32 $0x88, s3;
	s6 =	simm.s32 @!p1 $0x1082;
	[sflag:s4] =	ssyncset.s32 $0xFFFFF086  }
0x25: {  	[simem:s6], [sflag:s4] =	dma.local [hbm:s3], $0xF7A  }
0x26: {  	[smem:$0x3F8D] =	sst s1;
	(tag) =	ssettag s2;
	_ =	strace s9  }
0x27: {  	s1 =	sld [smem:$0x3F9D]  }
0x28: {  	s2 =	sld [smem:$0x3F9E]  }
0x29: {  	s4 =	sld [smem:$0x3FA0]  }
0x2a: {  	p0 =	seq.s32 s5, $0x0;
	s5 =	sld [smem:$0x3FA1]  }
0x2b: {  	s6 =	sld [smem:$0x3FA2]  }
0x2c: {  	s7 =	sld [smem:$0x3FA3]  }
0x2d: {  	s3 =	simm.s32 $0x108;
	s8 =	sld [smem:$0x3FA4]  }
0x2e: {  	s3 =	simm.s32 @!p0 $0x1082;
	s9 =	sld [smem:$0x3FA5]  }
0x2f: {  	lr =	sadd.s32 s0, s3;
	s0 =	sld [smem:$0x3F9C]  }
0x30: {  	s3 =	sld [smem:$0x3F9F]  }
0x31: {  	[smem:$0x3FA8] =	sst s10  }
0x32: {  	s10 =	sld [smem:$0x3FA6];
	_ =	sdelay $0x3  }
0x33: {  	p0 =	seq.s32 s10, $0x1;
	s10 =	sld [smem:$0x3FA8];
	_ =	sdelay $0x3  }
0x34: {  	[smem:$0x3FA8] =	sst s10  }
0x35: {  	s10 =	sld [smem:$0x3FA7];
	_ =	sdelay $0x3  }
0x36: {  	p1 =	seq.s32 s10, $0x1;
	s10 =	sld [smem:$0x3FA8];
	_ =	sdelay $0x3  }
0x37: {  	[smem:$0x3FA8] =	sst s10  }
0x38: {  	s10 =	sld [smem:$0x3FA9]  }
0x39: {  	_ = 	snop;
	(pc) =	sbr.ind lr, $3  }
0x3a: {  	_ = 	snop  }
0x3b: {  	_ = 	snop  }
0x3c: {  	p2 =	seq.s32 s10, $0x1;
	s10 =	sld [smem:$0x3FA8]  }
0x3d: {  	_ =	shalt  }
0x3e: {  	_ =	shalt  }
0x3f: {  	_ =	shalt  }
0x40: {  	_ =	shalt  }
0x41: {  	_ =	shalt  }
0x42: {  	_ =	shalt  }
0x43: {  	_ =	shalt  }
0x44: {  	_ =	shalt  }
0x45: {  	_ =	shalt  }
0x46: {  	_ =	shalt  }
0x47: {  	_ =	shalt  }
0x48: {  	_ =	shalt  }
0x49: {  	_ =	shalt  }
0x4a: {  	_ =	shalt  }
0x4b: {  	_ =	shalt  }
0x4c: {  	_ =	shalt  }
0x4d: {  	_ =	shalt  }
0x4e: {  	_ =	shalt  }
0x4f: {  	_ =	shalt  }
0x50: {  	_ =	shalt  }
0x51: {  	_ =	shalt  }
0x52: {  	_ =	shalt  }
0x53: {  	_ =	shalt  }
0x54: {  	_ =	shalt  }
0x55: {  	_ =	shalt  }
0x56: {  	_ =	shalt  }
0x57: {  	_ =	shalt  }
0x58: {  	_ =	shalt  }
0x59: {  	_ =	shalt  }
0x5a: {  	_ =	shalt  }
0x5b: {  	_ =	shalt  }
0x5c: {  	_ =	shalt  }
0x5d: {  	_ =	shalt  }
0x5e: {  	_ =	shalt  }
0x5f: {  	_ =	shalt  }
0x60: {  	_ =	shalt  }
0x61: {  	_ =	shalt  }
0x62: {  	_ =	shalt  }
0x63: {  	_ =	shalt  }
0x64: {  	_ =	shalt  }
0x65: {  	_ =	shalt  }
0x66: {  	_ =	shalt  }
0x67: {  	_ =	shalt  }
0x68: {  	_ =	shalt  }
0x69: {  	_ =	shalt  }
0x6a: {  	_ =	shalt  }
0x6b: {  	_ =	shalt  }
0x6c: {  	_ =	shalt  }
0x6d: {  	_ =	shalt  }
0x6e: {  	_ =	shalt  }
0x6f: {  	_ =	shalt  }
0x70: {  	_ =	shalt  }
0x71: {  	_ =	shalt  }
0x72: {  	_ =	shalt  }
0x73: {  	_ =	shalt  }
0x74: {  	_ =	shalt  }
0x75: {  	_ =	shalt  }
0x76: {  	_ =	shalt  }
0x77: {  	_ =	shalt  }
0x78: {  	_ =	shalt  }
0x79: {  	_ =	shalt  }
0x7a: {  	_ =	shalt  }
0x7b: {  	_ =	shalt  }
0x7c: {  	_ =	shalt  }
0x7d: {  	_ =	shalt  }
0x7e: {  	_ =	shalt  }
0x7f: {  	_ =	shalt  }
0x80: {  	_ =	shalt  }
0x81: {  	_ =	shalt  }
0x82: {  	_ =	shalt  }
0x83: {  	_ =	shalt  }
0x84: {  	_ =	shalt  }
0x85: {  	_ =	shalt  }
0x86: {  	_ =	shalt  }
0x87: {  	_ =	shalt  }
.Lfunc_end0:
.L_simem_size_0:
called_computation.7_lowered:
.L_overlay_start_0:
0x88: {  	s2 =	sld [smem:$0x3FD9]  }
0x89: {  	s3 =	sld [smem:$0x3FFE];
	_ =	sdelay $0x1  }
0x8a: {  	s1 =	srdreg.scid  }
0x8b: {  	s0 =	sand.u32 $0x1, s1  }
0x8c: {  	s16 =	sshll.u32 s0, $0xA;
	s2 =	sadd.s32 s3, s2  }
0x8d: {  	s2 =	sadd.s32 s2, s16  }
0x8e: {  	[smem:$0x3FB4] =	sst s2  }
0x8f: {  	_ = 	snop  }
0x90: {  	(tm) =	ssettm $0x1  }
0x91: {  	s17 =	sld [smem:$0x3FFB];
	_ =	sdelay $0x3  }
0x92: {  	_ =	strace s17  }
0x93: {  	s2 =	sld [smem:$0x3FFC];
	_ =	sdelay $0x3  }
0x94: {  	_ =	strace s2  }
0x95: {  	s2 =	sld [smem:$0x3FFD];
	_ =	sdelay $0x3  }
0x96: {  	_ =	strace s2  }
0x97: {  	_ =	strace $0x8FFFFFFF  }
0x98: {  	s18 =	sld [smem:$0x3FDB];
	_ =	sdelay $0x1  }
0x99: {  	s19 =	simm.s32 $_scs_section_size  }
0x9a: {  	s4 =	simm.s32 $_size__tile_overlayer_lowered;
	s5 =	simm.s32 $_tile_overlayer_lowered  }
0x9b: {  	s22 =	simm.s32 $0x1BFF;
	s21 =	sshll.u32 s5, $0x1;
	s2 =	sadd.s32 s19, s18  }
0x9c: {  	s6 =	simm.s32 $0x0;
	s20 =	sshll.u32 s4, $0x1;
	s4 =	sadd.s32 s21, s2  }
0x9d: {  	[timem:s6], [sflag:s22] =	dma.local [hbm:s4], s20  }
0x9e: {  	_ =	swait.ge [sflag:s22], s20  }
0x9f: {  	s3 =	ssub.s32 $0x0, s20;
	[sflag:s22] =	ssyncset.done $0x0  }
0xa0: {  	[sflag:s22] =	ssyncadd.s32 s3;
	_ =	sdelay $0x1  }
0xa1: {  	s23 =	simm.s32 $0x1B8B  }
0xa2: {  	_ =	swait.ge [sflag:s23], $0x1  }
0xa3: {  	[sflag:s23] =	ssyncset.done $0x0  }
0xa4: {  	s25 =	simm.s32 $0x1B8E;
	s24 =	sld [smem:$0x3FFE];
	[sflag:s23] =	ssyncadd.s32 $0xFFFFFFFF  }
0xa5: {  	s26 =	simm.s32 $execute0_lowered;
	[smem:$0x3FD2] =	sst s25  }
0xa6: {  	s4 =	sshll.u32 s26, $0x1;
	_ =	strace $0x80000064;
	[dreg:$0x1] =	wrdreg $0xFFFFFFFF  }
0xa7: {  	s28 =	simm.s32 $_size_execute0_lowered;
	s2 =	sadd.s32 s2, s4;
	[dreg:$0x0] =	wrdreg $0x0  }
0xa8: {  	s4 =	sshll.u32 s28, $0x1;
	[dreg:$0x2] =	wrdreg s2  }
0xa9: {  	[dreg:$0x3] =	wrdreg s4  }
0xaa: {  	[dreg:$0x4] =	wrdreg $0xC0  }
0xab: {  	_ =	task [dreg:s6], $0x5FFFF  }
0xac: {  	[dreg:$0x1] =	wrdreg $0xFFFFFFFF  }
0xad: {  	[dreg:$0x0] =	wrdreg $0x60  }
0xae: {  	[dreg:$0x2] =	wrdreg s24  }
0xaf: {  	[dreg:$0x3] =	wrdreg $0xB  }
0xb0: {  	_ =	task.clear_ibuf [dreg:s6], $0x4FFFF;
	_ =	strace $0x90000064  }
0xb1: {  	s29 =	simm.s32 $0xB;
	_ =	strace $0x80000066  }
0xb2: {  	_ =	swait.ge [sflag:s29], $0x1  }
0xb3: {  	[sflag:s29] =	ssyncadd.s32 $0xFFFFFFFF  }
0xb4: {  	_ =	strace $0x90000066  }
0xb5: {  	_ =	sfence  }
0xb6: {  	s30 =	sld [smem:$0x0];
	_ =	sdelay $0x2  }
0xb7: {  	s31 =	sshll.u32 s1, $0xD;
	s1 =	sshrl.u32 s1, $0x2  }
0xb8: {  	s3 =	sand.u32 $0x4000, s31;
	s1 =	sadd.s32 s1, s30  }
0xb9: {  	s0 =	sor.u32 s3, s0;
	s1 =	sshll.u32 s1, $0x11  }
0xba: {  	s0 =	sor.u32 s1, s0  }
0xbb: {  	s0 =	sadd.s32 $0x8F2B, s0  }
0xbc: {  	[sflag:s0] =	ssyncadd.remote.s32 $0x1  }
0xbd: {  	_ =	sfence.sel $0xFFFF  }
0xbe: {  	[dreg:$0x0] =	wrdreg $0xFFFFFFFF;
	(pc) =	sbr.abs _section_cstart, $3  }
0xbf: {  	[dreg:$0x1] =	wrdreg $0xFFFFFFFF  }
0xc0: {  	_ =	task.clear_ibuf [dreg:s6], $0x2FFFF;
	_ =	strace $0x9FFFFFFF  }
0xc1: {  	(tm) =	ssettm $0x7FFFFFFF  }
tec
execute0_lowered:
.L_overlay_start_1:
0x0: {  	(tag) =	ssettag $0x1  }
0x1: {  	s7 =	rddreg [dreg:$0x0]  }
0x2: {  	s0 =	rddreg [dreg:$0x1];
	_ =	strace $0x80000065  }
0x3: {  	s1 =	srdreg.scid;
	s4 =	simm.s32 $0x1;
	s9 =	simm.s32 $0x3  }
0x4: {  	s12 =	simm.s32 $0x0;
	s10 =	simm.s32 $0x0;
	s5 =	sshll.u32 s1, $0x4  }
.Ltmp0:
0x5: {  	s1 =	stileid.u32;
	s5 =	sand.u32 $0x10, s5;
	(pc) =	sbr.rel .LBB2_1-.Ltmp0, $4  }
0x6: {  	s2 =	sadd.s32 $0xF200, s7;
	s3 =	sadd.s32 $0x38E00, s7;
	s6 =	sor.u32 s1, s5  }
0x7: {  	[sflag:s4] =	ssyncpa.u1 $0x0;
	s5 =	simm.s32 $0x2;
	s6 =	sshll.u32 s6, $0x6  }
0x8: {  	s7 =	sadd.s32 $0x5000, s7;
	[sflag:s5] =	ssyncpa.u1 $0x0;
	s8 =	sadd.s32 $0x40, s6  }
0x9: {  	vm0 =	vmmov $0xff;
	vm1 =	vcmask $0x3F20;
	[sflag:s9] =	ssyncpa.u1 $0x0;
	s9 =	simm.s32 $0x40;
	s11 =	smov.u32 s6  }
.LBB2_9:
0xa: {  	p0 =	seq.s32 s10, $0x2  }
.Ltmp1:
0xb: {  	_ = 	snop;
	(pc) =	sbr.rel @p0 .LBB2_11-.Ltmp1, $1  }
0xc: {  	_ =	sdelay $0x3  }
.LBB2_10:
0xd: {  	s12 =	sadd.s32 $0x40, s11  }
0xe: {  	s13 =	smov.u32 s6;
	p0 =	slt.s32 s12, s8  }
0xf: {  	s13 =	smov.u32 @p0 s12  }
0x10: {  	s10 =	sadd.s32 $0x1, s10;
	s12 =	smov.u32 s11;
	s11 =	smov.u32 s13  }
.LBB2_1:
0x11: {  	p0 =	sne.s32 s10, $0x0  }
.Ltmp2:
0x12: {  	_ = 	snop;
	(pc) =	sbr.rel @!p0 .LBB2_2-.Ltmp2, $1  }
0x13: {  	_ =	sdelay $0x3  }
0x14: {  	s13 =	sand.u32 $0x1, s10  }
0x15: {  	p0 =	seq.s32 s13, $0x0  }
.Ltmp3:
0x16: {  	_ = 	snop;
	(pc) =	sbr.rel @p0 .LBB2_9-.Ltmp3, $1  }
0x17: {  	_ =	sdelay $0x3  }
0x18: {  	_ =	swait.ge [sflag:s5], $0x40  }
0x19: {  	[sflag:s5] =	ssyncset.done $0x0  }
0x1a: {  	s13 =	simm.s32 $0x0;
	[sflag:s5] =	ssyncadd.s32 $0xFFFFFFC0  }
0x1b: {  	v0 =	vld.msk [tilespmem:s13+$0x40 ss:$0x1], $0xffff;
	_ =	sdelay $0x4  }
0x1c: {  	vm2 =	vgt.s32 v0, $0x0  }
0x1d: {  	v0 =	vnsel vm2, $0x0, v0  }
0x1e: {  	v0 =	vmin.u32 v0, $0x27FF  }
0x1f: {  	v0 =	vshll.u32 v0, $0x4;
	_ =	sdelay $0x3  }
0x20: {  	s13 =	simm.s32 $0x2080  }
0x21: {  	[tilespmem:s13], [sflag:$0x1] =	stream.indirect_vreg.gather [hbm:s2], $0x80, v0, vm0, $0x38;
	[tilespmem:$0x4080] =	vst v63  }
0x22: {  	s14 =	simm.s32 $0x2480;
	s31 =	simm.s32 $0x10  }
0x23: {  	[tilespmem:s14], [sflag:$0x1] =	stream.indirect_vreg.gather [hbm:s2], $0x80, v0, vm1, $0x38;
	[tilespmem:$0x4080] =	vst v63  }
0x24: {  	s14 =	simm.s32 $0x80;
	v0 =	vld.msk [tilespmem:s31+$0x40 ss:$0x1], $0xffff  }
.LBB2_5:
0x25: {  	p0 =	sne.s32 s14, $0xC0;
	_ =	sdelay $0x4  }
0x26: {  	vm2 =	vgt.s32 v0, $0x0  }
0x27: {  	v0 =	vnsel vm2, $0x0, v0  }
0x28: {  	v0 =	vmin.u32 v0, $0x27FF  }
0x29: {  	v0 =	vshll.u32 v0, $0x4;
	_ =	sdelay $0x3  }
.Ltmp4:
0x2a: {  	s13 =	sadd.s32 $0x800, s13;
	(pc) =	sbr.rel @p0 .LBB2_5-.Ltmp4, $4  }
0x2b: {  	[tilespmem:s13], [sflag:$0x1] =	stream.indirect_vreg.gather [hbm:s2], $0x80, v0, vm0, $0x38;
	[tilespmem:$0x4080] =	vst v63  }
0x2c: {  	s15 =	sshra.s32 s14, $0x2;
	s16 =	sadd.s32 $0x400, s13  }
0x2d: {  	[tilespmem:s16], [sflag:$0x1] =	stream.indirect_vreg.gather [hbm:s2], $0x80, v0, vm1, $0x38;
	[tilespmem:$0x4080] =	vst v63  }
0x2e: {  	s14 =	sadd.s32 $0x40, s14;
	v0 =	vld.msk [tilespmem:s15+$0x40 ss:$0x1], $0xffff  }
0x2f: {  	_ =	sdelay $0x3  }
0x30: {  	vm2 =	vgt.s32 v0, $0x0  }
0x31: {  	v0 =	vnsel vm2, $0x0, v0  }
0x32: {  	v0 =	vmin.u32 v0, $0x27FF  }
0x33: {  	v0 =	vshll.u32 v0, $0x4;
	_ =	sdelay $0x3  }
0x34: {  	s13 =	sadd.s32 $0x800, s13  }
0x35: {  	[tilespmem:s13], [sflag:$0x1] =	stream.indirect_vreg.gather [hbm:s2], $0x80, v0, vm0, $0x38;
	[tilespmem:$0x4080] =	vst v63  }
0x36: {  	s13 =	sadd.s32 $0x400, s13  }
0x37: {  	[tilespmem:s13], [sflag:$0x1] =	stream.indirect_vreg.gather [hbm:s2], $0x80, v0, vm1, $0x38;
	[tilespmem:$0x4080] =	vst v63  }
0x38: {  	s12 =	sshll.u32 s12, $0x4;
	s14 =	simm.s32 $0x80;
	_ =	swait.ge [sflag:s4], $0x2000  }
0x39: {  	s15 =	simm.s32 $0x2480;
	s12 =	sadd.s32 s12, s7;
	[sflag:s4] =	ssyncset.done $0x0  }
0x3a: {  	s16 =	sadd.s32 $0x0, s12;
	s13 =	simm.s32 $0x2080;
	[sflag:s4] =	ssyncadd.s32 $0xFFFFE000  }
.LBB2_7:
0x3b: {  	[hbm:s16] =	stream.linear.scatter [tilespmem:s13], [sflag:$0x3], $0x400, $0x38;
	[tilespmem:$0x4080] =	vst v63  }
0x3c: {  	s16 =	smov.u32 s14;
	s13 =	smov.u32 s15;
	p0 =	sne.s32 s14, $0x380  }
.Ltmp5:
0x3d: {  	s14 =	sadd.s32 $0x80, s14;
	(pc) =	sbr.rel @p0 .LBB2_7-.Ltmp5, $2  }
0x3e: {  	_ =	sdelay $0x2  }
0x3f: {  	s15 =	sadd.s32 $0x400, s15;
	s16 =	sadd.s32 s16, s12  }
.Ltmp6:
0x40: {  	(pc) =	sbr.rel .LBB2_9-.Ltmp6, $2  }
0x41: {  	_ =	sdelay $0x2  }
0x42: {  	[hbm:s16] =	stream.linear.scatter [tilespmem:s13], [sflag:$0x3], $0x400, $0x38;
	[tilespmem:$0x4080] =	vst v63  }
.LBB2_2:
.Ltmp7:
0x43: {  	(pc) =	sbr.rel .LBB2_10-.Ltmp7, $4  }
0x44: {  	_ = 	snop  }
0x45: {  	s12 =	sshrl.u32 s11, $0x3  }
0x46: {  	s13 =	sand.u32 $0x7, s11;
	s12 =	sadd.s32 s3, s12  }
0x47: {  	[tilespmem:s9], [sflag:$0x2] =	stream.linear.gather [hbm4b:s12+s13], $0x40, $0x38;
	[tilespmem:$0x4080] =	vst v63  }
.LBB2_11:
0x48: {  	s2 =	simm.s32 $0x3  }
0x49: {  	_ =	swait.ge [sflag:s2], $0x2000  }
0x4a: {  	[sflag:s2] =	ssyncset.done $0x0  }
0x4b: {  	[sflag:s2] =	ssyncadd.s32 $0xFFFFE000  }
0x4c: {  	_ =	sfence.sel $0x180000  }
0x4d: {  	s3 =	simm.s32 $0x2;
	[bflag:$0x0] =	sbarrier.arrive $0xFFFF  }
0x4e: {  	[sflag:s3] =	ssyncpa.u1 $0x1  }
0x4f: {  	s31 =	simm.s32 $0x1;
	[sflag:s2] =	ssyncpa.u1 $0x1  }
0x50: {  	[sflag:s31] =	ssyncpa.u1 $0x1  }
0x51: {  	p0 =	sne.s32 s1, $0x0;
	_ =	strace $0x90000065  }
0x52: {  	s0 =	sadd.s32 @!p0 $0x100000, s0;
	[bflag:$0x2] =	sbarrier.arrive $0xFFFF  }
0x53: {  	[sflag:s0] =	ssyncadd.tile.s32 @!p0 $0x1;
	_ =	shalt  }
.Lfunc_end2:
_tile_overlayer_lowered:
.L_overlay_start_2:
0x54: {  	(tag) =	ssettag $0x2  }
0x55: {  	s0 =	rddreg [dreg:$0x0];
	s2 =	stileid.u32  }
0x56: {  	s1 =	rddreg [dreg:$0x1];
	p0 =	sne.s32 s2, $0x0  }
0x57: {  	s3 =	rddreg [dreg:$0x2];
	[bflag:$0x3] =	sbarrier.arrive $0xFFFF;
	s2 =	simm.s32 @!p0 $0x1C01  }
0x58: {  	[timem:s3], [sflag:s2] =	dma.local @!p0 [hbm:s0], s1  }
0x59: {  	s0 =	simm.s32 @!p0 $0x1  }
0x5a: {  	_ =	swait.ge @!p0 [sflag:s0], s1  }
0x5b: {  	s1 =	ssub.s32 @!p0 $0x0, s1;
	[sflag:s0] =	ssyncset.done @!p0 $0x0  }
0x5c: {  	[sflag:s0] =	ssyncadd.s32 @!p0 s1  }
0x5d: {  	[bflag:$0x3] =	sbarrier.arrive $0xFFFF  }
0x5e: {  	_ =	shalt  }

// kernel: gather_offload_async_start
scs
__scs_entry_jumppad:
0x0: {  	(pc) =	sbr.rel $0x88, $3  }
0x1: {  	(tag) =	ssettag $0x0;
	lr =	simm.s32 $0x1  }
0x2: {  	[smem:$0x3F8D] =	sst lr;
	_ =	strace $0xD0000000  }
0x3: {  	_ = 	snop  }
0x4: {  	_ = 	snop  }
0x5: {  	_ = 	snop  }
0x6: {  	_ = 	snop  }
0x7: {  	_ = 	snop  }
__scs_overlays_trampoline_lowered:
0x8: {  	[smem:$0x3F9C] =	sst s0  }
0x9: {  	[smem:$0x3F9D] =	sst s1  }
0xa: {  	[smem:$0x3F9E] =	sst s2  }
0xb: {  	[smem:$0x3F9F] =	sst s3  }
0xc: {  	[smem:$0x3FA0] =	sst s4  }
0xd: {  	[smem:$0x3FA1] =	sst s5  }
0xe: {  	[smem:$0x3FA2] =	sst s6  }
0xf: {  	[smem:$0x3FA3] =	sst s7  }
0x10: {  	[smem:$0x3FA4] =	sst s8  }
0x11: {  	[smem:$0x3FA5] =	sst s9;
	s0 =	simm.s32 @!p0 $0x0  }
0x12: {  	s1 =	sld [smem:$0x3F8B];
	s0 =	simm.s32 @p0 $0x1  }
0x13: {  	[smem:$0x3FA6] =	sst s0;
	s0 =	simm.s32 @!p1 $0x0  }
0x14: {  	s2 =	sld [smem:$0x3F8A];
	s0 =	simm.s32 @p1 $0x1  }
0x15: {  	[smem:$0x3FA7] =	sst s0;
	s0 =	simm.s32 @!p2 $0x0  }
0x16: {  	s3 =	sld [smem:$0x3FDB];
	s0 =	simm.s32 @p2 $0x1  }
0x17: {  	s4 =	simm.s32 $0x1BF5;
	[smem:$0x3FA9] =	sst s0  }
0x18: {  	s0 =	sld [smem:$0x3F8C];
	_ =	swait.ge [sflag:s4], $0x0  }
0x19: {  	s7 =	sld [smem:$0x3F8D]  }
0x1a: {  	s8 =	sadd.s32 $0xFFFFE003, lr  }
0x1b: {  	s9 =	sadd.s32 $0xFFFFFEF7, lr;
	s5 =	simm.s32 $0xFFFFFFFF;
	p2 =	slt.u32 s8, $0xFFFFF086  }
0x1c: {  	p1 =	slt.u32 s9, $0xF7A;
	s5 =	simm.s32 @!p2 $0x0  }
0x1d: {  	s5 =	simm.s32 @p1 $0x1;
	p0 =	seq.s32 s7, s2  }
0x1e: {  	s7 =	smul.u32 @!p0 $0xF7A, s2;
	p2 =	seq.s32 @!p0 s5, $0x0  }
0x1f: {  	s9 =	smul.u32 $0xF7A, s1;
	s8 =	simm.s32 @!p0 $0x1BF5;
	p2 =	por !p2, p0  }
0x20: {  	[sflag:s8] =	ssyncset.s32 @!p0 $0xFFFFF086;
	s6 =	sadd.s32 @!p0 s3, s7;
	s7 =	simm.s32 @!p0 $0x108  }
0x21: {  	s3 =	sadd.s32 s3, s9;
	s6 =	sadd.s32 @!p0 $0x88, s6;
	s7 =	simm.s32 @p2 $0x1082  }
0x22: {  	[simem:s7], [sflag:s8] =	dma.local @!p0 [hbm:s6], $0xF7A  }
0x23: {  	s9 =	sor.u32 $0xD0000000, s2;
	s6 =	simm.s32 $0x108;
	_ =	swait.ge @!p0 [sflag:s8], $0x0  }
0x24: {  	s3 =	sadd.s32 $0x88, s3;
	s6 =	simm.s32 @!p1 $0x1082;
	[sflag:s4] =	ssyncset.s32 $0xFFFFF086  }
0x25: {  	[simem:s6], [sflag:s4] =	dma.local [hbm:s3], $0xF7A  }
0x26: {  	[smem:$0x3F8D] =	sst s1;
	(tag) =	ssettag s2;
	_ =	strace s9  }
0x27: {  	s1 =	sld [smem:$0x3F9D]  }
0x28: {  	s2 =	sld [smem:$0x3F9E]  }
0x29: {  	s4 =	sld [smem:$0x3FA0]  }
0x2a: {  	p0 =	seq.s32 s5, $0x0;
	s5 =	sld [smem:$0x3FA1]  }
0x2b: {  	s6 =	sld [smem:$0x3FA2]  }
0x2c: {  	s7 =	sld [smem:$0x3FA3]  }
0x2d: {  	s3 =	simm.s32 $0x108;
	s8 =	sld [smem:$0x3FA4]  }
0x2e: {  	s3 =	simm.s32 @!p0 $0x1082;
	s9 =	sld [smem:$0x3FA5]  }
0x2f: {  	lr =	sadd.s32 s0, s3;
	s0 =	sld [smem:$0x3F9C]  }
0x30: {  	s3 =	sld [smem:$0x3F9F]  }
0x31: {  	[smem:$0x3FA8] =	sst s10  }
0x32: {  	s10 =	sld [smem:$0x3FA6];
	_ =	sdelay $0x3  }
0x33: {  	p0 =	seq.s32 s10, $0x1;
	s10 =	sld [smem:$0x3FA8];
	_ =	sdelay $0x3  }
0x34: {  	[smem:$0x3FA8] =	sst s10  }
0x35: {  	s10 =	sld [smem:$0x3FA7];
	_ =	sdelay $0x3  }
0x36: {  	p1 =	seq.s32 s10, $0x1;
	s10 =	sld [smem:$0x3FA8];
	_ =	sdelay $0x3  }
0x37: {  	[smem:$0x3FA8] =	sst s10  }
0x38: {  	s10 =	sld [smem:$0x3FA9]  }
0x39: {  	_ = 	snop;
	(pc) =	sbr.ind lr, $3  }
0x3a: {  	_ = 	snop  }
0x3b: {  	_ = 	snop  }
0x3c: {  	p2 =	seq.s32 s10, $0x1;
	s10 =	sld [smem:$0x3FA8]  }
0x3d: {  	_ =	shalt  }
0x3e: {  	_ =	shalt  }
0x3f: {  	_ =	shalt  }
0x40: {  	_ =	shalt  }
0x41: {  	_ =	shalt  }
0x42: {  	_ =	shalt  }
0x43: {  	_ =	shalt  }
0x44: {  	_ =	shalt  }
0x45: {  	_ =	shalt  }
0x46: {  	_ =	shalt  }
0x47: {  	_ =	shalt  }
0x48: {  	_ =	shalt  }
0x49: {  	_ =	shalt  }
0x4a: {  	_ =	shalt  }
0x4b: {  	_ =	shalt  }
0x4c: {  	_ =	shalt  }
0x4d: {  	_ =	shalt  }
0x4e: {  	_ =	shalt  }
0x4f: {  	_ =	shalt  }
0x50: {  	_ =	shalt  }
0x51: {  	_ =	shalt  }
0x52: {  	_ =	shalt  }
0x53: {  	_ =	shalt  }
0x54: {  	_ =	shalt  }
0x55: {  	_ =	shalt  }
0x56: {  	_ =	shalt  }
0x57: {  	_ =	shalt  }
0x58: {  	_ =	shalt  }
0x59: {  	_ =	shalt  }
0x5a: {  	_ =	shalt  }
0x5b: {  	_ =	shalt  }
0x5c: {  	_ =	shalt  }
0x5d: {  	_ =	shalt  }
0x5e: {  	_ =	shalt  }
0x5f: {  	_ =	shalt  }
0x60: {  	_ =	shalt  }
0x61: {  	_ =	shalt  }
0x62: {  	_ =	shalt  }
0x63: {  	_ =	shalt  }
0x64: {  	_ =	shalt  }
0x65: {  	_ =	shalt  }
0x66: {  	_ =	shalt  }
0x67: {  	_ =	shalt  }
0x68: {  	_ =	shalt  }
0x69: {  	_ =	shalt  }
0x6a: {  	_ =	shalt  }
0x6b: {  	_ =	shalt  }
0x6c: {  	_ =	shalt  }
0x6d: {  	_ =	shalt  }
0x6e: {  	_ =	shalt  }
0x6f: {  	_ =	shalt  }
0x70: {  	_ =	shalt  }
0x71: {  	_ =	shalt  }
0x72: {  	_ =	shalt  }
0x73: {  	_ =	shalt  }
0x74: {  	_ =	shalt  }
0x75: {  	_ =	shalt  }
0x76: {  	_ =	shalt  }
0x77: {  	_ =	shalt  }
0x78: {  	_ =	shalt  }
0x79: {  	_ =	shalt  }
0x7a: {  	_ =	shalt  }
0x7b: {  	_ =	shalt  }
0x7c: {  	_ =	shalt  }
0x7d: {  	_ =	shalt  }
0x7e: {  	_ =	shalt  }
0x7f: {  	_ =	shalt  }
0x80: {  	_ =	shalt  }
0x81: {  	_ =	shalt  }
0x82: {  	_ =	shalt  }
0x83: {  	_ =	shalt  }
0x84: {  	_ =	shalt  }
0x85: {  	_ =	shalt  }
0x86: {  	_ =	shalt  }
0x87: {  	_ =	shalt  }
.Lfunc_end0:
.L_simem_size_0:
called_computation.5_lowered:
.L_overlay_start_0:
0x88: {  	s2 =	sld [smem:$0x3FD9]  }
0x89: {  	s3 =	sld [smem:$0x3FFE];
	_ =	sdelay $0x1  }
0x8a: {  	s1 =	srdreg.scid  }
0x8b: {  	s0 =	sand.u32 $0x1, s1  }
0x8c: {  	s17 =	sshll.u32 s0, $0xA;
	s2 =	sadd.s32 s3, s2  }
0x8d: {  	s2 =	sadd.s32 s2, s17  }
0x8e: {  	[smem:$0x3FB4] =	sst s2  }
0x8f: {  	_ = 	snop  }
0x90: {  	(tm) =	ssettm $0x1  }
0x91: {  	s18 =	sld [smem:$0x3FFB];
	_ =	sdelay $0x3  }
0x92: {  	_ =	strace s18  }
0x93: {  	s2 =	sld [smem:$0x3FFC];
	_ =	sdelay $0x3  }
0x94: {  	_ =	strace s2  }
0x95: {  	s2 =	sld [smem:$0x3FFD];
	_ =	sdelay $0x3  }
0x96: {  	_ =	strace s2  }
0x97: {  	_ =	strace $0x8FFFFFFF  }
0x98: {  	s19 =	sld [smem:$0x3FDB];
	_ =	sdelay $0x1  }
0x99: {  	s20 =	simm.s32 $_scs_section_size  }
0x9a: {  	s4 =	simm.s32 $_size__tile_overlayer_lowered;
	s5 =	simm.s32 $_tile_overlayer_lowered  }
0x9b: {  	s6 =	simm.s32 $0x1BFF;
	s21 =	sshll.u32 s5, $0x1;
	s3 =	sadd.s32 s20, s19  }
0x9c: {  	s22 =	simm.s32 $0x0;
	s4 =	sshll.u32 s4, $0x1;
	s5 =	sadd.s32 s21, s3  }
0x9d: {  	[timem:s22], [sflag:s6] =	dma.local [hbm:s5], s4  }
0x9e: {  	_ =	swait.ge [sflag:s6], s4  }
0x9f: {  	s4 =	ssub.s32 $0x0, s4;
	[sflag:s6] =	ssyncset.done $0x0  }
0xa0: {  	[sflag:s6] =	ssyncadd.s32 s4;
	_ =	sdelay $0x1  }
0xa1: {  	s23 =	simm.s32 $0x1B8B  }
0xa2: {  	_ =	swait.ge [sflag:s23], $0x1  }
0xa3: {  	[sflag:s23] =	ssyncset.done $0x0  }
0xa4: {  	[sflag:s23] =	ssyncadd.s32 $0xFFFFFFFF  }
0xa5: {  	s4 =	sld [smem:$0x0]  }
0xa6: {  	s5 =	sand.u32 $0xFFFFFFFE, s1  }
0xa7: {  	p0 =	sne.s32 s1, s5  }
0xa8: {  	s5 =	sshll.u32 @p0 s5, $0xE  }
0xa9: {  	s5 =	sadd.s32 @p0 $0x11B8D, s5;
	s6 =	sshll.u32 @p0 s4, $0x11  }
0xaa: {  	s5 =	sor.u32 @p0 s6, s5  }
0xab: {  	[sflag:s5] =	ssyncadd.remote.s32 @p0 $0x1;
	_ =	sdelay $0x1  }
0xac: {  	s5 =	simm.s32 @p0 $0x1B8D  }
0xad: {  	_ =	swait.eq @p0 [sflag:s5], $0x1  }
0xae: {  	[sflag:s5] =	ssyncadd.s32 @p0 $0xFFFFFFFF  }
0xaf: {  	s6 =	sshll.u32 @!p0 s1, $0xE  }
0xb0: {  	s6 =	sor.u32 @!p0 $0x4000, s6;
	s5 =	simm.s32 @!p0 $0x1B8D  }
0xb1: {  	s4 =	sshll.u32 @!p0 s4, $0x11;
	s6 =	sadd.s32 @!p0 $0x11B8D, s6;
	_ =	swait.eq @!p0 [sflag:s5], $0x1  }
0xb2: {  	s4 =	sor.u32 @!p0 s4, s6;
	[sflag:s5] =	ssyncadd.s32 @!p0 $0xFFFFFFFF  }
0xb3: {  	s25 =	simm.s32 $0x1B8E;
	s24 =	sld [smem:$0x3FFE];
	[sflag:s4] =	ssyncadd.remote.s32 @!p0 $0x1  }
0xb4: {  	s26 =	simm.s32 $execute0_lowered;
	[smem:$0x3FD2] =	sst s25  }
0xb5: {  	s5 =	sshll.u32 s26, $0x1;
	_ =	strace $0x8000006A;
	[dreg:$0x1] =	wrdreg $0xFFFFFFFF  }
0xb6: {  	s28 =	simm.s32 $_size_execute0_lowered;
	s3 =	sadd.s32 s3, s5;
	[dreg:$0x0] =	wrdreg $0x0  }
0xb7: {  	s5 =	sshll.u32 s28, $0x1;
	[dreg:$0x2] =	wrdreg s3  }
0xb8: {  	[dreg:$0x3] =	wrdreg s5  }
0xb9: {  	[dreg:$0x4] =	wrdreg $0xC0  }
0xba: {  	_ =	task [dreg:s22], $0x5FFFF  }
0xbb: {  	[dreg:$0x1] =	wrdreg $0xFFFFFFFF  }
0xbc: {  	[dreg:$0x0] =	wrdreg $0x60  }
0xbd: {  	[dreg:$0x2] =	wrdreg s24  }
0xbe: {  	[dreg:$0x3] =	wrdreg $0x9  }
0xbf: {  	_ =	task.clear_ibuf [dreg:s22], $0x4FFFF;
	_ =	strace $0x9000006A  }
0xc0: {  	s29 =	simm.s32 $0x9;
	_ =	strace $0x8000006C  }
0xc1: {  	_ =	swait.ge [sflag:s29], $0x1  }
0xc2: {  	[sflag:s29] =	ssyncadd.s32 $0xFFFFFFFF  }
0xc3: {  	_ =	strace $0x9000006C  }
0xc4: {  	_ =	sfence  }
0xc5: {  	s30 =	sld [smem:$0x0];
	_ =	sdelay $0x2  }
0xc6: {  	s31 =	sshll.u32 s1, $0xD;
	s1 =	sshrl.u32 s1, $0x2  }
0xc7: {  	s4 =	sand.u32 $0x4000, s31;
	s1 =	sadd.s32 s1, s30  }
0xc8: {  	s0 =	sor.u32 s4, s0;
	s1 =	sshll.u32 s1, $0x11  }
0xc9: {  	s0 =	sor.u32 s1, s0  }
0xca: {  	s0 =	sadd.s32 $0x8F2B, s0  }
0xcb: {  	[sflag:s0] =	ssyncadd.remote.s32 $0x1  }
0xcc: {  	_ =	sfence.sel $0xFFFF  }
0xcd: {  	[dreg:$0x0] =	wrdreg $0xFFFFFFFF;
	(pc) =	sbr.abs _section_cstart, $3  }
0xce: {  	[dreg:$0x1] =	wrdreg $0xFFFFFFFF  }
0xcf: {  	_ =	task.clear_ibuf [dreg:s22], $0x2FFFF;
	_ =	strace $0x9FFFFFFF  }
0xd0: {  	(tm) =	ssettm $0x7FFFFFFF  }
0xd1: {  	_ =	shalt  }
tec
execute0_lowered:
.L_overlay_start_1:
0x0: {  	(tag) =	ssettag $0x1  }
0x1: {  	s7 =	rddreg [dreg:$0x0]  }
0x2: {  	s0 =	rddreg [dreg:$0x1];
	_ =	strace $0x8000006B  }
0x3: {  	s1 =	srdreg.scid;
	s4 =	simm.s32 $0x1;
	s9 =	simm.s32 $0x3  }
0x4: {  	s12 =	simm.s32 $0x0;
	s10 =	simm.s32 $0x0;
	s5 =	sshll.u32 s1, $0x4  }
.Ltmp0:
0x5: {  	s1 =	stileid.u32;
	s5 =	sand.u32 $0x10, s5;
	(pc) =	sbr.rel .LBB2_1-.Ltmp0, $4  }
0x6: {  	s2 =	sadd.s32 $0xC2C00, s7;
	s3 =	sadd.s32 $0x38E00, s7;
	s6 =	sor.u32 s1, s5  }
0x7: {  	[sflag:s4] =	ssyncpa.u1 $0x0;
	s5 =	simm.s32 $0x2;
	s6 =	sshll.u32 s6, $0x6  }
0x8: {  	s7 =	sadd.s32 $0x41000, s7;
	[sflag:s5] =	ssyncpa.u1 $0x0;
	s8 =	sadd.s32 $0x40, s6  }
0x9: {  	vm0 =	vmmov $0xff;
	vm1 =	vcmask $0x3F20;
	[sflag:s9] =	ssyncpa.u1 $0x0;
	s9 =	simm.s32 $0x40;
	s11 =	smov.u32 s6  }
.LBB2_9:
0xa: {  	p0 =	seq.s32 s10, $0x2  }
.Ltmp1:
0xb: {  	_ = 	snop;
	(pc) =	sbr.rel @p0 .LBB2_11-.Ltmp1, $1  }
0xc: {  	_ =	sdelay $0x3  }
.LBB2_10:
0xd: {  	s12 =	sadd.s32 $0x40, s11  }
0xe: {  	s13 =	smov.u32 s6;
	p0 =	slt.s32 s12, s8  }
0xf: {  	s13 =	smov.u32 @p0 s12  }
0x10: {  	s10 =	sadd.s32 $0x1, s10;
	s12 =	smov.u32 s11;
	s11 =	smov.u32 s13  }
.LBB2_1:
0x11: {  	p0 =	sne.s32 s10, $0x0  }
.Ltmp2:
0x12: {  	_ = 	snop;
	(pc) =	sbr.rel @!p0 .LBB2_2-.Ltmp2, $1  }
0x13: {  	_ =	sdelay $0x3  }
0x14: {  	s13 =	sand.u32 $0x1, s10  }
0x15: {  	p0 =	seq.s32 s13, $0x0  }
.Ltmp3:
0x16: {  	_ = 	snop;
	(pc) =	sbr.rel @p0 .LBB2_9-.Ltmp3, $1  }
0x17: {  	_ =	sdelay $0x3  }
0x18: {  	_ =	swait.ge [sflag:s5], $0x40  }
0x19: {  	[sflag:s5] =	ssyncset.done $0x0  }
0x1a: {  	s13 =	simm.s32 $0x0;
	[sflag:s5] =	ssyncadd.s32 $0xFFFFFFC0  }
0x1b: {  	v0 =	vld.msk [tilespmem:s13+$0x40 ss:$0x1], $0xffff;
	_ =	sdelay $0x4  }
0x1c: {  	vm2 =	vgt.s32 v0, $0x0  }
0x1d: {  	v0 =	vnsel vm2, $0x0, v0  }
0x1e: {  	v0 =	vmin.u32 v0, $0x27FF  }
0x1f: {  	v0 =	vshll.u32 v0, $0x4;
	_ =	sdelay $0x3  }
0x20: {  	s13 =	simm.s32 $0x2080  }
0x21: {  	[tilespmem:s13], [sflag:$0x1] =	stream.indirect_vreg.gather [hbm:s2], $0x80, v0, vm0, $0x38;
	[tilespmem:$0x4080] =	vst v63  }
0x22: {  	s14 =	simm.s32 $0x2480;
	s31 =	simm.s32 $0x10  }
0x23: {  	[tilespmem:s14], [sflag:$0x1] =	stream.indirect_vreg.gather [hbm:s2], $0x80, v0, vm1, $0x38;
	[tilespmem:$0x4080] =	vst v63  }
0x24: {  	s14 =	simm.s32 $0x80;
	v0 =	vld.msk [tilespmem:s31+$0x40 ss:$0x1], $0xffff  }
.LBB2_5:
0x25: {  	p0 =	sne.s32 s14, $0xC0;
	_ =	sdelay $0x4  }
0x26: {  	vm2 =	vgt.s32 v0, $0x0  }
0x27: {  	v0 =	vnsel vm2, $0x0, v0  }
0x28: {  	v0 =	vmin.u32 v0, $0x27FF  }
0x29: {  	v0 =	vshll.u32 v0, $0x4;
	_ =	sdelay $0x3  }
.Ltmp4:
0x2a: {  	s13 =	sadd.s32 $0x800, s13;
	(pc) =	sbr.rel @p0 .LBB2_5-.Ltmp4, $4  }
0x2b: {  	[tilespmem:s13], [sflag:$0x1] =	stream.indirect_vreg.gather [hbm:s2], $0x80, v0, vm0, $0x38;
	[tilespmem:$0x4080] =	vst v63  }
0x2c: {  	s15 =	sshra.s32 s14, $0x2;
	s16 =	sadd.s32 $0x400, s13  }
0x2d: {  	[tilespmem:s16], [sflag:$0x1] =	stream.indirect_vreg.gather [hbm:s2], $0x80, v0, vm1, $0x38;
	[tilespmem:$0x4080] =	vst v63  }
0x2e: {  	s14 =	sadd.s32 $0x40, s14;
	v0 =	vld.msk [tilespmem:s15+$0x40 ss:$0x1], $0xffff  }
0x2f: {  	_ =	sdelay $0x3  }
0x30: {  	vm2 =	vgt.s32 v0, $0x0  }
0x31: {  	v0 =	vnsel vm2, $0x0, v0  }
0x32: {  	v0 =	vmin.u32 v0, $0x27FF  }
0x33: {  	v0 =	vshll.u32 v0, $0x4;
	_ =	sdelay $0x3  }
0x34: {  	s13 =	sadd.s32 $0x800, s13  }
0x35: {  	[tilespmem:s13], [sflag:$0x1] =	stream.indirect_vreg.gather [hbm:s2], $0x80, v0, vm0, $0x38;
	[tilespmem:$0x4080] =	vst v63  }
0x36: {  	s13 =	sadd.s32 $0x400, s13  }
0x37: {  	[tilespmem:s13], [sflag:$0x1] =	stream.indirect_vreg.gather [hbm:s2], $0x80, v0, vm1, $0x38;
	[tilespmem:$0x4080] =	vst v63  }
0x38: {  	s12 =	sshll.u32 s12, $0x4;
	s14 =	simm.s32 $0x80;
	_ =	swait.ge [sflag:s4], $0x2000  }
0x39: {  	s15 =	simm.s32 $0x2480;
	s12 =	sadd.s32 s12, s7;
	[sflag:s4] =	ssyncset.done $0x0  }
0x3a: {  	s16 =	sadd.s32 $0x0, s12;
	s13 =	simm.s32 $0x2080;
	[sflag:s4] =	ssyncadd.s32 $0xFFFFE000  }
.LBB2_7:
0x3b: {  	[hbm:s16] =	stream.linear.scatter [tilespmem:s13], [sflag:$0x3], $0x400, $0x38;
	[tilespmem:$0x4080] =	vst v63  }
0x3c: {  	s16 =	smov.u32 s14;
	s13 =	smov.u32 s15;
	p0 =	sne.s32 s14, $0x380  }
.Ltmp5:
0x3d: {  	s14 =	sadd.s32 $0x80, s14;
	(pc) =	sbr.rel @p0 .LBB2_7-.Ltmp5, $2  }
0x3e: {  	_ =	sdelay $0x2  }
0x3f: {  	s15 =	sadd.s32 $0x400, s15;
	s16 =	sadd.s32 s16, s12  }
.Ltmp6:
0x40: {  	(pc) =	sbr.rel .LBB2_9-.Ltmp6, $2  }
0x41: {  	_ =	sdelay $0x2  }
0x42: {  	[hbm:s16] =	stream.linear.scatter [tilespmem:s13], [sflag:$0x3], $0x400, $0x38;
	[tilespmem:$0x4080] =	vst v63  }
.LBB2_2:
.Ltmp7:
0x43: {  	(pc) =	sbr.rel .LBB2_10-.Ltmp7, $4  }
0x44: {  	_ = 	snop  }
0x45: {  	s12 =	sshrl.u32 s11, $0x3  }
0x46: {  	s13 =	sand.u32 $0x7, s11;
	s12 =	sadd.s32 s3, s12  }
0x47: {  	[tilespmem:s9], [sflag:$0x2] =	stream.linear.gather [hbm4b:s12+s13], $0x40, $0x38;
	[tilespmem:$0x4080] =	vst v63  }
.LBB2_11:
0x48: {  	s2 =	simm.s32 $0x3  }
0x49: {  	_ =	swait.ge [sflag:s2], $0x2000  }
0x4a: {  	[sflag:s2] =	ssyncset.done $0x0  }
0x4b: {  	[sflag:s2] =	ssyncadd.s32 $0xFFFFE000  }
0x4c: {  	_ =	sfence.sel $0x180000  }
0x4d: {  	s3 =	simm.s32 $0x2;
	[bflag:$0x0] =	sbarrier.arrive $0xFFFF  }
0x4e: {  	[sflag:s3] =	ssyncpa.u1 $0x1  }
0x4f: {  	s31 =	simm.s32 $0x1;
	[sflag:s2] =	ssyncpa.u1 $0x1  }
0x50: {  	[sflag:s31] =	ssyncpa.u1 $0x1  }
0x51: {  	p0 =	sne.s32 s1, $0x0;
	_ =	strace $0x9000006B  }
0x52: {  	s0 =	sadd.s32 @!p0 $0x100000, s0;
	[bflag:$0x2] =	sbarrier.arrive $0xFFFF  }
0x53: {  	[sflag:s0] =	ssyncadd.tile.s32 @!p0 $0x1;
	_ =	shalt  }
.Lfunc_end2:
_tile_overlayer_lowered:
.L_overlay_start_2:
0x54: {  	(tag) =	ssettag $0x2  }
0x55: {  	s0 =	rddreg [dreg:$0x0];
	s2 =	stileid.u32  }
0x56: {  	s1 =	rddreg [dreg:$0x1];
	p0 =	sne.s32 s2, $0x0  }
0x57: {  	s3 =	rddreg [dreg:$0x2];
	[bflag:$0x3] =	sbarrier.arrive $0xFFFF;
	s2 =	simm.s32 @!p0 $0x1C01  }
0x58: {  	[timem:s3], [sflag:s2] =	dma.local @!p0 [hbm:s0], s1  }
0x59: {  	s0 =	simm.s32 @!p0 $0x1  }
0x5a: {  	_ =	swait.ge @!p0 [sflag:s0], s1  }
0x5b: {  	s1 =	ssub.s32 @!p0 $0x0, s1;
	[sflag:s0] =	ssyncset.done @!p0 $0x0  }
0x5c: {  	[sflag:s0] =	ssyncadd.s32 @!p0 s1  }
0x5d: {  	[bflag:$0x3] =	sbarrier.arrive $0xFFFF  }
0x5e: {  	_ =	shalt  }

// kernel: kernel.11.cloned.1.call-start
scs
__scs_entry_jumppad:
0x0: {  	(pc) =	sbr.rel $0x88, $3  }
0x1: {  	(tag) =	ssettag $0x0;
	lr =	simm.s32 $0x1  }
0x2: {  	[smem:$0x3F8D] =	sst lr;
	_ =	strace $0xD0000000  }
0x3: {  	_ = 	snop  }
0x4: {  	_ = 	snop  }
0x5: {  	_ = 	snop  }
0x6: {  	_ = 	snop  }
0x7: {  	_ = 	snop  }
__scs_overlays_trampoline_lowered:
0x8: {  	[smem:$0x3F9C] =	sst s0  }
0x9: {  	[smem:$0x3F9D] =	sst s1  }
0xa: {  	[smem:$0x3F9E] =	sst s2  }
0xb: {  	[smem:$0x3F9F] =	sst s3  }
0xc: {  	[smem:$0x3FA0] =	sst s4  }
0xd: {  	[smem:$0x3FA1] =	sst s5  }
0xe: {  	[smem:$0x3FA2] =	sst s6  }
0xf: {  	[smem:$0x3FA3] =	sst s7  }
0x10: {  	[smem:$0x3FA4] =	sst s8  }
0x11: {  	[smem:$0x3FA5] =	sst s9;
	s0 =	simm.s32 @!p0 $0x0  }
0x12: {  	s1 =	sld [smem:$0x3F8B];
	s0 =	simm.s32 @p0 $0x1  }
0x13: {  	[smem:$0x3FA6] =	sst s0;
	s0 =	simm.s32 @!p1 $0x0  }
0x14: {  	s2 =	sld [smem:$0x3F8A];
	s0 =	simm.s32 @p1 $0x1  }
0x15: {  	[smem:$0x3FA7] =	sst s0;
	s0 =	simm.s32 @!p2 $0x0  }
0x16: {  	s3 =	sld [smem:$0x3FDB];
	s0 =	simm.s32 @p2 $0x1  }
0x17: {  	s4 =	simm.s32 $0x1BF5;
	[smem:$0x3FA9] =	sst s0  }
0x18: {  	s0 =	sld [smem:$0x3F8C];
	_ =	swait.ge [sflag:s4], $0x0  }
0x19: {  	s7 =	sld [smem:$0x3F8D]  }
0x1a: {  	s8 =	sadd.s32 $0xFFFFE003, lr  }
0x1b: {  	s9 =	sadd.s32 $0xFFFFFEF7, lr;
	s5 =	simm.s32 $0xFFFFFFFF;
	p2 =	slt.u32 s8, $0xFFFFF086  }
0x1c: {  	p1 =	slt.u32 s9, $0xF7A;
	s5 =	simm.s32 @!p2 $0x0  }
0x1d: {  	s5 =	simm.s32 @p1 $0x1;
	p0 =	seq.s32 s7, s2  }
0x1e: {  	s7 =	smul.u32 @!p0 $0xF7A, s2;
	p2 =	seq.s32 @!p0 s5, $0x0  }
0x1f: {  	s9 =	smul.u32 $0xF7A, s1;
	s8 =	simm.s32 @!p0 $0x1BF5;
	p2 =	por !p2, p0  }
0x20: {  	[sflag:s8] =	ssyncset.s32 @!p0 $0xFFFFF086;
	s6 =	sadd.s32 @!p0 s3, s7;
	s7 =	simm.s32 @!p0 $0x108  }
0x21: {  	s3 =	sadd.s32 s3, s9;
	s6 =	sadd.s32 @!p0 $0x88, s6;
	s7 =	simm.s32 @p2 $0x1082  }
0x22: {  	[simem:s7], [sflag:s8] =	dma.local @!p0 [hbm:s6], $0xF7A  }
0x23: {  	s9 =	sor.u32 $0xD0000000, s2;
	s6 =	simm.s32 $0x108;
	_ =	swait.ge @!p0 [sflag:s8], $0x0  }
0x24: {  	s3 =	sadd.s32 $0x88, s3;
	s6 =	simm.s32 @!p1 $0x1082;
	[sflag:s4] =	ssyncset.s32 $0xFFFFF086  }
0x25: {  	[simem:s6], [sflag:s4] =	dma.local [hbm:s3], $0xF7A  }
0x26: {  	[smem:$0x3F8D] =	sst s1;
	(tag) =	ssettag s2;
	_ =	strace s9  }
0x27: {  	s1 =	sld [smem:$0x3F9D]  }
0x28: {  	s2 =	sld [smem:$0x3F9E]  }
0x29: {  	s4 =	sld [smem:$0x3FA0]  }
0x2a: {  	p0 =	seq.s32 s5, $0x0;
	s5 =	sld [smem:$0x3FA1]  }
0x2b: {  	s6 =	sld [smem:$0x3FA2]  }
0x2c: {  	s7 =	sld [smem:$0x3FA3]  }
0x2d: {  	s3 =	simm.s32 $0x108;
	s8 =	sld [smem:$0x3FA4]  }
0x2e: {  	s3 =	simm.s32 @!p0 $0x1082;
	s9 =	sld [smem:$0x3FA5]  }
0x2f: {  	lr =	sadd.s32 s0, s3;
	s0 =	sld [smem:$0x3F9C]  }
0x30: {  	s3 =	sld [smem:$0x3F9F]  }
0x31: {  	[smem:$0x3FA8] =	sst s10  }
0x32: {  	s10 =	sld [smem:$0x3FA6];
	_ =	sdelay $0x3  }
0x33: {  	p0 =	seq.s32 s10, $0x1;
	s10 =	sld [smem:$0x3FA8];
	_ =	sdelay $0x3  }
0x34: {  	[smem:$0x3FA8] =	sst s10  }
0x35: {  	s10 =	sld [smem:$0x3FA7];
	_ =	sdelay $0x3  }
0x36: {  	p1 =	seq.s32 s10, $0x1;
	s10 =	sld [smem:$0x3FA8];
	_ =	sdelay $0x3  }
0x37: {  	[smem:$0x3FA8] =	sst s10  }
0x38: {  	s10 =	sld [smem:$0x3FA9]  }
0x39: {  	_ = 	snop;
	(pc) =	sbr.ind lr, $3  }
0x3a: {  	_ = 	snop  }
0x3b: {  	_ = 	snop  }
0x3c: {  	p2 =	seq.s32 s10, $0x1;
	s10 =	sld [smem:$0x3FA8]  }
0x3d: {  	_ =	shalt  }
0x3e: {  	_ =	shalt  }
0x3f: {  	_ =	shalt  }
0x40: {  	_ =	shalt  }
0x41: {  	_ =	shalt  }
0x42: {  	_ =	shalt  }
0x43: {  	_ =	shalt  }
0x44: {  	_ =	shalt  }
0x45: {  	_ =	shalt  }
0x46: {  	_ =	shalt  }
0x47: {  	_ =	shalt  }
0x48: {  	_ =	shalt  }
0x49: {  	_ =	shalt  }
0x4a: {  	_ =	shalt  }
0x4b: {  	_ =	shalt  }
0x4c: {  	_ =	shalt  }
0x4d: {  	_ =	shalt  }
0x4e: {  	_ =	shalt  }
0x4f: {  	_ =	shalt  }
0x50: {  	_ =	shalt  }
0x51: {  	_ =	shalt  }
0x52: {  	_ =	shalt  }
0x53: {  	_ =	shalt  }
0x54: {  	_ =	shalt  }
0x55: {  	_ =	shalt  }
0x56: {  	_ =	shalt  }
0x57: {  	_ =	shalt  }
0x58: {  	_ =	shalt  }
0x59: {  	_ =	shalt  }
0x5a: {  	_ =	shalt  }
0x5b: {  	_ =	shalt  }
0x5c: {  	_ =	shalt  }
0x5d: {  	_ =	shalt  }
0x5e: {  	_ =	shalt  }
0x5f: {  	_ =	shalt  }
0x60: {  	_ =	shalt  }
0x61: {  	_ =	shalt  }
0x62: {  	_ =	shalt  }
0x63: {  	_ =	shalt  }
0x64: {  	_ =	shalt  }
0x65: {  	_ =	shalt  }
0x66: {  	_ =	shalt  }
0x67: {  	_ =	shalt  }
0x68: {  	_ =	shalt  }
0x69: {  	_ =	shalt  }
0x6a: {  	_ =	shalt  }
0x6b: {  	_ =	shalt  }
0x6c: {  	_ =	shalt  }
0x6d: {  	_ =	shalt  }
0x6e: {  	_ =	shalt  }
0x6f: {  	_ =	shalt  }
0x70: {  	_ =	shalt  }
0x71: {  	_ =	shalt  }
0x72: {  	_ =	shalt  }
0x73: {  	_ =	shalt  }
0x74: {  	_ =	shalt  }
0x75: {  	_ =	shalt  }
0x76: {  	_ =	shalt  }
0x77: {  	_ =	shalt  }
0x78: {  	_ =	shalt  }
0x79: {  	_ =	shalt  }
0x7a: {  	_ =	shalt  }
0x7b: {  	_ =	shalt  }
0x7c: {  	_ =	shalt  }
0x7d: {  	_ =	shalt  }
0x7e: {  	_ =	shalt  }
0x7f: {  	_ =	shalt  }
0x80: {  	_ =	shalt  }
0x81: {  	_ =	shalt  }
0x82: {  	_ =	shalt  }
0x83: {  	_ =	shalt  }
0x84: {  	_ =	shalt  }
0x85: {  	_ =	shalt  }
0x86: {  	_ =	shalt  }
0x87: {  	_ =	shalt  }
.Lfunc_end0:
.L_simem_size_0:
called_computation.8_lowered:
.L_overlay_start_0:
0x88: {  	s2 =	sld [smem:$0x3FD9]  }
0x89: {  	s3 =	sld [smem:$0x3FFE];
	_ =	sdelay $0x1  }
0x8a: {  	s1 =	srdreg.scid  }
0x8b: {  	s0 =	sand.u32 $0x1, s1  }
0x8c: {  	s16 =	sshll.u32 s0, $0xA;
	s2 =	sadd.s32 s3, s2  }
0x8d: {  	s2 =	sadd.s32 s2, s16  }
0x8e: {  	[smem:$0x3FB4] =	sst s2  }
0x8f: {  	_ = 	snop  }
0x90: {  	(tm) =	ssettm $0x1  }
0x91: {  	s17 =	sld [smem:$0x3FFB];
	_ =	sdelay $0x3  }
0x92: {  	_ =	strace s17  }
0x93: {  	s2 =	sld [smem:$0x3FFC];
	_ =	sdelay $0x3  }
0x94: {  	_ =	strace s2  }
0x95: {  	s2 =	sld [smem:$0x3FFD];
	_ =	sdelay $0x3  }
0x96: {  	_ =	strace s2  }
0x97: {  	_ =	strace $0x8FFFFFFF  }
0x98: {  	s18 =	sld [smem:$0x3FDB];
	_ =	sdelay $0x1  }
0x99: {  	s19 =	simm.s32 $_scs_section_size  }
0x9a: {  	s4 =	simm.s32 $_size__tile_overlayer_lowered;
	s5 =	simm.s32 $_tile_overlayer_lowered  }
0x9b: {  	s22 =	simm.s32 $0x1BFF;
	s21 =	sshll.u32 s5, $0x1;
	s2 =	sadd.s32 s19, s18  }
0x9c: {  	s6 =	simm.s32 $0x0;
	s20 =	sshll.u32 s4, $0x1;
	s4 =	sadd.s32 s21, s2  }
0x9d: {  	[timem:s6], [sflag:s22] =	dma.local [hbm:s4], s20  }
0x9e: {  	_ =	swait.ge [sflag:s22], s20  }
0x9f: {  	s3 =	ssub.s32 $0x0, s20;
	[sflag:s22] =	ssyncset.done $0x0  }
0xa0: {  	[sflag:s22] =	ssyncadd.s32 s3;
	_ =	sdelay $0x1  }
0xa1: {  	s23 =	simm.s32 $0x1B8B  }
0xa2: {  	_ =	swait.ge [sflag:s23], $0x1  }
0xa3: {  	[sflag:s23] =	ssyncset.done $0x0  }
0xa4: {  	s25 =	simm.s32 $0x1B8E;
	s24 =	sld [smem:$0x3FFE];
	[sflag:s23] =	ssyncadd.s32 $0xFFFFFFFF  }
0xa5: {  	s26 =	simm.s32 $execute0_lowered;
	[smem:$0x3FD2] =	sst s25  }
0xa6: {  	s4 =	sshll.u32 s26, $0x1;
	_ =	strace $0x80000049;
	[dreg:$0x1] =	wrdreg $0xFFFFFFFF  }
0xa7: {  	s28 =	simm.s32 $_size_execute0_lowered;
	s2 =	sadd.s32 s2, s4;
	[dreg:$0x0] =	wrdreg $0x0  }
0xa8: {  	s4 =	sshll.u32 s28, $0x1;
	[dreg:$0x2] =	wrdreg s2  }
0xa9: {  	[dreg:$0x3] =	wrdreg s4  }
0xaa: {  	[dreg:$0x4] =	wrdreg $0xC0  }
0xab: {  	_ =	task [dreg:s6], $0x5FFFF  }
0xac: {  	[dreg:$0x1] =	wrdreg $0xFFFFFFFF  }
0xad: {  	[dreg:$0x0] =	wrdreg $0x60  }
0xae: {  	[dreg:$0x2] =	wrdreg s24  }
0xaf: {  	[dreg:$0x3] =	wrdreg $0x9  }
0xb0: {  	_ =	task.clear_ibuf [dreg:s6], $0x4FFFF;
	_ =	strace $0x90000049  }
0xb1: {  	s29 =	simm.s32 $0x9;
	_ =	strace $0x8000004B  }
0xb2: {  	_ =	swait.ge [sflag:s29], $0x1  }
0xb3: {  	[sflag:s29] =	ssyncadd.s32 $0xFFFFFFFF  }
0xb4: {  	_ =	strace $0x9000004B  }
0xb5: {  	_ =	sfence  }
0xb6: {  	s30 =	sld [smem:$0x0];
	_ =	sdelay $0x2  }
0xb7: {  	s31 =	sshll.u32 s1, $0xD;
	s1 =	sshrl.u32 s1, $0x2  }
0xb8: {  	s3 =	sand.u32 $0x4000, s31;
	s1 =	sadd.s32 s1, s30  }
0xb9: {  	s0 =	sor.u32 s3, s0;
	s1 =	sshll.u32 s1, $0x11  }
0xba: {  	s0 =	sor.u32 s1, s0  }
0xbb: {  	s0 =	sadd.s32 $0x8F2B, s0  }
0xbc: {  	[sflag:s0] =	ssyncadd.remote.s32 $0x1  }
0xbd: {  	_ =	sfence.sel $0xFFFF  }
0xbe: {  	[dreg:$0x0] =	wrdreg $0xFFFFFFFF;
	(pc) =	sbr.abs _section_cstart, $3  }
0xbf: {  	[dreg:$0x1] =	wrdreg $0xFFFFFFFF  }
0xc0: {  	_ =	task.clear_ibuf [dreg:s6], $0x2FFFF;
	_ =	strace $0x9FFFFFFF  }
0xc1: {  	(tm) =	ssettm $0x7FFFFFFF  }
tec
execute0_lowered:
.L_overlay_start_1:
0x0: {  	(tag) =	ssettag $0x1  }
0x1: {  	s6 =	rddreg [dreg:$0x0]  }
0x2: {  	s0 =	rddreg [dreg:$0x1];
	s1 =	simm.s32 $0x0  }
0x3: {  	s2 =	srdreg.scid;
	s10 =	simm.s32 $0x80;
	s11 =	simm.s32 $0x180  }
0x4: {  	s12 =	simm.s32 $0x1;
	s13 =	simm.s32 $0x0;
	[smem:$0x7FF] =	sst s1  }
0x5: {  	s3 =	sadd.s32 $0x18C00, s6;
	s4 =	sadd.s32 $0x69800, s6;
	s5 =	sand.u32 $0x1, s2  }
0x6: {  	s2 =	stileid.u32;
	_ =	strace $0x8000004A;
	s7 =	ssub.s32 $0x2, s5  }
0x7: {  	s8 =	sshll.u32 s5, $0x4;
	s5 =	sadd.s32 $0x4AE00, s6;
	s9 =	sshrl.u32 s7, $0x1  }
0x8: {  	s6 =	sadd.s32 $0x9BA00, s6;
	s8 =	sor.u32 s2, s8;
	s9 =	ssub.s32 s7, s9  }
0x9: {  	s7 =	smul.u32 $0x2880, s8;
	s8 =	smax.u32 s9, $0x1;
	s9 =	simm.s32 $0x2  }
.LBB2_1:
0xa: {  	s14 =	simm.s32 $0x0  }
.LBB2_2:
0xb: {  	s15 =	sshll.u32 s14, $0x7  }
0xc: {  	s15 =	sadd.s32 s7, s15  }
0xd: {  	s16 =	sshrl.u32 s15, $0x3  }
0xe: {  	s18 =	simm.s32 $0x0;
	s17 =	sadd.s32 s4, s16  }
0xf: {  	[tilespmem:s18], [sflag:$0x2] =	stream.linear.gather [hbm4b:s17+s18], $0x80, $0x38;
	[tilespmem:$0x4180] =	vst v63  }
0x10: {  	_ =	swait.ge [sflag:s9], $0x80  }
0x11: {  	[sflag:s9] =	ssyncset.done $0x0  }
0x12: {  	s16 =	sadd.s32 s5, s16;
	[sflag:s9] =	ssyncadd.s32 $0xFFFFFF80  }
0x13: {  	[tilespmem:s10], [sflag:$0x2] =	stream.linear.gather [hbm4b:s16+s18], $0x80, $0x38;
	[tilespmem:$0x4180] =	vst v63  }
0x14: {  	_ =	swait.ge [sflag:s9], $0x80  }
0x15: {  	[sflag:s9] =	ssyncset.done $0x0  }
0x16: {  	[sflag:s9] =	ssyncadd.s32 $0xFFFFFF80  }
0x17: {  	[tilespmem:s11], [sflag:$0x1] =	stream.indirect.gather [hbm4b:s3+s10], $0x80, s18, s10, $0xb8;
	[tilespmem:$0x4180] =	vst v63  }
0x18: {  	_ =	swait.ge [sflag:s12], $0x4000  }
0x19: {  	[sflag:s12] =	ssyncset.done $0x0  }
0x1a: {  	s16 =	simm.s32 $0x1C0;
	[sflag:s12] =	ssyncadd.s32 $0xFFFFC000  }
0x1b: {  	v4 =	vld [tilespmem:s16+$0x30]  }
0x1c: {  	v7 =	vld [tilespmem:s16+$0x10]  }
0x1d: {  	s31 =	simm.s32 $0x0;
	v5 =	vld [tilespmem:s16+$0xFFFFFFC0]  }
0x1e: {  	v1 =	vld.msk [tilespmem:s31+$0x80 ss:$0x0], $0xffff  }
0x1f: {  	v9 =	vld [tilespmem:s16+$0xFFFFFFE0]  }
0x20: {  	v0 =	vld [tilespmem:s16+$0xFFFFFFF0]  }
0x21: {  	v2 =	vld [tilespmem:s16+$0x20]  }
0x22: {  	v3 =	vld [tilespmem:s16+$0xFFFFFFD0]  }
0x23: {  	v8 =	vmul.f32 v4, v1;
	v4 =	vld [tilespmem:s16+$0x0]  }
0x24: {  	v6 =	vmul.f32 v1, v5  }
0x25: {  	s17 =	simm.s32 $0x4;
	s18 =	simm.s32 $0x1C0;
	v5 =	vmul.f32 v9, v1;
	v7 =	vmul.f32 v7, v1  }
.LBB2_3:
0x26: {  	p0 =	sne.s32 s17, $0x1FC  }
0x27: {  	v3 =	vmul.f32 v3, v1;
	v2 =	vmul.f32 v2, v1;
	[tilespmem:s16+$0x30] =	vst v8;
	s18 =	sadd.s32 $0x80, s18;
	s19 =	smov.u32 s17;
	s17 =	sadd.s32 $0x4, s17  }
0x28: {  	[tilespmem:s16+$0xFFFFFFC0] =	vst v6;
	v6 =	vmul.f32 v0, v1;
	v1 =	vmul.f32 v4, v1  }
0x29: {  	[tilespmem:s16+$0x10] =	vst v7  }
0x2a: {  	[tilespmem:s16+$0xFFFFFFE0] =	vst v5  }
0x2b: {  	v0 =	vld [tilespmem:s18+$0xFFFFFFF0];
	[tilespmem:s16+$0xFFFFFFF0] =	vst v6  }
0x2c: {  	v5 =	vld [tilespmem:s18+$0x30];
	[tilespmem:s16+$0x0] =	vst v1  }
0x2d: {  	v7 =	vld [tilespmem:s18+$0x10];
	[tilespmem:s16+$0x20] =	vst v2  }
0x2e: {  	s19 =	sshra.s32 s19, $0x2;
	v6 =	vld [tilespmem:s18+$0xFFFFFFC0];
	[tilespmem:s16+$0xFFFFFFD0] =	vst v3;
	s16 =	smov.u32 s18  }
0x2f: {  	v1 =	vld.msk [tilespmem:s19+$0x80 ss:$0x0], $0xffff  }
0x30: {  	v9 =	vld [tilespmem:s18+$0xFFFFFFE0]  }
0x31: {  	v2 =	vld [tilespmem:s18+$0x20]  }
.Ltmp0:
0x32: {  	v3 =	vld [tilespmem:s18+$0xFFFFFFD0];
	(pc) =	sbr.rel @p0 .LBB2_3-.Ltmp0, $3  }
0x33: {  	v4 =	vld [tilespmem:s18+$0x0];
	_ =	sdelay $0x1  }
0x34: {  	v6 =	vmul.f32 v1, v6;
	v8 =	vmul.f32 v5, v1  }
0x35: {  	v7 =	vmul.f32 v7, v1;
	v5 =	vmul.f32 v9, v1  }
0x36: {  	[tilespmem:s16+$0x30] =	vst v8  }
0x37: {  	[tilespmem:s16+$0xFFFFFFC0] =	vst v6  }
0x38: {  	v0 =	vmul.f32 v0, v1;
	[tilespmem:s16+$0x10] =	vst v7  }
0x39: {  	v2 =	vmul.f32 v2, v1;
	[tilespmem:s16+$0xFFFFFFE0] =	vst v5  }
0x3a: {  	v63 =	vmul.f32 v3, v1;
	[tilespmem:s16+$0xFFFFFFF0] =	vst v0  }
0x3b: {  	s14 =	sadd.s32 $0x1, s14;
	v4 =	vmul.f32 v4, v1;
	[tilespmem:s16+$0x20] =	vst v2  }
0x3c: {  	s15 =	sshll.u32 s15, $0x4;
	p0 =	sne.s32 s14, $0x51;
	[tilespmem:s16+$0xFFFFFFD0] =	vst v63  }
.Ltmp1:
0x3d: {  	s15 =	sadd.s32 s6, s15;
	[tilespmem:s16+$0x0] =	vst v4;
	(pc) =	sbr.rel @p0 .LBB2_2-.Ltmp1, $4  }
0x3e: {  	[hbm4b:s15+s1] =	stream.linear.scatter [tilespmem:s11], [sflag:$0x2], $0x4000, $0x38;
	[tilespmem:$0x4180] =	vst v63  }
0x3f: {  	_ =	swait.ge [sflag:s9], $0x4000  }
0x40: {  	[sflag:s9] =	ssyncset.done $0x0  }
0x41: {  	[sflag:s9] =	ssyncadd.s32 $0xFFFFC000  }
0x42: {  	s13 =	sadd.s32 $0x1, s13  }
0x43: {  	p0 =	sne.s32 s13, s8  }
.Ltmp2:
0x44: {  	_ = 	snop;
	(pc) =	sbr.rel @p0 .LBB2_1-.Ltmp2, $1  }
0x45: {  	_ =	sdelay $0x3  }
0x46: {  	_ =	sfence.sel $0x180000  }
0x47: {  	[bflag:$0x0] =	sbarrier.arrive $0xFFFF  }
0x48: {  	p0 =	sne.s32 s2, $0x0;
	_ =	strace $0x9000004A  }
0x49: {  	s0 =	sadd.s32 @!p0 $0x100000, s0;
	[bflag:$0x2] =	sbarrier.arrive $0xFFFF  }
0x4a: {  	[sflag:s0] =	ssyncadd.tile.s32 @!p0 $0x1;
	_ =	shalt  }
.Lfunc_end2:
_tile_overlayer_lowered:
.L_overlay_start_2:
0x4b: {  	(tag) =	ssettag $0x2  }
0x4c: {  	s0 =	rddreg [dreg:$0x0];
	s2 =	stileid.u32  }
0x4d: {  	s1 =	rddreg [dreg:$0x1];
	p0 =	sne.s32 s2, $0x0  }
0x4e: {  	s3 =	rddreg [dreg:$0x2];
	[bflag:$0x3] =	sbarrier.arrive $0xFFFF;
	s2 =	simm.s32 @!p0 $0x1C02  }
0x4f: {  	[timem:s3], [sflag:s2] =	dma.local @!p0 [hbm:s0], s1  }
0x50: {  	s0 =	simm.s32 @!p0 $0x2  }
0x51: {  	_ =	swait.ge @!p0 [sflag:s0], s1  }
0x52: {  	s1 =	ssub.s32 @!p0 $0x0, s1;
	[sflag:s0] =	ssyncset.done @!p0 $0x0  }
0x53: {  	[sflag:s0] =	ssyncadd.s32 @!p0 s1  }
0x54: {  	[bflag:$0x3] =	sbarrier.arrive $0xFFFF  }
0x55: {  	_ =	shalt  }

// kernel: kernel.14.cloned.1.call-start
scs
__scs_entry_jumppad:
0x0: {  	(pc) =	sbr.rel $0x88, $3  }
0x1: {  	(tag) =	ssettag $0x0;
	lr =	simm.s32 $0x1  }
0x2: {  	[smem:$0x3F8D] =	sst lr;
	_ =	strace $0xD0000000  }
0x3: {  	_ = 	snop  }
0x4: {  	_ = 	snop  }
0x5: {  	_ = 	snop  }
0x6: {  	_ = 	snop  }
0x7: {  	_ = 	snop  }
__scs_overlays_trampoline_lowered:
0x8: {  	[smem:$0x3F9C] =	sst s0  }
0x9: {  	[smem:$0x3F9D] =	sst s1  }
0xa: {  	[smem:$0x3F9E] =	sst s2  }
0xb: {  	[smem:$0x3F9F] =	sst s3  }
0xc: {  	[smem:$0x3FA0] =	sst s4  }
0xd: {  	[smem:$0x3FA1] =	sst s5  }
0xe: {  	[smem:$0x3FA2] =	sst s6  }
0xf: {  	[smem:$0x3FA3] =	sst s7  }
0x10: {  	[smem:$0x3FA4] =	sst s8  }
0x11: {  	[smem:$0x3FA5] =	sst s9;
	s0 =	simm.s32 @!p0 $0x0  }
0x12: {  	s1 =	sld [smem:$0x3F8B];
	s0 =	simm.s32 @p0 $0x1  }
0x13: {  	[smem:$0x3FA6] =	sst s0;
	s0 =	simm.s32 @!p1 $0x0  }
0x14: {  	s2 =	sld [smem:$0x3F8A];
	s0 =	simm.s32 @p1 $0x1  }
0x15: {  	[smem:$0x3FA7] =	sst s0;
	s0 =	simm.s32 @!p2 $0x0  }
0x16: {  	s3 =	sld [smem:$0x3FDB];
	s0 =	simm.s32 @p2 $0x1  }
0x17: {  	s4 =	simm.s32 $0x1BF5;
	[smem:$0x3FA9] =	sst s0  }
0x18: {  	s0 =	sld [smem:$0x3F8C];
	_ =	swait.ge [sflag:s4], $0x0  }
0x19: {  	s7 =	sld [smem:$0x3F8D]  }
0x1a: {  	s8 =	sadd.s32 $0xFFFFE003, lr  }
0x1b: {  	s9 =	sadd.s32 $0xFFFFFEF7, lr;
	s5 =	simm.s32 $0xFFFFFFFF;
	p2 =	slt.u32 s8, $0xFFFFF086  }
0x1c: {  	p1 =	slt.u32 s9, $0xF7A;
	s5 =	simm.s32 @!p2 $0x0  }
0x1d: {  	s5 =	simm.s32 @p1 $0x1;
	p0 =	seq.s32 s7, s2  }
0x1e: {  	s7 =	smul.u32 @!p0 $0xF7A, s2;
	p2 =	seq.s32 @!p0 s5, $0x0  }
0x1f: {  	s9 =	smul.u32 $0xF7A, s1;
	s8 =	simm.s32 @!p0 $0x1BF5;
	p2 =	por !p2, p0  }
0x20: {  	[sflag:s8] =	ssyncset.s32 @!p0 $0xFFFFF086;
	s6 =	sadd.s32 @!p0 s3, s7;
	s7 =	simm.s32 @!p0 $0x108  }
0x21: {  	s3 =	sadd.s32 s3, s9;
	s6 =	sadd.s32 @!p0 $0x88, s6;
	s7 =	simm.s32 @p2 $0x1082  }
0x22: {  	[simem:s7], [sflag:s8] =	dma.local @!p0 [hbm:s6], $0xF7A  }
0x23: {  	s9 =	sor.u32 $0xD0000000, s2;
	s6 =	simm.s32 $0x108;
	_ =	swait.ge @!p0 [sflag:s8], $0x0  }
0x24: {  	s3 =	sadd.s32 $0x88, s3;
	s6 =	simm.s32 @!p1 $0x1082;
	[sflag:s4] =	ssyncset.s32 $0xFFFFF086  }
0x25: {  	[simem:s6], [sflag:s4] =	dma.local [hbm:s3], $0xF7A  }
0x26: {  	[smem:$0x3F8D] =	sst s1;
	(tag) =	ssettag s2;
	_ =	strace s9  }
0x27: {  	s1 =	sld [smem:$0x3F9D]  }
0x28: {  	s2 =	sld [smem:$0x3F9E]  }
0x29: {  	s4 =	sld [smem:$0x3FA0]  }
0x2a: {  	p0 =	seq.s32 s5, $0x0;
	s5 =	sld [smem:$0x3FA1]  }
0x2b: {  	s6 =	sld [smem:$0x3FA2]  }
0x2c: {  	s7 =	sld [smem:$0x3FA3]  }
0x2d: {  	s3 =	simm.s32 $0x108;
	s8 =	sld [smem:$0x3FA4]  }
0x2e: {  	s3 =	simm.s32 @!p0 $0x1082;
	s9 =	sld [smem:$0x3FA5]  }
0x2f: {  	lr =	sadd.s32 s0, s3;
	s0 =	sld [smem:$0x3F9C]  }
0x30: {  	s3 =	sld [smem:$0x3F9F]  }
0x31: {  	[smem:$0x3FA8] =	sst s10  }
0x32: {  	s10 =	sld [smem:$0x3FA6];
	_ =	sdelay $0x3  }
0x33: {  	p0 =	seq.s32 s10, $0x1;
	s10 =	sld [smem:$0x3FA8];
	_ =	sdelay $0x3  }
0x34: {  	[smem:$0x3FA8] =	sst s10  }
0x35: {  	s10 =	sld [smem:$0x3FA7];
	_ =	sdelay $0x3  }
0x36: {  	p1 =	seq.s32 s10, $0x1;
	s10 =	sld [smem:$0x3FA8];
	_ =	sdelay $0x3  }
0x37: {  	[smem:$0x3FA8] =	sst s10  }
0x38: {  	s10 =	sld [smem:$0x3FA9]  }
0x39: {  	_ = 	snop;
	(pc) =	sbr.ind lr, $3  }
0x3a: {  	_ = 	snop  }
0x3b: {  	_ = 	snop  }
0x3c: {  	p2 =	seq.s32 s10, $0x1;
	s10 =	sld [smem:$0x3FA8]  }
0x3d: {  	_ =	shalt  }
0x3e: {  	_ =	shalt  }
0x3f: {  	_ =	shalt  }
0x40: {  	_ =	shalt  }
0x41: {  	_ =	shalt  }
0x42: {  	_ =	shalt  }
0x43: {  	_ =	shalt  }
0x44: {  	_ =	shalt  }
0x45: {  	_ =	shalt  }
0x46: {  	_ =	shalt  }
0x47: {  	_ =	shalt  }
0x48: {  	_ =	shalt  }
0x49: {  	_ =	shalt  }
0x4a: {  	_ =	shalt  }
0x4b: {  	_ =	shalt  }
0x4c: {  	_ =	shalt  }
0x4d: {  	_ =	shalt  }
0x4e: {  	_ =	shalt  }
0x4f: {  	_ =	shalt  }
0x50: {  	_ =	shalt  }
0x51: {  	_ =	shalt  }
0x52: {  	_ =	shalt  }
0x53: {  	_ =	shalt  }
0x54: {  	_ =	shalt  }
0x55: {  	_ =	shalt  }
0x56: {  	_ =	shalt  }
0x57: {  	_ =	shalt  }
0x58: {  	_ =	shalt  }
0x59: {  	_ =	shalt  }
0x5a: {  	_ =	shalt  }
0x5b: {  	_ =	shalt  }
0x5c: {  	_ =	shalt  }
0x5d: {  	_ =	shalt  }
0x5e: {  	_ =	shalt  }
0x5f: {  	_ =	shalt  }
0x60: {  	_ =	shalt  }
0x61: {  	_ =	shalt  }
0x62: {  	_ =	shalt  }
0x63: {  	_ =	shalt  }
0x64: {  	_ =	shalt  }
0x65: {  	_ =	shalt  }
0x66: {  	_ =	shalt  }
0x67: {  	_ =	shalt  }
0x68: {  	_ =	shalt  }
0x69: {  	_ =	shalt  }
0x6a: {  	_ =	shalt  }
0x6b: {  	_ =	shalt  }
0x6c: {  	_ =	shalt  }
0x6d: {  	_ =	shalt  }
0x6e: {  	_ =	shalt  }
0x6f: {  	_ =	shalt  }
0x70: {  	_ =	shalt  }
0x71: {  	_ =	shalt  }
0x72: {  	_ =	shalt  }
0x73: {  	_ =	shalt  }
0x74: {  	_ =	shalt  }
0x75: {  	_ =	shalt  }
0x76: {  	_ =	shalt  }
0x77: {  	_ =	shalt  }
0x78: {  	_ =	shalt  }
0x79: {  	_ =	shalt  }
0x7a: {  	_ =	shalt  }
0x7b: {  	_ =	shalt  }
0x7c: {  	_ =	shalt  }
0x7d: {  	_ =	shalt  }
0x7e: {  	_ =	shalt  }
0x7f: {  	_ =	shalt  }
0x80: {  	_ =	shalt  }
0x81: {  	_ =	shalt  }
0x82: {  	_ =	shalt  }
0x83: {  	_ =	shalt  }
0x84: {  	_ =	shalt  }
0x85: {  	_ =	shalt  }
0x86: {  	_ =	shalt  }
0x87: {  	_ =	shalt  }
.Lfunc_end0:
.L_simem_size_0:
called_computation.9_lowered:
.L_overlay_start_0:
0x88: {  	s2 =	sld [smem:$0x3FD9]  }
0x89: {  	s3 =	sld [smem:$0x3FFE];
	_ =	sdelay $0x1  }
0x8a: {  	s1 =	srdreg.scid  }
0x8b: {  	s0 =	sand.u32 $0x1, s1  }
0x8c: {  	s16 =	sshll.u32 s0, $0xA;
	s2 =	sadd.s32 s3, s2  }
0x8d: {  	s2 =	sadd.s32 s2, s16  }
0x8e: {  	[smem:$0x3FB4] =	sst s2  }
0x8f: {  	_ = 	snop  }
0x90: {  	(tm) =	ssettm $0x1  }
0x91: {  	s17 =	sld [smem:$0x3FFB];
	_ =	sdelay $0x3  }
0x92: {  	_ =	strace s17  }
0x93: {  	s2 =	sld [smem:$0x3FFC];
	_ =	sdelay $0x3  }
0x94: {  	_ =	strace s2  }
0x95: {  	s2 =	sld [smem:$0x3FFD];
	_ =	sdelay $0x3  }
0x96: {  	_ =	strace s2  }
0x97: {  	_ =	strace $0x8FFFFFFF  }
0x98: {  	s18 =	sld [smem:$0x3FDB];
	_ =	sdelay $0x1  }
0x99: {  	s19 =	simm.s32 $_scs_section_size  }
0x9a: {  	s4 =	simm.s32 $_size__tile_overlayer_lowered;
	s5 =	simm.s32 $_tile_overlayer_lowered  }
0x9b: {  	s22 =	simm.s32 $0x1BFF;
	s21 =	sshll.u32 s5, $0x1;
	s2 =	sadd.s32 s19, s18  }
0x9c: {  	s6 =	simm.s32 $0x0;
	s20 =	sshll.u32 s4, $0x1;
	s4 =	sadd.s32 s21, s2  }
0x9d: {  	[timem:s6], [sflag:s22] =	dma.local [hbm:s4], s20  }
0x9e: {  	_ =	swait.ge [sflag:s22], s20  }
0x9f: {  	s3 =	ssub.s32 $0x0, s20;
	[sflag:s22] =	ssyncset.done $0x0  }
0xa0: {  	[sflag:s22] =	ssyncadd.s32 s3;
	_ =	sdelay $0x1  }
0xa1: {  	s23 =	simm.s32 $0x1B8B  }
0xa2: {  	_ =	swait.ge [sflag:s23], $0x1  }
0xa3: {  	[sflag:s23] =	ssyncset.done $0x0  }
0xa4: {  	s25 =	simm.s32 $0x1B8E;
	s24 =	sld [smem:$0x3FFE];
	[sflag:s23] =	ssyncadd.s32 $0xFFFFFFFF  }
0xa5: {  	s26 =	simm.s32 $execute0_lowered;
	[smem:$0x3FD2] =	sst s25  }
0xa6: {  	s4 =	sshll.u32 s26, $0x1;
	_ =	strace $0x80000052;
	[dreg:$0x1] =	wrdreg $0xFFFFFFFF  }
0xa7: {  	s28 =	simm.s32 $_size_execute0_lowered;
	s2 =	sadd.s32 s2, s4;
	[dreg:$0x0] =	wrdreg $0x0  }
0xa8: {  	s4 =	sshll.u32 s28, $0x1;
	[dreg:$0x2] =	wrdreg s2  }
0xa9: {  	[dreg:$0x3] =	wrdreg s4  }
0xaa: {  	[dreg:$0x4] =	wrdreg $0xC0  }
0xab: {  	_ =	task [dreg:s6], $0x5FFFF  }
0xac: {  	[dreg:$0x1] =	wrdreg $0xFFFFFFFF  }
0xad: {  	[dreg:$0x0] =	wrdreg $0x60  }
0xae: {  	[dreg:$0x2] =	wrdreg s24  }
0xaf: {  	[dreg:$0x3] =	wrdreg $0x9  }
0xb0: {  	_ =	task.clear_ibuf [dreg:s6], $0x4FFFF;
	_ =	strace $0x90000052  }
0xb1: {  	s29 =	simm.s32 $0x9;
	_ =	strace $0x80000054  }
0xb2: {  	_ =	swait.ge [sflag:s29], $0x1  }
0xb3: {  	[sflag:s29] =	ssyncadd.s32 $0xFFFFFFFF  }
0xb4: {  	_ =	strace $0x90000054  }
0xb5: {  	_ =	sfence  }
0xb6: {  	s30 =	sld [smem:$0x0];
	_ =	sdelay $0x2  }
0xb7: {  	s31 =	sshll.u32 s1, $0xD;
	s1 =	sshrl.u32 s1, $0x2  }
0xb8: {  	s3 =	sand.u32 $0x4000, s31;
	s1 =	sadd.s32 s1, s30  }
0xb9: {  	s0 =	sor.u32 s3, s0;
	s1 =	sshll.u32 s1, $0x11  }
0xba: {  	s0 =	sor.u32 s1, s0  }
0xbb: {  	s0 =	sadd.s32 $0x8F2B, s0  }
0xbc: {  	[sflag:s0] =	ssyncadd.remote.s32 $0x1  }
0xbd: {  	_ =	sfence.sel $0xFFFF  }
0xbe: {  	[dreg:$0x0] =	wrdreg $0xFFFFFFFF;
	(pc) =	sbr.abs _section_cstart, $3  }
0xbf: {  	[dreg:$0x1] =	wrdreg $0xFFFFFFFF  }
0xc0: {  	_ =	task.clear_ibuf [dreg:s6], $0x2FFFF;
	_ =	strace $0x9FFFFFFF  }
0xc1: {  	(tm) =	ssettm $0x7FFFFFFF  }
tec
execute0_lowered:
.L_overlay_start_1:
0x0: {  	(tag) =	ssettag $0x1  }
0x1: {  	s6 =	rddreg [dreg:$0x0]  }
0x2: {  	s0 =	rddreg [dreg:$0x1];
	s1 =	simm.s32 $0x0  }
0x3: {  	s2 =	srdreg.scid;
	s10 =	simm.s32 $0x80;
	s11 =	simm.s32 $0x180  }
0x4: {  	s12 =	simm.s32 $0x1;
	s13 =	simm.s32 $0x0;
	[smem:$0x7FF] =	sst s1  }
0x5: {  	s3 =	sadd.s32 $0xF200, s6;
	s4 =	sadd.s32 $0x69800, s6;
	s5 =	sand.u32 $0x1, s2  }
0x6: {  	s2 =	stileid.u32;
	_ =	strace $0x80000053;
	s7 =	ssub.s32 $0x2, s5  }
0x7: {  	s8 =	sshll.u32 s5, $0x4;
	s5 =	sadd.s32 $0x4AE00, s6;
	s9 =	sshrl.u32 s7, $0x1  }
0x8: {  	s6 =	sadd.s32 $0x5BFE00, s6;
	s8 =	sor.u32 s2, s8;
	s9 =	ssub.s32 s7, s9  }
0x9: {  	s7 =	smul.u32 $0x2880, s8;
	s8 =	smax.u32 s9, $0x1;
	s9 =	simm.s32 $0x2  }
.LBB2_1:
0xa: {  	s14 =	simm.s32 $0x0  }
.LBB2_2:
0xb: {  	s15 =	sshll.u32 s14, $0x7  }
0xc: {  	s15 =	sadd.s32 s7, s15  }
0xd: {  	s16 =	sshrl.u32 s15, $0x3  }
0xe: {  	s18 =	simm.s32 $0x0;
	s17 =	sadd.s32 s4, s16  }
0xf: {  	[tilespmem:s18], [sflag:$0x2] =	stream.linear.gather [hbm4b:s17+s18], $0x80, $0x38;
	[tilespmem:$0x4180] =	vst v63  }
0x10: {  	_ =	swait.ge [sflag:s9], $0x80  }
0x11: {  	[sflag:s9] =	ssyncset.done $0x0  }
0x12: {  	s16 =	sadd.s32 s5, s16;
	[sflag:s9] =	ssyncadd.s32 $0xFFFFFF80  }
0x13: {  	[tilespmem:s10], [sflag:$0x2] =	stream.linear.gather [hbm4b:s16+s18], $0x80, $0x38;
	[tilespmem:$0x4180] =	vst v63  }
0x14: {  	_ =	swait.ge [sflag:s9], $0x80  }
0x15: {  	[sflag:s9] =	ssyncset.done $0x0  }
0x16: {  	[sflag:s9] =	ssyncadd.s32 $0xFFFFFF80  }
0x17: {  	[tilespmem:s11], [sflag:$0x1] =	stream.indirect.gather [hbm4b:s3+s10], $0x80, s18, s10, $0xb8;
	[tilespmem:$0x4180] =	vst v63  }
0x18: {  	_ =	swait.ge [sflag:s12], $0x4000  }
0x19: {  	[sflag:s12] =	ssyncset.done $0x0  }
0x1a: {  	s16 =	simm.s32 $0x1C0;
	[sflag:s12] =	ssyncadd.s32 $0xFFFFC000  }
0x1b: {  	v4 =	vld [tilespmem:s16+$0x30]  }
0x1c: {  	v7 =	vld [tilespmem:s16+$0x10]  }
0x1d: {  	s31 =	simm.s32 $0x0;
	v5 =	vld [tilespmem:s16+$0xFFFFFFC0]  }
0x1e: {  	v1 =	vld.msk [tilespmem:s31+$0x80 ss:$0x0], $0xffff  }
0x1f: {  	v9 =	vld [tilespmem:s16+$0xFFFFFFE0]  }
0x20: {  	v0 =	vld [tilespmem:s16+$0xFFFFFFF0]  }
0x21: {  	v2 =	vld [tilespmem:s16+$0x20]  }
0x22: {  	v3 =	vld [tilespmem:s16+$0xFFFFFFD0]  }
0x23: {  	v8 =	vmul.f32 v4, v1;
	v4 =	vld [tilespmem:s16+$0x0]  }
0x24: {  	v6 =	vmul.f32 v1, v5  }
0x25: {  	s17 =	simm.s32 $0x4;
	s18 =	simm.s32 $0x1C0;
	v5 =	vmul.f32 v9, v1;
	v7 =	vmul.f32 v7, v1  }
.LBB2_3:
0x26: {  	p0 =	sne.s32 s17, $0x1FC  }
0x27: {  	v3 =	vmul.f32 v3, v1;
	v2 =	vmul.f32 v2, v1;
	[tilespmem:s16+$0x30] =	vst v8;
	s18 =	sadd.s32 $0x80, s18;
	s19 =	smov.u32 s17;
	s17 =	sadd.s32 $0x4, s17  }
0x28: {  	[tilespmem:s16+$0xFFFFFFC0] =	vst v6;
	v6 =	vmul.f32 v0, v1;
	v1 =	vmul.f32 v4, v1  }
0x29: {  	[tilespmem:s16+$0x10] =	vst v7  }
0x2a: {  	[tilespmem:s16+$0xFFFFFFE0] =	vst v5  }
0x2b: {  	v0 =	vld [tilespmem:s18+$0xFFFFFFF0];
	[tilespmem:s16+$0xFFFFFFF0] =	vst v6  }
0x2c: {  	v5 =	vld [tilespmem:s18+$0x30];
	[tilespmem:s16+$0x0] =	vst v1  }
0x2d: {  	v7 =	vld [tilespmem:s18+$0x10];
	[tilespmem:s16+$0x20] =	vst v2  }
0x2e: {  	s19 =	sshra.s32 s19, $0x2;
	v6 =	vld [tilespmem:s18+$0xFFFFFFC0];
	[tilespmem:s16+$0xFFFFFFD0] =	vst v3;
	s16 =	smov.u32 s18  }
0x2f: {  	v1 =	vld.msk [tilespmem:s19+$0x80 ss:$0x0], $0xffff  }
0x30: {  	v9 =	vld [tilespmem:s18+$0xFFFFFFE0]  }
0x31: {  	v2 =	vld [tilespmem:s18+$0x20]  }
.Ltmp0:
0x32: {  	v3 =	vld [tilespmem:s18+$0xFFFFFFD0];
	(pc) =	sbr.rel @p0 .LBB2_3-.Ltmp0, $3  }
0x33: {  	v4 =	vld [tilespmem:s18+$0x0];
	_ =	sdelay $0x1  }
0x34: {  	v6 =	vmul.f32 v1, v6;
	v8 =	vmul.f32 v5, v1  }
0x35: {  	v7 =	vmul.f32 v7, v1;
	v5 =	vmul.f32 v9, v1  }
0x36: {  	[tilespmem:s16+$0x30] =	vst v8  }
0x37: {  	[tilespmem:s16+$0xFFFFFFC0] =	vst v6  }
0x38: {  	v0 =	vmul.f32 v0, v1;
	[tilespmem:s16+$0x10] =	vst v7  }
0x39: {  	v2 =	vmul.f32 v2, v1;
	[tilespmem:s16+$0xFFFFFFE0] =	vst v5  }
0x3a: {  	v63 =	vmul.f32 v3, v1;
	[tilespmem:s16+$0xFFFFFFF0] =	vst v0  }
0x3b: {  	s14 =	sadd.s32 $0x1, s14;
	v4 =	vmul.f32 v4, v1;
	[tilespmem:s16+$0x20] =	vst v2  }
0x3c: {  	s15 =	sshll.u32 s15, $0x4;
	p0 =	sne.s32 s14, $0x51;
	[tilespmem:s16+$0xFFFFFFD0] =	vst v63  }
.Ltmp1:
0x3d: {  	s15 =	sadd.s32 s6, s15;
	[tilespmem:s16+$0x0] =	vst v4;
	(pc) =	sbr.rel @p0 .LBB2_2-.Ltmp1, $4  }
0x3e: {  	[hbm4b:s15+s1] =	stream.linear.scatter [tilespmem:s11], [sflag:$0x2], $0x4000, $0x38;
	[tilespmem:$0x4180] =	vst v63  }
0x3f: {  	_ =	swait.ge [sflag:s9], $0x4000  }
0x40: {  	[sflag:s9] =	ssyncset.done $0x0  }
0x41: {  	[sflag:s9] =	ssyncadd.s32 $0xFFFFC000  }
0x42: {  	s13 =	sadd.s32 $0x1, s13  }
0x43: {  	p0 =	sne.s32 s13, s8  }
.Ltmp2:
0x44: {  	_ = 	snop;
	(pc) =	sbr.rel @p0 .LBB2_1-.Ltmp2, $1  }
0x45: {  	_ =	sdelay $0x3  }
0x46: {  	_ =	sfence.sel $0x180000  }
0x47: {  	[bflag:$0x0] =	sbarrier.arrive $0xFFFF  }
0x48: {  	p0 =	sne.s32 s2, $0x0;
	_ =	strace $0x90000053  }
0x49: {  	s0 =	sadd.s32 @!p0 $0x100000, s0;
	[bflag:$0x2] =	sbarrier.arrive $0xFFFF  }
0x4a: {  	[sflag:s0] =	ssyncadd.tile.s32 @!p0 $0x1;
	_ =	shalt  }
.Lfunc_end2:
_tile_overlayer_lowered:
.L_overlay_start_2:
0x4b: {  	(tag) =	ssettag $0x2  }
0x4c: {  	s0 =	rddreg [dreg:$0x0];
	s2 =	stileid.u32  }
0x4d: {  	s1 =	rddreg [dreg:$0x1];
	p0 =	sne.s32 s2, $0x0  }
0x4e: {  	s3 =	rddreg [dreg:$0x2];
	[bflag:$0x3] =	sbarrier.arrive $0xFFFF;
	s2 =	simm.s32 @!p0 $0x1C02  }
0x4f: {  	[timem:s3], [sflag:s2] =	dma.local @!p0 [hbm:s0], s1  }
0x50: {  	s0 =	simm.s32 @!p0 $0x2  }
0x51: {  	_ =	swait.ge @!p0 [sflag:s0], s1  }
0x52: {  	s1 =	ssub.s32 @!p0 $0x0, s1;
	[sflag:s0] =	ssyncset.done @!p0 $0x0  }
0x53: {  	[sflag:s0] =	ssyncadd.s32 @!p0 s1  }
0x54: {  	[bflag:$0x3] =	sbarrier.arrive $0xFFFF  }
0x55: {  	_ =	shalt  }

// kernel: kernel.17.cloned.1.call-start
scs
__scs_entry_jumppad:
0x0: {  	(pc) =	sbr.rel $0x88, $3  }
0x1: {  	(tag) =	ssettag $0x0;
	lr =	simm.s32 $0x1  }
0x2: {  	[smem:$0x3F8D] =	sst lr;
	_ =	strace $0xD0000000  }
0x3: {  	_ = 	snop  }
0x4: {  	_ = 	snop  }
0x5: {  	_ = 	snop  }
0x6: {  	_ = 	snop  }
0x7: {  	_ = 	snop  }
__scs_overlays_trampoline_lowered:
0x8: {  	[smem:$0x3F9C] =	sst s0  }
0x9: {  	[smem:$0x3F9D] =	sst s1  }
0xa: {  	[smem:$0x3F9E] =	sst s2  }
0xb: {  	[smem:$0x3F9F] =	sst s3  }
0xc: {  	[smem:$0x3FA0] =	sst s4  }
0xd: {  	[smem:$0x3FA1] =	sst s5  }
0xe: {  	[smem:$0x3FA2] =	sst s6  }
0xf: {  	[smem:$0x3FA3] =	sst s7  }
0x10: {  	[smem:$0x3FA4] =	sst s8  }
0x11: {  	[smem:$0x3FA5] =	sst s9;
	s0 =	simm.s32 @!p0 $0x0  }
0x12: {  	s1 =	sld [smem:$0x3F8B];
	s0 =	simm.s32 @p0 $0x1  }
0x13: {  	[smem:$0x3FA6] =	sst s0;
	s0 =	simm.s32 @!p1 $0x0  }
0x14: {  	s2 =	sld [smem:$0x3F8A];
	s0 =	simm.s32 @p1 $0x1  }
0x15: {  	[smem:$0x3FA7] =	sst s0;
	s0 =	simm.s32 @!p2 $0x0  }
0x16: {  	s3 =	sld [smem:$0x3FDB];
	s0 =	simm.s32 @p2 $0x1  }
0x17: {  	s4 =	simm.s32 $0x1BF5;
	[smem:$0x3FA9] =	sst s0  }
0x18: {  	s0 =	sld [smem:$0x3F8C];
	_ =	swait.ge [sflag:s4], $0x0  }
0x19: {  	s7 =	sld [smem:$0x3F8D]  }
0x1a: {  	s8 =	sadd.s32 $0xFFFFE003, lr  }
0x1b: {  	s9 =	sadd.s32 $0xFFFFFEF7, lr;
	s5 =	simm.s32 $0xFFFFFFFF;
	p2 =	slt.u32 s8, $0xFFFFF086  }
0x1c: {  	p1 =	slt.u32 s9, $0xF7A;
	s5 =	simm.s32 @!p2 $0x0  }
0x1d: {  	s5 =	simm.s32 @p1 $0x1;
	p0 =	seq.s32 s7, s2  }
0x1e: {  	s7 =	smul.u32 @!p0 $0xF7A, s2;
	p2 =	seq.s32 @!p0 s5, $0x0  }
0x1f: {  	s9 =	smul.u32 $0xF7A, s1;
	s8 =	simm.s32 @!p0 $0x1BF5;
	p2 =	por !p2, p0  }
0x20: {  	[sflag:s8] =	ssyncset.s32 @!p0 $0xFFFFF086;
	s6 =	sadd.s32 @!p0 s3, s7;
	s7 =	simm.s32 @!p0 $0x108  }
0x21: {  	s3 =	sadd.s32 s3, s9;
	s6 =	sadd.s32 @!p0 $0x88, s6;
	s7 =	simm.s32 @p2 $0x1082  }
0x22: {  	[simem:s7], [sflag:s8] =	dma.local @!p0 [hbm:s6], $0xF7A  }
0x23: {  	s9 =	sor.u32 $0xD0000000, s2;
	s6 =	simm.s32 $0x108;
	_ =	swait.ge @!p0 [sflag:s8], $0x0  }
0x24: {  	s3 =	sadd.s32 $0x88, s3;
	s6 =	simm.s32 @!p1 $0x1082;
	[sflag:s4] =	ssyncset.s32 $0xFFFFF086  }
0x25: {  	[simem:s6], [sflag:s4] =	dma.local [hbm:s3], $0xF7A  }
0x26: {  	[smem:$0x3F8D] =	sst s1;
	(tag) =	ssettag s2;
	_ =	strace s9  }
0x27: {  	s1 =	sld [smem:$0x3F9D]  }
0x28: {  	s2 =	sld [smem:$0x3F9E]  }
0x29: {  	s4 =	sld [smem:$0x3FA0]  }
0x2a: {  	p0 =	seq.s32 s5, $0x0;
	s5 =	sld [smem:$0x3FA1]  }
0x2b: {  	s6 =	sld [smem:$0x3FA2]  }
0x2c: {  	s7 =	sld [smem:$0x3FA3]  }
0x2d: {  	s3 =	simm.s32 $0x108;
	s8 =	sld [smem:$0x3FA4]  }
0x2e: {  	s3 =	simm.s32 @!p0 $0x1082;
	s9 =	sld [smem:$0x3FA5]  }
0x2f: {  	lr =	sadd.s32 s0, s3;
	s0 =	sld [smem:$0x3F9C]  }
0x30: {  	s3 =	sld [smem:$0x3F9F]  }
0x31: {  	[smem:$0x3FA8] =	sst s10  }
0x32: {  	s10 =	sld [smem:$0x3FA6];
	_ =	sdelay $0x3  }
0x33: {  	p0 =	seq.s32 s10, $0x1;
	s10 =	sld [smem:$0x3FA8];
	_ =	sdelay $0x3  }
0x34: {  	[smem:$0x3FA8] =	sst s10  }
0x35: {  	s10 =	sld [smem:$0x3FA7];
	_ =	sdelay $0x3  }
0x36: {  	p1 =	seq.s32 s10, $0x1;
	s10 =	sld [smem:$0x3FA8];
	_ =	sdelay $0x3  }
0x37: {  	[smem:$0x3FA8] =	sst s10  }
0x38: {  	s10 =	sld [smem:$0x3FA9]  }
0x39: {  	_ = 	snop;
	(pc) =	sbr.ind lr, $3  }
0x3a: {  	_ = 	snop  }
0x3b: {  	_ = 	snop  }
0x3c: {  	p2 =	seq.s32 s10, $0x1;
	s10 =	sld [smem:$0x3FA8]  }
0x3d: {  	_ =	shalt  }
0x3e: {  	_ =	shalt  }
0x3f: {  	_ =	shalt  }
0x40: {  	_ =	shalt  }
0x41: {  	_ =	shalt  }
0x42: {  	_ =	shalt  }
0x43: {  	_ =	shalt  }
0x44: {  	_ =	shalt  }
0x45: {  	_ =	shalt  }
0x46: {  	_ =	shalt  }
0x47: {  	_ =	shalt  }
0x48: {  	_ =	shalt  }
0x49: {  	_ =	shalt  }
0x4a: {  	_ =	shalt  }
0x4b: {  	_ =	shalt  }
0x4c: {  	_ =	shalt  }
0x4d: {  	_ =	shalt  }
0x4e: {  	_ =	shalt  }
0x4f: {  	_ =	shalt  }
0x50: {  	_ =	shalt  }
0x51: {  	_ =	shalt  }
0x52: {  	_ =	shalt  }
0x53: {  	_ =	shalt  }
0x54: {  	_ =	shalt  }
0x55: {  	_ =	shalt  }
0x56: {  	_ =	shalt  }
0x57: {  	_ =	shalt  }
0x58: {  	_ =	shalt  }
0x59: {  	_ =	shalt  }
0x5a: {  	_ =	shalt  }
0x5b: {  	_ =	shalt  }
0x5c: {  	_ =	shalt  }
0x5d: {  	_ =	shalt  }
0x5e: {  	_ =	shalt  }
0x5f: {  	_ =	shalt  }
0x60: {  	_ =	shalt  }
0x61: {  	_ =	shalt  }
0x62: {  	_ =	shalt  }
0x63: {  	_ =	shalt  }
0x64: {  	_ =	shalt  }
0x65: {  	_ =	shalt  }
0x66: {  	_ =	shalt  }
0x67: {  	_ =	shalt  }
0x68: {  	_ =	shalt  }
0x69: {  	_ =	shalt  }
0x6a: {  	_ =	shalt  }
0x6b: {  	_ =	shalt  }
0x6c: {  	_ =	shalt  }
0x6d: {  	_ =	shalt  }
0x6e: {  	_ =	shalt  }
0x6f: {  	_ =	shalt  }
0x70: {  	_ =	shalt  }
0x71: {  	_ =	shalt  }
0x72: {  	_ =	shalt  }
0x73: {  	_ =	shalt  }
0x74: {  	_ =	shalt  }
0x75: {  	_ =	shalt  }
0x76: {  	_ =	shalt  }
0x77: {  	_ =	shalt  }
0x78: {  	_ =	shalt  }
0x79: {  	_ =	shalt  }
0x7a: {  	_ =	shalt  }
0x7b: {  	_ =	shalt  }
0x7c: {  	_ =	shalt  }
0x7d: {  	_ =	shalt  }
0x7e: {  	_ =	shalt  }
0x7f: {  	_ =	shalt  }
0x80: {  	_ =	shalt  }
0x81: {  	_ =	shalt  }
0x82: {  	_ =	shalt  }
0x83: {  	_ =	shalt  }
0x84: {  	_ =	shalt  }
0x85: {  	_ =	shalt  }
0x86: {  	_ =	shalt  }
0x87: {  	_ =	shalt  }
.Lfunc_end0:
.L_simem_size_0:
called_computation.10_lowered:
.L_overlay_start_0:
0x88: {  	s2 =	sld [smem:$0x3FD9]  }
0x89: {  	s3 =	sld [smem:$0x3FFE];
	_ =	sdelay $0x1  }
0x8a: {  	s1 =	srdreg.scid  }
0x8b: {  	s0 =	sand.u32 $0x1, s1  }
0x8c: {  	s16 =	sshll.u32 s0, $0xA;
	s2 =	sadd.s32 s3, s2  }
0x8d: {  	s2 =	sadd.s32 s2, s16  }
0x8e: {  	[smem:$0x3FB4] =	sst s2  }
0x8f: {  	_ = 	snop  }
0x90: {  	(tm) =	ssettm $0x1  }
0x91: {  	s17 =	sld [smem:$0x3FFB];
	_ =	sdelay $0x3  }
0x92: {  	_ =	strace s17  }
0x93: {  	s2 =	sld [smem:$0x3FFC];
	_ =	sdelay $0x3  }
0x94: {  	_ =	strace s2  }
0x95: {  	s2 =	sld [smem:$0x3FFD];
	_ =	sdelay $0x3  }
0x96: {  	_ =	strace s2  }
0x97: {  	_ =	strace $0x8FFFFFFF  }
0x98: {  	s18 =	sld [smem:$0x3FDB];
	_ =	sdelay $0x1  }
0x99: {  	s19 =	simm.s32 $_scs_section_size  }
0x9a: {  	s4 =	simm.s32 $_size__tile_overlayer_lowered;
	s5 =	simm.s32 $_tile_overlayer_lowered  }
0x9b: {  	s22 =	simm.s32 $0x1BFF;
	s21 =	sshll.u32 s5, $0x1;
	s2 =	sadd.s32 s19, s18  }
0x9c: {  	s6 =	simm.s32 $0x0;
	s20 =	sshll.u32 s4, $0x1;
	s4 =	sadd.s32 s21, s2  }
0x9d: {  	[timem:s6], [sflag:s22] =	dma.local [hbm:s4], s20  }
0x9e: {  	_ =	swait.ge [sflag:s22], s20  }
0x9f: {  	s3 =	ssub.s32 $0x0, s20;
	[sflag:s22] =	ssyncset.done $0x0  }
0xa0: {  	[sflag:s22] =	ssyncadd.s32 s3;
	_ =	sdelay $0x1  }
0xa1: {  	s23 =	simm.s32 $0x1B8B  }
0xa2: {  	_ =	swait.ge [sflag:s23], $0x1  }
0xa3: {  	[sflag:s23] =	ssyncset.done $0x0  }
0xa4: {  	s25 =	simm.s32 $0x1B8E;
	s24 =	sld [smem:$0x3FFE];
	[sflag:s23] =	ssyncadd.s32 $0xFFFFFFFF  }
0xa5: {  	s26 =	simm.s32 $execute0_lowered;
	[smem:$0x3FD2] =	sst s25  }
0xa6: {  	s4 =	sshll.u32 s26, $0x1;
	_ =	strace $0x8000005B;
	[dreg:$0x1] =	wrdreg $0xFFFFFFFF  }
0xa7: {  	s28 =	simm.s32 $_size_execute0_lowered;
	s2 =	sadd.s32 s2, s4;
	[dreg:$0x0] =	wrdreg $0x0  }
0xa8: {  	s4 =	sshll.u32 s28, $0x1;
	[dreg:$0x2] =	wrdreg s2  }
0xa9: {  	[dreg:$0x3] =	wrdreg s4  }
0xaa: {  	[dreg:$0x4] =	wrdreg $0xC0  }
0xab: {  	_ =	task [dreg:s6], $0x5FFFF  }
0xac: {  	[dreg:$0x1] =	wrdreg $0xFFFFFFFF  }
0xad: {  	[dreg:$0x0] =	wrdreg $0x60  }
0xae: {  	[dreg:$0x2] =	wrdreg s24  }
0xaf: {  	[dreg:$0x3] =	wrdreg $0x9  }
0xb0: {  	_ =	task.clear_ibuf [dreg:s6], $0x4FFFF;
	_ =	strace $0x9000005B  }
0xb1: {  	s29 =	simm.s32 $0x9;
	_ =	strace $0x8000005D  }
0xb2: {  	_ =	swait.ge [sflag:s29], $0x1  }
0xb3: {  	[sflag:s29] =	ssyncadd.s32 $0xFFFFFFFF  }
0xb4: {  	_ =	strace $0x9000005D  }
0xb5: {  	_ =	sfence  }
0xb6: {  	s30 =	sld [smem:$0x0];
	_ =	sdelay $0x2  }
0xb7: {  	s31 =	sshll.u32 s1, $0xD;
	s1 =	sshrl.u32 s1, $0x2  }
0xb8: {  	s3 =	sand.u32 $0x4000, s31;
	s1 =	sadd.s32 s1, s30  }
0xb9: {  	s0 =	sor.u32 s3, s0;
	s1 =	sshll.u32 s1, $0x11  }
0xba: {  	s0 =	sor.u32 s1, s0  }
0xbb: {  	s0 =	sadd.s32 $0x8F2B, s0  }
0xbc: {  	[sflag:s0] =	ssyncadd.remote.s32 $0x1  }
0xbd: {  	_ =	sfence.sel $0xFFFF  }
0xbe: {  	[dreg:$0x0] =	wrdreg $0xFFFFFFFF;
	(pc) =	sbr.abs _section_cstart, $3  }
0xbf: {  	[dreg:$0x1] =	wrdreg $0xFFFFFFFF  }
0xc0: {  	_ =	task.clear_ibuf [dreg:s6], $0x2FFFF;
	_ =	strace $0x9FFFFFFF  }
0xc1: {  	(tm) =	ssettm $0x7FFFFFFF  }
tec
execute0_lowered:
.L_overlay_start_1:
0x0: {  	(tag) =	ssettag $0x1  }
0x1: {  	s6 =	rddreg [dreg:$0x0]  }
0x2: {  	s0 =	rddreg [dreg:$0x1];
	s1 =	simm.s32 $0x0  }
0x3: {  	s2 =	srdreg.scid;
	s10 =	simm.s32 $0x80;
	s11 =	simm.s32 $0x180  }
0x4: {  	s12 =	simm.s32 $0x1;
	s13 =	simm.s32 $0x0;
	[smem:$0x7FF] =	sst s1  }
0x5: {  	s3 =	sadd.s32 $0xF200, s6;
	s4 =	sadd.s32 $0x69800, s6;
	s5 =	sand.u32 $0x1, s2  }
0x6: {  	s2 =	stileid.u32;
	_ =	strace $0x8000005C;
	s7 =	ssub.s32 $0x2, s5  }
0x7: {  	s8 =	sshll.u32 s5, $0x4;
	s5 =	sadd.s32 $0x4AE00, s6;
	s9 =	sshrl.u32 s7, $0x1  }
0x8: {  	s6 =	sadd.s32 $0x5BFE00, s6;
	s8 =	sor.u32 s2, s8;
	s9 =	ssub.s32 s7, s9  }
0x9: {  	s7 =	smul.u32 $0x2880, s8;
	s8 =	smax.u32 s9, $0x1;
	s9 =	simm.s32 $0x2  }
.LBB2_1:
0xa: {  	s14 =	simm.s32 $0x0  }
.LBB2_2:
0xb: {  	s15 =	sshll.u32 s14, $0x7  }
0xc: {  	s15 =	sadd.s32 s7, s15  }
0xd: {  	s16 =	sshrl.u32 s15, $0x3  }
0xe: {  	s18 =	simm.s32 $0x0;
	s17 =	sadd.s32 s4, s16  }
0xf: {  	[tilespmem:s18], [sflag:$0x2] =	stream.linear.gather [hbm4b:s17+s18], $0x80, $0x38;
	[tilespmem:$0x4180] =	vst v63  }
0x10: {  	_ =	swait.ge [sflag:s9], $0x80  }
0x11: {  	[sflag:s9] =	ssyncset.done $0x0  }
0x12: {  	s16 =	sadd.s32 s5, s16;
	[sflag:s9] =	ssyncadd.s32 $0xFFFFFF80  }
0x13: {  	[tilespmem:s10], [sflag:$0x2] =	stream.linear.gather [hbm4b:s16+s18], $0x80, $0x38;
	[tilespmem:$0x4180] =	vst v63  }
0x14: {  	_ =	swait.ge [sflag:s9], $0x80  }
0x15: {  	[sflag:s9] =	ssyncset.done $0x0  }
0x16: {  	[sflag:s9] =	ssyncadd.s32 $0xFFFFFF80  }
0x17: {  	[tilespmem:s11], [sflag:$0x1] =	stream.indirect.gather [hbm4b:s3+s10], $0x80, s18, s10, $0xb8;
	[tilespmem:$0x4180] =	vst v63  }
0x18: {  	_ =	swait.ge [sflag:s12], $0x4000  }
0x19: {  	[sflag:s12] =	ssyncset.done $0x0  }
0x1a: {  	s16 =	simm.s32 $0x1C0;
	[sflag:s12] =	ssyncadd.s32 $0xFFFFC000  }
0x1b: {  	v4 =	vld [tilespmem:s16+$0x30]  }
0x1c: {  	v7 =	vld [tilespmem:s16+$0x10]  }
0x1d: {  	s31 =	simm.s32 $0x0;
	v5 =	vld [tilespmem:s16+$0xFFFFFFC0]  }
0x1e: {  	v1 =	vld.msk [tilespmem:s31+$0x80 ss:$0x0], $0xffff  }
0x1f: {  	v9 =	vld [tilespmem:s16+$0xFFFFFFE0]  }
0x20: {  	v0 =	vld [tilespmem:s16+$0xFFFFFFF0]  }
0x21: {  	v2 =	vld [tilespmem:s16+$0x20]  }
0x22: {  	v3 =	vld [tilespmem:s16+$0xFFFFFFD0]  }
0x23: {  	v8 =	vmul.f32 v4, v1;
	v4 =	vld [tilespmem:s16+$0x0]  }
0x24: {  	v6 =	vmul.f32 v1, v5  }
0x25: {  	s17 =	simm.s32 $0x4;
	s18 =	simm.s32 $0x1C0;
	v5 =	vmul.f32 v9, v1;
	v7 =	vmul.f32 v7, v1  }
.LBB2_3:
0x26: {  	p0 =	sne.s32 s17, $0x1FC  }
0x27: {  	v3 =	vmul.f32 v3, v1;
	v2 =	vmul.f32 v2, v1;
	[tilespmem:s16+$0x30] =	vst v8;
	s18 =	sadd.s32 $0x80, s18;
	s19 =	smov.u32 s17;
	s17 =	sadd.s32 $0x4, s17  }
0x28: {  	[tilespmem:s16+$0xFFFFFFC0] =	vst v6;
	v6 =	vmul.f32 v0, v1;
	v1 =	vmul.f32 v4, v1  }
0x29: {  	[tilespmem:s16+$0x10] =	vst v7  }
0x2a: {  	[tilespmem:s16+$0xFFFFFFE0] =	vst v5  }
0x2b: {  	v0 =	vld [tilespmem:s18+$0xFFFFFFF0];
	[tilespmem:s16+$0xFFFFFFF0] =	vst v6  }
0x2c: {  	v5 =	vld [tilespmem:s18+$0x30];
	[tilespmem:s16+$0x0] =	vst v1  }
0x2d: {  	v7 =	vld [tilespmem:s18+$0x10];
	[tilespmem:s16+$0x20] =	vst v2  }
0x2e: {  	s19 =	sshra.s32 s19, $0x2;
	v6 =	vld [tilespmem:s18+$0xFFFFFFC0];
	[tilespmem:s16+$0xFFFFFFD0] =	vst v3;
	s16 =	smov.u32 s18  }
0x2f: {  	v1 =	vld.msk [tilespmem:s19+$0x80 ss:$0x0], $0xffff  }
0x30: {  	v9 =	vld [tilespmem:s18+$0xFFFFFFE0]  }
0x31: {  	v2 =	vld [tilespmem:s18+$0x20]  }
.Ltmp0:
0x32: {  	v3 =	vld [tilespmem:s18+$0xFFFFFFD0];
	(pc) =	sbr.rel @p0 .LBB2_3-.Ltmp0, $3  }
0x33: {  	v4 =	vld [tilespmem:s18+$0x0];
	_ =	sdelay $0x1  }
0x34: {  	v6 =	vmul.f32 v1, v6;
	v8 =	vmul.f32 v5, v1  }
0x35: {  	v7 =	vmul.f32 v7, v1;
	v5 =	vmul.f32 v9, v1  }
0x36: {  	[tilespmem:s16+$0x30] =	vst v8  }
0x37: {  	[tilespmem:s16+$0xFFFFFFC0] =	vst v6  }
0x38: {  	v0 =	vmul.f32 v0, v1;
	[tilespmem:s16+$0x10] =	vst v7  }
0x39: {  	v2 =	vmul.f32 v2, v1;
	[tilespmem:s16+$0xFFFFFFE0] =	vst v5  }
0x3a: {  	v63 =	vmul.f32 v3, v1;
	[tilespmem:s16+$0xFFFFFFF0] =	vst v0  }
0x3b: {  	s14 =	sadd.s32 $0x1, s14;
	v4 =	vmul.f32 v4, v1;
	[tilespmem:s16+$0x20] =	vst v2  }
0x3c: {  	s15 =	sshll.u32 s15, $0x4;
	p0 =	sne.s32 s14, $0x51;
	[tilespmem:s16+$0xFFFFFFD0] =	vst v63  }
.Ltmp1:
0x3d: {  	s15 =	sadd.s32 s6, s15;
	[tilespmem:s16+$0x0] =	vst v4;
	(pc) =	sbr.rel @p0 .LBB2_2-.Ltmp1, $4  }
0x3e: {  	[hbm4b:s15+s1] =	stream.linear.scatter [tilespmem:s11], [sflag:$0x2], $0x4000, $0x38;
	[tilespmem:$0x4180] =	vst v63  }
0x3f: {  	_ =	swait.ge [sflag:s9], $0x4000  }
0x40: {  	[sflag:s9] =	ssyncset.done $0x0  }
0x41: {  	[sflag:s9] =	ssyncadd.s32 $0xFFFFC000  }
0x42: {  	s13 =	sadd.s32 $0x1, s13  }
0x43: {  	p0 =	sne.s32 s13, s8  }
.Ltmp2:
0x44: {  	_ = 	snop;
	(pc) =	sbr.rel @p0 .LBB2_1-.Ltmp2, $1  }
0x45: {  	_ =	sdelay $0x3  }
0x46: {  	_ =	sfence.sel $0x180000  }
0x47: {  	[bflag:$0x0] =	sbarrier.arrive $0xFFFF  }
0x48: {  	p0 =	sne.s32 s2, $0x0;
	_ =	strace $0x9000005C  }
0x49: {  	s0 =	sadd.s32 @!p0 $0x100000, s0;
	[bflag:$0x2] =	sbarrier.arrive $0xFFFF  }
0x4a: {  	[sflag:s0] =	ssyncadd.tile.s32 @!p0 $0x1;
	_ =	shalt  }
.Lfunc_end2:
_tile_overlayer_lowered:
.L_overlay_start_2:
0x4b: {  	(tag) =	ssettag $0x2  }
0x4c: {  	s0 =	rddreg [dreg:$0x0];
	s2 =	stileid.u32  }
0x4d: {  	s1 =	rddreg [dreg:$0x1];
	p0 =	sne.s32 s2, $0x0  }
0x4e: {  	s3 =	rddreg [dreg:$0x2];
	[bflag:$0x3] =	sbarrier.arrive $0xFFFF;
	s2 =	simm.s32 @!p0 $0x1C02  }
0x4f: {  	[timem:s3], [sflag:s2] =	dma.local @!p0 [hbm:s0], s1  }
0x50: {  	s0 =	simm.s32 @!p0 $0x2  }
0x51: {  	_ =	swait.ge @!p0 [sflag:s0], s1  }
0x52: {  	s1 =	ssub.s32 @!p0 $0x0, s1;
	[sflag:s0] =	ssyncset.done @!p0 $0x0  }
0x53: {  	[sflag:s0] =	ssyncadd.s32 @!p0 s1  }
0x54: {  	[bflag:$0x3] =	sbarrier.arrive $0xFFFF  }
0x55: {  	_ =	shalt  }

// kernel: scatter_offload_async_start.1
scs
__scs_entry_jumppad:
0x0: {  	(pc) =	sbr.rel $0x88, $3  }
0x1: {  	(tag) =	ssettag $0x0;
	lr =	simm.s32 $0x1  }
0x2: {  	[smem:$0x3F8D] =	sst lr;
	_ =	strace $0xD0000000  }
0x3: {  	_ = 	snop  }
0x4: {  	_ = 	snop  }
0x5: {  	_ = 	snop  }
0x6: {  	_ = 	snop  }
0x7: {  	_ = 	snop  }
__scs_overlays_trampoline_lowered:
0x8: {  	[smem:$0x3F9C] =	sst s0  }
0x9: {  	[smem:$0x3F9D] =	sst s1  }
0xa: {  	[smem:$0x3F9E] =	sst s2  }
0xb: {  	[smem:$0x3F9F] =	sst s3  }
0xc: {  	[smem:$0x3FA0] =	sst s4  }
0xd: {  	[smem:$0x3FA1] =	sst s5  }
0xe: {  	[smem:$0x3FA2] =	sst s6  }
0xf: {  	[smem:$0x3FA3] =	sst s7  }
0x10: {  	[smem:$0x3FA4] =	sst s8  }
0x11: {  	[smem:$0x3FA5] =	sst s9;
	s0 =	simm.s32 @!p0 $0x0  }
0x12: {  	s1 =	sld [smem:$0x3F8B];
	s0 =	simm.s32 @p0 $0x1  }
0x13: {  	[smem:$0x3FA6] =	sst s0;
	s0 =	simm.s32 @!p1 $0x0  }
0x14: {  	s2 =	sld [smem:$0x3F8A];
	s0 =	simm.s32 @p1 $0x1  }
0x15: {  	[smem:$0x3FA7] =	sst s0;
	s0 =	simm.s32 @!p2 $0x0  }
0x16: {  	s3 =	sld [smem:$0x3FDB];
	s0 =	simm.s32 @p2 $0x1  }
0x17: {  	s4 =	simm.s32 $0x1BF5;
	[smem:$0x3FA9] =	sst s0  }
0x18: {  	s0 =	sld [smem:$0x3F8C];
	_ =	swait.ge [sflag:s4], $0x0  }
0x19: {  	s7 =	sld [smem:$0x3F8D]  }
0x1a: {  	s8 =	sadd.s32 $0xFFFFE003, lr  }
0x1b: {  	s9 =	sadd.s32 $0xFFFFFEF7, lr;
	s5 =	simm.s32 $0xFFFFFFFF;
	p2 =	slt.u32 s8, $0xFFFFF086  }
0x1c: {  	p1 =	slt.u32 s9, $0xF7A;
	s5 =	simm.s32 @!p2 $0x0  }
0x1d: {  	s5 =	simm.s32 @p1 $0x1;
	p0 =	seq.s32 s7, s2  }
0x1e: {  	s7 =	smul.u32 @!p0 $0xF7A, s2;
	p2 =	seq.s32 @!p0 s5, $0x0  }
0x1f: {  	s9 =	smul.u32 $0xF7A, s1;
	s8 =	simm.s32 @!p0 $0x1BF5;
	p2 =	por !p2, p0  }
0x20: {  	[sflag:s8] =	ssyncset.s32 @!p0 $0xFFFFF086;
	s6 =	sadd.s32 @!p0 s3, s7;
	s7 =	simm.s32 @!p0 $0x108  }
0x21: {  	s3 =	sadd.s32 s3, s9;
	s6 =	sadd.s32 @!p0 $0x88, s6;
	s7 =	simm.s32 @p2 $0x1082  }
0x22: {  	[simem:s7], [sflag:s8] =	dma.local @!p0 [hbm:s6], $0xF7A  }
0x23: {  	s9 =	sor.u32 $0xD0000000, s2;
	s6 =	simm.s32 $0x108;
	_ =	swait.ge @!p0 [sflag:s8], $0x0  }
0x24: {  	s3 =	sadd.s32 $0x88, s3;
	s6 =	simm.s32 @!p1 $0x1082;
	[sflag:s4] =	ssyncset.s32 $0xFFFFF086  }
0x25: {  	[simem:s6], [sflag:s4] =	dma.local [hbm:s3], $0xF7A  }
0x26: {  	[smem:$0x3F8D] =	sst s1;
	(tag) =	ssettag s2;
	_ =	strace s9  }
0x27: {  	s1 =	sld [smem:$0x3F9D]  }
0x28: {  	s2 =	sld [smem:$0x3F9E]  }
0x29: {  	s4 =	sld [smem:$0x3FA0]  }
0x2a: {  	p0 =	seq.s32 s5, $0x0;
	s5 =	sld [smem:$0x3FA1]  }
0x2b: {  	s6 =	sld [smem:$0x3FA2]  }
0x2c: {  	s7 =	sld [smem:$0x3FA3]  }
0x2d: {  	s3 =	simm.s32 $0x108;
	s8 =	sld [smem:$0x3FA4]  }
0x2e: {  	s3 =	simm.s32 @!p0 $0x1082;
	s9 =	sld [smem:$0x3FA5]  }
0x2f: {  	lr =	sadd.s32 s0, s3;
	s0 =	sld [smem:$0x3F9C]  }
0x30: {  	s3 =	sld [smem:$0x3F9F]  }
0x31: {  	[smem:$0x3FA8] =	sst s10  }
0x32: {  	s10 =	sld [smem:$0x3FA6];
	_ =	sdelay $0x3  }
0x33: {  	p0 =	seq.s32 s10, $0x1;
	s10 =	sld [smem:$0x3FA8];
	_ =	sdelay $0x3  }
0x34: {  	[smem:$0x3FA8] =	sst s10  }
0x35: {  	s10 =	sld [smem:$0x3FA7];
	_ =	sdelay $0x3  }
0x36: {  	p1 =	seq.s32 s10, $0x1;
	s10 =	sld [smem:$0x3FA8];
	_ =	sdelay $0x3  }
0x37: {  	[smem:$0x3FA8] =	sst s10  }
0x38: {  	s10 =	sld [smem:$0x3FA9]  }
0x39: {  	_ = 	snop;
	(pc) =	sbr.ind lr, $3  }
0x3a: {  	_ = 	snop  }
0x3b: {  	_ = 	snop  }
0x3c: {  	p2 =	seq.s32 s10, $0x1;
	s10 =	sld [smem:$0x3FA8]  }
0x3d: {  	_ =	shalt  }
0x3e: {  	_ =	shalt  }
0x3f: {  	_ =	shalt  }
0x40: {  	_ =	shalt  }
0x41: {  	_ =	shalt  }
0x42: {  	_ =	shalt  }
0x43: {  	_ =	shalt  }
0x44: {  	_ =	shalt  }
0x45: {  	_ =	shalt  }
0x46: {  	_ =	shalt  }
0x47: {  	_ =	shalt  }
0x48: {  	_ =	shalt  }
0x49: {  	_ =	shalt  }
0x4a: {  	_ =	shalt  }
0x4b: {  	_ =	shalt  }
0x4c: {  	_ =	shalt  }
0x4d: {  	_ =	shalt  }
0x4e: {  	_ =	shalt  }
0x4f: {  	_ =	shalt  }
0x50: {  	_ =	shalt  }
0x51: {  	_ =	shalt  }
0x52: {  	_ =	shalt  }
0x53: {  	_ =	shalt  }
0x54: {  	_ =	shalt  }
0x55: {  	_ =	shalt  }
0x56: {  	_ =	shalt  }
0x57: {  	_ =	shalt  }
0x58: {  	_ =	shalt  }
0x59: {  	_ =	shalt  }
0x5a: {  	_ =	shalt  }
0x5b: {  	_ =	shalt  }
0x5c: {  	_ =	shalt  }
0x5d: {  	_ =	shalt  }
0x5e: {  	_ =	shalt  }
0x5f: {  	_ =	shalt  }
0x60: {  	_ =	shalt  }
0x61: {  	_ =	shalt  }
0x62: {  	_ =	shalt  }
0x63: {  	_ =	shalt  }
0x64: {  	_ =	shalt  }
0x65: {  	_ =	shalt  }
0x66: {  	_ =	shalt  }
0x67: {  	_ =	shalt  }
0x68: {  	_ =	shalt  }
0x69: {  	_ =	shalt  }
0x6a: {  	_ =	shalt  }
0x6b: {  	_ =	shalt  }
0x6c: {  	_ =	shalt  }
0x6d: {  	_ =	shalt  }
0x6e: {  	_ =	shalt  }
0x6f: {  	_ =	shalt  }
0x70: {  	_ =	shalt  }
0x71: {  	_ =	shalt  }
0x72: {  	_ =	shalt  }
0x73: {  	_ =	shalt  }
0x74: {  	_ =	shalt  }
0x75: {  	_ =	shalt  }
0x76: {  	_ =	shalt  }
0x77: {  	_ =	shalt  }
0x78: {  	_ =	shalt  }
0x79: {  	_ =	shalt  }
0x7a: {  	_ =	shalt  }
0x7b: {  	_ =	shalt  }
0x7c: {  	_ =	shalt  }
0x7d: {  	_ =	shalt  }
0x7e: {  	_ =	shalt  }
0x7f: {  	_ =	shalt  }
0x80: {  	_ =	shalt  }
0x81: {  	_ =	shalt  }
0x82: {  	_ =	shalt  }
0x83: {  	_ =	shalt  }
0x84: {  	_ =	shalt  }
0x85: {  	_ =	shalt  }
0x86: {  	_ =	shalt  }
0x87: {  	_ =	shalt  }
.Lfunc_end0:
.L_simem_size_0:
called_computation.1_lowered:
.L_overlay_start_0:
0x88: {  	s0 =	sld [smem:$0x3FD9]  }
0x89: {  	s1 =	sld [smem:$0x3FFE];
	_ =	sdelay $0x3  }
0x8a: {  	s0 =	sadd.s32 s1, s0  }
0x8b: {  	[smem:$0x3FB4] =	sst s0  }
0x8c: {  	_ = 	snop  }
0x8d: {  	(tm) =	ssettm $0x1  }
0x8e: {  	s14 =	sld [smem:$0x3FFB];
	_ =	sdelay $0x3  }
0x8f: {  	_ =	strace s14  }
0x90: {  	s0 =	sld [smem:$0x3FFC];
	_ =	sdelay $0x3  }
0x91: {  	_ =	strace s0  }
0x92: {  	s0 =	sld [smem:$0x3FFD];
	_ =	sdelay $0x3  }
0x93: {  	_ =	strace s0  }
0x94: {  	_ =	strace $0x8FFFFFFF  }
0x95: {  	s15 =	sld [smem:$0x3FDB];
	_ =	sdelay $0x1  }
0x96: {  	s16 =	simm.s32 $_scs_section_size  }
0x97: {  	s2 =	simm.s32 $_size__tile_overlayer_lowered;
	s3 =	simm.s32 $_tile_overlayer_lowered  }
0x98: {  	s4 =	simm.s32 $0x1BFF;
	s17 =	sshll.u32 s3, $0x1;
	s1 =	sadd.s32 s16, s15  }
0x99: {  	s18 =	simm.s32 $0x0;
	s2 =	sshll.u32 s2, $0x1;
	s3 =	sadd.s32 s17, s1  }
0x9a: {  	[timem:s18], [sflag:s4] =	dma.local [hbm:s3], s2  }
0x9b: {  	_ =	swait.ge [sflag:s4], s2  }
0x9c: {  	s2 =	ssub.s32 $0x0, s2;
	[sflag:s4] =	ssyncset.done $0x0  }
0x9d: {  	[sflag:s4] =	ssyncadd.s32 s2;
	_ =	sdelay $0x1  }
0x9e: {  	s19 =	simm.s32 $0x1B8B  }
0x9f: {  	_ =	swait.ge [sflag:s19], $0x1  }
0xa0: {  	[sflag:s19] =	ssyncset.done $0x0  }
0xa1: {  	s21 =	simm.s32 $0x1B8E;
	s20 =	sld [smem:$0x3FFE];
	[sflag:s19] =	ssyncadd.s32 $0xFFFFFFFF  }
0xa2: {  	s22 =	simm.s32 $execute0_lowered;
	[smem:$0x3FD2] =	sst s21  }
0xa3: {  	s3 =	sshll.u32 s22, $0x1;
	_ =	strace $0x8000004C;
	[dreg:$0x1] =	wrdreg $0xFFFFFFFF  }
0xa4: {  	s23 =	simm.s32 $_size_execute0_lowered;
	s3 =	sadd.s32 s1, s3;
	[dreg:$0x0] =	wrdreg $0x0  }
0xa5: {  	s4 =	sshll.u32 s23, $0x1;
	[dreg:$0x2] =	wrdreg s3  }
0xa6: {  	[dreg:$0x3] =	wrdreg s4  }
0xa7: {  	[dreg:$0x4] =	wrdreg $0xC0  }
0xa8: {  	s24 =	simm.s32 $execute1_lowered;
	_ =	task [dreg:s18], $0x5FFFF  }
0xa9: {  	s3 =	sshll.u32 s24, $0x1;
	[dreg:$0x1] =	wrdreg $0xFFFFFFFF  }
0xaa: {  	s1 =	sadd.s32 s1, s3;
	[dreg:$0x0] =	wrdreg $0x60  }
0xab: {  	[dreg:$0x2] =	wrdreg s1  }
0xac: {  	[dreg:$0x3] =	wrdreg s20  }
0xad: {  	[dreg:$0x4] =	wrdreg $0x9  }
0xae: {  	_ =	task.clear_ibuf [dreg:s18], $0x5FFFF;
	_ =	strace $0x9000004C  }
0xaf: {  	s25 =	simm.s32 $0x9;
	_ =	strace $0x8000004E  }
0xb0: {  	_ =	swait.ge [sflag:s25], $0x1  }
0xb1: {  	[sflag:s25] =	ssyncadd.s32 $0xFFFFFFFF  }
0xb2: {  	_ =	strace $0x9000004E  }
0xb3: {  	_ =	strace $0x8000004F;
	[dreg:$0x1] =	wrdreg $0xFFFFFFFF  }
0xb4: {  	[dreg:$0x0] =	wrdreg $0x2030  }
0xb5: {  	[dreg:$0x2] =	wrdreg s20  }
0xb6: {  	[dreg:$0x3] =	wrdreg $0xA  }
0xb7: {  	_ =	task.clear_ibuf [dreg:s18], $0x4FFFF;
	_ =	strace $0x9000004F  }
0xb8: {  	s26 =	simm.s32 $0xA;
	_ =	strace $0x80000051  }
0xb9: {  	_ =	swait.ge [sflag:s26], $0x1  }
0xba: {  	[sflag:s26] =	ssyncadd.s32 $0xFFFFFFFF  }
0xbb: {  	_ =	strace $0x90000051  }
0xbc: {  	_ =	sfence  }
0xbd: {  	s28 =	sld [smem:$0x0];
	_ =	sdelay $0x1  }
0xbe: {  	s29 =	srdreg.scid  }
0xbf: {  	s30 =	sshll.u32 s29, $0xD;
	s31 =	sshrl.u32 s29, $0x2  }
0xc0: {  	s2 =	sand.u32 $0x1, s29;
	s3 =	sand.u32 $0x4000, s30;
	s1 =	sadd.s32 s31, s28  }
0xc1: {  	s2 =	sor.u32 s3, s2;
	s1 =	sshll.u32 s1, $0x11  }
0xc2: {  	s1 =	sor.u32 s1, s2  }
0xc3: {  	s1 =	sadd.s32 $0x8F2B, s1  }
0xc4: {  	[sflag:s1] =	ssyncadd.remote.s32 $0x1  }
0xc5: {  	_ =	sfence.sel $0xFFFF  }
0xc6: {  	[dreg:$0x0] =	wrdreg $0xFFFFFFFF;
	(pc) =	sbr.abs _section_cstart, $3  }
0xc7: {  	[dreg:$0x1] =	wrdreg $0xFFFFFFFF  }
0xc8: {  	_ =	task.clear_ibuf [dreg:s18], $0x2FFFF;
	_ =	strace $0x9FFFFFFF  }
0xc9: {  	(tm) =	ssettm $0x7FFFFFFF  }
tec
execute0_lowered:
.L_overlay_start_1:
0x0: {  	(tag) =	ssettag $0x1  }
0x1: {  	s2 =	rddreg [dreg:$0x0]  }
0x2: {  	s4 =	rddreg [dreg:$0x1]  }
0x3: {  	s0 =	rddreg [dreg:$0x2]  }
0x4: {  	s3 =	stileid.u32;
	[bflag:$0x3] =	sbarrier.arrive $0xFFFF;
	s1 =	simm.s32 $_size_execute1_lowered  }
0x5: {  	s7 =	simm.s32 $0x2;
	s8 =	simm.s32 $0x0;
	s12 =	simm.s32 $0x0  }
0x6: {  	s10 =	simm.s32 $0x0;
	s11 =	simm.s32 $0x0;
	p0 =	sne.s32 s3, $0x0  }
0x7: {  	s1 =	sshll.u32 s1, $0x1;
	s3 =	sshll.u32 s3, $0x7;
	s5 =	simm.s32 @!p0 $0x1C3F  }
.Ltmp0:
0x8: {  	s6 =	simm.s32 @!p0 $0x4060;
	s31 =	ssub.s32 $0x2700, s3;
	(pc) =	sbr.rel .LBB2_1-.Ltmp0, $4  }
0x9: {  	[timem:s6], [sflag:s5] =	dma.local @!p0 [hbm:s2], s1  }
0xa: {  	s9 =	smov.u32 s3;
	s5 =	simm.s32 $0x1;
	_ =	strace $0x8000004D  }
0xb: {  	s2 =	sadd.s32 $0x9BA00, s4;
	s6 =	sshrl.u32 s31, $0xB;
	[sflag:s5] =	ssyncpa.u1 $0x0  }
0xc: {  	s4 =	sadd.s32 $0xC2C00, s4;
	[sflag:s7] =	ssyncpa.u1 $0x0;
	s7 =	sadd.s32 $0x2, s6  }
.LBB2_4:
0xd: {  	_ = 	snop  }
.LBB2_7:
0xe: {  	_ =	sdelay $0x3  }
0xf: {  	[tilespmem:v0+s16+$0x0 ss:$0x1] =	vst.idx.msk @p1 $0xffff, v2  }
0x10: {  	v56 =	vld.idx.msk [tilespmem:v1+s15+$0x0 ss:$0x1], $0xffff;
	s24 =	sor.u32 $0x70, s15;
	[tilespmem:v0+s17+$0x0 ss:$0x1] =	vst.idx.msk @p1 $0xffff, v4  }
0x11: {  	s25 =	sor.u32 $0x10, s15;
	[tilespmem:v0+s18+$0x0 ss:$0x1] =	vst.idx.msk @p1 $0xffff, v3;
	v57 =	vld.idx.msk [tilespmem:v1+s24+$0x0 ss:$0x1], $0xffff  }
0x12: {  	s26 =	sor.u32 $0x20, s15;
	[tilespmem:v0+s19+$0x0 ss:$0x1] =	vst.idx.msk @p1 $0xffff, v5;
	v58 =	vld.idx.msk [tilespmem:v1+s25+$0x0 ss:$0x1], $0xffff  }
0x13: {  	s28 =	sor.u32 $0x30, s15;
	[tilespmem:v0+s20+$0x0 ss:$0x1] =	vst.idx.msk @p1 $0xffff, v6;
	v59 =	vld.idx.msk [tilespmem:v1+s26+$0x0 ss:$0x1], $0xffff  }
0x14: {  	s29 =	sor.u32 $0x40, s15;
	[tilespmem:v0+s21+$0x0 ss:$0x1] =	vst.idx.msk @p1 $0xffff, v7;
	v60 =	vld.idx.msk [tilespmem:v1+s28+$0x0 ss:$0x1], $0xffff  }
0x15: {  	s30 =	sor.u32 $0x50, s15;
	v61 =	vld.idx.msk [tilespmem:v1+s29+$0x0 ss:$0x1], $0xffff;
	[tilespmem:v0+s15+$0x0 ss:$0x1] =	vst.idx.msk $0xffff, v56  }
0x16: {  	s31 =	sor.u32 $0x60, s15;
	v62 =	vld.idx.msk [tilespmem:v1+s30+$0x0 ss:$0x1], $0xffff;
	[tilespmem:v0+s24+$0x0 ss:$0x1] =	vst.idx.msk $0xffff, v57  }
0x17: {  	v63 =	vld.idx.msk [tilespmem:v1+s31+$0x0 ss:$0x1], $0xffff;
	[tilespmem:v0+s25+$0x0 ss:$0x1] =	vst.idx.msk $0xffff, v58  }
0x18: {  	[tilespmem:v0+s26+$0x0 ss:$0x1] =	vst.idx.msk $0xffff, v59  }
0x19: {  	[tilespmem:v0+s28+$0x0 ss:$0x1] =	vst.idx.msk $0xffff, v60  }
0x1a: {  	[tilespmem:v0+s29+$0x0 ss:$0x1] =	vst.idx.msk $0xffff, v61  }
0x1b: {  	[tilespmem:v0+s30+$0x0 ss:$0x1] =	vst.idx.msk $0xffff, v62  }
0x1c: {  	[tilespmem:v0+s31+$0x0 ss:$0x1] =	vst.idx.msk $0xffff, v63  }
.LBB2_8:
0x1d: {  	s15 =	sand.u32 $0x1FFFFFF, s10  }
0x1e: {  	s16 =	smulhi.u32 $0x1A36E2F, s15;
	_ =	sdelay $0x1  }
0x1f: {  	s16 =	sshrl.u32 s16, $0x6  }
0x20: {  	s16 =	smul.u32 $0x2710, s16;
	_ =	sdelay $0x1  }
0x21: {  	s15 =	ssub.s32 s15, s16  }
0x22: {  	s15 =	sshll.u32 s15, $0x4  }
0x23: {  	s15 =	sadd.s32 s4, s15  }
0x24: {  	[hbm4b:s15+s8] =	stream.linear.scatter [tilespmem:s14], [sflag:$0x2], s13, $0x38;
	[tilespmem:$0x10000] =	vst v63  }
.LBB2_9:
0x25: {  	p1 =	slt.u32 s11, $0x2  }
0x26: {  	p2 =	sgt.s32 @!p1 s12, $0x2690  }
0x27: {  	s13 =	smov.u32 s12;
	s14 =	sshra.s32 @!p1 s12, $0x1F;
	p2 =	por !p2, p1  }
0x28: {  	s12 =	sand.u32 @!p1 s14, s12;
	s13 =	simm.s32 @p2 $0x2690  }
0x29: {  	s12 =	ssub.s32 @!p1 s13, s12  }
0x2a: {  	s12 =	sadd.s32 @!p1 $0xFFFFD970, s12  }
0x2b: {  	s13 =	sshll.u32 @!p1 s12, $0x9  }
0x2c: {  	p2 =	sgt.s32 @!p1 s12, $0x7F;
	s12 =	ssub.s32 @!p1 $0x10000, s13  }
0x2d: {  	s14 =	sadd.s32 $0x800, s9;
	p2 =	por !p2, p1;
	s12 =	sshrl.u32 @!p1 s12, $0x2  }
0x2e: {  	s12 =	simm.s32 @!p2 $0x0;
	p2 =	sgt.s32 s14, $0x270F  }
0x2f: {  	s14 =	smov.u32 @p2 s3;
	p2 =	sne.s32 s11, s7  }
.Ltmp1:
0x30: {  	_ = 	snop;
	(pc) =	sbr.rel @!p2 .LBB2_10-.Ltmp1, $4  }
0x31: {  	s13 =	simm.s32 @!p1 $0x2  }
0x32: {  	_ =	swait.ge @!p1 [sflag:s13], s12;
	s15 =	ssub.s32 @!p1 $0x0, s12  }
0x33: {  	s12 =	smov.u32 s10;
	s11 =	sadd.s32 $0x1, s11;
	[sflag:s13] =	ssyncset.done @!p1 $0x0  }
0x34: {  	s10 =	smov.u32 s9;
	s9 =	smov.u32 s14;
	[sflag:s13] =	ssyncadd.s32 @!p1 s15  }
.LBB2_1:
0x35: {  	p1 =	sgt.u32 s11, s6  }
0x36: {  	s13 =	sand.u32 @!p1 $0x1FFFFFF, s9  }
0x37: {  	p2 =	sgt.s32 @!p1 s9, $0x2690;
	s14 =	smulhi.u32 @!p1 $0x1A36E2F, s13  }
0x38: {  	s15 =	smov.u32 s9;
	s16 =	sshra.s32 @!p1 s9, $0x1F;
	p2 =	por !p2, p1  }
0x39: {  	s16 =	sand.u32 @!p1 s16, s9;
	s15 =	simm.s32 @p2 $0x2690;
	s14 =	sshrl.u32 @!p1 s14, $0x6  }
0x3a: {  	s15 =	ssub.s32 @!p1 s15, s16;
	s14 =	smul.u32 @!p1 $0x2710, s14  }
0x3b: {  	s16 =	sxor.u32 @!p1 $0xFFFFFFFF, s11;
	s15 =	sadd.s32 @!p1 $0xFFFFD970, s15  }
0x3c: {  	s16 =	sshll.u32 @!p1 s16, $0xE;
	s13 =	ssub.s32 @!p1 s13, s14;
	s14 =	sshll.u32 @!p1 s15, $0x9  }
0x3d: {  	s16 =	sand.u32 @!p1 $0x4000, s16;
	p2 =	sgt.s32 @!p1 s15, $0x7F;
	s14 =	ssub.s32 @!p1 $0x10000, s14  }
0x3e: {  	p2 =	por !p2, p1;
	s13 =	sshll.u32 @!p1 s13, $0x4;
	s14 =	sshrl.u32 @!p1 s14, $0x2  }
0x3f: {  	s15 =	simm.s32 @!p1 $0x0;
	s13 =	sadd.s32 @!p1 s2, s13;
	s14 =	simm.s32 @!p2 $0x0  }
0x40: {  	[tilespmem:s16], [sflag:$0x1] =	stream.linear.gather @!p1 [hbm4b:s13+s15], s14, $0x38;
	[tilespmem:$0x10000] =	vst v63  }
0x41: {  	p1 =	seq.s32 s11, $0x0  }
0x42: {  	p2 =	sge.u32 @!p1 s11, s7  }
0x43: {  	p1 =	por p1, p2  }
.Ltmp2:
0x44: {  	_ = 	snop;
	(pc) =	sbr.rel @p1 .LBB2_9-.Ltmp2, $1  }
0x45: {  	_ =	sdelay $0x3  }
0x46: {  	p1 =	sgt.s32 s10, $0x2690;
	s13 =	smov.u32 s10;
	s14 =	sshra.s32 s10, $0x1F  }
0x47: {  	s13 =	simm.s32 @!p1 $0x2690;
	s14 =	sand.u32 s14, s10  }
0x48: {  	s13 =	ssub.s32 s13, s14  }
0x49: {  	s13 =	sadd.s32 $0xFFFFD970, s13  }
0x4a: {  	s31 =	sshll.u32 s13, $0x9  }
0x4b: {  	s14 =	ssub.s32 $0x10000, s31  }
0x4c: {  	p1 =	sgt.s32 s13, $0x7F;
	s13 =	sshrl.u32 s14, $0x2;
	s14 =	sadd.s32 $0x80, s10  }
0x4d: {  	s13 =	simm.s32 @p1 $0x0;
	p1 =	slt.s32 s14, $0x2710  }
0x4e: {  	s14 =	simm.s32 @!p1 $0x2710  }
0x4f: {  	s16 =	ssub.s32 s14, s10  }
0x50: {  	p1 =	slt.s32 s16, $0x1  }
.Ltmp3:
0x51: {  	_ = 	snop;
	(pc) =	sbr.rel @p1 .LBB2_8-.Ltmp3, $4  }
0x52: {  	_ = 	snop  }
0x53: {  	s15 =	sshll.u32 s11, $0xE;
	_ =	swait.ge [sflag:s5], s13  }
0x54: {  	s15 =	sand.u32 $0x4000, s15;
	s17 =	ssub.s32 $0x0, s13;
	[sflag:s5] =	ssyncset.done $0x0  }
0x55: {  	s14 =	sor.u32 $0x8000, s15;
	[sflag:s5] =	ssyncadd.s32 s17  }
0x56: {  	p2 =	sne.s32 s16, $0x1  }
.Ltmp4:
0x57: {  	v1 =	vmov s15;
	v0 =	vmov s14;
	(pc) =	sbr.rel @!p2 .LBB2_4-.Ltmp4, $3  }
0x58: {  	_ =	sdelay $0x1  }
0x59: {  	s17 =	simm.s32 $0x0  }
0x5a: {  	s23 =	sadd.s32 $0xFFFFFFFF, s16;
	p1 =	por $0x0, $0x0;
	s15 =	sand.u32 $0x3F80, s17  }
0x5b: {  	_ =	sdelay $0x3  }
0x5c: {  	v6 =	vld.idx.msk [tilespmem:v1+s15+$0x0 ss:$0x1], $0xffff;
	s24 =	sor.u32 $0x70, s15  }
0x5d: {  	s16 =	sor.u32 $0x10, s15;
	v8 =	vld.idx.msk [tilespmem:v1+s24+$0x0 ss:$0x1], $0xffff  }
0x5e: {  	s17 =	sor.u32 $0x20, s15;
	p2 =	sne.s32 s23, $0x1;
	v2 =	vld.idx.msk [tilespmem:v1+s16+$0x0 ss:$0x1], $0xffff  }
.Ltmp5:
0x5f: {  	s18 =	sor.u32 $0x30, s15;
	v4 =	vld.idx.msk [tilespmem:v1+s17+$0x0 ss:$0x1], $0xffff;
	(pc) =	sbr.rel @!p2 .LBB2_7-.Ltmp5, $4  }
0x60: {  	s19 =	sor.u32 $0x40, s15;
	v3 =	vld.idx.msk [tilespmem:v1+s18+$0x0 ss:$0x1], $0xffff  }
0x61: {  	s21 =	sor.u32 $0x60, s15;
	v5 =	vld.idx.msk [tilespmem:v1+s19+$0x0 ss:$0x1], $0xffff  }
0x62: {  	s20 =	sor.u32 $0x50, s15;
	s22 =	simm.s32 $0x80;
	v7 =	vld.idx.msk [tilespmem:v1+s21+$0x0 ss:$0x1], $0xffff;
	[tilespmem:v0+s15+$0x0 ss:$0x1] =	vst.idx.msk $0xffff, v6  }
0x63: {  	s23 =	sadd.s32 $0xFFFFFFFF, s23;
	p1 =	por $0x1, $0x1;
	v6 =	vld.idx.msk [tilespmem:v1+s20+$0x0 ss:$0x1], $0xffff;
	s15 =	sand.u32 $0x3F80, s22;
	[tilespmem:v0+s24+$0x0 ss:$0x1] =	vst.idx.msk $0xffff, v8  }
.LBB2_6:
0x64: {  	p2 =	sne.s32 s23, $0x1;
	v8 =	vld.idx.msk [tilespmem:v1+s15+$0x0 ss:$0x1], $0xffff;
	s24 =	sor.u32 $0x70, s15;
	[tilespmem:v0+s16+$0x0 ss:$0x1] =	vst.idx.msk $0xffff, v2;
	s16 =	sor.u32 $0x10, s15  }
0x65: {  	s25 =	sor.u32 $0x30, s15;
	s26 =	sor.u32 $0x40, s15;
	v9 =	vld.idx.msk [tilespmem:v1+s24+$0x0 ss:$0x1], $0xffff;
	[tilespmem:v0+s17+$0x0 ss:$0x1] =	vst.idx.msk $0xffff, v4;
	s17 =	sor.u32 $0x20, s15  }
0x66: {  	s28 =	sor.u32 $0x50, s15;
	s29 =	sor.u32 $0x60, s15;
	v2 =	vld.idx.msk [tilespmem:v1+s16+$0x0 ss:$0x1], $0xffff;
	[tilespmem:v0+s18+$0x0 ss:$0x1] =	vst.idx.msk $0xffff, v3;
	s18 =	smov.u32 s25  }
.Ltmp6:
0x67: {  	v4 =	vld.idx.msk [tilespmem:v1+s17+$0x0 ss:$0x1], $0xffff;
	[tilespmem:v0+s19+$0x0 ss:$0x1] =	vst.idx.msk $0xffff, v5;
	s19 =	smov.u32 s26;
	(pc) =	sbr.rel @p2 .LBB2_6-.Ltmp6, $4  }
0x68: {  	v3 =	vld.idx.msk [tilespmem:v1+s18+$0x0 ss:$0x1], $0xffff;
	[tilespmem:v0+s20+$0x0 ss:$0x1] =	vst.idx.msk $0xffff, v6;
	s20 =	smov.u32 s28  }
0x69: {  	v5 =	vld.idx.msk [tilespmem:v1+s19+$0x0 ss:$0x1], $0xffff;
	[tilespmem:v0+s21+$0x0 ss:$0x1] =	vst.idx.msk $0xffff, v7;
	s21 =	smov.u32 s29  }
0x6a: {  	s22 =	sadd.s32 $0x80, s22;
	[tilespmem:v0+s15+$0x0 ss:$0x1] =	vst.idx.msk $0xffff, v8;
	v6 =	vld.idx.msk [tilespmem:v1+s20+$0x0 ss:$0x1], $0xffff  }
0x6b: {  	s23 =	sadd.s32 $0xFFFFFFFF, s23;
	s15 =	sand.u32 $0x3F80, s22;
	v7 =	vld.idx.msk [tilespmem:v1+s21+$0x0 ss:$0x1], $0xffff;
	[tilespmem:v0+s24+$0x0 ss:$0x1] =	vst.idx.msk $0xffff, v9  }
.Ltmp7:
0x6c: {  	_ = 	snop;
	(pc) =	sbr.rel .LBB2_7-.Ltmp7, $1  }
0x6d: {  	_ =	sdelay $0x3  }
.LBB2_10:
0x6e: {  	_ =	sfence.sel $0x180000  }
0x6f: {  	s2 =	simm.s32 $0x1;
	[bflag:$0x0] =	sbarrier.arrive $0xFFFF  }
0x70: {  	s31 =	simm.s32 $0x2;
	[sflag:s2] =	ssyncpa.u1 $0x1  }
0x71: {  	[sflag:s31] =	ssyncpa.u1 $0x1  }
0x72: {  	_ =	strace $0x9000004D  }
0x73: {  	s0 =	sadd.s32 @!p0 $0x100000, s0;
	[bflag:$0x2] =	sbarrier.arrive $0xFFFF  }
0x74: {  	[sflag:s0] =	ssyncadd.tile.s32 @!p0 $0x1;
	s0 =	simm.s32 @!p0 $0x3F  }
0x75: {  	_ =	swait.ge @!p0 [sflag:s0], s1  }
0x76: {  	s1 =	ssub.s32 @!p0 $0x0, s1;
	[sflag:s0] =	ssyncset.done @!p0 $0x0  }
0x77: {  	[sflag:s0] =	ssyncadd.s32 @!p0 s1  }
0x78: {  	[bflag:$0x3] =	sbarrier.arrive $0xFFFF  }
0x79: {  	_ =	shalt  }
.Lfunc_end2:
execute1_lowered:
.L_overlay_start_2:
0x7a: {  	(tag) =	ssettag $0x2  }
0x7b: {  	s0 =	rddreg [dreg:$0x0];
	_ =	strace $0x80000050;
	s1 =	simm.s32 $0x1  }
0x7c: {  	s8 =	simm.s32 $0x108;
	v0 =	vimm.s32 $0x0;
	[sflag:s1] =	ssyncpa.u1 $0x0  }
0x7d: {  	[tilespmem:s8+$0x70] =	vst v0  }
0x7e: {  	[tilespmem:s8+$0x60] =	vst v0  }
0x7f: {  	[tilespmem:s8+$0x50] =	vst v0  }
0x80: {  	[tilespmem:s8+$0x40] =	vst v0  }
0x81: {  	[tilespmem:s8+$0x30] =	vst v0  }
0x82: {  	s1 =	sadd.s32 $0xC2C00, s0;
	s3 =	sadd.s32 $0x5ABA00, s0;
	[tilespmem:s8+$0x20] =	vst v0  }
0x83: {  	s2 =	simm.s32 $0x40;
	s4 =	sadd.s32 $0x5BFE00, s0;
	s5 =	sadd.s32 $0x5B5C00, s0;
	[tilespmem:s8+$0x10] =	vst v0  }
.LBB3_1:
0x84: {  	s2 =	sadd.s32 $0x40, s2;
	[tilespmem:s8+$0x0] =	vst v0;
	s8 =	sadd.s32 $0x80, s8  }
0x85: {  	p0 =	slt.u32 s2, $0x3C40;
	[tilespmem:s8+$0x70] =	vst v0  }
0x86: {  	[tilespmem:s8+$0x60] =	vst v0  }
.Ltmp8:
0x87: {  	[tilespmem:s8+$0x50] =	vst v0;
	(pc) =	sbr.rel @p0 .LBB3_1-.Ltmp8, $4  }
0x88: {  	[tilespmem:s8+$0x40] =	vst v0  }
0x89: {  	[tilespmem:s8+$0x30] =	vst v0  }
0x8a: {  	[tilespmem:s8+$0x20] =	vst v0  }
0x8b: {  	[tilespmem:s8+$0x10] =	vst v0  }
0x8c: {  	s13 =	stileid.u32  }
0x8d: {  	s0 =	simm.s32 $0x4FB0;
	s6 =	smul.u32 $0x50A0, s13;
	p0 =	seq.s32 s13, $0xF  }
0x8e: {  	s0 =	simm.s32 @!p0 $0x50A0  }
0x8f: {  	s0 =	sadd.s32 s6, s0  }
0x90: {  	s7 =	smin.u32 s0, $0x50910  }
0x91: {  	s0 =	ssub.s32 s7, s6  }
0x92: {  	p0 =	sgt.s32 s0, $0x0  }
0x93: {  	s0 =	simm.s32 @!p0 $0x0  }
0x94: {  	s2 =	simm.s32 $0x2;
	s9 =	simm.s32 $0x7;
	s31 =	smulhi.u32 $0x1111112, s0  }
0x95: {  	s10 =	simm.s32 $0x8;
	s19 =	simm.s32 $0x0;
	s15 =	simm.s32 $0xA  }
0x96: {  	s17 =	simm.s32 $0x0;
	s18 =	simm.s32 $0x0;
	s11 =	smul.u32 $0xF0, s31  }
.Ltmp9:
0x97: {  	[tilespmem:s8+$0x0] =	vst v0;
	v0 =	vimm.s32 $0xFFFFFFFF;
	[sflag:s2] =	ssyncpa.u1 $0x0;
	s13 =	sshll.u32 s13, $0x8;
	(pc) =	sbr.rel .LBB3_3-.Ltmp9, $4  }
0x98: {  	[tilespmem:$0xF208] =	vst v0;
	[sflag:s9] =	ssyncpa.u1 $0x0;
	p0 =	sne.s32 s0, s11;
	s0 =	simm.s32 $0x1  }
0x99: {  	[sflag:s10] =	ssyncpa.u1 $0x0;
	s10 =	simm.s32 $0x9;
	s0 =	simm.s32 @!p0 $0x0  }
0x9a: {  	s16 =	smov.u32 s6;
	[sflag:s10] =	ssyncpa.u1 $0x0;
	s12 =	sadd.s32 s0, s31  }
0x9b: {  	v0 =	vlaneseq.u32;
	s11 =	simm.s32 $0x1;
	p0 =	por $0x0, $0x0;
	s14 =	sadd.s32 $0x1, s12  }
.LBB3_18:
0x9c: {  	s0 =	sshrl.u32 s28, $0x2  }
.LBB3_20:
0x9d: {  	_ =	swait.ge [sflag:s15], s0  }
0x9e: {  	s31 =	ssub.s32 $0x0, s0;
	v1 =	vmov s21;
	vm0 =	veq.s32 v0, $0x0;
	[sflag:s15] =	ssyncset.done $0x0  }
0x9f: {  	vm15 =	veq.s32 v0, $0x2;
	v1 =	vsel vm0, s26, v1;
	[sflag:s15] =	ssyncadd.s32 s31  }
0xa0: {  	v1 =	vsel vm15, s19, v1;
	[sflag:s15] =	ssyncpa.u1 $0x1  }
0xa1: {  	[tilespmem:$0xF208] =	vst v1  }
.LBB3_21:
0xa2: {  	s0 =	sadd.s32 $0xF0, s16  }
0xa3: {  	s2 =	smov.u32 s6;
	p1 =	slt.s32 s0, s7  }
0xa4: {  	s2 =	smov.u32 @p1 s0;
	p1 =	sne.s32 s18, s14  }
.Ltmp10:
0xa5: {  	_ = 	snop;
	(pc) =	sbr.rel @!p1 .LBB3_22-.Ltmp10, $3  }
0xa6: {  	_ =	sdelay $0x1  }
0xa7: {  	s19 =	smov.u32 s17;
	s31 =	sadd.s32 $0x1, s18;
	s17 =	smov.u32 s16  }
0xa8: {  	p0 =	por !p0, !p0;
	s18 =	smov.u32 s31;
	s16 =	smov.u32 s2  }
.LBB3_3:
0xa9: {  	p1 =	sge.u32 s18, s12  }
0xaa: {  	s0 =	smulhi.u32 @!p1 $0xAAAAAAAB, s18  }
0xab: {  	s2 =	smov.u32 s16;
	p2 =	sgt.s32 @!p1 s16, $0x50820  }
0xac: {  	s20 =	sshra.s32 @!p1 s16, $0x1F;
	p2 =	por !p2, p1;
	s0 =	sshrl.u32 @!p1 s0, $0x1  }
0xad: {  	s20 =	sand.u32 @!p1 s20, s16;
	s2 =	simm.s32 @p2 $0x50820;
	s0 =	smul.u32 @!p1 $0x3, s0  }
0xae: {  	s2 =	ssub.s32 @!p1 s2, s20  }
0xaf: {  	s2 =	sadd.s32 @!p1 $0xFFFAF7E0, s2;
	s0 =	ssub.s32 @!p1 s18, s0  }
0xb0: {  	s20 =	sshll.u32 @!p1 s2, $0x2;
	p2 =	sgt.s32 @!p1 s2, $0xEF;
	s0 =	smul.u32 @!p1 $0x3C0, s0  }
0xb1: {  	s21 =	sand.u32 @!p1 $0x7, s16;
	s2 =	ssub.s32 @!p1 $0x3C0, s20;
	p2 =	por !p2, p1  }
0xb2: {  	s20 =	sshrl.u32 @!p1 s16, $0x3;
	s2 =	sshrl.u32 @!p1 s2, $0x2;
	s0 =	sshrl.u32 @!p1 s0, $0x2  }
0xb3: {  	s20 =	sadd.s32 @!p1 s5, s20;
	s2 =	simm.s32 @!p2 $0x0;
	s0 =	sadd.s32 @!p1 $0x10238, s0  }
0xb4: {  	[tilespmem:s0], [sflag:$0x8] =	stream.linear.gather @!p1 [hbm4b:s20+s21], s2, $0x38;
	[tilespmem:$0x1F6E8] =	vst v63  }
0xb5: {  	s0 =	sadd.s32 $0xFFFFFFFF, s18  }
0xb6: {  	p1 =	sge.u32 s0, s12  }
0xb7: {  	p2 =	sgt.s32 @!p1 s17, $0x50820  }
0xb8: {  	s2 =	smov.u32 s17;
	s20 =	sshra.s32 @!p1 s17, $0x1F;
	p2 =	por !p2, p1  }
0xb9: {  	s20 =	sand.u32 @!p1 s20, s17;
	s2 =	simm.s32 @p2 $0x50820  }
0xba: {  	s2 =	ssub.s32 @!p1 s2, s20  }
0xbb: {  	s2 =	sadd.s32 @!p1 $0xFFFAF7E0, s2  }
0xbc: {  	s21 =	smulhi.u32 @!p1 $0xAAAAAAAB, s0;
	s22 =	sand.u32 @!p1 $0x1, s0;
	s20 =	sshll.u32 @!p1 s2, $0x2  }
0xbd: {  	s24 =	smul.u32 @!p1 $0x3C0, s22;
	p2 =	sgt.s32 @!p1 s2, $0xEF;
	s2 =	ssub.s32 @!p1 $0x3C0, s20  }
0xbe: {  	p2 =	por !p2, p1;
	s20 =	sshrl.u32 @!p1 s21, $0x1;
	s2 =	sshrl.u32 @!p1 s2, $0x2  }
0xbf: {  	s21 =	simm.s32 @!p1 $0x8;
	s20 =	smul.u32 @!p1 $0x3, s20;
	s2 =	simm.s32 @!p2 $0x0  }
0xc0: {  	s22 =	smul.u32 @!p1 $0x1E000, s22;
	_ =	swait.ge @!p1 [sflag:s21], s2;
	s23 =	ssub.s32 @!p1 $0x0, s2  }
0xc1: {  	s0 =	ssub.s32 @!p1 s0, s20;
	s20 =	sshrl.u32 @!p1 s17, $0x3;
	[sflag:s21] =	ssyncset.done @!p1 $0x0  }
0xc2: {  	s20 =	sadd.s32 @!p1 s3, s20;
	[sflag:s21] =	ssyncadd.s32 @!p1 s23;
	s21 =	sshrl.u32 @!p1 s24, $0x2  }
0xc3: {  	s0 =	smul.u32 @!p1 $0x3C0, s0;
	s23 =	sand.u32 @!p1 $0x7, s17;
	s21 =	sor.u32 @!p1 $0x10508, s21  }
0xc4: {  	[tilespmem:s21], [sflag:$0x9] =	stream.linear.gather @!p1 [hbm4b:s20+s23], s2, $0x38;
	[tilespmem:$0x1F6E8] =	vst v63  }
0xc5: {  	s0 =	sshrl.u32 @!p1 s0, $0x2;
	s2 =	sshrl.u32 @!p1 s22, $0x2  }
0xc6: {  	s0 =	sadd.s32 @!p1 $0x10238, s0;
	s20 =	simm.s32 @!p1 $0xF0;
	s2 =	sor.u32 @!p1 $0x106E8, s2  }
0xc7: {  	[tilespmem:s2], [sflag:$0x7] =	stream.indirect.gather @!p1 [hbm4b:s4+s20], $0x80, s0, s20, $0xb8;
	[tilespmem:$0x1F6E8] =	vst v63  }
0xc8: {  	p1 =	slt.u32 s18, $0x2  }
.Ltmp11:
0xc9: {  	_ = 	snop;
	(pc) =	sbr.rel @p1 .LBB3_21-.Ltmp11, $1  }
0xca: {  	_ =	sdelay $0x3  }
0xcb: {  	p1 =	sgt.s32 s19, $0x50820;
	s0 =	smov.u32 s19;
	s2 =	sshra.s32 s19, $0x1F  }
0xcc: {  	s0 =	simm.s32 @!p1 $0x50820;
	s2 =	sand.u32 s2, s19  }
0xcd: {  	s0 =	ssub.s32 s0, s2  }
0xce: {  	s0 =	sadd.s32 $0xFFFAF7E0, s0  }
0xcf: {  	s30 =	sshll.u32 s0, $0x2  }
0xd0: {  	_ =	swait.ge [sflag:s9], $0x7800;
	s2 =	ssub.s32 $0x3C0, s30  }
0xd1: {  	[sflag:s9] =	ssyncset.done $0x0;
	p1 =	sgt.s32 s0, $0xEF;
	s0 =	sshrl.u32 s2, $0x2  }
0xd2: {  	[sflag:s9] =	ssyncadd.s32 $0xFFFF8800;
	s0 =	simm.s32 @p1 $0x0  }
0xd3: {  	_ =	swait.ge [sflag:s10], s0  }
0xd4: {  	s0 =	ssub.s32 $0x0, s0;
	[sflag:s10] =	ssyncset.done $0x0  }
0xd5: {  	[sflag:s10] =	ssyncadd.s32 s0  }
0xd6: {  	v1 =	vld [tilespmem:$0xF208];
	_ =	sdelay $0x4  }
0xd7: {  	(v2sf) =	vpush v1, $0x0  }
0xd8: {  	(v2sf) =	vpush v1, $0x1  }
0xd9: {  	(v2sf) =	vpush v1, $0x2;
	_ =	sdelay $0x3  }
0xda: {  	s0 =	sadd.s32 $0xF0, s19  }
0xdb: {  	s2 =	ssub.s32 $0x50910, s19;
	p1 =	slt.s32 s7, s0  }
0xdc: {  	s0 =	smov.u32 @p1 s7;
	p1 =	sgt.s32 s2, $0x0  }
0xdd: {  	s23 =	ssub.s32 s0, s19;
	s2 =	simm.s32 @!p1 $0x0  }
0xde: {  	p1 =	slt.s32 s2, s23  }
0xdf: {  	s23 =	smov.u32 @p1 s2  }
0xe0: {  	s22 =	simm.s32 $0x1;
	p1 =	slt.s32 s23, $0x1  }
.Ltmp12:
0xe1: {  	s22 =	simm.s32 @!p0 $0x0;
	(pc) =	sbr.rel @p1 .LBB3_8-.Ltmp12, $4  }
0xe2: {  	s31 =	smul.u32 $0x3C0, s22  }
0xe3: {  	s24 =	spop (v2sf)  }
0xe4: {  	s0 =	sshrl.u32 s31, $0x2;
	s26 =	spop (v2sf)  }
0xe5: {  	s20 =	sor.u32 $0x10508, s0;
	s19 =	spop (v2sf)  }
0xe6: {  	s0 =	smin.u32 s23, $0x10  }
0xe7: {  	v1 =	vmov s0  }
0xe8: {  	p2 =	sgt.s32 s23, $0x10;
	vm1 =	vgt.u32 v1, v0  }
.Ltmp13:
0xe9: {  	_ = 	snop;
	(pc) =	sbr.rel @!p2 .LBB3_7-.Ltmp13, $2  }
0xea: {  	_ =	sdelay $0x2  }
0xeb: {  	s25 =	simm.s32 $0x10;
	s28 =	sadd.s32 $0xFFFFFFF0, s23;
	s21 =	smov.u32 s20;
	vm0 =	vmmov vm1  }
.LBB3_6:
0xec: {  	s0 =	smin.u32 s28, $0x10;
	s25 =	sadd.s32 $0x10, s25;
	v1 =	vld.msk [tilespmem:s21+$0x0 ss:$0x1], vm1  }
0xed: {  	v2 =	vmov s0;
	p2 =	slt.s32 s25, s23  }
0xee: {  	vm1 =	vgt.u32 v2, v0  }
.Ltmp14:
0xef: {  	(pc) =	sbr.rel @p2 .LBB3_6-.Ltmp14, $3  }
0xf0: {  	_ =	sdelay $0x1  }
0xf1: {  	v1 =	vshll.u32 v1, $0x4  }
0xf2: {  	s28 =	sadd.s32 $0xFFFFFFF0, s28;
	[tilespmem:s21+$0x0] =	vst.msk vm0, v1;
	s21 =	sadd.s32 $0x10, s21;
	vm0 =	vmmov vm1  }
.LBB3_7:
0xf3: {  	_ =	sdelay $0x4  }
0xf4: {  	v1 =	vld.msk [tilespmem:s21+$0x0 ss:$0x1], vm1;
	_ =	sdelay $0x4  }
0xf5: {  	v1 =	vshll.u32 v1, $0x4  }
0xf6: {  	[tilespmem:s21+$0x0] =	vst.msk vm0, v1  }
.LBB3_8:
0xf7: {  	s0 =	sand.u32 $0x1, s18  }
0xf8: {  	s0 =	smul.u32 $0xF0, s0  }
0xf9: {  	p2 =	sne.s32 s26, $0xFFFFFFFF  }
0xfa: {  	v1 =	vld.msk @!p2 [tilespmem:s0+$0x10508], $0x1;
	_ =	sdelay $0x4  }
0xfb: {  	(v2sf) =	vpush @!p2 v1, $0x0;
	_ =	sdelay $0xc  }
.Ltmp15:
0xfc: {  	_ = 	snop;
	(pc) =	sbr.rel @p1 .LBB3_19-.Ltmp15, $4  }
0xfd: {  	_ = 	snop  }
0xfe: {  	s25 =	spop @!p2 (v2sf)  }
0xff: {  	s19 =	simm.s32 @!p2 $0x0;
	s21 =	smov.u32 s25  }
0x100: {  	[sflag:s15] =	ssyncpa.u1 $0x0;
	s25 =	smov.u32 @p2 s24;
	s21 =	smov.u32 @p2 s26  }
0x101: {  	v1 =	vld.msk [tilespmem:s20+$0x0], $0x1;
	_ =	sdelay $0x4  }
0x102: {  	(v2sf) =	vpush v1, $0x0;
	_ =	sdelay $0xe  }
0x103: {  	s0 =	smul.u32 $0x1E000, s22;
	s29 =	spop (v2sf)  }
0x104: {  	s23 =	ssub.s32 $0x0, s23;
	p1 =	seq.s32 s25, s29  }
0x105: {  	s26 =	sadd.s32 $0x1, s23;
	s0 =	sshrl.u32 s0, $0x2;
	p2 =	sgt.s32 @!p1 s25, $0x0  }
0x106: {  	s22 =	sor.u32 $0x10728, s0;
	s0 =	smov.u32 s25;
	p2 =	por !p2, p1  }
0x107: {  	s0 =	simm.s32 @p2 $0x0;
	p2 =	seq.s32 s26, $0x0  }
.Ltmp16:
0x108: {  	_ = 	snop;
	(pc) =	sbr.rel @p2 .LBB3_11-.Ltmp16, $4  }
0x109: {  	_ = 	snop  }
0x10a: {  	s24 =	simm.s32 $0x0;
	s28 =	sadd.s32 $0x1, s20;
	s0 =	smin.u32 @!p1 s0, $0x270F0  }
0x10b: {  	s30 =	simm.s32 @!p1 $0x1;
	s31 =	simm.s32 @!p1 $0x7988;
	s2 =	sand.u32 @!p1 $0x3FFF8, s0  }
0x10c: {  	s30 =	smov.u32 @p1 s24;
	s0 =	sand.u32 @!p1 $0x7, s0;
	s2 =	sadd.s32 @!p1 s1, s2  }
.LBB3_10:
0x10d: {  	s8 =	smov.u32 s30  }
0x10e: {  	[tilespmem:s31], [sflag:$0x2] =	stream.linear.gather @!p1 [hbm4b:s2+s0], $0x80, $0x38;
	[tilespmem:$0x1F6E8] =	vst v63  }
0x10f: {  	s26 =	sadd.s32 $0x1, s26;
	s0 =	smov.u32 s29;
	v1 =	vld.msk [tilespmem:s28+$0x0], $0x1  }
0x110: {  	p2 =	seq.s32 s26, $0x0;
	_ =	sdelay $0x3  }
0x111: {  	(v2sf) =	vpush v1, $0x0;
	_ =	sdelay $0xe  }
0x112: {  	s29 =	spop (v2sf)  }
0x113: {  	p1 =	seq.s32 s0, s29  }
0x114: {  	p3 =	sgt.s32 @!p1 s0, $0x0;
	s2 =	sshll.u32 @!p1 s30, $0x9;
	s30 =	sadd.s32 @!p1 $0x1, s30  }
.Ltmp17:
0x115: {  	p3 =	por !p3, p1;
	s2 =	sshra.s32 @!p1 s2, $0x2;
	(pc) =	sbr.rel @!p2 .LBB3_10-.Ltmp17, $4  }
0x116: {  	s30 =	smov.u32 @p1 s8;
	s0 =	simm.s32 @p3 $0x0;
	s31 =	sadd.s32 @!p1 $0x7988, s2  }
0x117: {  	s0 =	smin.u32 @!p1 s0, $0x270F0  }
0x118: {  	s2 =	sand.u32 @!p1 $0x3FFF8, s0;
	s0 =	sand.u32 @!p1 $0x7, s0  }
0x119: {  	s28 =	sadd.s32 $0x1, s28;
	s2 =	sadd.s32 @!p1 s1, s2  }
.LBB3_11:
0x11a: {  	[tilespmem:s31], [sflag:$0x2] =	stream.linear.gather @!p1 [hbm4b:s2+s0], $0x80, $0x38;
	[tilespmem:$0x1F6E8] =	vst v63  }
.Ltmp18:
0x11b: {  	s30 =	sshll.u32 s30, $0x7;
	(pc) =	sbr.rel .LBB3_12-.Ltmp18, $4  }
0x11c: {  	s31 =	simm.s32 $0x2;
	s0 =	sand.u32 $0x3FFFFF80, s30  }
0x11d: {  	_ =	swait.ge [sflag:s31], s0  }
0x11e: {  	s0 =	ssub.s32 $0x0, s0;
	[sflag:s31] =	ssyncset.done $0x0  }
0x11f: {  	s28 =	simm.s32 $0x0;
	[sflag:s31] =	ssyncadd.s32 s0  }
.LBB3_13:
0x120: {  	v1 =	vld [tilespmem:s22+$0xFFFFFFC0];
	_ =	sdelay $0x3  }
0x121: {  	s0 =	sshra.s32 s0, $0x2  }
0x122: {  	[tilespmem:s0+$0x108] =	vst.add.f32.msk $0xffff, v1  }
0x123: {  	v1 =	vld [tilespmem:s22+$0xFFFFFFD0];
	_ =	sdelay $0x4  }
0x124: {  	[tilespmem:s0+$0x118] =	vst.add.f32.msk $0xffff, v1  }
0x125: {  	v1 =	vld [tilespmem:s22+$0xFFFFFFE0];
	_ =	sdelay $0x4  }
0x126: {  	[tilespmem:s0+$0x128] =	vst.add.f32.msk $0xffff, v1  }
0x127: {  	v1 =	vld [tilespmem:s22+$0xFFFFFFF0];
	_ =	sdelay $0x4  }
0x128: {  	[tilespmem:s0+$0x138] =	vst.add.f32.msk $0xffff, v1  }
0x129: {  	v1 =	vld [tilespmem:s22+$0x0];
	_ =	sdelay $0x4  }
0x12a: {  	[tilespmem:s0+$0x148] =	vst.add.f32.msk $0xffff, v1  }
0x12b: {  	v1 =	vld [tilespmem:s22+$0x10];
	_ =	sdelay $0x4  }
0x12c: {  	[tilespmem:s0+$0x158] =	vst.add.f32.msk $0xffff, v1  }
0x12d: {  	v1 =	vld [tilespmem:s22+$0x20];
	_ =	sdelay $0x4  }
0x12e: {  	[tilespmem:s0+$0x168] =	vst.add.f32.msk $0xffff, v1  }
0x12f: {  	v1 =	vld [tilespmem:s22+$0x30];
	_ =	sdelay $0x4  }
0x130: {  	[tilespmem:s0+$0x178] =	vst.add.f32.msk $0xffff, v1  }
.LBB3_17:
0x131: {  	s23 =	sadd.s32 $0x1, s23  }
0x132: {  	p1 =	seq.s32 s23, $0x0  }
.Ltmp19:
0x133: {  	_ = 	snop;
	(pc) =	sbr.rel @p1 .LBB3_18-.Ltmp19, $2  }
0x134: {  	_ =	sdelay $0x2  }
0x135: {  	s20 =	sadd.s32 $0x1, s20;
	s22 =	sadd.s32 $0x80, s22;
	s25 =	smov.u32 s26  }
.LBB3_12:
0x136: {  	v1 =	vld.msk [tilespmem:s20+$0x0], $0x1;
	_ =	sdelay $0x4  }
0x137: {  	(v2sf) =	vpush v1, $0x0;
	_ =	sdelay $0xe  }
0x138: {  	s26 =	spop (v2sf)  }
0x139: {  	p1 =	sne.s32 s25, s26  }
.Ltmp20:
0x13a: {  	_ = 	snop;
	(pc) =	sbr.rel @!p1 .LBB3_13-.Ltmp20, $2  }
0x13b: {  	_ =	sdelay $0x2  }
0x13c: {  	s0 =	sshll.u32 s19, $0x9  }
0x13d: {  	p1 =	seq.s32 s25, s21  }
.Ltmp21:
0x13e: {  	_ = 	snop;
	(pc) =	sbr.rel @!p1 .LBB3_15-.Ltmp21, $1  }
0x13f: {  	_ =	sdelay $0x3  }
0x140: {  	s0 =	sshra.s32 s0, $0x2  }
.Ltmp22:
0x141: {  	s0 =	sadd.s32 $0x108, s0;
	(pc) =	sbr.rel .LBB3_16-.Ltmp22, $4  }
0x142: {  	[spmem:s13] =	stream.linear.scatter [tilespmem:s0], [sflag:$0x1], $0x80, $0x38;
	[tilespmem:$0x1F6E8] =	vst v63  }
0x143: {  	_ =	swait.ge [sflag:s11], $0x80  }
0x144: {  	[sflag:s11] =	ssyncset.done $0x0  }
0x145: {  	[sflag:s11] =	ssyncadd.s32 $0xFFFFFF80  }
.LBB3_15:
0x146: {  	s2 =	sshll.u32 s24, $0x9  }
0x147: {  	s2 =	sshra.s32 s2, $0x2  }
0x148: {  	v1 =	vld [tilespmem:s2+$0x7988];
	_ =	sdelay $0x3  }
0x149: {  	s0 =	sshra.s32 s0, $0x2  }
0x14a: {  	[tilespmem:s0+$0x108] =	vst.add.f32.msk $0xffff, v1  }
0x14b: {  	v1 =	vld [tilespmem:s2+$0x7998];
	_ =	sdelay $0x4  }
0x14c: {  	[tilespmem:s0+$0x118] =	vst.add.f32.msk $0xffff, v1  }
0x14d: {  	v1 =	vld [tilespmem:s2+$0x79A8];
	_ =	sdelay $0x4  }
0x14e: {  	[tilespmem:s0+$0x128] =	vst.add.f32.msk $0xffff, v1  }
0x14f: {  	v1 =	vld [tilespmem:s2+$0x79B8];
	_ =	sdelay $0x4  }
0x150: {  	[tilespmem:s0+$0x138] =	vst.add.f32.msk $0xffff, v1  }
0x151: {  	v1 =	vld [tilespmem:s2+$0x79C8];
	_ =	sdelay $0x4  }
0x152: {  	[tilespmem:s0+$0x148] =	vst.add.f32.msk $0xffff, v1  }
0x153: {  	v1 =	vld [tilespmem:s2+$0x79D8];
	_ =	sdelay $0x4  }
0x154: {  	[tilespmem:s0+$0x158] =	vst.add.f32.msk $0xffff, v1  }
0x155: {  	v1 =	vld [tilespmem:s2+$0x79E8];
	_ =	sdelay $0x4  }
0x156: {  	[tilespmem:s0+$0x168] =	vst.add.f32.msk $0xffff, v1  }
0x157: {  	v1 =	vld [tilespmem:s2+$0x79F8];
	_ =	sdelay $0x2  }
0x158: {  	p1 =	sgt.u32 s25, $0x270F0  }
0x159: {  	s2 =	sand.u32 @!p1 $0x3FFF8, s25  }
0x15a: {  	s8 =	sadd.s32 $0x108, s0;
	[tilespmem:s0+$0x178] =	vst.add.f32.msk $0xffff, v1;
	s0 =	sadd.s32 @!p1 s1, s2;
	s2 =	sand.u32 @!p1 $0x7, s25  }
0x15b: {  	[hbm4b:s0+s2] =	stream.linear.scatter @!p1 [tilespmem:s8], [sflag:$0xA], $0x80, $0x38;
	[tilespmem:$0x1F6E8] =	vst v63  }
0x15c: {  	s0 =	simm.s32 $0x0  }
0x15d: {  	s0 =	simm.s32 @!p1 $0x200  }
0x15e: {  	s28 =	sadd.s32 s0, s28  }
.LBB3_16:
0x15f: {  	s0 =	sadd.s32 $0x1, s19  }
0x160: {  	s2 =	smulhi.u32 $0x88888889, s0;
	_ =	sdelay $0x1  }
0x161: {  	v1 =	vld [tilespmem:s22+$0xFFFFFFC0];
	s2 =	sshrl.u32 s2, $0x7  }
0x162: {  	s2 =	smul.u32 $0xF0, s2;
	_ =	sdelay $0x1  }
0x163: {  	s19 =	ssub.s32 s0, s2  }
0x164: {  	s0 =	sshll.u32 s19, $0x7  }
0x165: {  	[tilespmem:s0+$0x108] =	vst v1  }
0x166: {  	v1 =	vld [tilespmem:s22+$0xFFFFFFD0];
	_ =	sdelay $0x4  }
0x167: {  	[tilespmem:s0+$0x118] =	vst v1  }
0x168: {  	v1 =	vld [tilespmem:s22+$0xFFFFFFE0];
	_ =	sdelay $0x4  }
0x169: {  	[tilespmem:s0+$0x128] =	vst v1  }
0x16a: {  	v1 =	vld [tilespmem:s22+$0xFFFFFFF0];
	_ =	sdelay $0x4  }
0x16b: {  	[tilespmem:s0+$0x138] =	vst v1  }
0x16c: {  	v1 =	vld [tilespmem:s22+$0x0];
	_ =	sdelay $0x4  }
0x16d: {  	[tilespmem:s0+$0x148] =	vst v1  }
0x16e: {  	v1 =	vld [tilespmem:s22+$0x10];
	_ =	sdelay $0x4  }
0x16f: {  	[tilespmem:s0+$0x158] =	vst v1  }
0x170: {  	v1 =	vld [tilespmem:s22+$0x20];
	_ =	sdelay $0x4  }
0x171: {  	[tilespmem:s0+$0x168] =	vst v1  }
0x172: {  	v1 =	vld [tilespmem:s22+$0x30]  }
.Ltmp23:
0x173: {  	_ = 	snop;
	(pc) =	sbr.rel .LBB3_17-.Ltmp23, $2  }
0x174: {  	_ =	sdelay $0x2  }
0x175: {  	s24 =	sadd.s32 $0x1, s24;
	[tilespmem:s0+$0x178] =	vst v1  }
.LBB3_19:
.Ltmp24:
0x176: {  	(pc) =	sbr.rel .LBB3_20-.Ltmp24, $4  }
0x177: {  	_ = 	snop  }
0x178: {  	s0 =	simm.s32 $0x2  }
0x179: {  	_ =	swait.ge [sflag:s0], $0x0  }
0x17a: {  	s26 =	smov.u32 s25;
	[sflag:s0] =	ssyncset.done $0x0;
	s0 =	simm.s32 $0x0  }
.LBB3_22:
0x17b: {  	_ =	sfence.sel $0x180000  }
0x17c: {  	s0 =	simm.s32 $0x7;
	[bflag:$0x0] =	sbarrier.arrive $0xFFFF  }
0x17d: {  	s25 =	simm.s32 $0x8;
	[sflag:s0] =	ssyncpa.u1 $0x1  }
0x17e: {  	s26 =	simm.s32 $0x9;
	[sflag:s25] =	ssyncpa.u1 $0x1  }
0x17f: {  	s28 =	simm.s32 $0x2;
	[sflag:s26] =	ssyncpa.u1 $0x1  }
0x180: {  	[sflag:s28] =	ssyncpa.u1 $0x1  }
0x181: {  	v0 =	vld [tilespmem:$0xF208];
	_ =	sdelay $0x4  }
0x182: {  	(v2sf) =	vpush v0, $0x0  }
0x183: {  	(v2sf) =	vpush v0, $0x1;
	_ =	sdelay $0x1  }
0x184: {  	(v2sf) =	vpush v0, $0x2;
	_ =	sdelay $0xb  }
0x185: {  	s0 =	spop (v2sf)  }
0x186: {  	s2 =	spop (v2sf)  }
0x187: {  	s3 =	smov.u32 s0;
	p0 =	sne.s32 s0, s2  }
0x188: {  	s4 =	spop (v2sf);
	s3 =	simm.s32 @!p0 $0xFFFFFFFF  }
0x189: {  	v2 =	vimm.s32 $0x1;
	v3 =	vlaneseq.u32;
	p0 =	seq.s32 s4, $0xFFFFFFFF;
	v1 =	vmov s3  }
0x18a: {  	s7 =	stileid.u32;
	v0 =	vperm.xlane v0, v2;
	p1 =	sne.s32 @!p0 s0, s2;
	v1 =	vperm.xlane v1, v3  }
0x18b: {  	vm0 =	vcmask $0x3F04;
	s6 =	simm.s32 $0xF208;
	s0 =	simm.s32 @!p0 $0x1;
	p1 =	por !p1, p0  }
0x18c: {  	s3 =	sshll.u32 s7, $0x1;
	s2 =	sshll.u32 @!p0 s4, $0x9;
	s0 =	simm.s32 @p1 $0x0;
	v0 =	vsel vm0, v1, v0  }
0x18d: {  	s5 =	sor.u32 $0x1000, s3;
	s2 =	sshra.s32 @!p0 s2, $0x2;
	s0 =	sor.u32 @!p0 s0, s3;
	[tilespmem:$0xF208] =	vst v0  }
0x18e: {  	[spmem:s5] =	stream.linear.scatter [tilespmem:s6], [sflag:$0x1], $0x2, $0x38;
	[tilespmem:$0x1F6E8] =	vst v63  }
0x18f: {  	s2 =	sadd.s32 @!p0 $0x108, s2;
	s0 =	sshll.u32 @!p0 s0, $0x7  }
0x190: {  	[spmem:s0] =	stream.linear.scatter @!p0 [tilespmem:s2], [sflag:$0x1], $0x80, $0x38;
	[tilespmem:$0x1F6E8] =	vst v63  }
0x191: {  	s0 =	simm.s32 @!p0 $0x82  }
0x192: {  	s3 =	simm.s32 $0x1;
	s0 =	simm.s32 @p0 $0x2  }
0x193: {  	_ =	swait.ge [sflag:s3], s0  }
0x194: {  	s0 =	ssub.s32 $0x0, s0;
	[sflag:s3] =	ssyncset.done $0x0  }
0x195: {  	[sflag:s3] =	ssyncadd.s32 s0  }
0x196: {  	_ =	sfence.stream.spmem  }
0x197: {  	s29 =	simm.s32 $0x3;
	[bflag:$0x0] =	sbarrier.arrive $0xFFFF  }
0x198: {  	s30 =	simm.s32 $0x4;
	[sflag:s29] =	ssyncpa.u1 $0x1  }
0x199: {  	s31 =	simm.s32 $0x3C;
	[sflag:s30] =	ssyncpa.u1 $0x1  }
0x19a: {  	p0 =	sne.s32 s7, $0x0;
	[sflag:s31] =	ssyncpa.u1 $0x1  }
0x19b: {  	_ =	sfence @p0  }
0x19c: {  	[sflag:s3] =	ssyncpa.u1 @p0 $0x1  }
0x19d: {  	_ =	strace @p0 $0x90000050  }
0x19e: {  	[bflag:$0x2] =	sbarrier.arrive @p0 $0xFFFF  }
0x19f: {  	_ =	shalt @p0  }
.LBB3_23:
0x1a0: {  	_ =	sfence.stream.spmem;
	s0 =	simm.s32 $0x5  }
0x1a1: {  	s2 =	simm.s32 $0x1000;
	s3 =	simm.s32 $0xF218;
	[sflag:s0] =	ssyncpa.u1 $0x0  }
0x1a2: {  	[tilespmem:s3], [sflag:$0x5] =	stream.linear.gather [spmem:s2], $0x20, $0x38;
	[tilespmem:$0x1F6E8] =	vst v63  }
0x1a3: {  	s30 =	simm.s32 $0xF238;
	s2 =	simm.s32 $0x0  }
0x1a4: {  	[tilespmem:s30], [sflag:$0x5] =	stream.linear.gather [spmem:s2], $0x1000, $0x38;
	[tilespmem:$0x1F6E8] =	vst v63  }
.Ltmp25:
0x1a5: {  	_ = 	snop;
	(pc) =	sbr.rel .LBB3_24-.Ltmp25, $4  }
0x1a6: {  	_ =	swait.ge [sflag:s0], $0x1020  }
0x1a7: {  	[sflag:s0] =	ssyncset.done $0x0  }
0x1a8: {  	s31 =	simm.s32 $0x6;
	[sflag:s0] =	ssyncadd.s32 $0xFFFFEFE0  }
0x1a9: {  	s3 =	simm.s32 $0x0;
	[sflag:s31] =	ssyncpa.u1 $0x0  }
.LBB3_30:
0x1aa: {  	p0 =	slt.u32 s4, $0x270F1  }
0x1ab: {  	s0 =	sand.u32 @p0 $0x3FFF8, s4  }
0x1ac: {  	s4 =	sand.u32 @p0 $0x7, s4;
	s5 =	simm.s32 @p0 $0xF188;
	s0 =	sadd.s32 @p0 s1, s0  }
0x1ad: {  	[tilespmem:s5], [sflag:$0x6] =	stream.linear.gather @p0 [hbm4b:s0+s4], $0x80, $0x38;
	[tilespmem:$0x1F6E8] =	vst v63  }
0x1ae: {  	s0 =	simm.s32 @p0 $0x6  }
0x1af: {  	_ =	swait.ge @p0 [sflag:s0], $0x80  }
0x1b0: {  	[sflag:s0] =	ssyncset.done @p0 $0x0  }
0x1b1: {  	[sflag:s0] =	ssyncadd.s32 @p0 $0xFFFFFF80  }
0x1b2: {  	v1 =	vld @p0 [tilespmem:$0xF188];
	_ =	sdelay $0x2  }
0x1b3: {  	s0 =	sshll.u32 @p0 s3, $0x9  }
0x1b4: {  	s4 =	sshrl.u32 @p0 s0, $0x2  }
0x1b5: {  	[tilespmem:s4+$0xF238] =	vst.add.f32.msk @p0 $0xffff, v1  }
0x1b6: {  	v1 =	vld @p0 [tilespmem:$0xF198];
	_ =	sdelay $0x4  }
0x1b7: {  	[tilespmem:s4+$0xF248] =	vst.add.f32.msk @p0 $0xffff, v1  }
0x1b8: {  	v1 =	vld @p0 [tilespmem:$0xF1A8];
	_ =	sdelay $0x4  }
0x1b9: {  	[tilespmem:s4+$0xF258] =	vst.add.f32.msk @p0 $0xffff, v1  }
0x1ba: {  	v1 =	vld @p0 [tilespmem:$0xF1B8];
	_ =	sdelay $0x4  }
0x1bb: {  	[tilespmem:s4+$0xF268] =	vst.add.f32.msk @p0 $0xffff, v1  }
0x1bc: {  	v1 =	vld @p0 [tilespmem:$0xF1C8];
	_ =	sdelay $0x4  }
0x1bd: {  	[tilespmem:s4+$0xF278] =	vst.add.f32.msk @p0 $0xffff, v1  }
0x1be: {  	v1 =	vld @p0 [tilespmem:$0xF1D8];
	_ =	sdelay $0x4  }
0x1bf: {  	[tilespmem:s4+$0xF288] =	vst.add.f32.msk @p0 $0xffff, v1  }
0x1c0: {  	v1 =	vld @p0 [tilespmem:$0xF1E8];
	_ =	sdelay $0x4  }
0x1c1: {  	[tilespmem:s4+$0xF298] =	vst.add.f32.msk @p0 $0xffff, v1  }
0x1c2: {  	v1 =	vld @p0 [tilespmem:$0xF1F8];
	_ =	sdelay $0x3  }
0x1c3: {  	s5 =	sshll.u32 @!p0 s3, $0x9  }
0x1c4: {  	s5 =	smov.u32 @p0 s0;
	[tilespmem:s4+$0xF2A8] =	vst.add.f32.msk @p0 $0xffff, v1  }
0x1c5: {  	s0 =	sshrl.u32 s5, $0x2;
	[tilespmem:s2+$0xF218] =	vst.msk $0x1, v0  }
0x1c6: {  	v0 =	vld [tilespmem:s0+$0xF238];
	_ =	sdelay $0x2  }
0x1c7: {  	s31 =	sshll.u32 s2, $0x9  }
0x1c8: {  	s4 =	sshra.s32 s31, $0x2  }
0x1c9: {  	[tilespmem:s4+$0xF238] =	vst v0  }
0x1ca: {  	v0 =	vld [tilespmem:s0+$0xF248];
	_ =	sdelay $0x4  }
0x1cb: {  	[tilespmem:s4+$0xF248] =	vst v0  }
0x1cc: {  	v0 =	vld [tilespmem:s0+$0xF258];
	_ =	sdelay $0x4  }
0x1cd: {  	[tilespmem:s4+$0xF258] =	vst v0  }
0x1ce: {  	v0 =	vld [tilespmem:s0+$0xF268];
	_ =	sdelay $0x4  }
0x1cf: {  	[tilespmem:s4+$0xF268] =	vst v0  }
0x1d0: {  	v0 =	vld [tilespmem:s0+$0xF278];
	_ =	sdelay $0x4  }
0x1d1: {  	[tilespmem:s4+$0xF278] =	vst v0  }
0x1d2: {  	v0 =	vld [tilespmem:s0+$0xF288];
	_ =	sdelay $0x4  }
0x1d3: {  	[tilespmem:s4+$0xF288] =	vst v0  }
0x1d4: {  	v0 =	vld [tilespmem:s0+$0xF298];
	_ =	sdelay $0x4  }
0x1d5: {  	[tilespmem:s4+$0xF298] =	vst v0  }
0x1d6: {  	v0 =	vld [tilespmem:s0+$0xF2A8];
	_ =	sdelay $0x4  }
0x1d7: {  	s2 =	sadd.s32 $0x1, s2;
	[tilespmem:s4+$0xF2A8] =	vst v0  }
.LBB3_31:
0x1d8: {  	s3 =	sadd.s32 $0x1, s3  }
0x1d9: {  	p0 =	sne.s32 s3, $0x20  }
.Ltmp26:
0x1da: {  	_ = 	snop;
	(pc) =	sbr.rel @!p0 .LBB3_32-.Ltmp26, $1  }
0x1db: {  	_ =	sdelay $0x3  }
.LBB3_24:
0x1dc: {  	v0 =	vld.msk [tilespmem:s3+$0xF218], $0x1;
	_ =	sdelay $0x4  }
0x1dd: {  	(v2sf) =	vpush v0, $0x0;
	_ =	sdelay $0xe  }
0x1de: {  	s4 =	spop (v2sf)  }
0x1df: {  	p0 =	seq.s32 s4, $0xFFFFFFFF  }
.Ltmp27:
0x1e0: {  	_ = 	snop;
	(pc) =	sbr.rel @p0 .LBB3_31-.Ltmp27, $1  }
0x1e1: {  	_ =	sdelay $0x3  }
0x1e2: {  	p0 =	slt.s32 s2, $0x1  }
.Ltmp28:
0x1e3: {  	_ = 	snop;
	(pc) =	sbr.rel @p0 .LBB3_30-.Ltmp28, $1  }
0x1e4: {  	_ =	sdelay $0x3  }
0x1e5: {  	s5 =	simm.s32 $0xF218;
	p0 =	por $0x0, $0x0  }
0x1e6: {  	v1 =	vld.msk @!p0 [tilespmem:s5+$0x0], $0x1;
	_ =	sdelay $0x4  }
0x1e7: {  	(v2sf) =	vpush @!p0 v1, $0x0;
	_ =	sdelay $0xd  }
0x1e8: {  	p2 =	sne.s32 s2, $0x1  }
.Ltmp29:
0x1e9: {  	s0 =	spop @!p0 (v2sf);
	(pc) =	sbr.rel @!p2 .LBB3_28-.Ltmp29, $4  }
0x1ea: {  	p1 =	seq.s32 @!p0 s4, s0  }
0x1eb: {  	s6 =	simm.s32 $0x0;
	p1 =	por !p1, p0  }
0x1ec: {  	s0 =	simm.s32 $0xFFFFFFFF;
	s6 =	simm.s32 @p1 $0xFFFFFFFF  }
0x1ed: {  	s7 =	simm.s32 $0x1;
	s6 =	smov.u32 @p0 s0  }
.LBB3_27:
0x1ee: {  	s0 =	smov.u32 s6;
	p0 =	sne.s32 s6, $0xFFFFFFFF  }
0x1ef: {  	s5 =	sadd.s32 $0x1, s5;
	s6 =	smov.u32 s7;
	s7 =	sadd.s32 $0x1, s7  }
0x1f0: {  	p1 =	sne.s32 s2, s7;
	v1 =	vld.msk @!p0 [tilespmem:s5+$0x0], $0x1;
	_ =	sdelay $0x4  }
0x1f1: {  	(v2sf) =	vpush @!p0 v1, $0x0;
	_ =	sdelay $0xe  }
.Ltmp30:
0x1f2: {  	s8 =	spop @!p0 (v2sf);
	(pc) =	sbr.rel @p1 .LBB3_27-.Ltmp30, $4  }
0x1f3: {  	p2 =	seq.s32 @!p0 s4, s8  }
0x1f4: {  	p2 =	por !p2, p0  }
0x1f5: {  	s6 =	simm.s32 @p2 $0xFFFFFFFF  }
0x1f6: {  	s6 =	smov.u32 @p0 s0  }
.LBB3_28:
0x1f7: {  	p0 =	seq.s32 s6, $0xFFFFFFFF  }
.Ltmp31:
0x1f8: {  	_ = 	snop;
	(pc) =	sbr.rel @p0 .LBB3_30-.Ltmp31, $1  }
0x1f9: {  	_ =	sdelay $0x3  }
0x1fa: {  	s0 =	sshll.u32 s3, $0x7  }
0x1fb: {  	s0 =	sand.u32 $0x3FFFFF80, s0  }
0x1fc: {  	v0 =	vld [tilespmem:s0+$0xF238];
	_ =	sdelay $0x2  }
0x1fd: {  	s4 =	sshll.u32 s6, $0x9  }
0x1fe: {  	s4 =	sshra.s32 s4, $0x2  }
0x1ff: {  	[tilespmem:s4+$0xF238] =	vst.add.f32.msk $0xffff, v0  }
0x200: {  	v0 =	vld [tilespmem:s0+$0xF248];
	_ =	sdelay $0x4  }
0x201: {  	[tilespmem:s4+$0xF248] =	vst.add.f32.msk $0xffff, v0  }
0x202: {  	v0 =	vld [tilespmem:s0+$0xF258];
	_ =	sdelay $0x4  }
0x203: {  	[tilespmem:s4+$0xF258] =	vst.add.f32.msk $0xffff, v0  }
0x204: {  	v0 =	vld [tilespmem:s0+$0xF268];
	_ =	sdelay $0x4  }
0x205: {  	[tilespmem:s4+$0xF268] =	vst.add.f32.msk $0xffff, v0  }
0x206: {  	v0 =	vld [tilespmem:s0+$0xF278];
	_ =	sdelay $0x4  }
0x207: {  	[tilespmem:s4+$0xF278] =	vst.add.f32.msk $0xffff, v0  }
0x208: {  	v0 =	vld [tilespmem:s0+$0xF288];
	_ =	sdelay $0x4  }
0x209: {  	[tilespmem:s4+$0xF288] =	vst.add.f32.msk $0xffff, v0  }
0x20a: {  	v0 =	vld [tilespmem:s0+$0xF298];
	_ =	sdelay $0x4  }
0x20b: {  	[tilespmem:s4+$0xF298] =	vst.add.f32.msk $0xffff, v0  }
0x20c: {  	v0 =	vld [tilespmem:s0+$0xF2A8]  }
.Ltmp32:
0x20d: {  	_ = 	snop;
	(pc) =	sbr.rel .LBB3_31-.Ltmp32, $2  }
0x20e: {  	_ =	sdelay $0x2  }
0x20f: {  	[tilespmem:s4+$0xF2A8] =	vst.add.f32.msk $0xffff, v0  }
.LBB3_32:
0x210: {  	p0 =	slt.s32 s2, $0x1  }
.Ltmp33:
0x211: {  	_ = 	snop;
	(pc) =	sbr.rel @p0 .LBB3_36-.Ltmp33, $3  }
0x212: {  	_ =	sdelay $0x1  }
0x213: {  	s0 =	simm.s32 $0x6  }
0x214: {  	s3 =	simm.s32 $0x0;
	[sflag:s0] =	ssyncpa.u1 $0x1  }
0x215: {  	s0 =	simm.s32 $0xF218  }
0x216: {  	v0 =	vld.msk [tilespmem:s0+$0x0], $0x1;
	_ =	sdelay $0x4  }
0x217: {  	(v2sf) =	vpush v0, $0x0;
	_ =	sdelay $0xd  }
0x218: {  	s2 =	sadd.s32 $0xFFFFFFFF, s2  }
0x219: {  	p1 =	sne.s32 s2, $0x0;
	s0 =	spop (v2sf)  }
.Ltmp34:
0x21a: {  	p0 =	sgt.u32 s0, $0x270F0;
	(pc) =	sbr.rel @!p1 .LBB3_35-.Ltmp34, $4  }
0x21b: {  	s4 =	simm.s32 $0xF238;
	s5 =	sand.u32 @!p0 $0x3FFF8, s0  }
0x21c: {  	s6 =	simm.s32 $0x0;
	s0 =	sand.u32 @!p0 $0x7, s0;
	s5 =	sadd.s32 @!p0 s1, s5  }
0x21d: {  	[hbm4b:s5+s0] =	stream.linear.scatter @!p0 [tilespmem:s4], [sflag:$0x5], $0x80, $0x38;
	[tilespmem:$0x1F6E8] =	vst v63  }
0x21e: {  	s6 =	simm.s32 @!p0 $0x200;
	s5 =	simm.s32 $0xF219  }
.LBB3_34:
0x21f: {  	v0 =	vld.msk [tilespmem:s5+$0x0], $0x1;
	s2 =	sadd.s32 $0xFFFFFFFF, s2;
	s3 =	sadd.s32 s3, s6  }
0x220: {  	p0 =	sne.s32 s2, $0x0;
	_ =	sdelay $0x3  }
0x221: {  	(v2sf) =	vpush v0, $0x0;
	_ =	sdelay $0xe  }
.Ltmp35:
0x222: {  	s0 =	spop (v2sf);
	(pc) =	sbr.rel @p0 .LBB3_34-.Ltmp35, $4  }
0x223: {  	s6 =	simm.s32 $0x0;
	p1 =	sgt.u32 s0, $0x270F0  }
0x224: {  	s4 =	sadd.s32 $0x80, s4;
	s6 =	simm.s32 @!p1 $0x200;
	s7 =	sand.u32 @!p1 $0x3FFF8, s0  }
0x225: {  	s5 =	sadd.s32 $0x1, s5;
	s0 =	sand.u32 @!p1 $0x7, s0;
	s7 =	sadd.s32 @!p1 s1, s7  }
0x226: {  	[hbm4b:s7+s0] =	stream.linear.scatter @!p1 [tilespmem:s4], [sflag:$0x5], $0x80, $0x38;
	[tilespmem:$0x1F6E8] =	vst v63  }
.LBB3_35:
0x227: {  	s0 =	sadd.s32 s3, s6  }
0x228: {  	s3 =	sshrl.u32 s0, $0x2  }
.LBB3_36:
0x229: {  	s0 =	simm.s32 $0x5  }
0x22a: {  	_ =	swait.ge [sflag:s0], s3  }
0x22b: {  	s1 =	ssub.s32 $0x0, s3;
	[sflag:s0] =	ssyncset.done $0x0  }
0x22c: {  	[sflag:s0] =	ssyncadd.s32 s1  }
0x22d: {  	[sflag:s0] =	ssyncpa.u1 $0x1  }
0x22e: {  	s30 =	simm.s32 $0x1;
	_ =	sfence  }
0x22f: {  	[sflag:s30] =	ssyncpa.u1 $0x1  }
0x230: {  	_ =	strace $0x90000050  }
0x231: {  	[bflag:$0x2] =	sbarrier.arrive $0xFFFF  }
0x232: {  	s31 =	rddreg [dreg:$0x1]  }
0x233: {  	s0 =	sadd.s32 $0x100000, s31  }
0x234: {  	[sflag:s0] =	ssyncadd.tile.s32 $0x1;
	_ =	shalt  }
.Lfunc_end3:
_tile_overlayer_lowered:
.L_overlay_start_3:
0x235: {  	(tag) =	ssettag $0x3  }
0x236: {  	s0 =	rddreg [dreg:$0x0];
	s2 =	stileid.u32  }
0x237: {  	s1 =	rddreg [dreg:$0x1];
	p0 =	sne.s32 s2, $0x0  }
0x238: {  	s3 =	rddreg [dreg:$0x2];
	[bflag:$0x3] =	sbarrier.arrive $0xFFFF;
	s2 =	simm.s32 @!p0 $0x1C01  }
0x239: {  	[timem:s3], [sflag:s2] =	dma.local @!p0 [hbm:s0], s1  }
0x23a: {  	s0 =	simm.s32 @!p0 $0x1  }
0x23b: {  	_ =	swait.ge @!p0 [sflag:s0], s1  }
0x23c: {  	s1 =	ssub.s32 @!p0 $0x0, s1;
	[sflag:s0] =	ssyncset.done @!p0 $0x0  }
0x23d: {  	[sflag:s0] =	ssyncadd.s32 @!p0 s1  }
0x23e: {  	[bflag:$0x3] =	sbarrier.arrive $0xFFFF  }
0x23f: {  	_ =	shalt  }

// kernel: scatter_offload_async_start.2
scs
__scs_entry_jumppad:
0x0: {  	(pc) =	sbr.rel $0x88, $3  }
0x1: {  	(tag) =	ssettag $0x0;
	lr =	simm.s32 $0x1  }
0x2: {  	[smem:$0x3F8D] =	sst lr;
	_ =	strace $0xD0000000  }
0x3: {  	_ = 	snop  }
0x4: {  	_ = 	snop  }
0x5: {  	_ = 	snop  }
0x6: {  	_ = 	snop  }
0x7: {  	_ = 	snop  }
__scs_overlays_trampoline_lowered:
0x8: {  	[smem:$0x3F9C] =	sst s0  }
0x9: {  	[smem:$0x3F9D] =	sst s1  }
0xa: {  	[smem:$0x3F9E] =	sst s2  }
0xb: {  	[smem:$0x3F9F] =	sst s3  }
0xc: {  	[smem:$0x3FA0] =	sst s4  }
0xd: {  	[smem:$0x3FA1] =	sst s5  }
0xe: {  	[smem:$0x3FA2] =	sst s6  }
0xf: {  	[smem:$0x3FA3] =	sst s7  }
0x10: {  	[smem:$0x3FA4] =	sst s8  }
0x11: {  	[smem:$0x3FA5] =	sst s9;
	s0 =	simm.s32 @!p0 $0x0  }
0x12: {  	s1 =	sld [smem:$0x3F8B];
	s0 =	simm.s32 @p0 $0x1  }
0x13: {  	[smem:$0x3FA6] =	sst s0;
	s0 =	simm.s32 @!p1 $0x0  }
0x14: {  	s2 =	sld [smem:$0x3F8A];
	s0 =	simm.s32 @p1 $0x1  }
0x15: {  	[smem:$0x3FA7] =	sst s0;
	s0 =	simm.s32 @!p2 $0x0  }
0x16: {  	s3 =	sld [smem:$0x3FDB];
	s0 =	simm.s32 @p2 $0x1  }
0x17: {  	s4 =	simm.s32 $0x1BF5;
	[smem:$0x3FA9] =	sst s0  }
0x18: {  	s0 =	sld [smem:$0x3F8C];
	_ =	swait.ge [sflag:s4], $0x0  }
0x19: {  	s7 =	sld [smem:$0x3F8D]  }
0x1a: {  	s8 =	sadd.s32 $0xFFFFE003, lr  }
0x1b: {  	s9 =	sadd.s32 $0xFFFFFEF7, lr;
	s5 =	simm.s32 $0xFFFFFFFF;
	p2 =	slt.u32 s8, $0xFFFFF086  }
0x1c: {  	p1 =	slt.u32 s9, $0xF7A;
	s5 =	simm.s32 @!p2 $0x0  }
0x1d: {  	s5 =	simm.s32 @p1 $0x1;
	p0 =	seq.s32 s7, s2  }
0x1e: {  	s7 =	smul.u32 @!p0 $0xF7A, s2;
	p2 =	seq.s32 @!p0 s5, $0x0  }
0x1f: {  	s9 =	smul.u32 $0xF7A, s1;
	s8 =	simm.s32 @!p0 $0x1BF5;
	p2 =	por !p2, p0  }
0x20: {  	[sflag:s8] =	ssyncset.s32 @!p0 $0xFFFFF086;
	s6 =	sadd.s32 @!p0 s3, s7;
	s7 =	simm.s32 @!p0 $0x108  }
0x21: {  	s3 =	sadd.s32 s3, s9;
	s6 =	sadd.s32 @!p0 $0x88, s6;
	s7 =	simm.s32 @p2 $0x1082  }
0x22: {  	[simem:s7], [sflag:s8] =	dma.local @!p0 [hbm:s6], $0xF7A  }
0x23: {  	s9 =	sor.u32 $0xD0000000, s2;
	s6 =	simm.s32 $0x108;
	_ =	swait.ge @!p0 [sflag:s8], $0x0  }
0x24: {  	s3 =	sadd.s32 $0x88, s3;
	s6 =	simm.s32 @!p1 $0x1082;
	[sflag:s4] =	ssyncset.s32 $0xFFFFF086  }
0x25: {  	[simem:s6], [sflag:s4] =	dma.local [hbm:s3], $0xF7A  }
0x26: {  	[smem:$0x3F8D] =	sst s1;
	(tag) =	ssettag s2;
	_ =	strace s9  }
0x27: {  	s1 =	sld [smem:$0x3F9D]  }
0x28: {  	s2 =	sld [smem:$0x3F9E]  }
0x29: {  	s4 =	sld [smem:$0x3FA0]  }
0x2a: {  	p0 =	seq.s32 s5, $0x0;
	s5 =	sld [smem:$0x3FA1]  }
0x2b: {  	s6 =	sld [smem:$0x3FA2]  }
0x2c: {  	s7 =	sld [smem:$0x3FA3]  }
0x2d: {  	s3 =	simm.s32 $0x108;
	s8 =	sld [smem:$0x3FA4]  }
0x2e: {  	s3 =	simm.s32 @!p0 $0x1082;
	s9 =	sld [smem:$0x3FA5]  }
0x2f: {  	lr =	sadd.s32 s0, s3;
	s0 =	sld [smem:$0x3F9C]  }
0x30: {  	s3 =	sld [smem:$0x3F9F]  }
0x31: {  	[smem:$0x3FA8] =	sst s10  }
0x32: {  	s10 =	sld [smem:$0x3FA6];
	_ =	sdelay $0x3  }
0x33: {  	p0 =	seq.s32 s10, $0x1;
	s10 =	sld [smem:$0x3FA8];
	_ =	sdelay $0x3  }
0x34: {  	[smem:$0x3FA8] =	sst s10  }
0x35: {  	s10 =	sld [smem:$0x3FA7];
	_ =	sdelay $0x3  }
0x36: {  	p1 =	seq.s32 s10, $0x1;
	s10 =	sld [smem:$0x3FA8];
	_ =	sdelay $0x3  }
0x37: {  	[smem:$0x3FA8] =	sst s10  }
0x38: {  	s10 =	sld [smem:$0x3FA9]  }
0x39: {  	_ = 	snop;
	(pc) =	sbr.ind lr, $3  }
0x3a: {  	_ = 	snop  }
0x3b: {  	_ = 	snop  }
0x3c: {  	p2 =	seq.s32 s10, $0x1;
	s10 =	sld [smem:$0x3FA8]  }
0x3d: {  	_ =	shalt  }
0x3e: {  	_ =	shalt  }
0x3f: {  	_ =	shalt  }
0x40: {  	_ =	shalt  }
0x41: {  	_ =	shalt  }
0x42: {  	_ =	shalt  }
0x43: {  	_ =	shalt  }
0x44: {  	_ =	shalt  }
0x45: {  	_ =	shalt  }
0x46: {  	_ =	shalt  }
0x47: {  	_ =	shalt  }
0x48: {  	_ =	shalt  }
0x49: {  	_ =	shalt  }
0x4a: {  	_ =	shalt  }
0x4b: {  	_ =	shalt  }
0x4c: {  	_ =	shalt  }
0x4d: {  	_ =	shalt  }
0x4e: {  	_ =	shalt  }
0x4f: {  	_ =	shalt  }
0x50: {  	_ =	shalt  }
0x51: {  	_ =	shalt  }
0x52: {  	_ =	shalt  }
0x53: {  	_ =	shalt  }
0x54: {  	_ =	shalt  }
0x55: {  	_ =	shalt  }
0x56: {  	_ =	shalt  }
0x57: {  	_ =	shalt  }
0x58: {  	_ =	shalt  }
0x59: {  	_ =	shalt  }
0x5a: {  	_ =	shalt  }
0x5b: {  	_ =	shalt  }
0x5c: {  	_ =	shalt  }
0x5d: {  	_ =	shalt  }
0x5e: {  	_ =	shalt  }
0x5f: {  	_ =	shalt  }
0x60: {  	_ =	shalt  }
0x61: {  	_ =	shalt  }
0x62: {  	_ =	shalt  }
0x63: {  	_ =	shalt  }
0x64: {  	_ =	shalt  }
0x65: {  	_ =	shalt  }
0x66: {  	_ =	shalt  }
0x67: {  	_ =	shalt  }
0x68: {  	_ =	shalt  }
0x69: {  	_ =	shalt  }
0x6a: {  	_ =	shalt  }
0x6b: {  	_ =	shalt  }
0x6c: {  	_ =	shalt  }
0x6d: {  	_ =	shalt  }
0x6e: {  	_ =	shalt  }
0x6f: {  	_ =	shalt  }
0x70: {  	_ =	shalt  }
0x71: {  	_ =	shalt  }
0x72: {  	_ =	shalt  }
0x73: {  	_ =	shalt  }
0x74: {  	_ =	shalt  }
0x75: {  	_ =	shalt  }
0x76: {  	_ =	shalt  }
0x77: {  	_ =	shalt  }
0x78: {  	_ =	shalt  }
0x79: {  	_ =	shalt  }
0x7a: {  	_ =	shalt  }
0x7b: {  	_ =	shalt  }
0x7c: {  	_ =	shalt  }
0x7d: {  	_ =	shalt  }
0x7e: {  	_ =	shalt  }
0x7f: {  	_ =	shalt  }
0x80: {  	_ =	shalt  }
0x81: {  	_ =	shalt  }
0x82: {  	_ =	shalt  }
0x83: {  	_ =	shalt  }
0x84: {  	_ =	shalt  }
0x85: {  	_ =	shalt  }
0x86: {  	_ =	shalt  }
0x87: {  	_ =	shalt  }
.Lfunc_end0:
.L_simem_size_0:
called_computation.2_lowered:
.L_overlay_start_0:
0x88: {  	s0 =	sld [smem:$0x3FD9]  }
0x89: {  	s1 =	sld [smem:$0x3FFE];
	_ =	sdelay $0x3  }
0x8a: {  	s0 =	sadd.s32 s1, s0  }
0x8b: {  	[smem:$0x3FB4] =	sst s0  }
0x8c: {  	_ = 	snop  }
0x8d: {  	(tm) =	ssettm $0x1  }
0x8e: {  	s14 =	sld [smem:$0x3FFB];
	_ =	sdelay $0x3  }
0x8f: {  	_ =	strace s14  }
0x90: {  	s0 =	sld [smem:$0x3FFC];
	_ =	sdelay $0x3  }
0x91: {  	_ =	strace s0  }
0x92: {  	s0 =	sld [smem:$0x3FFD];
	_ =	sdelay $0x3  }
0x93: {  	_ =	strace s0  }
0x94: {  	_ =	strace $0x8FFFFFFF  }
0x95: {  	s15 =	sld [smem:$0x3FDB];
	_ =	sdelay $0x1  }
0x96: {  	s16 =	simm.s32 $_scs_section_size  }
0x97: {  	s2 =	simm.s32 $_size__tile_overlayer_lowered;
	s3 =	simm.s32 $_tile_overlayer_lowered  }
0x98: {  	s4 =	simm.s32 $0x1BFF;
	s17 =	sshll.u32 s3, $0x1;
	s1 =	sadd.s32 s16, s15  }
0x99: {  	s18 =	simm.s32 $0x0;
	s2 =	sshll.u32 s2, $0x1;
	s3 =	sadd.s32 s17, s1  }
0x9a: {  	[timem:s18], [sflag:s4] =	dma.local [hbm:s3], s2  }
0x9b: {  	_ =	swait.ge [sflag:s4], s2  }
0x9c: {  	s2 =	ssub.s32 $0x0, s2;
	[sflag:s4] =	ssyncset.done $0x0  }
0x9d: {  	[sflag:s4] =	ssyncadd.s32 s2;
	_ =	sdelay $0x1  }
0x9e: {  	s19 =	simm.s32 $0x1B8B  }
0x9f: {  	_ =	swait.ge [sflag:s19], $0x1  }
0xa0: {  	[sflag:s19] =	ssyncset.done $0x0  }
0xa1: {  	s21 =	simm.s32 $0x1B8E;
	s20 =	sld [smem:$0x3FFE];
	[sflag:s19] =	ssyncadd.s32 $0xFFFFFFFF  }
0xa2: {  	s22 =	simm.s32 $execute0_lowered;
	[smem:$0x3FD2] =	sst s21  }
0xa3: {  	s3 =	sshll.u32 s22, $0x1;
	_ =	strace $0x80000055;
	[dreg:$0x1] =	wrdreg $0xFFFFFFFF  }
0xa4: {  	s23 =	simm.s32 $_size_execute0_lowered;
	s3 =	sadd.s32 s1, s3;
	[dreg:$0x0] =	wrdreg $0x0  }
0xa5: {  	s4 =	sshll.u32 s23, $0x1;
	[dreg:$0x2] =	wrdreg s3  }
0xa6: {  	[dreg:$0x3] =	wrdreg s4  }
0xa7: {  	[dreg:$0x4] =	wrdreg $0xC0  }
0xa8: {  	s24 =	simm.s32 $execute1_lowered;
	_ =	task [dreg:s18], $0x5FFFF  }
0xa9: {  	s3 =	sshll.u32 s24, $0x1;
	[dreg:$0x1] =	wrdreg $0xFFFFFFFF  }
0xaa: {  	s1 =	sadd.s32 s1, s3;
	[dreg:$0x0] =	wrdreg $0x60  }
0xab: {  	[dreg:$0x2] =	wrdreg s1  }
0xac: {  	[dreg:$0x3] =	wrdreg s20  }
0xad: {  	[dreg:$0x4] =	wrdreg $0x9  }
0xae: {  	_ =	task.clear_ibuf [dreg:s18], $0x5FFFF;
	_ =	strace $0x90000055  }
0xaf: {  	s25 =	simm.s32 $0x9;
	_ =	strace $0x80000057  }
0xb0: {  	_ =	swait.ge [sflag:s25], $0x1  }
0xb1: {  	[sflag:s25] =	ssyncadd.s32 $0xFFFFFFFF  }
0xb2: {  	_ =	strace $0x90000057  }
0xb3: {  	_ =	strace $0x80000058;
	[dreg:$0x1] =	wrdreg $0xFFFFFFFF  }
0xb4: {  	[dreg:$0x0] =	wrdreg $0x2030  }
0xb5: {  	[dreg:$0x2] =	wrdreg s20  }
0xb6: {  	[dreg:$0x3] =	wrdreg $0xA  }
0xb7: {  	_ =	task.clear_ibuf [dreg:s18], $0x4FFFF;
	_ =	strace $0x90000058  }
0xb8: {  	s26 =	simm.s32 $0xA;
	_ =	strace $0x8000005A  }
0xb9: {  	_ =	swait.ge [sflag:s26], $0x1  }
0xba: {  	[sflag:s26] =	ssyncadd.s32 $0xFFFFFFFF  }
0xbb: {  	_ =	strace $0x9000005A  }
0xbc: {  	_ =	sfence  }
0xbd: {  	s28 =	sld [smem:$0x0];
	_ =	sdelay $0x1  }
0xbe: {  	s29 =	srdreg.scid  }
0xbf: {  	s30 =	sshll.u32 s29, $0xD;
	s31 =	sshrl.u32 s29, $0x2  }
0xc0: {  	s2 =	sand.u32 $0x1, s29;
	s3 =	sand.u32 $0x4000, s30;
	s1 =	sadd.s32 s31, s28  }
0xc1: {  	s2 =	sor.u32 s3, s2;
	s1 =	sshll.u32 s1, $0x11  }
0xc2: {  	s1 =	sor.u32 s1, s2  }
0xc3: {  	s1 =	sadd.s32 $0x8F2B, s1  }
0xc4: {  	[sflag:s1] =	ssyncadd.remote.s32 $0x1  }
0xc5: {  	_ =	sfence.sel $0xFFFF  }
0xc6: {  	[dreg:$0x0] =	wrdreg $0xFFFFFFFF;
	(pc) =	sbr.abs _section_cstart, $3  }
0xc7: {  	[dreg:$0x1] =	wrdreg $0xFFFFFFFF  }
0xc8: {  	_ =	task.clear_ibuf [dreg:s18], $0x2FFFF;
	_ =	strace $0x9FFFFFFF  }
0xc9: {  	(tm) =	ssettm $0x7FFFFFFF  }
tec
execute0_lowered:
.L_overlay_start_1:
0x0: {  	(tag) =	ssettag $0x1  }
0x1: {  	s2 =	rddreg [dreg:$0x0]  }
0x2: {  	s4 =	rddreg [dreg:$0x1]  }
0x3: {  	s0 =	rddreg [dreg:$0x2]  }
0x4: {  	s3 =	stileid.u32;
	[bflag:$0x3] =	sbarrier.arrive $0xFFFF;
	s1 =	simm.s32 $_size_execute1_lowered  }
0x5: {  	s7 =	simm.s32 $0x2;
	s8 =	simm.s32 $0x0;
	s12 =	simm.s32 $0x0  }
0x6: {  	s10 =	simm.s32 $0x0;
	s11 =	simm.s32 $0x0;
	p0 =	sne.s32 s3, $0x0  }
0x7: {  	s1 =	sshll.u32 s1, $0x1;
	s3 =	sshll.u32 s3, $0x7;
	s5 =	simm.s32 @!p0 $0x1C3F  }
.Ltmp0:
0x8: {  	s6 =	simm.s32 @!p0 $0x4060;
	s31 =	ssub.s32 $0x2700, s3;
	(pc) =	sbr.rel .LBB2_1-.Ltmp0, $4  }
0x9: {  	[timem:s6], [sflag:s5] =	dma.local @!p0 [hbm:s2], s1  }
0xa: {  	s9 =	smov.u32 s3;
	s5 =	simm.s32 $0x1;
	_ =	strace $0x80000056  }
0xb: {  	s2 =	sadd.s32 $0x9BA00, s4;
	s6 =	sshrl.u32 s31, $0xB;
	[sflag:s5] =	ssyncpa.u1 $0x0  }
0xc: {  	s4 =	sadd.s32 $0xEAC00, s4;
	[sflag:s7] =	ssyncpa.u1 $0x0;
	s7 =	sadd.s32 $0x2, s6  }
.LBB2_4:
0xd: {  	_ = 	snop  }
.LBB2_7:
0xe: {  	_ =	sdelay $0x3  }
0xf: {  	[tilespmem:v0+s16+$0x0 ss:$0x1] =	vst.idx.msk @p1 $0xffff, v2  }
0x10: {  	v56 =	vld.idx.msk [tilespmem:v1+s15+$0x0 ss:$0x1], $0xffff;
	s24 =	sor.u32 $0x70, s15;
	[tilespmem:v0+s17+$0x0 ss:$0x1] =	vst.idx.msk @p1 $0xffff, v4  }
0x11: {  	s25 =	sor.u32 $0x10, s15;
	[tilespmem:v0+s18+$0x0 ss:$0x1] =	vst.idx.msk @p1 $0xffff, v3;
	v57 =	vld.idx.msk [tilespmem:v1+s24+$0x0 ss:$0x1], $0xffff  }
0x12: {  	s26 =	sor.u32 $0x20, s15;
	[tilespmem:v0+s19+$0x0 ss:$0x1] =	vst.idx.msk @p1 $0xffff, v5;
	v58 =	vld.idx.msk [tilespmem:v1+s25+$0x0 ss:$0x1], $0xffff  }
0x13: {  	s28 =	sor.u32 $0x30, s15;
	[tilespmem:v0+s20+$0x0 ss:$0x1] =	vst.idx.msk @p1 $0xffff, v6;
	v59 =	vld.idx.msk [tilespmem:v1+s26+$0x0 ss:$0x1], $0xffff  }
0x14: {  	s29 =	sor.u32 $0x40, s15;
	[tilespmem:v0+s21+$0x0 ss:$0x1] =	vst.idx.msk @p1 $0xffff, v7;
	v60 =	vld.idx.msk [tilespmem:v1+s28+$0x0 ss:$0x1], $0xffff  }
0x15: {  	s30 =	sor.u32 $0x50, s15;
	v61 =	vld.idx.msk [tilespmem:v1+s29+$0x0 ss:$0x1], $0xffff;
	[tilespmem:v0+s15+$0x0 ss:$0x1] =	vst.idx.msk $0xffff, v56  }
0x16: {  	s31 =	sor.u32 $0x60, s15;
	v62 =	vld.idx.msk [tilespmem:v1+s30+$0x0 ss:$0x1], $0xffff;
	[tilespmem:v0+s24+$0x0 ss:$0x1] =	vst.idx.msk $0xffff, v57  }
0x17: {  	v63 =	vld.idx.msk [tilespmem:v1+s31+$0x0 ss:$0x1], $0xffff;
	[tilespmem:v0+s25+$0x0 ss:$0x1] =	vst.idx.msk $0xffff, v58  }
0x18: {  	[tilespmem:v0+s26+$0x0 ss:$0x1] =	vst.idx.msk $0xffff, v59  }
0x19: {  	[tilespmem:v0+s28+$0x0 ss:$0x1] =	vst.idx.msk $0xffff, v60  }
0x1a: {  	[tilespmem:v0+s29+$0x0 ss:$0x1] =	vst.idx.msk $0xffff, v61  }
0x1b: {  	[tilespmem:v0+s30+$0x0 ss:$0x1] =	vst.idx.msk $0xffff, v62  }
0x1c: {  	[tilespmem:v0+s31+$0x0 ss:$0x1] =	vst.idx.msk $0xffff, v63  }
.LBB2_8:
0x1d: {  	s15 =	sand.u32 $0x1FFFFFF, s10  }
0x1e: {  	s16 =	smulhi.u32 $0x1A36E2F, s15;
	_ =	sdelay $0x1  }
0x1f: {  	s16 =	sshrl.u32 s16, $0x6  }
0x20: {  	s16 =	smul.u32 $0x2710, s16;
	_ =	sdelay $0x1  }
0x21: {  	s15 =	ssub.s32 s15, s16  }
0x22: {  	s15 =	sshll.u32 s15, $0x4  }
0x23: {  	s15 =	sadd.s32 s4, s15  }
0x24: {  	[hbm4b:s15+s8] =	stream.linear.scatter [tilespmem:s14], [sflag:$0x2], s13, $0x38;
	[tilespmem:$0x10000] =	vst v63  }
.LBB2_9:
0x25: {  	p1 =	slt.u32 s11, $0x2  }
0x26: {  	p2 =	sgt.s32 @!p1 s12, $0x2690  }
0x27: {  	s13 =	smov.u32 s12;
	s14 =	sshra.s32 @!p1 s12, $0x1F;
	p2 =	por !p2, p1  }
0x28: {  	s12 =	sand.u32 @!p1 s14, s12;
	s13 =	simm.s32 @p2 $0x2690  }
0x29: {  	s12 =	ssub.s32 @!p1 s13, s12  }
0x2a: {  	s12 =	sadd.s32 @!p1 $0xFFFFD970, s12  }
0x2b: {  	s13 =	sshll.u32 @!p1 s12, $0x9  }
0x2c: {  	p2 =	sgt.s32 @!p1 s12, $0x7F;
	s12 =	ssub.s32 @!p1 $0x10000, s13  }
0x2d: {  	s14 =	sadd.s32 $0x800, s9;
	p2 =	por !p2, p1;
	s12 =	sshrl.u32 @!p1 s12, $0x2  }
0x2e: {  	s12 =	simm.s32 @!p2 $0x0;
	p2 =	sgt.s32 s14, $0x270F  }
0x2f: {  	s14 =	smov.u32 @p2 s3;
	p2 =	sne.s32 s11, s7  }
.Ltmp1:
0x30: {  	_ = 	snop;
	(pc) =	sbr.rel @!p2 .LBB2_10-.Ltmp1, $4  }
0x31: {  	s13 =	simm.s32 @!p1 $0x2  }
0x32: {  	_ =	swait.ge @!p1 [sflag:s13], s12;
	s15 =	ssub.s32 @!p1 $0x0, s12  }
0x33: {  	s12 =	smov.u32 s10;
	s11 =	sadd.s32 $0x1, s11;
	[sflag:s13] =	ssyncset.done @!p1 $0x0  }
0x34: {  	s10 =	smov.u32 s9;
	s9 =	smov.u32 s14;
	[sflag:s13] =	ssyncadd.s32 @!p1 s15  }
.LBB2_1:
0x35: {  	p1 =	sgt.u32 s11, s6  }
0x36: {  	s13 =	sand.u32 @!p1 $0x1FFFFFF, s9  }
0x37: {  	p2 =	sgt.s32 @!p1 s9, $0x2690;
	s14 =	smulhi.u32 @!p1 $0x1A36E2F, s13  }
0x38: {  	s15 =	smov.u32 s9;
	s16 =	sshra.s32 @!p1 s9, $0x1F;
	p2 =	por !p2, p1  }
0x39: {  	s16 =	sand.u32 @!p1 s16, s9;
	s15 =	simm.s32 @p2 $0x2690;
	s14 =	sshrl.u32 @!p1 s14, $0x6  }
0x3a: {  	s15 =	ssub.s32 @!p1 s15, s16;
	s14 =	smul.u32 @!p1 $0x2710, s14  }
0x3b: {  	s16 =	sxor.u32 @!p1 $0xFFFFFFFF, s11;
	s15 =	sadd.s32 @!p1 $0xFFFFD970, s15  }
0x3c: {  	s16 =	sshll.u32 @!p1 s16, $0xE;
	s13 =	ssub.s32 @!p1 s13, s14;
	s14 =	sshll.u32 @!p1 s15, $0x9  }
0x3d: {  	s16 =	sand.u32 @!p1 $0x4000, s16;
	p2 =	sgt.s32 @!p1 s15, $0x7F;
	s14 =	ssub.s32 @!p1 $0x10000, s14  }
0x3e: {  	p2 =	por !p2, p1;
	s13 =	sshll.u32 @!p1 s13, $0x4;
	s14 =	sshrl.u32 @!p1 s14, $0x2  }
0x3f: {  	s15 =	simm.s32 @!p1 $0x0;
	s13 =	sadd.s32 @!p1 s2, s13;
	s14 =	simm.s32 @!p2 $0x0  }
0x40: {  	[tilespmem:s16], [sflag:$0x1] =	stream.linear.gather @!p1 [hbm4b:s13+s15], s14, $0x38;
	[tilespmem:$0x10000] =	vst v63  }
0x41: {  	p1 =	seq.s32 s11, $0x0  }
0x42: {  	p2 =	sge.u32 @!p1 s11, s7  }
0x43: {  	p1 =	por p1, p2  }
.Ltmp2:
0x44: {  	_ = 	snop;
	(pc) =	sbr.rel @p1 .LBB2_9-.Ltmp2, $1  }
0x45: {  	_ =	sdelay $0x3  }
0x46: {  	p1 =	sgt.s32 s10, $0x2690;
	s13 =	smov.u32 s10;
	s14 =	sshra.s32 s10, $0x1F  }
0x47: {  	s13 =	simm.s32 @!p1 $0x2690;
	s14 =	sand.u32 s14, s10  }
0x48: {  	s13 =	ssub.s32 s13, s14  }
0x49: {  	s13 =	sadd.s32 $0xFFFFD970, s13  }
0x4a: {  	s31 =	sshll.u32 s13, $0x9  }
0x4b: {  	s14 =	ssub.s32 $0x10000, s31  }
0x4c: {  	p1 =	sgt.s32 s13, $0x7F;
	s13 =	sshrl.u32 s14, $0x2;
	s14 =	sadd.s32 $0x80, s10  }
0x4d: {  	s13 =	simm.s32 @p1 $0x0;
	p1 =	slt.s32 s14, $0x2710  }
0x4e: {  	s14 =	simm.s32 @!p1 $0x2710  }
0x4f: {  	s16 =	ssub.s32 s14, s10  }
0x50: {  	p1 =	slt.s32 s16, $0x1  }
.Ltmp3:
0x51: {  	_ = 	snop;
	(pc) =	sbr.rel @p1 .LBB2_8-.Ltmp3, $4  }
0x52: {  	_ = 	snop  }
0x53: {  	s15 =	sshll.u32 s11, $0xE;
	_ =	swait.ge [sflag:s5], s13  }
0x54: {  	s15 =	sand.u32 $0x4000, s15;
	s17 =	ssub.s32 $0x0, s13;
	[sflag:s5] =	ssyncset.done $0x0  }
0x55: {  	s14 =	sor.u32 $0x8000, s15;
	[sflag:s5] =	ssyncadd.s32 s17  }
0x56: {  	p2 =	sne.s32 s16, $0x1  }
.Ltmp4:
0x57: {  	v1 =	vmov s15;
	v0 =	vmov s14;
	(pc) =	sbr.rel @!p2 .LBB2_4-.Ltmp4, $3  }
0x58: {  	_ =	sdelay $0x1  }
0x59: {  	s17 =	simm.s32 $0x0  }
0x5a: {  	s23 =	sadd.s32 $0xFFFFFFFF, s16;
	p1 =	por $0x0, $0x0;
	s15 =	sand.u32 $0x3F80, s17  }
0x5b: {  	_ =	sdelay $0x3  }
0x5c: {  	v6 =	vld.idx.msk [tilespmem:v1+s15+$0x0 ss:$0x1], $0xffff;
	s24 =	sor.u32 $0x70, s15  }
0x5d: {  	s16 =	sor.u32 $0x10, s15;
	v8 =	vld.idx.msk [tilespmem:v1+s24+$0x0 ss:$0x1], $0xffff  }
0x5e: {  	s17 =	sor.u32 $0x20, s15;
	p2 =	sne.s32 s23, $0x1;
	v2 =	vld.idx.msk [tilespmem:v1+s16+$0x0 ss:$0x1], $0xffff  }
.Ltmp5:
0x5f: {  	s18 =	sor.u32 $0x30, s15;
	v4 =	vld.idx.msk [tilespmem:v1+s17+$0x0 ss:$0x1], $0xffff;
	(pc) =	sbr.rel @!p2 .LBB2_7-.Ltmp5, $4  }
0x60: {  	s19 =	sor.u32 $0x40, s15;
	v3 =	vld.idx.msk [tilespmem:v1+s18+$0x0 ss:$0x1], $0xffff  }
0x61: {  	s21 =	sor.u32 $0x60, s15;
	v5 =	vld.idx.msk [tilespmem:v1+s19+$0x0 ss:$0x1], $0xffff  }
0x62: {  	s20 =	sor.u32 $0x50, s15;
	s22 =	simm.s32 $0x80;
	v7 =	vld.idx.msk [tilespmem:v1+s21+$0x0 ss:$0x1], $0xffff;
	[tilespmem:v0+s15+$0x0 ss:$0x1] =	vst.idx.msk $0xffff, v6  }
0x63: {  	s23 =	sadd.s32 $0xFFFFFFFF, s23;
	p1 =	por $0x1, $0x1;
	v6 =	vld.idx.msk [tilespmem:v1+s20+$0x0 ss:$0x1], $0xffff;
	s15 =	sand.u32 $0x3F80, s22;
	[tilespmem:v0+s24+$0x0 ss:$0x1] =	vst.idx.msk $0xffff, v8  }
.LBB2_6:
0x64: {  	p2 =	sne.s32 s23, $0x1;
	v8 =	vld.idx.msk [tilespmem:v1+s15+$0x0 ss:$0x1], $0xffff;
	s24 =	sor.u32 $0x70, s15;
	[tilespmem:v0+s16+$0x0 ss:$0x1] =	vst.idx.msk $0xffff, v2;
	s16 =	sor.u32 $0x10, s15  }
0x65: {  	s25 =	sor.u32 $0x30, s15;
	s26 =	sor.u32 $0x40, s15;
	v9 =	vld.idx.msk [tilespmem:v1+s24+$0x0 ss:$0x1], $0xffff;
	[tilespmem:v0+s17+$0x0 ss:$0x1] =	vst.idx.msk $0xffff, v4;
	s17 =	sor.u32 $0x20, s15  }
0x66: {  	s28 =	sor.u32 $0x50, s15;
	s29 =	sor.u32 $0x60, s15;
	v2 =	vld.idx.msk [tilespmem:v1+s16+$0x0 ss:$0x1], $0xffff;
	[tilespmem:v0+s18+$0x0 ss:$0x1] =	vst.idx.msk $0xffff, v3;
	s18 =	smov.u32 s25  }
.Ltmp6:
0x67: {  	v4 =	vld.idx.msk [tilespmem:v1+s17+$0x0 ss:$0x1], $0xffff;
	[tilespmem:v0+s19+$0x0 ss:$0x1] =	vst.idx.msk $0xffff, v5;
	s19 =	smov.u32 s26;
	(pc) =	sbr.rel @p2 .LBB2_6-.Ltmp6, $4  }
0x68: {  	v3 =	vld.idx.msk [tilespmem:v1+s18+$0x0 ss:$0x1], $0xffff;
	[tilespmem:v0+s20+$0x0 ss:$0x1] =	vst.idx.msk $0xffff, v6;
	s20 =	smov.u32 s28  }
0x69: {  	v5 =	vld.idx.msk [tilespmem:v1+s19+$0x0 ss:$0x1], $0xffff;
	[tilespmem:v0+s21+$0x0 ss:$0x1] =	vst.idx.msk $0xffff, v7;
	s21 =	smov.u32 s29  }
0x6a: {  	s22 =	sadd.s32 $0x80, s22;
	[tilespmem:v0+s15+$0x0 ss:$0x1] =	vst.idx.msk $0xffff, v8;
	v6 =	vld.idx.msk [tilespmem:v1+s20+$0x0 ss:$0x1], $0xffff  }
0x6b: {  	s23 =	sadd.s32 $0xFFFFFFFF, s23;
	s15 =	sand.u32 $0x3F80, s22;
	v7 =	vld.idx.msk [tilespmem:v1+s21+$0x0 ss:$0x1], $0xffff;
	[tilespmem:v0+s24+$0x0 ss:$0x1] =	vst.idx.msk $0xffff, v9  }
.Ltmp7:
0x6c: {  	_ = 	snop;
	(pc) =	sbr.rel .LBB2_7-.Ltmp7, $1  }
0x6d: {  	_ =	sdelay $0x3  }
.LBB2_10:
0x6e: {  	_ =	sfence.sel $0x180000  }
0x6f: {  	s2 =	simm.s32 $0x1;
	[bflag:$0x0] =	sbarrier.arrive $0xFFFF  }
0x70: {  	s31 =	simm.s32 $0x2;
	[sflag:s2] =	ssyncpa.u1 $0x1  }
0x71: {  	[sflag:s31] =	ssyncpa.u1 $0x1  }
0x72: {  	_ =	strace $0x90000056  }
0x73: {  	s0 =	sadd.s32 @!p0 $0x100000, s0;
	[bflag:$0x2] =	sbarrier.arrive $0xFFFF  }
0x74: {  	[sflag:s0] =	ssyncadd.tile.s32 @!p0 $0x1;
	s0 =	simm.s32 @!p0 $0x3F  }
0x75: {  	_ =	swait.ge @!p0 [sflag:s0], s1  }
0x76: {  	s1 =	ssub.s32 @!p0 $0x0, s1;
	[sflag:s0] =	ssyncset.done @!p0 $0x0  }
0x77: {  	[sflag:s0] =	ssyncadd.s32 @!p0 s1  }
0x78: {  	[bflag:$0x3] =	sbarrier.arrive $0xFFFF  }
0x79: {  	_ =	shalt  }
.Lfunc_end2:
execute1_lowered:
.L_overlay_start_2:
0x7a: {  	(tag) =	ssettag $0x2  }
0x7b: {  	s0 =	rddreg [dreg:$0x0];
	_ =	strace $0x80000059;
	s1 =	simm.s32 $0x1  }
0x7c: {  	s8 =	simm.s32 $0x108;
	v0 =	vimm.s32 $0x0;
	[sflag:s1] =	ssyncpa.u1 $0x0  }
0x7d: {  	[tilespmem:s8+$0x70] =	vst v0  }
0x7e: {  	[tilespmem:s8+$0x60] =	vst v0  }
0x7f: {  	[tilespmem:s8+$0x50] =	vst v0  }
0x80: {  	[tilespmem:s8+$0x40] =	vst v0  }
0x81: {  	[tilespmem:s8+$0x30] =	vst v0  }
0x82: {  	s1 =	sadd.s32 $0xEAC00, s0;
	s3 =	sadd.s32 $0x5ABA00, s0;
	[tilespmem:s8+$0x20] =	vst v0  }
0x83: {  	s2 =	simm.s32 $0x40;
	s4 =	sadd.s32 $0xACFE00, s0;
	s5 =	sadd.s32 $0x5B5C00, s0;
	[tilespmem:s8+$0x10] =	vst v0  }
.LBB3_1:
0x84: {  	s2 =	sadd.s32 $0x40, s2;
	[tilespmem:s8+$0x0] =	vst v0;
	s8 =	sadd.s32 $0x80, s8  }
0x85: {  	p0 =	slt.u32 s2, $0x3C40;
	[tilespmem:s8+$0x70] =	vst v0  }
0x86: {  	[tilespmem:s8+$0x60] =	vst v0  }
.Ltmp8:
0x87: {  	[tilespmem:s8+$0x50] =	vst v0;
	(pc) =	sbr.rel @p0 .LBB3_1-.Ltmp8, $4  }
0x88: {  	[tilespmem:s8+$0x40] =	vst v0  }
0x89: {  	[tilespmem:s8+$0x30] =	vst v0  }
0x8a: {  	[tilespmem:s8+$0x20] =	vst v0  }
0x8b: {  	[tilespmem:s8+$0x10] =	vst v0  }
0x8c: {  	s13 =	stileid.u32  }
0x8d: {  	s0 =	simm.s32 $0x4FB0;
	s6 =	smul.u32 $0x50A0, s13;
	p0 =	seq.s32 s13, $0xF  }
0x8e: {  	s0 =	simm.s32 @!p0 $0x50A0  }
0x8f: {  	s0 =	sadd.s32 s6, s0  }
0x90: {  	s7 =	smin.u32 s0, $0x50910  }
0x91: {  	s0 =	ssub.s32 s7, s6  }
0x92: {  	p0 =	sgt.s32 s0, $0x0  }
0x93: {  	s0 =	simm.s32 @!p0 $0x0  }
0x94: {  	s2 =	simm.s32 $0x2;
	s9 =	simm.s32 $0x7;
	s31 =	smulhi.u32 $0x1111112, s0  }
0x95: {  	s10 =	simm.s32 $0x8;
	s19 =	simm.s32 $0x0;
	s15 =	simm.s32 $0xA  }
0x96: {  	s17 =	simm.s32 $0x0;
	s18 =	simm.s32 $0x0;
	s11 =	smul.u32 $0xF0, s31  }
.Ltmp9:
0x97: {  	[tilespmem:s8+$0x0] =	vst v0;
	v0 =	vimm.s32 $0xFFFFFFFF;
	[sflag:s2] =	ssyncpa.u1 $0x0;
	s13 =	sshll.u32 s13, $0x8;
	(pc) =	sbr.rel .LBB3_3-.Ltmp9, $4  }
0x98: {  	[tilespmem:$0xF208] =	vst v0;
	[sflag:s9] =	ssyncpa.u1 $0x0;
	p0 =	sne.s32 s0, s11;
	s0 =	simm.s32 $0x1  }
0x99: {  	[sflag:s10] =	ssyncpa.u1 $0x0;
	s10 =	simm.s32 $0x9;
	s0 =	simm.s32 @!p0 $0x0  }
0x9a: {  	s16 =	smov.u32 s6;
	[sflag:s10] =	ssyncpa.u1 $0x0;
	s12 =	sadd.s32 s0, s31  }
0x9b: {  	v0 =	vlaneseq.u32;
	s11 =	simm.s32 $0x1;
	p0 =	por $0x0, $0x0;
	s14 =	sadd.s32 $0x1, s12  }
.LBB3_18:
0x9c: {  	s0 =	sshrl.u32 s28, $0x2  }
.LBB3_20:
0x9d: {  	_ =	swait.ge [sflag:s15], s0  }
0x9e: {  	s31 =	ssub.s32 $0x0, s0;
	v1 =	vmov s21;
	vm0 =	veq.s32 v0, $0x0;
	[sflag:s15] =	ssyncset.done $0x0  }
0x9f: {  	vm15 =	veq.s32 v0, $0x2;
	v1 =	vsel vm0, s26, v1;
	[sflag:s15] =	ssyncadd.s32 s31  }
0xa0: {  	v1 =	vsel vm15, s19, v1;
	[sflag:s15] =	ssyncpa.u1 $0x1  }
0xa1: {  	[tilespmem:$0xF208] =	vst v1  }
.LBB3_21:
0xa2: {  	s0 =	sadd.s32 $0xF0, s16  }
0xa3: {  	s2 =	smov.u32 s6;
	p1 =	slt.s32 s0, s7  }
0xa4: {  	s2 =	smov.u32 @p1 s0;
	p1 =	sne.s32 s18, s14  }
.Ltmp10:
0xa5: {  	_ = 	snop;
	(pc) =	sbr.rel @!p1 .LBB3_22-.Ltmp10, $3  }
0xa6: {  	_ =	sdelay $0x1  }
0xa7: {  	s19 =	smov.u32 s17;
	s31 =	sadd.s32 $0x1, s18;
	s17 =	smov.u32 s16  }
0xa8: {  	p0 =	por !p0, !p0;
	s18 =	smov.u32 s31;
	s16 =	smov.u32 s2  }
.LBB3_3:
0xa9: {  	p1 =	sge.u32 s18, s12  }
0xaa: {  	s0 =	smulhi.u32 @!p1 $0xAAAAAAAB, s18  }
0xab: {  	s2 =	smov.u32 s16;
	p2 =	sgt.s32 @!p1 s16, $0x50820  }
0xac: {  	s20 =	sshra.s32 @!p1 s16, $0x1F;
	p2 =	por !p2, p1;
	s0 =	sshrl.u32 @!p1 s0, $0x1  }
0xad: {  	s20 =	sand.u32 @!p1 s20, s16;
	s2 =	simm.s32 @p2 $0x50820;
	s0 =	smul.u32 @!p1 $0x3, s0  }
0xae: {  	s2 =	ssub.s32 @!p1 s2, s20  }
0xaf: {  	s2 =	sadd.s32 @!p1 $0xFFFAF7E0, s2;
	s0 =	ssub.s32 @!p1 s18, s0  }
0xb0: {  	s20 =	sshll.u32 @!p1 s2, $0x2;
	p2 =	sgt.s32 @!p1 s2, $0xEF;
	s0 =	smul.u32 @!p1 $0x3C0, s0  }
0xb1: {  	s21 =	sand.u32 @!p1 $0x7, s16;
	s2 =	ssub.s32 @!p1 $0x3C0, s20;
	p2 =	por !p2, p1  }
0xb2: {  	s20 =	sshrl.u32 @!p1 s16, $0x3;
	s2 =	sshrl.u32 @!p1 s2, $0x2;
	s0 =	sshrl.u32 @!p1 s0, $0x2  }
0xb3: {  	s20 =	sadd.s32 @!p1 s5, s20;
	s2 =	simm.s32 @!p2 $0x0;
	s0 =	sadd.s32 @!p1 $0x10238, s0  }
0xb4: {  	[tilespmem:s0], [sflag:$0x8] =	stream.linear.gather @!p1 [hbm4b:s20+s21], s2, $0x38;
	[tilespmem:$0x1F6E8] =	vst v63  }
0xb5: {  	s0 =	sadd.s32 $0xFFFFFFFF, s18  }
0xb6: {  	p1 =	sge.u32 s0, s12  }
0xb7: {  	p2 =	sgt.s32 @!p1 s17, $0x50820  }
0xb8: {  	s2 =	smov.u32 s17;
	s20 =	sshra.s32 @!p1 s17, $0x1F;
	p2 =	por !p2, p1  }
0xb9: {  	s20 =	sand.u32 @!p1 s20, s17;
	s2 =	simm.s32 @p2 $0x50820  }
0xba: {  	s2 =	ssub.s32 @!p1 s2, s20  }
0xbb: {  	s2 =	sadd.s32 @!p1 $0xFFFAF7E0, s2  }
0xbc: {  	s21 =	smulhi.u32 @!p1 $0xAAAAAAAB, s0;
	s22 =	sand.u32 @!p1 $0x1, s0;
	s20 =	sshll.u32 @!p1 s2, $0x2  }
0xbd: {  	s24 =	smul.u32 @!p1 $0x3C0, s22;
	p2 =	sgt.s32 @!p1 s2, $0xEF;
	s2 =	ssub.s32 @!p1 $0x3C0, s20  }
0xbe: {  	p2 =	por !p2, p1;
	s20 =	sshrl.u32 @!p1 s21, $0x1;
	s2 =	sshrl.u32 @!p1 s2, $0x2  }
0xbf: {  	s21 =	simm.s32 @!p1 $0x8;
	s20 =	smul.u32 @!p1 $0x3, s20;
	s2 =	simm.s32 @!p2 $0x0  }
0xc0: {  	s22 =	smul.u32 @!p1 $0x1E000, s22;
	_ =	swait.ge @!p1 [sflag:s21], s2;
	s23 =	ssub.s32 @!p1 $0x0, s2  }
0xc1: {  	s0 =	ssub.s32 @!p1 s0, s20;
	s20 =	sshrl.u32 @!p1 s17, $0x3;
	[sflag:s21] =	ssyncset.done @!p1 $0x0  }
0xc2: {  	s20 =	sadd.s32 @!p1 s3, s20;
	[sflag:s21] =	ssyncadd.s32 @!p1 s23;
	s21 =	sshrl.u32 @!p1 s24, $0x2  }
0xc3: {  	s0 =	smul.u32 @!p1 $0x3C0, s0;
	s23 =	sand.u32 @!p1 $0x7, s17;
	s21 =	sor.u32 @!p1 $0x10508, s21  }
0xc4: {  	[tilespmem:s21], [sflag:$0x9] =	stream.linear.gather @!p1 [hbm4b:s20+s23], s2, $0x38;
	[tilespmem:$0x1F6E8] =	vst v63  }
0xc5: {  	s0 =	sshrl.u32 @!p1 s0, $0x2;
	s2 =	sshrl.u32 @!p1 s22, $0x2  }
0xc6: {  	s0 =	sadd.s32 @!p1 $0x10238, s0;
	s20 =	simm.s32 @!p1 $0xF0;
	s2 =	sor.u32 @!p1 $0x106E8, s2  }
0xc7: {  	[tilespmem:s2], [sflag:$0x7] =	stream.indirect.gather @!p1 [hbm4b:s4+s20], $0x80, s0, s20, $0xb8;
	[tilespmem:$0x1F6E8] =	vst v63  }
0xc8: {  	p1 =	slt.u32 s18, $0x2  }
.Ltmp11:
0xc9: {  	_ = 	snop;
	(pc) =	sbr.rel @p1 .LBB3_21-.Ltmp11, $1  }
0xca: {  	_ =	sdelay $0x3  }
0xcb: {  	p1 =	sgt.s32 s19, $0x50820;
	s0 =	smov.u32 s19;
	s2 =	sshra.s32 s19, $0x1F  }
0xcc: {  	s0 =	simm.s32 @!p1 $0x50820;
	s2 =	sand.u32 s2, s19  }
0xcd: {  	s0 =	ssub.s32 s0, s2  }
0xce: {  	s0 =	sadd.s32 $0xFFFAF7E0, s0  }
0xcf: {  	s30 =	sshll.u32 s0, $0x2  }
0xd0: {  	_ =	swait.ge [sflag:s9], $0x7800;
	s2 =	ssub.s32 $0x3C0, s30  }
0xd1: {  	[sflag:s9] =	ssyncset.done $0x0;
	p1 =	sgt.s32 s0, $0xEF;
	s0 =	sshrl.u32 s2, $0x2  }
0xd2: {  	[sflag:s9] =	ssyncadd.s32 $0xFFFF8800;
	s0 =	simm.s32 @p1 $0x0  }
0xd3: {  	_ =	swait.ge [sflag:s10], s0  }
0xd4: {  	s0 =	ssub.s32 $0x0, s0;
	[sflag:s10] =	ssyncset.done $0x0  }
0xd5: {  	[sflag:s10] =	ssyncadd.s32 s0  }
0xd6: {  	v1 =	vld [tilespmem:$0xF208];
	_ =	sdelay $0x4  }
0xd7: {  	(v2sf) =	vpush v1, $0x0  }
0xd8: {  	(v2sf) =	vpush v1, $0x1  }
0xd9: {  	(v2sf) =	vpush v1, $0x2;
	_ =	sdelay $0x3  }
0xda: {  	s0 =	sadd.s32 $0xF0, s19  }
0xdb: {  	s2 =	ssub.s32 $0x50910, s19;
	p1 =	slt.s32 s7, s0  }
0xdc: {  	s0 =	smov.u32 @p1 s7;
	p1 =	sgt.s32 s2, $0x0  }
0xdd: {  	s23 =	ssub.s32 s0, s19;
	s2 =	simm.s32 @!p1 $0x0  }
0xde: {  	p1 =	slt.s32 s2, s23  }
0xdf: {  	s23 =	smov.u32 @p1 s2  }
0xe0: {  	s22 =	simm.s32 $0x1;
	p1 =	slt.s32 s23, $0x1  }
.Ltmp12:
0xe1: {  	s22 =	simm.s32 @!p0 $0x0;
	(pc) =	sbr.rel @p1 .LBB3_8-.Ltmp12, $4  }
0xe2: {  	s31 =	smul.u32 $0x3C0, s22  }
0xe3: {  	s24 =	spop (v2sf)  }
0xe4: {  	s0 =	sshrl.u32 s31, $0x2;
	s26 =	spop (v2sf)  }
0xe5: {  	s20 =	sor.u32 $0x10508, s0;
	s19 =	spop (v2sf)  }
0xe6: {  	s0 =	smin.u32 s23, $0x10  }
0xe7: {  	v1 =	vmov s0  }
0xe8: {  	p2 =	sgt.s32 s23, $0x10;
	vm1 =	vgt.u32 v1, v0  }
.Ltmp13:
0xe9: {  	_ = 	snop;
	(pc) =	sbr.rel @!p2 .LBB3_7-.Ltmp13, $2  }
0xea: {  	_ =	sdelay $0x2  }
0xeb: {  	s25 =	simm.s32 $0x10;
	s28 =	sadd.s32 $0xFFFFFFF0, s23;
	s21 =	smov.u32 s20;
	vm0 =	vmmov vm1  }
.LBB3_6:
0xec: {  	s0 =	smin.u32 s28, $0x10;
	s25 =	sadd.s32 $0x10, s25;
	v1 =	vld.msk [tilespmem:s21+$0x0 ss:$0x1], vm1  }
0xed: {  	v2 =	vmov s0;
	p2 =	slt.s32 s25, s23  }
0xee: {  	vm1 =	vgt.u32 v2, v0  }
.Ltmp14:
0xef: {  	(pc) =	sbr.rel @p2 .LBB3_6-.Ltmp14, $3  }
0xf0: {  	_ =	sdelay $0x1  }
0xf1: {  	v1 =	vshll.u32 v1, $0x4  }
0xf2: {  	s28 =	sadd.s32 $0xFFFFFFF0, s28;
	[tilespmem:s21+$0x0] =	vst.msk vm0, v1;
	s21 =	sadd.s32 $0x10, s21;
	vm0 =	vmmov vm1  }
.LBB3_7:
0xf3: {  	_ =	sdelay $0x4  }
0xf4: {  	v1 =	vld.msk [tilespmem:s21+$0x0 ss:$0x1], vm1;
	_ =	sdelay $0x4  }
0xf5: {  	v1 =	vshll.u32 v1, $0x4  }
0xf6: {  	[tilespmem:s21+$0x0] =	vst.msk vm0, v1  }
.LBB3_8:
0xf7: {  	s0 =	sand.u32 $0x1, s18  }
0xf8: {  	s0 =	smul.u32 $0xF0, s0  }
0xf9: {  	p2 =	sne.s32 s26, $0xFFFFFFFF  }
0xfa: {  	v1 =	vld.msk @!p2 [tilespmem:s0+$0x10508], $0x1;
	_ =	sdelay $0x4  }
0xfb: {  	(v2sf) =	vpush @!p2 v1, $0x0;
	_ =	sdelay $0xc  }
.Ltmp15:
0xfc: {  	_ = 	snop;
	(pc) =	sbr.rel @p1 .LBB3_19-.Ltmp15, $4  }
0xfd: {  	_ = 	snop  }
0xfe: {  	s25 =	spop @!p2 (v2sf)  }
0xff: {  	s19 =	simm.s32 @!p2 $0x0;
	s21 =	smov.u32 s25  }
0x100: {  	[sflag:s15] =	ssyncpa.u1 $0x0;
	s25 =	smov.u32 @p2 s24;
	s21 =	smov.u32 @p2 s26  }
0x101: {  	v1 =	vld.msk [tilespmem:s20+$0x0], $0x1;
	_ =	sdelay $0x4  }
0x102: {  	(v2sf) =	vpush v1, $0x0;
	_ =	sdelay $0xe  }
0x103: {  	s0 =	smul.u32 $0x1E000, s22;
	s29 =	spop (v2sf)  }
0x104: {  	s23 =	ssub.s32 $0x0, s23;
	p1 =	seq.s32 s25, s29  }
0x105: {  	s26 =	sadd.s32 $0x1, s23;
	s0 =	sshrl.u32 s0, $0x2;
	p2 =	sgt.s32 @!p1 s25, $0x0  }
0x106: {  	s22 =	sor.u32 $0x10728, s0;
	s0 =	smov.u32 s25;
	p2 =	por !p2, p1  }
0x107: {  	s0 =	simm.s32 @p2 $0x0;
	p2 =	seq.s32 s26, $0x0  }
.Ltmp16:
0x108: {  	_ = 	snop;
	(pc) =	sbr.rel @p2 .LBB3_11-.Ltmp16, $4  }
0x109: {  	_ = 	snop  }
0x10a: {  	s24 =	simm.s32 $0x0;
	s28 =	sadd.s32 $0x1, s20;
	s0 =	smin.u32 @!p1 s0, $0x270F0  }
0x10b: {  	s30 =	simm.s32 @!p1 $0x1;
	s31 =	simm.s32 @!p1 $0x7988;
	s2 =	sand.u32 @!p1 $0x3FFF8, s0  }
0x10c: {  	s30 =	smov.u32 @p1 s24;
	s0 =	sand.u32 @!p1 $0x7, s0;
	s2 =	sadd.s32 @!p1 s1, s2  }
.LBB3_10:
0x10d: {  	s8 =	smov.u32 s30  }
0x10e: {  	[tilespmem:s31], [sflag:$0x2] =	stream.linear.gather @!p1 [hbm4b:s2+s0], $0x80, $0x38;
	[tilespmem:$0x1F6E8] =	vst v63  }
0x10f: {  	s26 =	sadd.s32 $0x1, s26;
	s0 =	smov.u32 s29;
	v1 =	vld.msk [tilespmem:s28+$0x0], $0x1  }
0x110: {  	p2 =	seq.s32 s26, $0x0;
	_ =	sdelay $0x3  }
0x111: {  	(v2sf) =	vpush v1, $0x0;
	_ =	sdelay $0xe  }
0x112: {  	s29 =	spop (v2sf)  }
0x113: {  	p1 =	seq.s32 s0, s29  }
0x114: {  	p3 =	sgt.s32 @!p1 s0, $0x0;
	s2 =	sshll.u32 @!p1 s30, $0x9;
	s30 =	sadd.s32 @!p1 $0x1, s30  }
.Ltmp17:
0x115: {  	p3 =	por !p3, p1;
	s2 =	sshra.s32 @!p1 s2, $0x2;
	(pc) =	sbr.rel @!p2 .LBB3_10-.Ltmp17, $4  }
0x116: {  	s30 =	smov.u32 @p1 s8;
	s0 =	simm.s32 @p3 $0x0;
	s31 =	sadd.s32 @!p1 $0x7988, s2  }
0x117: {  	s0 =	smin.u32 @!p1 s0, $0x270F0  }
0x118: {  	s2 =	sand.u32 @!p1 $0x3FFF8, s0;
	s0 =	sand.u32 @!p1 $0x7, s0  }
0x119: {  	s28 =	sadd.s32 $0x1, s28;
	s2 =	sadd.s32 @!p1 s1, s2  }
.LBB3_11:
0x11a: {  	[tilespmem:s31], [sflag:$0x2] =	stream.linear.gather @!p1 [hbm4b:s2+s0], $0x80, $0x38;
	[tilespmem:$0x1F6E8] =	vst v63  }
.Ltmp18:
0x11b: {  	s30 =	sshll.u32 s30, $0x7;
	(pc) =	sbr.rel .LBB3_12-.Ltmp18, $4  }
0x11c: {  	s31 =	simm.s32 $0x2;
	s0 =	sand.u32 $0x3FFFFF80, s30  }
0x11d: {  	_ =	swait.ge [sflag:s31], s0  }
0x11e: {  	s0 =	ssub.s32 $0x0, s0;
	[sflag:s31] =	ssyncset.done $0x0  }
0x11f: {  	s28 =	simm.s32 $0x0;
	[sflag:s31] =	ssyncadd.s32 s0  }
.LBB3_13:
0x120: {  	v1 =	vld [tilespmem:s22+$0xFFFFFFC0];
	_ =	sdelay $0x3  }
0x121: {  	s0 =	sshra.s32 s0, $0x2  }
0x122: {  	[tilespmem:s0+$0x108] =	vst.add.f32.msk $0xffff, v1  }
0x123: {  	v1 =	vld [tilespmem:s22+$0xFFFFFFD0];
	_ =	sdelay $0x4  }
0x124: {  	[tilespmem:s0+$0x118] =	vst.add.f32.msk $0xffff, v1  }
0x125: {  	v1 =	vld [tilespmem:s22+$0xFFFFFFE0];
	_ =	sdelay $0x4  }
0x126: {  	[tilespmem:s0+$0x128] =	vst.add.f32.msk $0xffff, v1  }
0x127: {  	v1 =	vld [tilespmem:s22+$0xFFFFFFF0];
	_ =	sdelay $0x4  }
0x128: {  	[tilespmem:s0+$0x138] =	vst.add.f32.msk $0xffff, v1  }
0x129: {  	v1 =	vld [tilespmem:s22+$0x0];
	_ =	sdelay $0x4  }
0x12a: {  	[tilespmem:s0+$0x148] =	vst.add.f32.msk $0xffff, v1  }
0x12b: {  	v1 =	vld [tilespmem:s22+$0x10];
	_ =	sdelay $0x4  }
0x12c: {  	[tilespmem:s0+$0x158] =	vst.add.f32.msk $0xffff, v1  }
0x12d: {  	v1 =	vld [tilespmem:s22+$0x20];
	_ =	sdelay $0x4  }
0x12e: {  	[tilespmem:s0+$0x168] =	vst.add.f32.msk $0xffff, v1  }
0x12f: {  	v1 =	vld [tilespmem:s22+$0x30];
	_ =	sdelay $0x4  }
0x130: {  	[tilespmem:s0+$0x178] =	vst.add.f32.msk $0xffff, v1  }
.LBB3_17:
0x131: {  	s23 =	sadd.s32 $0x1, s23  }
0x132: {  	p1 =	seq.s32 s23, $0x0  }
.Ltmp19:
0x133: {  	_ = 	snop;
	(pc) =	sbr.rel @p1 .LBB3_18-.Ltmp19, $2  }
0x134: {  	_ =	sdelay $0x2  }
0x135: {  	s20 =	sadd.s32 $0x1, s20;
	s22 =	sadd.s32 $0x80, s22;
	s25 =	smov.u32 s26  }
.LBB3_12:
0x136: {  	v1 =	vld.msk [tilespmem:s20+$0x0], $0x1;
	_ =	sdelay $0x4  }
0x137: {  	(v2sf) =	vpush v1, $0x0;
	_ =	sdelay $0xe  }
0x138: {  	s26 =	spop (v2sf)  }
0x139: {  	p1 =	sne.s32 s25, s26  }
.Ltmp20:
0x13a: {  	_ = 	snop;
	(pc) =	sbr.rel @!p1 .LBB3_13-.Ltmp20, $2  }
0x13b: {  	_ =	sdelay $0x2  }
0x13c: {  	s0 =	sshll.u32 s19, $0x9  }
0x13d: {  	p1 =	seq.s32 s25, s21  }
.Ltmp21:
0x13e: {  	_ = 	snop;
	(pc) =	sbr.rel @!p1 .LBB3_15-.Ltmp21, $1  }
0x13f: {  	_ =	sdelay $0x3  }
0x140: {  	s0 =	sshra.s32 s0, $0x2  }
.Ltmp22:
0x141: {  	s0 =	sadd.s32 $0x108, s0;
	(pc) =	sbr.rel .LBB3_16-.Ltmp22, $4  }
0x142: {  	[spmem:s13] =	stream.linear.scatter [tilespmem:s0], [sflag:$0x1], $0x80, $0x38;
	[tilespmem:$0x1F6E8] =	vst v63  }
0x143: {  	_ =	swait.ge [sflag:s11], $0x80  }
0x144: {  	[sflag:s11] =	ssyncset.done $0x0  }
0x145: {  	[sflag:s11] =	ssyncadd.s32 $0xFFFFFF80  }
.LBB3_15:
0x146: {  	s2 =	sshll.u32 s24, $0x9  }
0x147: {  	s2 =	sshra.s32 s2, $0x2  }
0x148: {  	v1 =	vld [tilespmem:s2+$0x7988];
	_ =	sdelay $0x3  }
0x149: {  	s0 =	sshra.s32 s0, $0x2  }
0x14a: {  	[tilespmem:s0+$0x108] =	vst.add.f32.msk $0xffff, v1  }
0x14b: {  	v1 =	vld [tilespmem:s2+$0x7998];
	_ =	sdelay $0x4  }
0x14c: {  	[tilespmem:s0+$0x118] =	vst.add.f32.msk $0xffff, v1  }
0x14d: {  	v1 =	vld [tilespmem:s2+$0x79A8];
	_ =	sdelay $0x4  }
0x14e: {  	[tilespmem:s0+$0x128] =	vst.add.f32.msk $0xffff, v1  }
0x14f: {  	v1 =	vld [tilespmem:s2+$0x79B8];
	_ =	sdelay $0x4  }
0x150: {  	[tilespmem:s0+$0x138] =	vst.add.f32.msk $0xffff, v1  }
0x151: {  	v1 =	vld [tilespmem:s2+$0x79C8];
	_ =	sdelay $0x4  }
0x152: {  	[tilespmem:s0+$0x148] =	vst.add.f32.msk $0xffff, v1  }
0x153: {  	v1 =	vld [tilespmem:s2+$0x79D8];
	_ =	sdelay $0x4  }
0x154: {  	[tilespmem:s0+$0x158] =	vst.add.f32.msk $0xffff, v1  }
0x155: {  	v1 =	vld [tilespmem:s2+$0x79E8];
	_ =	sdelay $0x4  }
0x156: {  	[tilespmem:s0+$0x168] =	vst.add.f32.msk $0xffff, v1  }
0x157: {  	v1 =	vld [tilespmem:s2+$0x79F8];
	_ =	sdelay $0x2  }
0x158: {  	p1 =	sgt.u32 s25, $0x270F0  }
0x159: {  	s2 =	sand.u32 @!p1 $0x3FFF8, s25  }
0x15a: {  	s8 =	sadd.s32 $0x108, s0;
	[tilespmem:s0+$0x178] =	vst.add.f32.msk $0xffff, v1;
	s0 =	sadd.s32 @!p1 s1, s2;
	s2 =	sand.u32 @!p1 $0x7, s25  }
0x15b: {  	[hbm4b:s0+s2] =	stream.linear.scatter @!p1 [tilespmem:s8], [sflag:$0xA], $0x80, $0x38;
	[tilespmem:$0x1F6E8] =	vst v63  }
0x15c: {  	s0 =	simm.s32 $0x0  }
0x15d: {  	s0 =	simm.s32 @!p1 $0x200  }
0x15e: {  	s28 =	sadd.s32 s0, s28  }
.LBB3_16:
0x15f: {  	s0 =	sadd.s32 $0x1, s19  }
0x160: {  	s2 =	smulhi.u32 $0x88888889, s0;
	_ =	sdelay $0x1  }
0x161: {  	v1 =	vld [tilespmem:s22+$0xFFFFFFC0];
	s2 =	sshrl.u32 s2, $0x7  }
0x162: {  	s2 =	smul.u32 $0xF0, s2;
	_ =	sdelay $0x1  }
0x163: {  	s19 =	ssub.s32 s0, s2  }
0x164: {  	s0 =	sshll.u32 s19, $0x7  }
0x165: {  	[tilespmem:s0+$0x108] =	vst v1  }
0x166: {  	v1 =	vld [tilespmem:s22+$0xFFFFFFD0];
	_ =	sdelay $0x4  }
0x167: {  	[tilespmem:s0+$0x118] =	vst v1  }
0x168: {  	v1 =	vld [tilespmem:s22+$0xFFFFFFE0];
	_ =	sdelay $0x4  }
0x169: {  	[tilespmem:s0+$0x128] =	vst v1  }
0x16a: {  	v1 =	vld [tilespmem:s22+$0xFFFFFFF0];
	_ =	sdelay $0x4  }
0x16b: {  	[tilespmem:s0+$0x138] =	vst v1  }
0x16c: {  	v1 =	vld [tilespmem:s22+$0x0];
	_ =	sdelay $0x4  }
0x16d: {  	[tilespmem:s0+$0x148] =	vst v1  }
0x16e: {  	v1 =	vld [tilespmem:s22+$0x10];
	_ =	sdelay $0x4  }
0x16f: {  	[tilespmem:s0+$0x158] =	vst v1  }
0x170: {  	v1 =	vld [tilespmem:s22+$0x20];
	_ =	sdelay $0x4  }
0x171: {  	[tilespmem:s0+$0x168] =	vst v1  }
0x172: {  	v1 =	vld [tilespmem:s22+$0x30]  }
.Ltmp23:
0x173: {  	_ = 	snop;
	(pc) =	sbr.rel .LBB3_17-.Ltmp23, $2  }
0x174: {  	_ =	sdelay $0x2  }
0x175: {  	s24 =	sadd.s32 $0x1, s24;
	[tilespmem:s0+$0x178] =	vst v1  }
.LBB3_19:
.Ltmp24:
0x176: {  	(pc) =	sbr.rel .LBB3_20-.Ltmp24, $4  }
0x177: {  	_ = 	snop  }
0x178: {  	s0 =	simm.s32 $0x2  }
0x179: {  	_ =	swait.ge [sflag:s0], $0x0  }
0x17a: {  	s26 =	smov.u32 s25;
	[sflag:s0] =	ssyncset.done $0x0;
	s0 =	simm.s32 $0x0  }
.LBB3_22:
0x17b: {  	_ =	sfence.sel $0x180000  }
0x17c: {  	s0 =	simm.s32 $0x7;
	[bflag:$0x0] =	sbarrier.arrive $0xFFFF  }
0x17d: {  	s25 =	simm.s32 $0x8;
	[sflag:s0] =	ssyncpa.u1 $0x1  }
0x17e: {  	s26 =	simm.s32 $0x9;
	[sflag:s25] =	ssyncpa.u1 $0x1  }
0x17f: {  	s28 =	simm.s32 $0x2;
	[sflag:s26] =	ssyncpa.u1 $0x1  }
0x180: {  	[sflag:s28] =	ssyncpa.u1 $0x1  }
0x181: {  	v0 =	vld [tilespmem:$0xF208];
	_ =	sdelay $0x4  }
0x182: {  	(v2sf) =	vpush v0, $0x0  }
0x183: {  	(v2sf) =	vpush v0, $0x1;
	_ =	sdelay $0x1  }
0x184: {  	(v2sf) =	vpush v0, $0x2;
	_ =	sdelay $0xb  }
0x185: {  	s0 =	spop (v2sf)  }
0x186: {  	s2 =	spop (v2sf)  }
0x187: {  	s3 =	smov.u32 s0;
	p0 =	sne.s32 s0, s2  }
0x188: {  	s4 =	spop (v2sf);
	s3 =	simm.s32 @!p0 $0xFFFFFFFF  }
0x189: {  	v2 =	vimm.s32 $0x1;
	v3 =	vlaneseq.u32;
	p0 =	seq.s32 s4, $0xFFFFFFFF;
	v1 =	vmov s3  }
0x18a: {  	s7 =	stileid.u32;
	v0 =	vperm.xlane v0, v2;
	p1 =	sne.s32 @!p0 s0, s2;
	v1 =	vperm.xlane v1, v3  }
0x18b: {  	vm0 =	vcmask $0x3F04;
	s6 =	simm.s32 $0xF208;
	s0 =	simm.s32 @!p0 $0x1;
	p1 =	por !p1, p0  }
0x18c: {  	s3 =	sshll.u32 s7, $0x1;
	s2 =	sshll.u32 @!p0 s4, $0x9;
	s0 =	simm.s32 @p1 $0x0;
	v0 =	vsel vm0, v1, v0  }
0x18d: {  	s5 =	sor.u32 $0x1000, s3;
	s2 =	sshra.s32 @!p0 s2, $0x2;
	s0 =	sor.u32 @!p0 s0, s3;
	[tilespmem:$0xF208] =	vst v0  }
0x18e: {  	[spmem:s5] =	stream.linear.scatter [tilespmem:s6], [sflag:$0x1], $0x2, $0x38;
	[tilespmem:$0x1F6E8] =	vst v63  }
0x18f: {  	s2 =	sadd.s32 @!p0 $0x108, s2;
	s0 =	sshll.u32 @!p0 s0, $0x7  }
0x190: {  	[spmem:s0] =	stream.linear.scatter @!p0 [tilespmem:s2], [sflag:$0x1], $0x80, $0x38;
	[tilespmem:$0x1F6E8] =	vst v63  }
0x191: {  	s0 =	simm.s32 @!p0 $0x82  }
0x192: {  	s3 =	simm.s32 $0x1;
	s0 =	simm.s32 @p0 $0x2  }
0x193: {  	_ =	swait.ge [sflag:s3], s0  }
0x194: {  	s0 =	ssub.s32 $0x0, s0;
	[sflag:s3] =	ssyncset.done $0x0  }
0x195: {  	[sflag:s3] =	ssyncadd.s32 s0  }
0x196: {  	_ =	sfence.stream.spmem  }
0x197: {  	s29 =	simm.s32 $0x3;
	[bflag:$0x0] =	sbarrier.arrive $0xFFFF  }
0x198: {  	s30 =	simm.s32 $0x4;
	[sflag:s29] =	ssyncpa.u1 $0x1  }
0x199: {  	s31 =	simm.s32 $0x3C;
	[sflag:s30] =	ssyncpa.u1 $0x1  }
0x19a: {  	p0 =	sne.s32 s7, $0x0;
	[sflag:s31] =	ssyncpa.u1 $0x1  }
0x19b: {  	_ =	sfence @p0  }
0x19c: {  	[sflag:s3] =	ssyncpa.u1 @p0 $0x1  }
0x19d: {  	_ =	strace @p0 $0x90000059  }
0x19e: {  	[bflag:$0x2] =	sbarrier.arrive @p0 $0xFFFF  }
0x19f: {  	_ =	shalt @p0  }
.LBB3_23:
0x1a0: {  	_ =	sfence.stream.spmem;
	s0 =	simm.s32 $0x5  }
0x1a1: {  	s2 =	simm.s32 $0x1000;
	s3 =	simm.s32 $0xF218;
	[sflag:s0] =	ssyncpa.u1 $0x0  }
0x1a2: {  	[tilespmem:s3], [sflag:$0x5] =	stream.linear.gather [spmem:s2], $0x20, $0x38;
	[tilespmem:$0x1F6E8] =	vst v63  }
0x1a3: {  	s30 =	simm.s32 $0xF238;
	s2 =	simm.s32 $0x0  }
0x1a4: {  	[tilespmem:s30], [sflag:$0x5] =	stream.linear.gather [spmem:s2], $0x1000, $0x38;
	[tilespmem:$0x1F6E8] =	vst v63  }
.Ltmp25:
0x1a5: {  	_ = 	snop;
	(pc) =	sbr.rel .LBB3_24-.Ltmp25, $4  }
0x1a6: {  	_ =	swait.ge [sflag:s0], $0x1020  }
0x1a7: {  	[sflag:s0] =	ssyncset.done $0x0  }
0x1a8: {  	s31 =	simm.s32 $0x6;
	[sflag:s0] =	ssyncadd.s32 $0xFFFFEFE0  }
0x1a9: {  	s3 =	simm.s32 $0x0;
	[sflag:s31] =	ssyncpa.u1 $0x0  }
.LBB3_30:
0x1aa: {  	p0 =	slt.u32 s4, $0x270F1  }
0x1ab: {  	s0 =	sand.u32 @p0 $0x3FFF8, s4  }
0x1ac: {  	s4 =	sand.u32 @p0 $0x7, s4;
	s5 =	simm.s32 @p0 $0xF188;
	s0 =	sadd.s32 @p0 s1, s0  }
0x1ad: {  	[tilespmem:s5], [sflag:$0x6] =	stream.linear.gather @p0 [hbm4b:s0+s4], $0x80, $0x38;
	[tilespmem:$0x1F6E8] =	vst v63  }
0x1ae: {  	s0 =	simm.s32 @p0 $0x6  }
0x1af: {  	_ =	swait.ge @p0 [sflag:s0], $0x80  }
0x1b0: {  	[sflag:s0] =	ssyncset.done @p0 $0x0  }
0x1b1: {  	[sflag:s0] =	ssyncadd.s32 @p0 $0xFFFFFF80  }
0x1b2: {  	v1 =	vld @p0 [tilespmem:$0xF188];
	_ =	sdelay $0x2  }
0x1b3: {  	s0 =	sshll.u32 @p0 s3, $0x9  }
0x1b4: {  	s4 =	sshrl.u32 @p0 s0, $0x2  }
0x1b5: {  	[tilespmem:s4+$0xF238] =	vst.add.f32.msk @p0 $0xffff, v1  }
0x1b6: {  	v1 =	vld @p0 [tilespmem:$0xF198];
	_ =	sdelay $0x4  }
0x1b7: {  	[tilespmem:s4+$0xF248] =	vst.add.f32.msk @p0 $0xffff, v1  }
0x1b8: {  	v1 =	vld @p0 [tilespmem:$0xF1A8];
	_ =	sdelay $0x4  }
0x1b9: {  	[tilespmem:s4+$0xF258] =	vst.add.f32.msk @p0 $0xffff, v1  }
0x1ba: {  	v1 =	vld @p0 [tilespmem:$0xF1B8];
	_ =	sdelay $0x4  }
0x1bb: {  	[tilespmem:s4+$0xF268] =	vst.add.f32.msk @p0 $0xffff, v1  }
0x1bc: {  	v1 =	vld @p0 [tilespmem:$0xF1C8];
	_ =	sdelay $0x4  }
0x1bd: {  	[tilespmem:s4+$0xF278] =	vst.add.f32.msk @p0 $0xffff, v1  }
0x1be: {  	v1 =	vld @p0 [tilespmem:$0xF1D8];
	_ =	sdelay $0x4  }
0x1bf: {  	[tilespmem:s4+$0xF288] =	vst.add.f32.msk @p0 $0xffff, v1  }
0x1c0: {  	v1 =	vld @p0 [tilespmem:$0xF1E8];
	_ =	sdelay $0x4  }
0x1c1: {  	[tilespmem:s4+$0xF298] =	vst.add.f32.msk @p0 $0xffff, v1  }
0x1c2: {  	v1 =	vld @p0 [tilespmem:$0xF1F8];
	_ =	sdelay $0x3  }
0x1c3: {  	s5 =	sshll.u32 @!p0 s3, $0x9  }
0x1c4: {  	s5 =	smov.u32 @p0 s0;
	[tilespmem:s4+$0xF2A8] =	vst.add.f32.msk @p0 $0xffff, v1  }
0x1c5: {  	s0 =	sshrl.u32 s5, $0x2;
	[tilespmem:s2+$0xF218] =	vst.msk $0x1, v0  }
0x1c6: {  	v0 =	vld [tilespmem:s0+$0xF238];
	_ =	sdelay $0x2  }
0x1c7: {  	s31 =	sshll.u32 s2, $0x9  }
0x1c8: {  	s4 =	sshra.s32 s31, $0x2  }
0x1c9: {  	[tilespmem:s4+$0xF238] =	vst v0  }
0x1ca: {  	v0 =	vld [tilespmem:s0+$0xF248];
	_ =	sdelay $0x4  }
0x1cb: {  	[tilespmem:s4+$0xF248] =	vst v0  }
0x1cc: {  	v0 =	vld [tilespmem:s0+$0xF258];
	_ =	sdelay $0x4  }
0x1cd: {  	[tilespmem:s4+$0xF258] =	vst v0  }
0x1ce: {  	v0 =	vld [tilespmem:s0+$0xF268];
	_ =	sdelay $0x4  }
0x1cf: {  	[tilespmem:s4+$0xF268] =	vst v0  }
0x1d0: {  	v0 =	vld [tilespmem:s0+$0xF278];
	_ =	sdelay $0x4  }
0x1d1: {  	[tilespmem:s4+$0xF278] =	vst v0  }
0x1d2: {  	v0 =	vld [tilespmem:s0+$0xF288];
	_ =	sdelay $0x4  }
0x1d3: {  	[tilespmem:s4+$0xF288] =	vst v0  }
0x1d4: {  	v0 =	vld [tilespmem:s0+$0xF298];
	_ =	sdelay $0x4  }
0x1d5: {  	[tilespmem:s4+$0xF298] =	vst v0  }
0x1d6: {  	v0 =	vld [tilespmem:s0+$0xF2A8];
	_ =	sdelay $0x4  }
0x1d7: {  	s2 =	sadd.s32 $0x1, s2;
	[tilespmem:s4+$0xF2A8] =	vst v0  }
.LBB3_31:
0x1d8: {  	s3 =	sadd.s32 $0x1, s3  }
0x1d9: {  	p0 =	sne.s32 s3, $0x20  }
.Ltmp26:
0x1da: {  	_ = 	snop;
	(pc) =	sbr.rel @!p0 .LBB3_32-.Ltmp26, $1  }
0x1db: {  	_ =	sdelay $0x3  }
.LBB3_24:
0x1dc: {  	v0 =	vld.msk [tilespmem:s3+$0xF218], $0x1;
	_ =	sdelay $0x4  }
0x1dd: {  	(v2sf) =	vpush v0, $0x0;
	_ =	sdelay $0xe  }
0x1de: {  	s4 =	spop (v2sf)  }
0x1df: {  	p0 =	seq.s32 s4, $0xFFFFFFFF  }
.Ltmp27:
0x1e0: {  	_ = 	snop;
	(pc) =	sbr.rel @p0 .LBB3_31-.Ltmp27, $1  }
0x1e1: {  	_ =	sdelay $0x3  }
0x1e2: {  	p0 =	slt.s32 s2, $0x1  }
.Ltmp28:
0x1e3: {  	_ = 	snop;
	(pc) =	sbr.rel @p0 .LBB3_30-.Ltmp28, $1  }
0x1e4: {  	_ =	sdelay $0x3  }
0x1e5: {  	s5 =	simm.s32 $0xF218;
	p0 =	por $0x0, $0x0  }
0x1e6: {  	v1 =	vld.msk @!p0 [tilespmem:s5+$0x0], $0x1;
	_ =	sdelay $0x4  }
0x1e7: {  	(v2sf) =	vpush @!p0 v1, $0x0;
	_ =	sdelay $0xd  }
0x1e8: {  	p2 =	sne.s32 s2, $0x1  }
.Ltmp29:
0x1e9: {  	s0 =	spop @!p0 (v2sf);
	(pc) =	sbr.rel @!p2 .LBB3_28-.Ltmp29, $4  }
0x1ea: {  	p1 =	seq.s32 @!p0 s4, s0  }
0x1eb: {  	s6 =	simm.s32 $0x0;
	p1 =	por !p1, p0  }
0x1ec: {  	s0 =	simm.s32 $0xFFFFFFFF;
	s6 =	simm.s32 @p1 $0xFFFFFFFF  }
0x1ed: {  	s7 =	simm.s32 $0x1;
	s6 =	smov.u32 @p0 s0  }
.LBB3_27:
0x1ee: {  	s0 =	smov.u32 s6;
	p0 =	sne.s32 s6, $0xFFFFFFFF  }
0x1ef: {  	s5 =	sadd.s32 $0x1, s5;
	s6 =	smov.u32 s7;
	s7 =	sadd.s32 $0x1, s7  }
0x1f0: {  	p1 =	sne.s32 s2, s7;
	v1 =	vld.msk @!p0 [tilespmem:s5+$0x0], $0x1;
	_ =	sdelay $0x4  }
0x1f1: {  	(v2sf) =	vpush @!p0 v1, $0x0;
	_ =	sdelay $0xe  }
.Ltmp30:
0x1f2: {  	s8 =	spop @!p0 (v2sf);
	(pc) =	sbr.rel @p1 .LBB3_27-.Ltmp30, $4  }
0x1f3: {  	p2 =	seq.s32 @!p0 s4, s8  }
0x1f4: {  	p2 =	por !p2, p0  }
0x1f5: {  	s6 =	simm.s32 @p2 $0xFFFFFFFF  }
0x1f6: {  	s6 =	smov.u32 @p0 s0  }
.LBB3_28:
0x1f7: {  	p0 =	seq.s32 s6, $0xFFFFFFFF  }
.Ltmp31:
0x1f8: {  	_ = 	snop;
	(pc) =	sbr.rel @p0 .LBB3_30-.Ltmp31, $1  }
0x1f9: {  	_ =	sdelay $0x3  }
0x1fa: {  	s0 =	sshll.u32 s3, $0x7  }
0x1fb: {  	s0 =	sand.u32 $0x3FFFFF80, s0  }
0x1fc: {  	v0 =	vld [tilespmem:s0+$0xF238];
	_ =	sdelay $0x2  }
0x1fd: {  	s4 =	sshll.u32 s6, $0x9  }
0x1fe: {  	s4 =	sshra.s32 s4, $0x2  }
0x1ff: {  	[tilespmem:s4+$0xF238] =	vst.add.f32.msk $0xffff, v0  }
0x200: {  	v0 =	vld [tilespmem:s0+$0xF248];
	_ =	sdelay $0x4  }
0x201: {  	[tilespmem:s4+$0xF248] =	vst.add.f32.msk $0xffff, v0  }
0x202: {  	v0 =	vld [tilespmem:s0+$0xF258];
	_ =	sdelay $0x4  }
0x203: {  	[tilespmem:s4+$0xF258] =	vst.add.f32.msk $0xffff, v0  }
0x204: {  	v0 =	vld [tilespmem:s0+$0xF268];
	_ =	sdelay $0x4  }
0x205: {  	[tilespmem:s4+$0xF268] =	vst.add.f32.msk $0xffff, v0  }
0x206: {  	v0 =	vld [tilespmem:s0+$0xF278];
	_ =	sdelay $0x4  }
0x207: {  	[tilespmem:s4+$0xF278] =	vst.add.f32.msk $0xffff, v0  }
0x208: {  	v0 =	vld [tilespmem:s0+$0xF288];
	_ =	sdelay $0x4  }
0x209: {  	[tilespmem:s4+$0xF288] =	vst.add.f32.msk $0xffff, v0  }
0x20a: {  	v0 =	vld [tilespmem:s0+$0xF298];
	_ =	sdelay $0x4  }
0x20b: {  	[tilespmem:s4+$0xF298] =	vst.add.f32.msk $0xffff, v0  }
0x20c: {  	v0 =	vld [tilespmem:s0+$0xF2A8]  }
.Ltmp32:
0x20d: {  	_ = 	snop;
	(pc) =	sbr.rel .LBB3_31-.Ltmp32, $2  }
0x20e: {  	_ =	sdelay $0x2  }
0x20f: {  	[tilespmem:s4+$0xF2A8] =	vst.add.f32.msk $0xffff, v0  }
.LBB3_32:
0x210: {  	p0 =	slt.s32 s2, $0x1  }
.Ltmp33:
0x211: {  	_ = 	snop;
	(pc) =	sbr.rel @p0 .LBB3_36-.Ltmp33, $3  }
0x212: {  	_ =	sdelay $0x1  }
0x213: {  	s0 =	simm.s32 $0x6  }
0x214: {  	s3 =	simm.s32 $0x0;
	[sflag:s0] =	ssyncpa.u1 $0x1  }
0x215: {  	s0 =	simm.s32 $0xF218  }
0x216: {  	v0 =	vld.msk [tilespmem:s0+$0x0], $0x1;
	_ =	sdelay $0x4  }
0x217: {  	(v2sf) =	vpush v0, $0x0;
	_ =	sdelay $0xd  }
0x218: {  	s2 =	sadd.s32 $0xFFFFFFFF, s2  }
0x219: {  	p1 =	sne.s32 s2, $0x0;
	s0 =	spop (v2sf)  }
.Ltmp34:
0x21a: {  	p0 =	sgt.u32 s0, $0x270F0;
	(pc) =	sbr.rel @!p1 .LBB3_35-.Ltmp34, $4  }
0x21b: {  	s4 =	simm.s32 $0xF238;
	s5 =	sand.u32 @!p0 $0x3FFF8, s0  }
0x21c: {  	s6 =	simm.s32 $0x0;
	s0 =	sand.u32 @!p0 $0x7, s0;
	s5 =	sadd.s32 @!p0 s1, s5  }
0x21d: {  	[hbm4b:s5+s0] =	stream.linear.scatter @!p0 [tilespmem:s4], [sflag:$0x5], $0x80, $0x38;
	[tilespmem:$0x1F6E8] =	vst v63  }
0x21e: {  	s6 =	simm.s32 @!p0 $0x200;
	s5 =	simm.s32 $0xF219  }
.LBB3_34:
0x21f: {  	v0 =	vld.msk [tilespmem:s5+$0x0], $0x1;
	s2 =	sadd.s32 $0xFFFFFFFF, s2;
	s3 =	sadd.s32 s3, s6  }
0x220: {  	p0 =	sne.s32 s2, $0x0;
	_ =	sdelay $0x3  }
0x221: {  	(v2sf) =	vpush v0, $0x0;
	_ =	sdelay $0xe  }
.Ltmp35:
0x222: {  	s0 =	spop (v2sf);
	(pc) =	sbr.rel @p0 .LBB3_34-.Ltmp35, $4  }
0x223: {  	s6 =	simm.s32 $0x0;
	p1 =	sgt.u32 s0, $0x270F0  }
0x224: {  	s4 =	sadd.s32 $0x80, s4;
	s6 =	simm.s32 @!p1 $0x200;
	s7 =	sand.u32 @!p1 $0x3FFF8, s0  }
0x225: {  	s5 =	sadd.s32 $0x1, s5;
	s0 =	sand.u32 @!p1 $0x7, s0;
	s7 =	sadd.s32 @!p1 s1, s7  }
0x226: {  	[hbm4b:s7+s0] =	stream.linear.scatter @!p1 [tilespmem:s4], [sflag:$0x5], $0x80, $0x38;
	[tilespmem:$0x1F6E8] =	vst v63  }
.LBB3_35:
0x227: {  	s0 =	sadd.s32 s3, s6  }
0x228: {  	s3 =	sshrl.u32 s0, $0x2  }
.LBB3_36:
0x229: {  	s0 =	simm.s32 $0x5  }
0x22a: {  	_ =	swait.ge [sflag:s0], s3  }
0x22b: {  	s1 =	ssub.s32 $0x0, s3;
	[sflag:s0] =	ssyncset.done $0x0  }
0x22c: {  	[sflag:s0] =	ssyncadd.s32 s1  }
0x22d: {  	[sflag:s0] =	ssyncpa.u1 $0x1  }
0x22e: {  	s30 =	simm.s32 $0x1;
	_ =	sfence  }
0x22f: {  	[sflag:s30] =	ssyncpa.u1 $0x1  }
0x230: {  	_ =	strace $0x90000059  }
0x231: {  	[bflag:$0x2] =	sbarrier.arrive $0xFFFF  }
0x232: {  	s31 =	rddreg [dreg:$0x1]  }
0x233: {  	s0 =	sadd.s32 $0x100000, s31  }
0x234: {  	[sflag:s0] =	ssyncadd.tile.s32 $0x1;
	_ =	shalt  }
.Lfunc_end3:
_tile_overlayer_lowered:
.L_overlay_start_3:
0x235: {  	(tag) =	ssettag $0x3  }
0x236: {  	s0 =	rddreg [dreg:$0x0];
	s2 =	stileid.u32  }
0x237: {  	s1 =	rddreg [dreg:$0x1];
	p0 =	sne.s32 s2, $0x0  }
0x238: {  	s3 =	rddreg [dreg:$0x2];
	[bflag:$0x3] =	sbarrier.arrive $0xFFFF;
	s2 =	simm.s32 @!p0 $0x1C01  }
0x239: {  	[timem:s3], [sflag:s2] =	dma.local @!p0 [hbm:s0], s1  }
0x23a: {  	s0 =	simm.s32 @!p0 $0x1  }
0x23b: {  	_ =	swait.ge @!p0 [sflag:s0], s1  }
0x23c: {  	s1 =	ssub.s32 @!p0 $0x0, s1;
	[sflag:s0] =	ssyncset.done @!p0 $0x0  }
0x23d: {  	[sflag:s0] =	ssyncadd.s32 @!p0 s1  }
0x23e: {  	[bflag:$0x3] =	sbarrier.arrive $0xFFFF  }
0x23f: {  	_ =	shalt  }

// kernel: scatter_offload_async_start.3
scs
__scs_entry_jumppad:
0x0: {  	(pc) =	sbr.rel $0x88, $3  }
0x1: {  	(tag) =	ssettag $0x0;
	lr =	simm.s32 $0x1  }
0x2: {  	[smem:$0x3F8D] =	sst lr;
	_ =	strace $0xD0000000  }
0x3: {  	_ = 	snop  }
0x4: {  	_ = 	snop  }
0x5: {  	_ = 	snop  }
0x6: {  	_ = 	snop  }
0x7: {  	_ = 	snop  }
__scs_overlays_trampoline_lowered:
0x8: {  	[smem:$0x3F9C] =	sst s0  }
0x9: {  	[smem:$0x3F9D] =	sst s1  }
0xa: {  	[smem:$0x3F9E] =	sst s2  }
0xb: {  	[smem:$0x3F9F] =	sst s3  }
0xc: {  	[smem:$0x3FA0] =	sst s4  }
0xd: {  	[smem:$0x3FA1] =	sst s5  }
0xe: {  	[smem:$0x3FA2] =	sst s6  }
0xf: {  	[smem:$0x3FA3] =	sst s7  }
0x10: {  	[smem:$0x3FA4] =	sst s8  }
0x11: {  	[smem:$0x3FA5] =	sst s9;
	s0 =	simm.s32 @!p0 $0x0  }
0x12: {  	s1 =	sld [smem:$0x3F8B];
	s0 =	simm.s32 @p0 $0x1  }
0x13: {  	[smem:$0x3FA6] =	sst s0;
	s0 =	simm.s32 @!p1 $0x0  }
0x14: {  	s2 =	sld [smem:$0x3F8A];
	s0 =	simm.s32 @p1 $0x1  }
0x15: {  	[smem:$0x3FA7] =	sst s0;
	s0 =	simm.s32 @!p2 $0x0  }
0x16: {  	s3 =	sld [smem:$0x3FDB];
	s0 =	simm.s32 @p2 $0x1  }
0x17: {  	s4 =	simm.s32 $0x1BF5;
	[smem:$0x3FA9] =	sst s0  }
0x18: {  	s0 =	sld [smem:$0x3F8C];
	_ =	swait.ge [sflag:s4], $0x0  }
0x19: {  	s7 =	sld [smem:$0x3F8D]  }
0x1a: {  	s8 =	sadd.s32 $0xFFFFE003, lr  }
0x1b: {  	s9 =	sadd.s32 $0xFFFFFEF7, lr;
	s5 =	simm.s32 $0xFFFFFFFF;
	p2 =	slt.u32 s8, $0xFFFFF086  }
0x1c: {  	p1 =	slt.u32 s9, $0xF7A;
	s5 =	simm.s32 @!p2 $0x0  }
0x1d: {  	s5 =	simm.s32 @p1 $0x1;
	p0 =	seq.s32 s7, s2  }
0x1e: {  	s7 =	smul.u32 @!p0 $0xF7A, s2;
	p2 =	seq.s32 @!p0 s5, $0x0  }
0x1f: {  	s9 =	smul.u32 $0xF7A, s1;
	s8 =	simm.s32 @!p0 $0x1BF5;
	p2 =	por !p2, p0  }
0x20: {  	[sflag:s8] =	ssyncset.s32 @!p0 $0xFFFFF086;
	s6 =	sadd.s32 @!p0 s3, s7;
	s7 =	simm.s32 @!p0 $0x108  }
0x21: {  	s3 =	sadd.s32 s3, s9;
	s6 =	sadd.s32 @!p0 $0x88, s6;
	s7 =	simm.s32 @p2 $0x1082  }
0x22: {  	[simem:s7], [sflag:s8] =	dma.local @!p0 [hbm:s6], $0xF7A  }
0x23: {  	s9 =	sor.u32 $0xD0000000, s2;
	s6 =	simm.s32 $0x108;
	_ =	swait.ge @!p0 [sflag:s8], $0x0  }
0x24: {  	s3 =	sadd.s32 $0x88, s3;
	s6 =	simm.s32 @!p1 $0x1082;
	[sflag:s4] =	ssyncset.s32 $0xFFFFF086  }
0x25: {  	[simem:s6], [sflag:s4] =	dma.local [hbm:s3], $0xF7A  }
0x26: {  	[smem:$0x3F8D] =	sst s1;
	(tag) =	ssettag s2;
	_ =	strace s9  }
0x27: {  	s1 =	sld [smem:$0x3F9D]  }
0x28: {  	s2 =	sld [smem:$0x3F9E]  }
0x29: {  	s4 =	sld [smem:$0x3FA0]  }
0x2a: {  	p0 =	seq.s32 s5, $0x0;
	s5 =	sld [smem:$0x3FA1]  }
0x2b: {  	s6 =	sld [smem:$0x3FA2]  }
0x2c: {  	s7 =	sld [smem:$0x3FA3]  }
0x2d: {  	s3 =	simm.s32 $0x108;
	s8 =	sld [smem:$0x3FA4]  }
0x2e: {  	s3 =	simm.s32 @!p0 $0x1082;
	s9 =	sld [smem:$0x3FA5]  }
0x2f: {  	lr =	sadd.s32 s0, s3;
	s0 =	sld [smem:$0x3F9C]  }
0x30: {  	s3 =	sld [smem:$0x3F9F]  }
0x31: {  	[smem:$0x3FA8] =	sst s10  }
0x32: {  	s10 =	sld [smem:$0x3FA6];
	_ =	sdelay $0x3  }
0x33: {  	p0 =	seq.s32 s10, $0x1;
	s10 =	sld [smem:$0x3FA8];
	_ =	sdelay $0x3  }
0x34: {  	[smem:$0x3FA8] =	sst s10  }
0x35: {  	s10 =	sld [smem:$0x3FA7];
	_ =	sdelay $0x3  }
0x36: {  	p1 =	seq.s32 s10, $0x1;
	s10 =	sld [smem:$0x3FA8];
	_ =	sdelay $0x3  }
0x37: {  	[smem:$0x3FA8] =	sst s10  }
0x38: {  	s10 =	sld [smem:$0x3FA9]  }
0x39: {  	_ = 	snop;
	(pc) =	sbr.ind lr, $3  }
0x3a: {  	_ = 	snop  }
0x3b: {  	_ = 	snop  }
0x3c: {  	p2 =	seq.s32 s10, $0x1;
	s10 =	sld [smem:$0x3FA8]  }
0x3d: {  	_ =	shalt  }
0x3e: {  	_ =	shalt  }
0x3f: {  	_ =	shalt  }
0x40: {  	_ =	shalt  }
0x41: {  	_ =	shalt  }
0x42: {  	_ =	shalt  }
0x43: {  	_ =	shalt  }
0x44: {  	_ =	shalt  }
0x45: {  	_ =	shalt  }
0x46: {  	_ =	shalt  }
0x47: {  	_ =	shalt  }
0x48: {  	_ =	shalt  }
0x49: {  	_ =	shalt  }
0x4a: {  	_ =	shalt  }
0x4b: {  	_ =	shalt  }
0x4c: {  	_ =	shalt  }
0x4d: {  	_ =	shalt  }
0x4e: {  	_ =	shalt  }
0x4f: {  	_ =	shalt  }
0x50: {  	_ =	shalt  }
0x51: {  	_ =	shalt  }
0x52: {  	_ =	shalt  }
0x53: {  	_ =	shalt  }
0x54: {  	_ =	shalt  }
0x55: {  	_ =	shalt  }
0x56: {  	_ =	shalt  }
0x57: {  	_ =	shalt  }
0x58: {  	_ =	shalt  }
0x59: {  	_ =	shalt  }
0x5a: {  	_ =	shalt  }
0x5b: {  	_ =	shalt  }
0x5c: {  	_ =	shalt  }
0x5d: {  	_ =	shalt  }
0x5e: {  	_ =	shalt  }
0x5f: {  	_ =	shalt  }
0x60: {  	_ =	shalt  }
0x61: {  	_ =	shalt  }
0x62: {  	_ =	shalt  }
0x63: {  	_ =	shalt  }
0x64: {  	_ =	shalt  }
0x65: {  	_ =	shalt  }
0x66: {  	_ =	shalt  }
0x67: {  	_ =	shalt  }
0x68: {  	_ =	shalt  }
0x69: {  	_ =	shalt  }
0x6a: {  	_ =	shalt  }
0x6b: {  	_ =	shalt  }
0x6c: {  	_ =	shalt  }
0x6d: {  	_ =	shalt  }
0x6e: {  	_ =	shalt  }
0x6f: {  	_ =	shalt  }
0x70: {  	_ =	shalt  }
0x71: {  	_ =	shalt  }
0x72: {  	_ =	shalt  }
0x73: {  	_ =	shalt  }
0x74: {  	_ =	shalt  }
0x75: {  	_ =	shalt  }
0x76: {  	_ =	shalt  }
0x77: {  	_ =	shalt  }
0x78: {  	_ =	shalt  }
0x79: {  	_ =	shalt  }
0x7a: {  	_ =	shalt  }
0x7b: {  	_ =	shalt  }
0x7c: {  	_ =	shalt  }
0x7d: {  	_ =	shalt  }
0x7e: {  	_ =	shalt  }
0x7f: {  	_ =	shalt  }
0x80: {  	_ =	shalt  }
0x81: {  	_ =	shalt  }
0x82: {  	_ =	shalt  }
0x83: {  	_ =	shalt  }
0x84: {  	_ =	shalt  }
0x85: {  	_ =	shalt  }
0x86: {  	_ =	shalt  }
0x87: {  	_ =	shalt  }
.Lfunc_end0:
.L_simem_size_0:
called_computation.3_lowered:
.L_overlay_start_0:
0x88: {  	s0 =	sld [smem:$0x3FD9]  }
0x89: {  	s1 =	sld [smem:$0x3FFE];
	_ =	sdelay $0x3  }
0x8a: {  	s0 =	sadd.s32 s1, s0  }
0x8b: {  	[smem:$0x3FB4] =	sst s0  }
0x8c: {  	_ = 	snop  }
0x8d: {  	(tm) =	ssettm $0x1  }
0x8e: {  	s15 =	sld [smem:$0x3FFB];
	_ =	sdelay $0x3  }
0x8f: {  	_ =	strace s15  }
0x90: {  	s0 =	sld [smem:$0x3FFC];
	_ =	sdelay $0x3  }
0x91: {  	_ =	strace s0  }
0x92: {  	s0 =	sld [smem:$0x3FFD];
	_ =	sdelay $0x3  }
0x93: {  	_ =	strace s0  }
0x94: {  	_ =	strace $0x8FFFFFFF  }
0x95: {  	s16 =	sld [smem:$0x3FDB];
	_ =	sdelay $0x1  }
0x96: {  	s17 =	simm.s32 $_scs_section_size  }
0x97: {  	s2 =	simm.s32 $_size__tile_overlayer_lowered;
	s3 =	simm.s32 $_tile_overlayer_lowered  }
0x98: {  	s20 =	simm.s32 $0x1BFF;
	s19 =	sshll.u32 s3, $0x1;
	s0 =	sadd.s32 s17, s16  }
0x99: {  	s4 =	simm.s32 $0x0;
	s18 =	sshll.u32 s2, $0x1;
	s2 =	sadd.s32 s19, s0  }
0x9a: {  	[timem:s4], [sflag:s20] =	dma.local [hbm:s2], s18  }
0x9b: {  	_ =	swait.ge [sflag:s20], s18  }
0x9c: {  	s1 =	ssub.s32 $0x0, s18;
	[sflag:s20] =	ssyncset.done $0x0  }
0x9d: {  	[sflag:s20] =	ssyncadd.s32 s1;
	_ =	sdelay $0x1  }
0x9e: {  	s21 =	simm.s32 $0x1B8B  }
0x9f: {  	_ =	swait.ge [sflag:s21], $0x1  }
0xa0: {  	[sflag:s21] =	ssyncset.done $0x0  }
0xa1: {  	s23 =	simm.s32 $0x1B8E;
	s22 =	sld [smem:$0x3FFE];
	[sflag:s21] =	ssyncadd.s32 $0xFFFFFFFF  }
0xa2: {  	s24 =	simm.s32 $execute0_lowered;
	[smem:$0x3FD2] =	sst s23  }
0xa3: {  	s2 =	sshll.u32 s24, $0x1;
	_ =	strace $0x8000005E;
	[dreg:$0x1] =	wrdreg $0xFFFFFFFF  }
0xa4: {  	s25 =	simm.s32 $_size_execute0_lowered;
	s0 =	sadd.s32 s0, s2;
	[dreg:$0x0] =	wrdreg $0x0  }
0xa5: {  	s2 =	sshll.u32 s25, $0x1;
	[dreg:$0x2] =	wrdreg s0  }
0xa6: {  	[dreg:$0x3] =	wrdreg s2  }
0xa7: {  	[dreg:$0x4] =	wrdreg $0xC0  }
0xa8: {  	_ =	task [dreg:s4], $0x5FFFF  }
0xa9: {  	[dreg:$0x1] =	wrdreg $0xFFFFFFFF  }
0xaa: {  	[dreg:$0x0] =	wrdreg $0x60  }
0xab: {  	[dreg:$0x2] =	wrdreg s22  }
0xac: {  	[dreg:$0x3] =	wrdreg $0x9  }
0xad: {  	_ =	task.clear_ibuf [dreg:s4], $0x4FFFF;
	_ =	strace $0x9000005E  }
0xae: {  	s26 =	simm.s32 $0x9;
	_ =	strace $0x80000060  }
0xaf: {  	_ =	swait.ge [sflag:s26], $0x1  }
0xb0: {  	[sflag:s26] =	ssyncadd.s32 $0xFFFFFFFF  }
0xb1: {  	_ =	strace $0x90000060  }
0xb2: {  	_ =	sfence  }
0xb3: {  	s28 =	sld [smem:$0x0];
	_ =	sdelay $0x1  }
0xb4: {  	s29 =	srdreg.scid  }
0xb5: {  	s30 =	sshll.u32 s29, $0xD;
	s31 =	sshrl.u32 s29, $0x2  }
0xb6: {  	s1 =	sand.u32 $0x1, s29;
	s2 =	sand.u32 $0x4000, s30;
	s0 =	sadd.s32 s31, s28  }
0xb7: {  	s1 =	sor.u32 s2, s1;
	s0 =	sshll.u32 s0, $0x11  }
0xb8: {  	s0 =	sor.u32 s0, s1  }
0xb9: {  	s0 =	sadd.s32 $0x8F2B, s0  }
0xba: {  	[sflag:s0] =	ssyncadd.remote.s32 $0x1  }
0xbb: {  	_ =	sfence.sel $0xFFFF  }
0xbc: {  	[dreg:$0x0] =	wrdreg $0xFFFFFFFF;
	(pc) =	sbr.abs _section_cstart, $3  }
0xbd: {  	[dreg:$0x1] =	wrdreg $0xFFFFFFFF  }
0xbe: {  	_ =	task.clear_ibuf [dreg:s4], $0x2FFFF;
	_ =	strace $0x9FFFFFFF  }
0xbf: {  	(tm) =	ssettm $0x7FFFFFFF  }
tec
execute0_lowered:
.L_overlay_start_1:
0x0: {  	(tag) =	ssettag $0x1  }
0x1: {  	s0 =	rddreg [dreg:$0x0];
	_ =	strace $0x8000005F;
	s1 =	simm.s32 $0x1  }
0x2: {  	s8 =	simm.s32 $0x108;
	v0 =	vimm.s32 $0x0;
	[sflag:s1] =	ssyncpa.u1 $0x0  }
0x3: {  	[tilespmem:s8+$0x70] =	vst v0  }
0x4: {  	[tilespmem:s8+$0x60] =	vst v0  }
0x5: {  	[tilespmem:s8+$0x50] =	vst v0  }
0x6: {  	[tilespmem:s8+$0x40] =	vst v0  }
0x7: {  	[tilespmem:s8+$0x30] =	vst v0  }
0x8: {  	s1 =	sadd.s32 $0x9BA00, s0;
	s3 =	sadd.s32 $0x5ABA00, s0;
	[tilespmem:s8+$0x20] =	vst v0  }
0x9: {  	s2 =	simm.s32 $0x40;
	s4 =	sadd.s32 $0xACFE00, s0;
	s5 =	sadd.s32 $0x5B5C00, s0;
	[tilespmem:s8+$0x10] =	vst v0  }
.LBB2_1:
0xa: {  	s2 =	sadd.s32 $0x40, s2;
	[tilespmem:s8+$0x0] =	vst v0;
	s8 =	sadd.s32 $0x80, s8  }
0xb: {  	p0 =	slt.u32 s2, $0x3C40;
	[tilespmem:s8+$0x70] =	vst v0  }
0xc: {  	[tilespmem:s8+$0x60] =	vst v0  }
.Ltmp0:
0xd: {  	[tilespmem:s8+$0x50] =	vst v0;
	(pc) =	sbr.rel @p0 .LBB2_1-.Ltmp0, $4  }
0xe: {  	[tilespmem:s8+$0x40] =	vst v0  }
0xf: {  	[tilespmem:s8+$0x30] =	vst v0  }
0x10: {  	[tilespmem:s8+$0x20] =	vst v0  }
0x11: {  	[tilespmem:s8+$0x10] =	vst v0  }
0x12: {  	s13 =	stileid.u32  }
0x13: {  	s0 =	simm.s32 $0x4FB0;
	s6 =	smul.u32 $0x50A0, s13;
	p0 =	seq.s32 s13, $0xF  }
0x14: {  	s0 =	simm.s32 @!p0 $0x50A0  }
0x15: {  	s0 =	sadd.s32 s6, s0  }
0x16: {  	s7 =	smin.u32 s0, $0x50910  }
0x17: {  	s0 =	ssub.s32 s7, s6  }
0x18: {  	p0 =	sgt.s32 s0, $0x0  }
0x19: {  	s0 =	simm.s32 @!p0 $0x0  }
0x1a: {  	s2 =	simm.s32 $0x2;
	s9 =	simm.s32 $0x7;
	s31 =	smulhi.u32 $0x1111112, s0  }
0x1b: {  	s10 =	simm.s32 $0x8;
	s19 =	simm.s32 $0x0;
	s15 =	simm.s32 $0xA  }
0x1c: {  	s17 =	simm.s32 $0x0;
	s18 =	simm.s32 $0x0;
	s11 =	smul.u32 $0xF0, s31  }
.Ltmp1:
0x1d: {  	[tilespmem:s8+$0x0] =	vst v0;
	v0 =	vimm.s32 $0xFFFFFFFF;
	[sflag:s2] =	ssyncpa.u1 $0x0;
	s13 =	sshll.u32 s13, $0x8;
	(pc) =	sbr.rel .LBB2_3-.Ltmp1, $4  }
0x1e: {  	[tilespmem:$0xF208] =	vst v0;
	[sflag:s9] =	ssyncpa.u1 $0x0;
	p0 =	sne.s32 s0, s11;
	s0 =	simm.s32 $0x1  }
0x1f: {  	[sflag:s10] =	ssyncpa.u1 $0x0;
	s10 =	simm.s32 $0x9;
	s0 =	simm.s32 @!p0 $0x0  }
0x20: {  	s16 =	smov.u32 s6;
	[sflag:s10] =	ssyncpa.u1 $0x0;
	s12 =	sadd.s32 s0, s31  }
0x21: {  	v0 =	vlaneseq.u32;
	s11 =	simm.s32 $0x1;
	p0 =	por $0x0, $0x0;
	s14 =	sadd.s32 $0x1, s12  }
.LBB2_18:
0x22: {  	s0 =	sshrl.u32 s28, $0x2  }
.LBB2_20:
0x23: {  	_ =	swait.ge [sflag:s15], s0  }
0x24: {  	s31 =	ssub.s32 $0x0, s0;
	v1 =	vmov s21;
	vm0 =	veq.s32 v0, $0x0;
	[sflag:s15] =	ssyncset.done $0x0  }
0x25: {  	vm15 =	veq.s32 v0, $0x2;
	v1 =	vsel vm0, s26, v1;
	[sflag:s15] =	ssyncadd.s32 s31  }
0x26: {  	v1 =	vsel vm15, s19, v1;
	[sflag:s15] =	ssyncpa.u1 $0x1  }
0x27: {  	[tilespmem:$0xF208] =	vst v1  }
.LBB2_21:
0x28: {  	s0 =	sadd.s32 $0xF0, s16  }
0x29: {  	s2 =	smov.u32 s6;
	p1 =	slt.s32 s0, s7  }
0x2a: {  	s2 =	smov.u32 @p1 s0;
	p1 =	sne.s32 s18, s14  }
.Ltmp2:
0x2b: {  	_ = 	snop;
	(pc) =	sbr.rel @!p1 .LBB2_22-.Ltmp2, $3  }
0x2c: {  	_ =	sdelay $0x1  }
0x2d: {  	s19 =	smov.u32 s17;
	s31 =	sadd.s32 $0x1, s18;
	s17 =	smov.u32 s16  }
0x2e: {  	p0 =	por !p0, !p0;
	s18 =	smov.u32 s31;
	s16 =	smov.u32 s2  }
.LBB2_3:
0x2f: {  	p1 =	sge.u32 s18, s12  }
0x30: {  	s0 =	smulhi.u32 @!p1 $0xAAAAAAAB, s18  }
0x31: {  	s2 =	smov.u32 s16;
	p2 =	sgt.s32 @!p1 s16, $0x50820  }
0x32: {  	s20 =	sshra.s32 @!p1 s16, $0x1F;
	p2 =	por !p2, p1;
	s0 =	sshrl.u32 @!p1 s0, $0x1  }
0x33: {  	s20 =	sand.u32 @!p1 s20, s16;
	s2 =	simm.s32 @p2 $0x50820;
	s0 =	smul.u32 @!p1 $0x3, s0  }
0x34: {  	s2 =	ssub.s32 @!p1 s2, s20  }
0x35: {  	s2 =	sadd.s32 @!p1 $0xFFFAF7E0, s2;
	s0 =	ssub.s32 @!p1 s18, s0  }
0x36: {  	s20 =	sshll.u32 @!p1 s2, $0x2;
	p2 =	sgt.s32 @!p1 s2, $0xEF;
	s0 =	smul.u32 @!p1 $0x3C0, s0  }
0x37: {  	s21 =	sand.u32 @!p1 $0x7, s16;
	s2 =	ssub.s32 @!p1 $0x3C0, s20;
	p2 =	por !p2, p1  }
0x38: {  	s20 =	sshrl.u32 @!p1 s16, $0x3;
	s2 =	sshrl.u32 @!p1 s2, $0x2;
	s0 =	sshrl.u32 @!p1 s0, $0x2  }
0x39: {  	s20 =	sadd.s32 @!p1 s5, s20;
	s2 =	simm.s32 @!p2 $0x0;
	s0 =	sadd.s32 @!p1 $0x10238, s0  }
0x3a: {  	[tilespmem:s0], [sflag:$0x8] =	stream.linear.gather @!p1 [hbm4b:s20+s21], s2, $0x38;
	[tilespmem:$0x1F6E8] =	vst v63  }
0x3b: {  	s0 =	sadd.s32 $0xFFFFFFFF, s18  }
0x3c: {  	p1 =	sge.u32 s0, s12  }
0x3d: {  	p2 =	sgt.s32 @!p1 s17, $0x50820  }
0x3e: {  	s2 =	smov.u32 s17;
	s20 =	sshra.s32 @!p1 s17, $0x1F;
	p2 =	por !p2, p1  }
0x3f: {  	s20 =	sand.u32 @!p1 s20, s17;
	s2 =	simm.s32 @p2 $0x50820  }
0x40: {  	s2 =	ssub.s32 @!p1 s2, s20  }
0x41: {  	s2 =	sadd.s32 @!p1 $0xFFFAF7E0, s2  }
0x42: {  	s21 =	smulhi.u32 @!p1 $0xAAAAAAAB, s0;
	s22 =	sand.u32 @!p1 $0x1, s0;
	s20 =	sshll.u32 @!p1 s2, $0x2  }
0x43: {  	s24 =	smul.u32 @!p1 $0x3C0, s22;
	p2 =	sgt.s32 @!p1 s2, $0xEF;
	s2 =	ssub.s32 @!p1 $0x3C0, s20  }
0x44: {  	p2 =	por !p2, p1;
	s20 =	sshrl.u32 @!p1 s21, $0x1;
	s2 =	sshrl.u32 @!p1 s2, $0x2  }
0x45: {  	s21 =	simm.s32 @!p1 $0x8;
	s20 =	smul.u32 @!p1 $0x3, s20;
	s2 =	simm.s32 @!p2 $0x0  }
0x46: {  	s22 =	smul.u32 @!p1 $0x1E000, s22;
	_ =	swait.ge @!p1 [sflag:s21], s2;
	s23 =	ssub.s32 @!p1 $0x0, s2  }
0x47: {  	s0 =	ssub.s32 @!p1 s0, s20;
	s20 =	sshrl.u32 @!p1 s17, $0x3;
	[sflag:s21] =	ssyncset.done @!p1 $0x0  }
0x48: {  	s20 =	sadd.s32 @!p1 s3, s20;
	[sflag:s21] =	ssyncadd.s32 @!p1 s23;
	s21 =	sshrl.u32 @!p1 s24, $0x2  }
0x49: {  	s0 =	smul.u32 @!p1 $0x3C0, s0;
	s23 =	sand.u32 @!p1 $0x7, s17;
	s21 =	sor.u32 @!p1 $0x10508, s21  }
0x4a: {  	[tilespmem:s21], [sflag:$0x9] =	stream.linear.gather @!p1 [hbm4b:s20+s23], s2, $0x38;
	[tilespmem:$0x1F6E8] =	vst v63  }
0x4b: {  	s0 =	sshrl.u32 @!p1 s0, $0x2;
	s2 =	sshrl.u32 @!p1 s22, $0x2  }
0x4c: {  	s0 =	sadd.s32 @!p1 $0x10238, s0;
	s20 =	simm.s32 @!p1 $0xF0;
	s2 =	sor.u32 @!p1 $0x106E8, s2  }
0x4d: {  	[tilespmem:s2], [sflag:$0x7] =	stream.indirect.gather @!p1 [hbm4b:s4+s20], $0x80, s0, s20, $0xb8;
	[tilespmem:$0x1F6E8] =	vst v63  }
0x4e: {  	p1 =	slt.u32 s18, $0x2  }
.Ltmp3:
0x4f: {  	_ = 	snop;
	(pc) =	sbr.rel @p1 .LBB2_21-.Ltmp3, $1  }
0x50: {  	_ =	sdelay $0x3  }
0x51: {  	p1 =	sgt.s32 s19, $0x50820;
	s0 =	smov.u32 s19;
	s2 =	sshra.s32 s19, $0x1F  }
0x52: {  	s0 =	simm.s32 @!p1 $0x50820;
	s2 =	sand.u32 s2, s19  }
0x53: {  	s0 =	ssub.s32 s0, s2  }
0x54: {  	s0 =	sadd.s32 $0xFFFAF7E0, s0  }
0x55: {  	s30 =	sshll.u32 s0, $0x2  }
0x56: {  	_ =	swait.ge [sflag:s9], $0x7800;
	s2 =	ssub.s32 $0x3C0, s30  }
0x57: {  	[sflag:s9] =	ssyncset.done $0x0;
	p1 =	sgt.s32 s0, $0xEF;
	s0 =	sshrl.u32 s2, $0x2  }
0x58: {  	[sflag:s9] =	ssyncadd.s32 $0xFFFF8800;
	s0 =	simm.s32 @p1 $0x0  }
0x59: {  	_ =	swait.ge [sflag:s10], s0  }
0x5a: {  	s0 =	ssub.s32 $0x0, s0;
	[sflag:s10] =	ssyncset.done $0x0  }
0x5b: {  	[sflag:s10] =	ssyncadd.s32 s0  }
0x5c: {  	v1 =	vld [tilespmem:$0xF208];
	_ =	sdelay $0x4  }
0x5d: {  	(v2sf) =	vpush v1, $0x0  }
0x5e: {  	(v2sf) =	vpush v1, $0x1  }
0x5f: {  	(v2sf) =	vpush v1, $0x2;
	_ =	sdelay $0x3  }
0x60: {  	s0 =	sadd.s32 $0xF0, s19  }
0x61: {  	s2 =	ssub.s32 $0x50910, s19;
	p1 =	slt.s32 s7, s0  }
0x62: {  	s0 =	smov.u32 @p1 s7;
	p1 =	sgt.s32 s2, $0x0  }
0x63: {  	s23 =	ssub.s32 s0, s19;
	s2 =	simm.s32 @!p1 $0x0  }
0x64: {  	p1 =	slt.s32 s2, s23  }
0x65: {  	s23 =	smov.u32 @p1 s2  }
0x66: {  	s22 =	simm.s32 $0x1;
	p1 =	slt.s32 s23, $0x1  }
.Ltmp4:
0x67: {  	s22 =	simm.s32 @!p0 $0x0;
	(pc) =	sbr.rel @p1 .LBB2_8-.Ltmp4, $4  }
0x68: {  	s31 =	smul.u32 $0x3C0, s22  }
0x69: {  	s24 =	spop (v2sf)  }
0x6a: {  	s0 =	sshrl.u32 s31, $0x2;
	s26 =	spop (v2sf)  }
0x6b: {  	s20 =	sor.u32 $0x10508, s0;
	s19 =	spop (v2sf)  }
0x6c: {  	s0 =	smin.u32 s23, $0x10  }
0x6d: {  	v1 =	vmov s0  }
0x6e: {  	p2 =	sgt.s32 s23, $0x10;
	vm1 =	vgt.u32 v1, v0  }
.Ltmp5:
0x6f: {  	_ = 	snop;
	(pc) =	sbr.rel @!p2 .LBB2_7-.Ltmp5, $2  }
0x70: {  	_ =	sdelay $0x2  }
0x71: {  	s25 =	simm.s32 $0x10;
	s28 =	sadd.s32 $0xFFFFFFF0, s23;
	s21 =	smov.u32 s20;
	vm0 =	vmmov vm1  }
.LBB2_6:
0x72: {  	s0 =	smin.u32 s28, $0x10;
	s25 =	sadd.s32 $0x10, s25;
	v1 =	vld.msk [tilespmem:s21+$0x0 ss:$0x1], vm1  }
0x73: {  	v2 =	vmov s0;
	p2 =	slt.s32 s25, s23  }
0x74: {  	vm1 =	vgt.u32 v2, v0  }
.Ltmp6:
0x75: {  	(pc) =	sbr.rel @p2 .LBB2_6-.Ltmp6, $3  }
0x76: {  	_ =	sdelay $0x1  }
0x77: {  	v1 =	vshll.u32 v1, $0x4  }
0x78: {  	s28 =	sadd.s32 $0xFFFFFFF0, s28;
	[tilespmem:s21+$0x0] =	vst.msk vm0, v1;
	s21 =	sadd.s32 $0x10, s21;
	vm0 =	vmmov vm1  }
.LBB2_7:
0x79: {  	_ =	sdelay $0x4  }
0x7a: {  	v1 =	vld.msk [tilespmem:s21+$0x0 ss:$0x1], vm1;
	_ =	sdelay $0x4  }
0x7b: {  	v1 =	vshll.u32 v1, $0x4  }
0x7c: {  	[tilespmem:s21+$0x0] =	vst.msk vm0, v1  }
.LBB2_8:
0x7d: {  	s0 =	sand.u32 $0x1, s18  }
0x7e: {  	s0 =	smul.u32 $0xF0, s0  }
0x7f: {  	p2 =	sne.s32 s26, $0xFFFFFFFF  }
0x80: {  	v1 =	vld.msk @!p2 [tilespmem:s0+$0x10508], $0x1;
	_ =	sdelay $0x4  }
0x81: {  	(v2sf) =	vpush @!p2 v1, $0x0;
	_ =	sdelay $0xc  }
.Ltmp7:
0x82: {  	_ = 	snop;
	(pc) =	sbr.rel @p1 .LBB2_19-.Ltmp7, $4  }
0x83: {  	_ = 	snop  }
0x84: {  	s25 =	spop @!p2 (v2sf)  }
0x85: {  	s19 =	simm.s32 @!p2 $0x0;
	s21 =	smov.u32 s25  }
0x86: {  	[sflag:s15] =	ssyncpa.u1 $0x0;
	s25 =	smov.u32 @p2 s24;
	s21 =	smov.u32 @p2 s26  }
0x87: {  	v1 =	vld.msk [tilespmem:s20+$0x0], $0x1;
	_ =	sdelay $0x4  }
0x88: {  	(v2sf) =	vpush v1, $0x0;
	_ =	sdelay $0xe  }
0x89: {  	s0 =	smul.u32 $0x1E000, s22;
	s29 =	spop (v2sf)  }
0x8a: {  	s23 =	ssub.s32 $0x0, s23;
	p1 =	seq.s32 s25, s29  }
0x8b: {  	s26 =	sadd.s32 $0x1, s23;
	s0 =	sshrl.u32 s0, $0x2;
	p2 =	sgt.s32 @!p1 s25, $0x0  }
0x8c: {  	s22 =	sor.u32 $0x10728, s0;
	s0 =	smov.u32 s25;
	p2 =	por !p2, p1  }
0x8d: {  	s0 =	simm.s32 @p2 $0x0;
	p2 =	seq.s32 s26, $0x0  }
.Ltmp8:
0x8e: {  	_ = 	snop;
	(pc) =	sbr.rel @p2 .LBB2_11-.Ltmp8, $4  }
0x8f: {  	_ = 	snop  }
0x90: {  	s24 =	simm.s32 $0x0;
	s28 =	sadd.s32 $0x1, s20;
	s0 =	smin.u32 @!p1 s0, $0x270F0  }
0x91: {  	s30 =	simm.s32 @!p1 $0x1;
	s31 =	simm.s32 @!p1 $0x7988;
	s2 =	sand.u32 @!p1 $0x3FFF8, s0  }
0x92: {  	s30 =	smov.u32 @p1 s24;
	s0 =	sand.u32 @!p1 $0x7, s0;
	s2 =	sadd.s32 @!p1 s1, s2  }
.LBB2_10:
0x93: {  	s8 =	smov.u32 s30  }
0x94: {  	[tilespmem:s31], [sflag:$0x2] =	stream.linear.gather @!p1 [hbm4b:s2+s0], $0x80, $0x38;
	[tilespmem:$0x1F6E8] =	vst v63  }
0x95: {  	s26 =	sadd.s32 $0x1, s26;
	s0 =	smov.u32 s29;
	v1 =	vld.msk [tilespmem:s28+$0x0], $0x1  }
0x96: {  	p2 =	seq.s32 s26, $0x0;
	_ =	sdelay $0x3  }
0x97: {  	(v2sf) =	vpush v1, $0x0;
	_ =	sdelay $0xe  }
0x98: {  	s29 =	spop (v2sf)  }
0x99: {  	p1 =	seq.s32 s0, s29  }
0x9a: {  	p3 =	sgt.s32 @!p1 s0, $0x0;
	s2 =	sshll.u32 @!p1 s30, $0x9;
	s30 =	sadd.s32 @!p1 $0x1, s30  }
.Ltmp9:
0x9b: {  	p3 =	por !p3, p1;
	s2 =	sshra.s32 @!p1 s2, $0x2;
	(pc) =	sbr.rel @!p2 .LBB2_10-.Ltmp9, $4  }
0x9c: {  	s30 =	smov.u32 @p1 s8;
	s0 =	simm.s32 @p3 $0x0;
	s31 =	sadd.s32 @!p1 $0x7988, s2  }
0x9d: {  	s0 =	smin.u32 @!p1 s0, $0x270F0  }
0x9e: {  	s2 =	sand.u32 @!p1 $0x3FFF8, s0;
	s0 =	sand.u32 @!p1 $0x7, s0  }
0x9f: {  	s28 =	sadd.s32 $0x1, s28;
	s2 =	sadd.s32 @!p1 s1, s2  }
.LBB2_11:
0xa0: {  	[tilespmem:s31], [sflag:$0x2] =	stream.linear.gather @!p1 [hbm4b:s2+s0], $0x80, $0x38;
	[tilespmem:$0x1F6E8] =	vst v63  }
.Ltmp10:
0xa1: {  	s30 =	sshll.u32 s30, $0x7;
	(pc) =	sbr.rel .LBB2_12-.Ltmp10, $4  }
0xa2: {  	s31 =	simm.s32 $0x2;
	s0 =	sand.u32 $0x3FFFFF80, s30  }
0xa3: {  	_ =	swait.ge [sflag:s31], s0  }
0xa4: {  	s0 =	ssub.s32 $0x0, s0;
	[sflag:s31] =	ssyncset.done $0x0  }
0xa5: {  	s28 =	simm.s32 $0x0;
	[sflag:s31] =	ssyncadd.s32 s0  }
.LBB2_13:
0xa6: {  	v1 =	vld [tilespmem:s22+$0xFFFFFFC0];
	_ =	sdelay $0x3  }
0xa7: {  	s0 =	sshra.s32 s0, $0x2  }
0xa8: {  	[tilespmem:s0+$0x108] =	vst.add.f32.msk $0xffff, v1  }
0xa9: {  	v1 =	vld [tilespmem:s22+$0xFFFFFFD0];
	_ =	sdelay $0x4  }
0xaa: {  	[tilespmem:s0+$0x118] =	vst.add.f32.msk $0xffff, v1  }
0xab: {  	v1 =	vld [tilespmem:s22+$0xFFFFFFE0];
	_ =	sdelay $0x4  }
0xac: {  	[tilespmem:s0+$0x128] =	vst.add.f32.msk $0xffff, v1  }
0xad: {  	v1 =	vld [tilespmem:s22+$0xFFFFFFF0];
	_ =	sdelay $0x4  }
0xae: {  	[tilespmem:s0+$0x138] =	vst.add.f32.msk $0xffff, v1  }
0xaf: {  	v1 =	vld [tilespmem:s22+$0x0];
	_ =	sdelay $0x4  }
0xb0: {  	[tilespmem:s0+$0x148] =	vst.add.f32.msk $0xffff, v1  }
0xb1: {  	v1 =	vld [tilespmem:s22+$0x10];
	_ =	sdelay $0x4  }
0xb2: {  	[tilespmem:s0+$0x158] =	vst.add.f32.msk $0xffff, v1  }
0xb3: {  	v1 =	vld [tilespmem:s22+$0x20];
	_ =	sdelay $0x4  }
0xb4: {  	[tilespmem:s0+$0x168] =	vst.add.f32.msk $0xffff, v1  }
0xb5: {  	v1 =	vld [tilespmem:s22+$0x30];
	_ =	sdelay $0x4  }
0xb6: {  	[tilespmem:s0+$0x178] =	vst.add.f32.msk $0xffff, v1  }
.LBB2_17:
0xb7: {  	s23 =	sadd.s32 $0x1, s23  }
0xb8: {  	p1 =	seq.s32 s23, $0x0  }
.Ltmp11:
0xb9: {  	_ = 	snop;
	(pc) =	sbr.rel @p1 .LBB2_18-.Ltmp11, $2  }
0xba: {  	_ =	sdelay $0x2  }
0xbb: {  	s20 =	sadd.s32 $0x1, s20;
	s22 =	sadd.s32 $0x80, s22;
	s25 =	smov.u32 s26  }
.LBB2_12:
0xbc: {  	v1 =	vld.msk [tilespmem:s20+$0x0], $0x1;
	_ =	sdelay $0x4  }
0xbd: {  	(v2sf) =	vpush v1, $0x0;
	_ =	sdelay $0xe  }
0xbe: {  	s26 =	spop (v2sf)  }
0xbf: {  	p1 =	sne.s32 s25, s26  }
.Ltmp12:
0xc0: {  	_ = 	snop;
	(pc) =	sbr.rel @!p1 .LBB2_13-.Ltmp12, $2  }
0xc1: {  	_ =	sdelay $0x2  }
0xc2: {  	s0 =	sshll.u32 s19, $0x9  }
0xc3: {  	p1 =	seq.s32 s25, s21  }
.Ltmp13:
0xc4: {  	_ = 	snop;
	(pc) =	sbr.rel @!p1 .LBB2_15-.Ltmp13, $1  }
0xc5: {  	_ =	sdelay $0x3  }
0xc6: {  	s0 =	sshra.s32 s0, $0x2  }
.Ltmp14:
0xc7: {  	s0 =	sadd.s32 $0x108, s0;
	(pc) =	sbr.rel .LBB2_16-.Ltmp14, $4  }
0xc8: {  	[spmem:s13] =	stream.linear.scatter [tilespmem:s0], [sflag:$0x1], $0x80, $0x38;
	[tilespmem:$0x1F6E8] =	vst v63  }
0xc9: {  	_ =	swait.ge [sflag:s11], $0x80  }
0xca: {  	[sflag:s11] =	ssyncset.done $0x0  }
0xcb: {  	[sflag:s11] =	ssyncadd.s32 $0xFFFFFF80  }
.LBB2_15:
0xcc: {  	s2 =	sshll.u32 s24, $0x9  }
0xcd: {  	s2 =	sshra.s32 s2, $0x2  }
0xce: {  	v1 =	vld [tilespmem:s2+$0x7988];
	_ =	sdelay $0x3  }
0xcf: {  	s0 =	sshra.s32 s0, $0x2  }
0xd0: {  	[tilespmem:s0+$0x108] =	vst.add.f32.msk $0xffff, v1  }
0xd1: {  	v1 =	vld [tilespmem:s2+$0x7998];
	_ =	sdelay $0x4  }
0xd2: {  	[tilespmem:s0+$0x118] =	vst.add.f32.msk $0xffff, v1  }
0xd3: {  	v1 =	vld [tilespmem:s2+$0x79A8];
	_ =	sdelay $0x4  }
0xd4: {  	[tilespmem:s0+$0x128] =	vst.add.f32.msk $0xffff, v1  }
0xd5: {  	v1 =	vld [tilespmem:s2+$0x79B8];
	_ =	sdelay $0x4  }
0xd6: {  	[tilespmem:s0+$0x138] =	vst.add.f32.msk $0xffff, v1  }
0xd7: {  	v1 =	vld [tilespmem:s2+$0x79C8];
	_ =	sdelay $0x4  }
0xd8: {  	[tilespmem:s0+$0x148] =	vst.add.f32.msk $0xffff, v1  }
0xd9: {  	v1 =	vld [tilespmem:s2+$0x79D8];
	_ =	sdelay $0x4  }
0xda: {  	[tilespmem:s0+$0x158] =	vst.add.f32.msk $0xffff, v1  }
0xdb: {  	v1 =	vld [tilespmem:s2+$0x79E8];
	_ =	sdelay $0x4  }
0xdc: {  	[tilespmem:s0+$0x168] =	vst.add.f32.msk $0xffff, v1  }
0xdd: {  	v1 =	vld [tilespmem:s2+$0x79F8];
	_ =	sdelay $0x2  }
0xde: {  	p1 =	sgt.u32 s25, $0x270F0  }
0xdf: {  	s2 =	sand.u32 @!p1 $0x3FFF8, s25  }
0xe0: {  	s8 =	sadd.s32 $0x108, s0;
	[tilespmem:s0+$0x178] =	vst.add.f32.msk $0xffff, v1;
	s0 =	sadd.s32 @!p1 s1, s2;
	s2 =	sand.u32 @!p1 $0x7, s25  }
0xe1: {  	[hbm4b:s0+s2] =	stream.linear.scatter @!p1 [tilespmem:s8], [sflag:$0xA], $0x80, $0x38;
	[tilespmem:$0x1F6E8] =	vst v63  }
0xe2: {  	s0 =	simm.s32 $0x0  }
0xe3: {  	s0 =	simm.s32 @!p1 $0x200  }
0xe4: {  	s28 =	sadd.s32 s0, s28  }
.LBB2_16:
0xe5: {  	s0 =	sadd.s32 $0x1, s19  }
0xe6: {  	s2 =	smulhi.u32 $0x88888889, s0;
	_ =	sdelay $0x1  }
0xe7: {  	v1 =	vld [tilespmem:s22+$0xFFFFFFC0];
	s2 =	sshrl.u32 s2, $0x7  }
0xe8: {  	s2 =	smul.u32 $0xF0, s2;
	_ =	sdelay $0x1  }
0xe9: {  	s19 =	ssub.s32 s0, s2  }
0xea: {  	s0 =	sshll.u32 s19, $0x7  }
0xeb: {  	[tilespmem:s0+$0x108] =	vst v1  }
0xec: {  	v1 =	vld [tilespmem:s22+$0xFFFFFFD0];
	_ =	sdelay $0x4  }
0xed: {  	[tilespmem:s0+$0x118] =	vst v1  }
0xee: {  	v1 =	vld [tilespmem:s22+$0xFFFFFFE0];
	_ =	sdelay $0x4  }
0xef: {  	[tilespmem:s0+$0x128] =	vst v1  }
0xf0: {  	v1 =	vld [tilespmem:s22+$0xFFFFFFF0];
	_ =	sdelay $0x4  }
0xf1: {  	[tilespmem:s0+$0x138] =	vst v1  }
0xf2: {  	v1 =	vld [tilespmem:s22+$0x0];
	_ =	sdelay $0x4  }
0xf3: {  	[tilespmem:s0+$0x148] =	vst v1  }
0xf4: {  	v1 =	vld [tilespmem:s22+$0x10];
	_ =	sdelay $0x4  }
0xf5: {  	[tilespmem:s0+$0x158] =	vst v1  }
0xf6: {  	v1 =	vld [tilespmem:s22+$0x20];
	_ =	sdelay $0x4  }
0xf7: {  	[tilespmem:s0+$0x168] =	vst v1  }
0xf8: {  	v1 =	vld [tilespmem:s22+$0x30]  }
.Ltmp15:
0xf9: {  	_ = 	snop;
	(pc) =	sbr.rel .LBB2_17-.Ltmp15, $2  }
0xfa: {  	_ =	sdelay $0x2  }
0xfb: {  	s24 =	sadd.s32 $0x1, s24;
	[tilespmem:s0+$0x178] =	vst v1  }
.LBB2_19:
.Ltmp16:
0xfc: {  	(pc) =	sbr.rel .LBB2_20-.Ltmp16, $4  }
0xfd: {  	_ = 	snop  }
0xfe: {  	s0 =	simm.s32 $0x2  }
0xff: {  	_ =	swait.ge [sflag:s0], $0x0  }
0x100: {  	s26 =	smov.u32 s25;
	[sflag:s0] =	ssyncset.done $0x0;
	s0 =	simm.s32 $0x0  }
.LBB2_22:
0x101: {  	_ =	sfence.sel $0x180000  }
0x102: {  	s0 =	simm.s32 $0x7;
	[bflag:$0x0] =	sbarrier.arrive $0xFFFF  }
0x103: {  	s25 =	simm.s32 $0x8;
	[sflag:s0] =	ssyncpa.u1 $0x1  }
0x104: {  	s26 =	simm.s32 $0x9;
	[sflag:s25] =	ssyncpa.u1 $0x1  }
0x105: {  	s28 =	simm.s32 $0x2;
	[sflag:s26] =	ssyncpa.u1 $0x1  }
0x106: {  	[sflag:s28] =	ssyncpa.u1 $0x1  }
0x107: {  	v0 =	vld [tilespmem:$0xF208];
	_ =	sdelay $0x4  }
0x108: {  	(v2sf) =	vpush v0, $0x0  }
0x109: {  	(v2sf) =	vpush v0, $0x1;
	_ =	sdelay $0x1  }
0x10a: {  	(v2sf) =	vpush v0, $0x2;
	_ =	sdelay $0xb  }
0x10b: {  	s0 =	spop (v2sf)  }
0x10c: {  	s2 =	spop (v2sf)  }
0x10d: {  	s3 =	smov.u32 s0;
	p0 =	sne.s32 s0, s2  }
0x10e: {  	s4 =	spop (v2sf);
	s3 =	simm.s32 @!p0 $0xFFFFFFFF  }
0x10f: {  	v2 =	vimm.s32 $0x1;
	v3 =	vlaneseq.u32;
	p0 =	seq.s32 s4, $0xFFFFFFFF;
	v1 =	vmov s3  }
0x110: {  	s7 =	stileid.u32;
	v0 =	vperm.xlane v0, v2;
	p1 =	sne.s32 @!p0 s0, s2;
	v1 =	vperm.xlane v1, v3  }
0x111: {  	vm0 =	vcmask $0x3F04;
	s6 =	simm.s32 $0xF208;
	s0 =	simm.s32 @!p0 $0x1;
	p1 =	por !p1, p0  }
0x112: {  	s3 =	sshll.u32 s7, $0x1;
	s2 =	sshll.u32 @!p0 s4, $0x9;
	s0 =	simm.s32 @p1 $0x0;
	v0 =	vsel vm0, v1, v0  }
0x113: {  	s5 =	sor.u32 $0x1000, s3;
	s2 =	sshra.s32 @!p0 s2, $0x2;
	s0 =	sor.u32 @!p0 s0, s3;
	[tilespmem:$0xF208] =	vst v0  }
0x114: {  	[spmem:s5] =	stream.linear.scatter [tilespmem:s6], [sflag:$0x1], $0x2, $0x38;
	[tilespmem:$0x1F6E8] =	vst v63  }
0x115: {  	s2 =	sadd.s32 @!p0 $0x108, s2;
	s0 =	sshll.u32 @!p0 s0, $0x7  }
0x116: {  	[spmem:s0] =	stream.linear.scatter @!p0 [tilespmem:s2], [sflag:$0x1], $0x80, $0x38;
	[tilespmem:$0x1F6E8] =	vst v63  }
0x117: {  	s0 =	simm.s32 @!p0 $0x82  }
0x118: {  	s3 =	simm.s32 $0x1;
	s0 =	simm.s32 @p0 $0x2  }
0x119: {  	_ =	swait.ge [sflag:s3], s0  }
0x11a: {  	s0 =	ssub.s32 $0x0, s0;
	[sflag:s3] =	ssyncset.done $0x0  }
0x11b: {  	[sflag:s3] =	ssyncadd.s32 s0  }
0x11c: {  	_ =	sfence.stream.spmem  }
0x11d: {  	s29 =	simm.s32 $0x3;
	[bflag:$0x0] =	sbarrier.arrive $0xFFFF  }
0x11e: {  	s30 =	simm.s32 $0x4;
	[sflag:s29] =	ssyncpa.u1 $0x1  }
0x11f: {  	s31 =	simm.s32 $0x3C;
	[sflag:s30] =	ssyncpa.u1 $0x1  }
0x120: {  	p0 =	sne.s32 s7, $0x0;
	[sflag:s31] =	ssyncpa.u1 $0x1  }
0x121: {  	_ =	sfence @p0  }
0x122: {  	[sflag:s3] =	ssyncpa.u1 @p0 $0x1  }
0x123: {  	_ =	strace @p0 $0x9000005F  }
0x124: {  	[bflag:$0x2] =	sbarrier.arrive @p0 $0xFFFF  }
0x125: {  	_ =	shalt @p0  }
.LBB2_23:
0x126: {  	_ =	sfence.stream.spmem;
	s0 =	simm.s32 $0x5  }
0x127: {  	s2 =	simm.s32 $0x1000;
	s3 =	simm.s32 $0xF218;
	[sflag:s0] =	ssyncpa.u1 $0x0  }
0x128: {  	[tilespmem:s3], [sflag:$0x5] =	stream.linear.gather [spmem:s2], $0x20, $0x38;
	[tilespmem:$0x1F6E8] =	vst v63  }
0x129: {  	s30 =	simm.s32 $0xF238;
	s2 =	simm.s32 $0x0  }
0x12a: {  	[tilespmem:s30], [sflag:$0x5] =	stream.linear.gather [spmem:s2], $0x1000, $0x38;
	[tilespmem:$0x1F6E8] =	vst v63  }
.Ltmp17:
0x12b: {  	_ = 	snop;
	(pc) =	sbr.rel .LBB2_24-.Ltmp17, $4  }
0x12c: {  	_ =	swait.ge [sflag:s0], $0x1020  }
0x12d: {  	[sflag:s0] =	ssyncset.done $0x0  }
0x12e: {  	s31 =	simm.s32 $0x6;
	[sflag:s0] =	ssyncadd.s32 $0xFFFFEFE0  }
0x12f: {  	s3 =	simm.s32 $0x0;
	[sflag:s31] =	ssyncpa.u1 $0x0  }
.LBB2_30:
0x130: {  	p0 =	slt.u32 s4, $0x270F1  }
0x131: {  	s0 =	sand.u32 @p0 $0x3FFF8, s4  }
0x132: {  	s4 =	sand.u32 @p0 $0x7, s4;
	s5 =	simm.s32 @p0 $0xF188;
	s0 =	sadd.s32 @p0 s1, s0  }
0x133: {  	[tilespmem:s5], [sflag:$0x6] =	stream.linear.gather @p0 [hbm4b:s0+s4], $0x80, $0x38;
	[tilespmem:$0x1F6E8] =	vst v63  }
0x134: {  	s0 =	simm.s32 @p0 $0x6  }
0x135: {  	_ =	swait.ge @p0 [sflag:s0], $0x80  }
0x136: {  	[sflag:s0] =	ssyncset.done @p0 $0x0  }
0x137: {  	[sflag:s0] =	ssyncadd.s32 @p0 $0xFFFFFF80  }
0x138: {  	v1 =	vld @p0 [tilespmem:$0xF188];
	_ =	sdelay $0x2  }
0x139: {  	s0 =	sshll.u32 @p0 s3, $0x9  }
0x13a: {  	s4 =	sshrl.u32 @p0 s0, $0x2  }
0x13b: {  	[tilespmem:s4+$0xF238] =	vst.add.f32.msk @p0 $0xffff, v1  }
0x13c: {  	v1 =	vld @p0 [tilespmem:$0xF198];
	_ =	sdelay $0x4  }
0x13d: {  	[tilespmem:s4+$0xF248] =	vst.add.f32.msk @p0 $0xffff, v1  }
0x13e: {  	v1 =	vld @p0 [tilespmem:$0xF1A8];
	_ =	sdelay $0x4  }
0x13f: {  	[tilespmem:s4+$0xF258] =	vst.add.f32.msk @p0 $0xffff, v1  }
0x140: {  	v1 =	vld @p0 [tilespmem:$0xF1B8];
	_ =	sdelay $0x4  }
0x141: {  	[tilespmem:s4+$0xF268] =	vst.add.f32.msk @p0 $0xffff, v1  }
0x142: {  	v1 =	vld @p0 [tilespmem:$0xF1C8];
	_ =	sdelay $0x4  }
0x143: {  	[tilespmem:s4+$0xF278] =	vst.add.f32.msk @p0 $0xffff, v1  }
0x144: {  	v1 =	vld @p0 [tilespmem:$0xF1D8];
	_ =	sdelay $0x4  }
0x145: {  	[tilespmem:s4+$0xF288] =	vst.add.f32.msk @p0 $0xffff, v1  }
0x146: {  	v1 =	vld @p0 [tilespmem:$0xF1E8];
	_ =	sdelay $0x4  }
0x147: {  	[tilespmem:s4+$0xF298] =	vst.add.f32.msk @p0 $0xffff, v1  }
0x148: {  	v1 =	vld @p0 [tilespmem:$0xF1F8];
	_ =	sdelay $0x3  }
0x149: {  	s5 =	sshll.u32 @!p0 s3, $0x9  }
0x14a: {  	s5 =	smov.u32 @p0 s0;
	[tilespmem:s4+$0xF2A8] =	vst.add.f32.msk @p0 $0xffff, v1  }
0x14b: {  	s0 =	sshrl.u32 s5, $0x2;
	[tilespmem:s2+$0xF218] =	vst.msk $0x1, v0  }
0x14c: {  	v0 =	vld [tilespmem:s0+$0xF238];
	_ =	sdelay $0x2  }
0x14d: {  	s31 =	sshll.u32 s2, $0x9  }
0x14e: {  	s4 =	sshra.s32 s31, $0x2  }
0x14f: {  	[tilespmem:s4+$0xF238] =	vst v0  }
0x150: {  	v0 =	vld [tilespmem:s0+$0xF248];
	_ =	sdelay $0x4  }
0x151: {  	[tilespmem:s4+$0xF248] =	vst v0  }
0x152: {  	v0 =	vld [tilespmem:s0+$0xF258];
	_ =	sdelay $0x4  }
0x153: {  	[tilespmem:s4+$0xF258] =	vst v0  }
0x154: {  	v0 =	vld [tilespmem:s0+$0xF268];
	_ =	sdelay $0x4  }
0x155: {  	[tilespmem:s4+$0xF268] =	vst v0  }
0x156: {  	v0 =	vld [tilespmem:s0+$0xF278];
	_ =	sdelay $0x4  }
0x157: {  	[tilespmem:s4+$0xF278] =	vst v0  }
0x158: {  	v0 =	vld [tilespmem:s0+$0xF288];
	_ =	sdelay $0x4  }
0x159: {  	[tilespmem:s4+$0xF288] =	vst v0  }
0x15a: {  	v0 =	vld [tilespmem:s0+$0xF298];
	_ =	sdelay $0x4  }
0x15b: {  	[tilespmem:s4+$0xF298] =	vst v0  }
0x15c: {  	v0 =	vld [tilespmem:s0+$0xF2A8];
	_ =	sdelay $0x4  }
0x15d: {  	s2 =	sadd.s32 $0x1, s2;
	[tilespmem:s4+$0xF2A8] =	vst v0  }
.LBB2_31:
0x15e: {  	s3 =	sadd.s32 $0x1, s3  }
0x15f: {  	p0 =	sne.s32 s3, $0x20  }
.Ltmp18:
0x160: {  	_ = 	snop;
	(pc) =	sbr.rel @!p0 .LBB2_32-.Ltmp18, $1  }
0x161: {  	_ =	sdelay $0x3  }
.LBB2_24:
0x162: {  	v0 =	vld.msk [tilespmem:s3+$0xF218], $0x1;
	_ =	sdelay $0x4  }
0x163: {  	(v2sf) =	vpush v0, $0x0;
	_ =	sdelay $0xe  }
0x164: {  	s4 =	spop (v2sf)  }
0x165: {  	p0 =	seq.s32 s4, $0xFFFFFFFF  }
.Ltmp19:
0x166: {  	_ = 	snop;
	(pc) =	sbr.rel @p0 .LBB2_31-.Ltmp19, $1  }
0x167: {  	_ =	sdelay $0x3  }
0x168: {  	p0 =	slt.s32 s2, $0x1  }
.Ltmp20:
0x169: {  	_ = 	snop;
	(pc) =	sbr.rel @p0 .LBB2_30-.Ltmp20, $1  }
0x16a: {  	_ =	sdelay $0x3  }
0x16b: {  	s5 =	simm.s32 $0xF218;
	p0 =	por $0x0, $0x0  }
0x16c: {  	v1 =	vld.msk @!p0 [tilespmem:s5+$0x0], $0x1;
	_ =	sdelay $0x4  }
0x16d: {  	(v2sf) =	vpush @!p0 v1, $0x0;
	_ =	sdelay $0xd  }
0x16e: {  	p2 =	sne.s32 s2, $0x1  }
.Ltmp21:
0x16f: {  	s0 =	spop @!p0 (v2sf);
	(pc) =	sbr.rel @!p2 .LBB2_28-.Ltmp21, $4  }
0x170: {  	p1 =	seq.s32 @!p0 s4, s0  }
0x171: {  	s6 =	simm.s32 $0x0;
	p1 =	por !p1, p0  }
0x172: {  	s0 =	simm.s32 $0xFFFFFFFF;
	s6 =	simm.s32 @p1 $0xFFFFFFFF  }
0x173: {  	s7 =	simm.s32 $0x1;
	s6 =	smov.u32 @p0 s0  }
.LBB2_27:
0x174: {  	s0 =	smov.u32 s6;
	p0 =	sne.s32 s6, $0xFFFFFFFF  }
0x175: {  	s5 =	sadd.s32 $0x1, s5;
	s6 =	smov.u32 s7;
	s7 =	sadd.s32 $0x1, s7  }
0x176: {  	p1 =	sne.s32 s2, s7;
	v1 =	vld.msk @!p0 [tilespmem:s5+$0x0], $0x1;
	_ =	sdelay $0x4  }
0x177: {  	(v2sf) =	vpush @!p0 v1, $0x0;
	_ =	sdelay $0xe  }
.Ltmp22:
0x178: {  	s8 =	spop @!p0 (v2sf);
	(pc) =	sbr.rel @p1 .LBB2_27-.Ltmp22, $4  }
0x179: {  	p2 =	seq.s32 @!p0 s4, s8  }
0x17a: {  	p2 =	por !p2, p0  }
0x17b: {  	s6 =	simm.s32 @p2 $0xFFFFFFFF  }
0x17c: {  	s6 =	smov.u32 @p0 s0  }
.LBB2_28:
0x17d: {  	p0 =	seq.s32 s6, $0xFFFFFFFF  }
.Ltmp23:
0x17e: {  	_ = 	snop;
	(pc) =	sbr.rel @p0 .LBB2_30-.Ltmp23, $1  }
0x17f: {  	_ =	sdelay $0x3  }
0x180: {  	s0 =	sshll.u32 s3, $0x7  }
0x181: {  	s0 =	sand.u32 $0x3FFFFF80, s0  }
0x182: {  	v0 =	vld [tilespmem:s0+$0xF238];
	_ =	sdelay $0x2  }
0x183: {  	s4 =	sshll.u32 s6, $0x9  }
0x184: {  	s4 =	sshra.s32 s4, $0x2  }
0x185: {  	[tilespmem:s4+$0xF238] =	vst.add.f32.msk $0xffff, v0  }
0x186: {  	v0 =	vld [tilespmem:s0+$0xF248];
	_ =	sdelay $0x4  }
0x187: {  	[tilespmem:s4+$0xF248] =	vst.add.f32.msk $0xffff, v0  }
0x188: {  	v0 =	vld [tilespmem:s0+$0xF258];
	_ =	sdelay $0x4  }
0x189: {  	[tilespmem:s4+$0xF258] =	vst.add.f32.msk $0xffff, v0  }
0x18a: {  	v0 =	vld [tilespmem:s0+$0xF268];
	_ =	sdelay $0x4  }
0x18b: {  	[tilespmem:s4+$0xF268] =	vst.add.f32.msk $0xffff, v0  }
0x18c: {  	v0 =	vld [tilespmem:s0+$0xF278];
	_ =	sdelay $0x4  }
0x18d: {  	[tilespmem:s4+$0xF278] =	vst.add.f32.msk $0xffff, v0  }
0x18e: {  	v0 =	vld [tilespmem:s0+$0xF288];
	_ =	sdelay $0x4  }
0x18f: {  	[tilespmem:s4+$0xF288] =	vst.add.f32.msk $0xffff, v0  }
0x190: {  	v0 =	vld [tilespmem:s0+$0xF298];
	_ =	sdelay $0x4  }
0x191: {  	[tilespmem:s4+$0xF298] =	vst.add.f32.msk $0xffff, v0  }
0x192: {  	v0 =	vld [tilespmem:s0+$0xF2A8]  }
.Ltmp24:
0x193: {  	_ = 	snop;
	(pc) =	sbr.rel .LBB2_31-.Ltmp24, $2  }
0x194: {  	_ =	sdelay $0x2  }
0x195: {  	[tilespmem:s4+$0xF2A8] =	vst.add.f32.msk $0xffff, v0  }
.LBB2_32:
0x196: {  	p0 =	slt.s32 s2, $0x1  }
.Ltmp25:
0x197: {  	_ = 	snop;
	(pc) =	sbr.rel @p0 .LBB2_36-.Ltmp25, $3  }
0x198: {  	_ =	sdelay $0x1  }
0x199: {  	s0 =	simm.s32 $0x6  }
0x19a: {  	s3 =	simm.s32 $0x0;
	[sflag:s0] =	ssyncpa.u1 $0x1  }
0x19b: {  	s0 =	simm.s32 $0xF218  }
0x19c: {  	v0 =	vld.msk [tilespmem:s0+$0x0], $0x1;
	_ =	sdelay $0x4  }
0x19d: {  	(v2sf) =	vpush v0, $0x0;
	_ =	sdelay $0xd  }
0x19e: {  	s2 =	sadd.s32 $0xFFFFFFFF, s2  }
0x19f: {  	p1 =	sne.s32 s2, $0x0;
	s0 =	spop (v2sf)  }
.Ltmp26:
0x1a0: {  	p0 =	sgt.u32 s0, $0x270F0;
	(pc) =	sbr.rel @!p1 .LBB2_35-.Ltmp26, $4  }
0x1a1: {  	s4 =	simm.s32 $0xF238;
	s5 =	sand.u32 @!p0 $0x3FFF8, s0  }
0x1a2: {  	s6 =	simm.s32 $0x0;
	s0 =	sand.u32 @!p0 $0x7, s0;
	s5 =	sadd.s32 @!p0 s1, s5  }
0x1a3: {  	[hbm4b:s5+s0] =	stream.linear.scatter @!p0 [tilespmem:s4], [sflag:$0x5], $0x80, $0x38;
	[tilespmem:$0x1F6E8] =	vst v63  }
0x1a4: {  	s6 =	simm.s32 @!p0 $0x200;
	s5 =	simm.s32 $0xF219  }
.LBB2_34:
0x1a5: {  	v0 =	vld.msk [tilespmem:s5+$0x0], $0x1;
	s2 =	sadd.s32 $0xFFFFFFFF, s2;
	s3 =	sadd.s32 s3, s6  }
0x1a6: {  	p0 =	sne.s32 s2, $0x0;
	_ =	sdelay $0x3  }
0x1a7: {  	(v2sf) =	vpush v0, $0x0;
	_ =	sdelay $0xe  }
.Ltmp27:
0x1a8: {  	s0 =	spop (v2sf);
	(pc) =	sbr.rel @p0 .LBB2_34-.Ltmp27, $4  }
0x1a9: {  	s6 =	simm.s32 $0x0;
	p1 =	sgt.u32 s0, $0x270F0  }
0x1aa: {  	s4 =	sadd.s32 $0x80, s4;
	s6 =	simm.s32 @!p1 $0x200;
	s7 =	sand.u32 @!p1 $0x3FFF8, s0  }
0x1ab: {  	s5 =	sadd.s32 $0x1, s5;
	s0 =	sand.u32 @!p1 $0x7, s0;
	s7 =	sadd.s32 @!p1 s1, s7  }
0x1ac: {  	[hbm4b:s7+s0] =	stream.linear.scatter @!p1 [tilespmem:s4], [sflag:$0x5], $0x80, $0x38;
	[tilespmem:$0x1F6E8] =	vst v63  }
.LBB2_35:
0x1ad: {  	s0 =	sadd.s32 s3, s6  }
0x1ae: {  	s3 =	sshrl.u32 s0, $0x2  }
.LBB2_36:
0x1af: {  	s0 =	simm.s32 $0x5  }
0x1b0: {  	_ =	swait.ge [sflag:s0], s3  }
0x1b1: {  	s1 =	ssub.s32 $0x0, s3;
	[sflag:s0] =	ssyncset.done $0x0  }
0x1b2: {  	[sflag:s0] =	ssyncadd.s32 s1  }
0x1b3: {  	[sflag:s0] =	ssyncpa.u1 $0x1  }
0x1b4: {  	s30 =	simm.s32 $0x1;
	_ =	sfence  }
0x1b5: {  	[sflag:s30] =	ssyncpa.u1 $0x1  }
0x1b6: {  	_ =	strace $0x9000005F  }
0x1b7: {  	[bflag:$0x2] =	sbarrier.arrive $0xFFFF  }
0x1b8: {  	s31 =	rddreg [dreg:$0x1]  }
0x1b9: {  	s0 =	sadd.s32 $0x100000, s31  }
0x1ba: {  	[sflag:s0] =	ssyncadd.tile.s32 $0x1;
	_ =	shalt  }
.Lfunc_end2:
_tile_overlayer_lowered:
.L_overlay_start_2:
0x1bb: {  	(tag) =	ssettag $0x2  }
0x1bc: {  	s0 =	rddreg [dreg:$0x0];
	s2 =	stileid.u32  }
0x1bd: {  	s1 =	rddreg [dreg:$0x1];
	p0 =	sne.s32 s2, $0x0  }
0x1be: {  	s3 =	rddreg [dreg:$0x2];
	[bflag:$0x3] =	sbarrier.arrive $0xFFFF;
	s2 =	simm.s32 @!p0 $0x1C01  }
0x1bf: {  	[timem:s3], [sflag:s2] =	dma.local @!p0 [hbm:s0], s1  }
0x1c0: {  	s0 =	simm.s32 @!p0 $0x1  }
0x1c1: {  	_ =	swait.ge @!p0 [sflag:s0], s1  }
0x1c2: {  	s1 =	ssub.s32 @!p0 $0x0, s1;
	[sflag:s0] =	ssyncset.done @!p0 $0x0  }
0x1c3: {  	[sflag:s0] =	ssyncadd.s32 @!p0 s1  }
0x1c4: {  	[bflag:$0x3] =	sbarrier.arrive $0xFFFF  }
0x1c5: {  	_ =	shalt  }

// kernel: scatter_offload_async_start.4
scs
__scs_entry_jumppad:
0x0: {  	(pc) =	sbr.rel $0x88, $3  }
0x1: {  	(tag) =	ssettag $0x0;
	lr =	simm.s32 $0x1  }
0x2: {  	[smem:$0x3F8D] =	sst lr;
	_ =	strace $0xD0000000  }
0x3: {  	_ = 	snop  }
0x4: {  	_ = 	snop  }
0x5: {  	_ = 	snop  }
0x6: {  	_ = 	snop  }
0x7: {  	_ = 	snop  }
__scs_overlays_trampoline_lowered:
0x8: {  	[smem:$0x3F9C] =	sst s0  }
0x9: {  	[smem:$0x3F9D] =	sst s1  }
0xa: {  	[smem:$0x3F9E] =	sst s2  }
0xb: {  	[smem:$0x3F9F] =	sst s3  }
0xc: {  	[smem:$0x3FA0] =	sst s4  }
0xd: {  	[smem:$0x3FA1] =	sst s5  }
0xe: {  	[smem:$0x3FA2] =	sst s6  }
0xf: {  	[smem:$0x3FA3] =	sst s7  }
0x10: {  	[smem:$0x3FA4] =	sst s8  }
0x11: {  	[smem:$0x3FA5] =	sst s9;
	s0 =	simm.s32 @!p0 $0x0  }
0x12: {  	s1 =	sld [smem:$0x3F8B];
	s0 =	simm.s32 @p0 $0x1  }
0x13: {  	[smem:$0x3FA6] =	sst s0;
	s0 =	simm.s32 @!p1 $0x0  }
0x14: {  	s2 =	sld [smem:$0x3F8A];
	s0 =	simm.s32 @p1 $0x1  }
0x15: {  	[smem:$0x3FA7] =	sst s0;
	s0 =	simm.s32 @!p2 $0x0  }
0x16: {  	s3 =	sld [smem:$0x3FDB];
	s0 =	simm.s32 @p2 $0x1  }
0x17: {  	s4 =	simm.s32 $0x1BF5;
	[smem:$0x3FA9] =	sst s0  }
0x18: {  	s0 =	sld [smem:$0x3F8C];
	_ =	swait.ge [sflag:s4], $0x0  }
0x19: {  	s7 =	sld [smem:$0x3F8D]  }
0x1a: {  	s8 =	sadd.s32 $0xFFFFE003, lr  }
0x1b: {  	s9 =	sadd.s32 $0xFFFFFEF7, lr;
	s5 =	simm.s32 $0xFFFFFFFF;
	p2 =	slt.u32 s8, $0xFFFFF086  }
0x1c: {  	p1 =	slt.u32 s9, $0xF7A;
	s5 =	simm.s32 @!p2 $0x0  }
0x1d: {  	s5 =	simm.s32 @p1 $0x1;
	p0 =	seq.s32 s7, s2  }
0x1e: {  	s7 =	smul.u32 @!p0 $0xF7A, s2;
	p2 =	seq.s32 @!p0 s5, $0x0  }
0x1f: {  	s9 =	smul.u32 $0xF7A, s1;
	s8 =	simm.s32 @!p0 $0x1BF5;
	p2 =	por !p2, p0  }
0x20: {  	[sflag:s8] =	ssyncset.s32 @!p0 $0xFFFFF086;
	s6 =	sadd.s32 @!p0 s3, s7;
	s7 =	simm.s32 @!p0 $0x108  }
0x21: {  	s3 =	sadd.s32 s3, s9;
	s6 =	sadd.s32 @!p0 $0x88, s6;
	s7 =	simm.s32 @p2 $0x1082  }
0x22: {  	[simem:s7], [sflag:s8] =	dma.local @!p0 [hbm:s6], $0xF7A  }
0x23: {  	s9 =	sor.u32 $0xD0000000, s2;
	s6 =	simm.s32 $0x108;
	_ =	swait.ge @!p0 [sflag:s8], $0x0  }
0x24: {  	s3 =	sadd.s32 $0x88, s3;
	s6 =	simm.s32 @!p1 $0x1082;
	[sflag:s4] =	ssyncset.s32 $0xFFFFF086  }
0x25: {  	[simem:s6], [sflag:s4] =	dma.local [hbm:s3], $0xF7A  }
0x26: {  	[smem:$0x3F8D] =	sst s1;
	(tag) =	ssettag s2;
	_ =	strace s9  }
0x27: {  	s1 =	sld [smem:$0x3F9D]  }
0x28: {  	s2 =	sld [smem:$0x3F9E]  }
0x29: {  	s4 =	sld [smem:$0x3FA0]  }
0x2a: {  	p0 =	seq.s32 s5, $0x0;
	s5 =	sld [smem:$0x3FA1]  }
0x2b: {  	s6 =	sld [smem:$0x3FA2]  }
0x2c: {  	s7 =	sld [smem:$0x3FA3]  }
0x2d: {  	s3 =	simm.s32 $0x108;
	s8 =	sld [smem:$0x3FA4]  }
0x2e: {  	s3 =	simm.s32 @!p0 $0x1082;
	s9 =	sld [smem:$0x3FA5]  }
0x2f: {  	lr =	sadd.s32 s0, s3;
	s0 =	sld [smem:$0x3F9C]  }
0x30: {  	s3 =	sld [smem:$0x3F9F]  }
0x31: {  	[smem:$0x3FA8] =	sst s10  }
0x32: {  	s10 =	sld [smem:$0x3FA6];
	_ =	sdelay $0x3  }
0x33: {  	p0 =	seq.s32 s10, $0x1;
	s10 =	sld [smem:$0x3FA8];
	_ =	sdelay $0x3  }
0x34: {  	[smem:$0x3FA8] =	sst s10  }
0x35: {  	s10 =	sld [smem:$0x3FA7];
	_ =	sdelay $0x3  }
0x36: {  	p1 =	seq.s32 s10, $0x1;
	s10 =	sld [smem:$0x3FA8];
	_ =	sdelay $0x3  }
0x37: {  	[smem:$0x3FA8] =	sst s10  }
0x38: {  	s10 =	sld [smem:$0x3FA9]  }
0x39: {  	_ = 	snop;
	(pc) =	sbr.ind lr, $3  }
0x3a: {  	_ = 	snop  }
0x3b: {  	_ = 	snop  }
0x3c: {  	p2 =	seq.s32 s10, $0x1;
	s10 =	sld [smem:$0x3FA8]  }
0x3d: {  	_ =	shalt  }
0x3e: {  	_ =	shalt  }
0x3f: {  	_ =	shalt  }
0x40: {  	_ =	shalt  }
0x41: {  	_ =	shalt  }
0x42: {  	_ =	shalt  }
0x43: {  	_ =	shalt  }
0x44: {  	_ =	shalt  }
0x45: {  	_ =	shalt  }
0x46: {  	_ =	shalt  }
0x47: {  	_ =	shalt  }
0x48: {  	_ =	shalt  }
0x49: {  	_ =	shalt  }
0x4a: {  	_ =	shalt  }
0x4b: {  	_ =	shalt  }
0x4c: {  	_ =	shalt  }
0x4d: {  	_ =	shalt  }
0x4e: {  	_ =	shalt  }
0x4f: {  	_ =	shalt  }
0x50: {  	_ =	shalt  }
0x51: {  	_ =	shalt  }
0x52: {  	_ =	shalt  }
0x53: {  	_ =	shalt  }
0x54: {  	_ =	shalt  }
0x55: {  	_ =	shalt  }
0x56: {  	_ =	shalt  }
0x57: {  	_ =	shalt  }
0x58: {  	_ =	shalt  }
0x59: {  	_ =	shalt  }
0x5a: {  	_ =	shalt  }
0x5b: {  	_ =	shalt  }
0x5c: {  	_ =	shalt  }
0x5d: {  	_ =	shalt  }
0x5e: {  	_ =	shalt  }
0x5f: {  	_ =	shalt  }
0x60: {  	_ =	shalt  }
0x61: {  	_ =	shalt  }
0x62: {  	_ =	shalt  }
0x63: {  	_ =	shalt  }
0x64: {  	_ =	shalt  }
0x65: {  	_ =	shalt  }
0x66: {  	_ =	shalt  }
0x67: {  	_ =	shalt  }
0x68: {  	_ =	shalt  }
0x69: {  	_ =	shalt  }
0x6a: {  	_ =	shalt  }
0x6b: {  	_ =	shalt  }
0x6c: {  	_ =	shalt  }
0x6d: {  	_ =	shalt  }
0x6e: {  	_ =	shalt  }
0x6f: {  	_ =	shalt  }
0x70: {  	_ =	shalt  }
0x71: {  	_ =	shalt  }
0x72: {  	_ =	shalt  }
0x73: {  	_ =	shalt  }
0x74: {  	_ =	shalt  }
0x75: {  	_ =	shalt  }
0x76: {  	_ =	shalt  }
0x77: {  	_ =	shalt  }
0x78: {  	_ =	shalt  }
0x79: {  	_ =	shalt  }
0x7a: {  	_ =	shalt  }
0x7b: {  	_ =	shalt  }
0x7c: {  	_ =	shalt  }
0x7d: {  	_ =	shalt  }
0x7e: {  	_ =	shalt  }
0x7f: {  	_ =	shalt  }
0x80: {  	_ =	shalt  }
0x81: {  	_ =	shalt  }
0x82: {  	_ =	shalt  }
0x83: {  	_ =	shalt  }
0x84: {  	_ =	shalt  }
0x85: {  	_ =	shalt  }
0x86: {  	_ =	shalt  }
0x87: {  	_ =	shalt  }
.Lfunc_end0:
.L_simem_size_0:
called_computation.4_lowered:
.L_overlay_start_0:
0x88: {  	s0 =	sld [smem:$0x3FD9]  }
0x89: {  	s1 =	sld [smem:$0x3FFE];
	_ =	sdelay $0x3  }
0x8a: {  	s0 =	sadd.s32 s1, s0  }
0x8b: {  	[smem:$0x3FB4] =	sst s0  }
0x8c: {  	_ = 	snop  }
0x8d: {  	(tm) =	ssettm $0x1  }
0x8e: {  	s15 =	sld [smem:$0x3FFB];
	_ =	sdelay $0x3  }
0x8f: {  	_ =	strace s15  }
0x90: {  	s0 =	sld [smem:$0x3FFC];
	_ =	sdelay $0x3  }
0x91: {  	_ =	strace s0  }
0x92: {  	s0 =	sld [smem:$0x3FFD];
	_ =	sdelay $0x3  }
0x93: {  	_ =	strace s0  }
0x94: {  	_ =	strace $0x8FFFFFFF  }
0x95: {  	s16 =	sld [smem:$0x3FDB];
	_ =	sdelay $0x1  }
0x96: {  	s17 =	simm.s32 $_scs_section_size  }
0x97: {  	s2 =	simm.s32 $_size__tile_overlayer_lowered;
	s3 =	simm.s32 $_tile_overlayer_lowered  }
0x98: {  	s20 =	simm.s32 $0x1BFF;
	s19 =	sshll.u32 s3, $0x1;
	s0 =	sadd.s32 s17, s16  }
0x99: {  	s4 =	simm.s32 $0x0;
	s18 =	sshll.u32 s2, $0x1;
	s2 =	sadd.s32 s19, s0  }
0x9a: {  	[timem:s4], [sflag:s20] =	dma.local [hbm:s2], s18  }
0x9b: {  	_ =	swait.ge [sflag:s20], s18  }
0x9c: {  	s1 =	ssub.s32 $0x0, s18;
	[sflag:s20] =	ssyncset.done $0x0  }
0x9d: {  	[sflag:s20] =	ssyncadd.s32 s1;
	_ =	sdelay $0x1  }
0x9e: {  	s21 =	simm.s32 $0x1B8B  }
0x9f: {  	_ =	swait.ge [sflag:s21], $0x1  }
0xa0: {  	[sflag:s21] =	ssyncset.done $0x0  }
0xa1: {  	s23 =	simm.s32 $0x1B8E;
	s22 =	sld [smem:$0x3FFE];
	[sflag:s21] =	ssyncadd.s32 $0xFFFFFFFF  }
0xa2: {  	s24 =	simm.s32 $execute0_lowered;
	[smem:$0x3FD2] =	sst s23  }
0xa3: {  	s2 =	sshll.u32 s24, $0x1;
	_ =	strace $0x80000061;
	[dreg:$0x1] =	wrdreg $0xFFFFFFFF  }
0xa4: {  	s25 =	simm.s32 $_size_execute0_lowered;
	s0 =	sadd.s32 s0, s2;
	[dreg:$0x0] =	wrdreg $0x0  }
0xa5: {  	s2 =	sshll.u32 s25, $0x1;
	[dreg:$0x2] =	wrdreg s0  }
0xa6: {  	[dreg:$0x3] =	wrdreg s2  }
0xa7: {  	[dreg:$0x4] =	wrdreg $0xC0  }
0xa8: {  	_ =	task [dreg:s4], $0x5FFFF  }
0xa9: {  	[dreg:$0x1] =	wrdreg $0xFFFFFFFF  }
0xaa: {  	[dreg:$0x0] =	wrdreg $0x60  }
0xab: {  	[dreg:$0x2] =	wrdreg s22  }
0xac: {  	[dreg:$0x3] =	wrdreg $0x9  }
0xad: {  	_ =	task.clear_ibuf [dreg:s4], $0x4FFFF;
	_ =	strace $0x90000061  }
0xae: {  	s26 =	simm.s32 $0x9;
	_ =	strace $0x80000063  }
0xaf: {  	_ =	swait.ge [sflag:s26], $0x1  }
0xb0: {  	[sflag:s26] =	ssyncadd.s32 $0xFFFFFFFF  }
0xb1: {  	_ =	strace $0x90000063  }
0xb2: {  	_ =	sfence  }
0xb3: {  	s28 =	sld [smem:$0x0];
	_ =	sdelay $0x1  }
0xb4: {  	s29 =	srdreg.scid  }
0xb5: {  	s30 =	sshll.u32 s29, $0xD;
	s31 =	sshrl.u32 s29, $0x2  }
0xb6: {  	s1 =	sand.u32 $0x1, s29;
	s2 =	sand.u32 $0x4000, s30;
	s0 =	sadd.s32 s31, s28  }
0xb7: {  	s1 =	sor.u32 s2, s1;
	s0 =	sshll.u32 s0, $0x11  }
0xb8: {  	s0 =	sor.u32 s0, s1  }
0xb9: {  	s0 =	sadd.s32 $0x8F2B, s0  }
0xba: {  	[sflag:s0] =	ssyncadd.remote.s32 $0x1  }
0xbb: {  	_ =	sfence.sel $0xFFFF  }
0xbc: {  	[dreg:$0x0] =	wrdreg $0xFFFFFFFF;
	(pc) =	sbr.abs _section_cstart, $3  }
0xbd: {  	[dreg:$0x1] =	wrdreg $0xFFFFFFFF  }
0xbe: {  	_ =	task.clear_ibuf [dreg:s4], $0x2FFFF;
	_ =	strace $0x9FFFFFFF  }
0xbf: {  	(tm) =	ssettm $0x7FFFFFFF  }
tec
execute0_lowered:
.L_overlay_start_1:
0x0: {  	(tag) =	ssettag $0x1  }
0x1: {  	s0 =	rddreg [dreg:$0x0]  }
0x2: {  	s6 =	stileid.u32;
	_ =	strace $0x80000062;
	s2 =	simm.s32 $0x1  }
0x3: {  	v1 =	vimm.s32 $0xFFFFFFFF;
	s1 =	smul.u32 $0x3, s6;
	[sflag:s2] =	ssyncpa.u1 $0x0  }
0x4: {  	s3 =	smin.u32 s6, $0x7;
	[tilespmem:$0x10] =	vst v1  }
0x5: {  	v0 =	vimm.f32 $0.0e+00;
	[tilespmem:$0x20] =	vst v1;
	s1 =	sadd.s32 s3, s1  }
0x6: {  	p0 =	slt.u32 s6, $0x7;
	[tilespmem:$0x30] =	vst v0;
	s3 =	smul.u32 $0x1770, s1;
	s1 =	simm.s32 $0x5DC0  }
0x7: {  	[tilespmem:$0x40] =	vst v0;
	s1 =	simm.s32 @!p0 $0x4650  }
0x8: {  	[tilespmem:$0x50] =	vst v0;
	s1 =	sadd.s32 s1, s3  }
0x9: {  	[tilespmem:$0x60] =	vst v1;
	s4 =	smin.u32 s1, $0x50910  }
0xa: {  	s7 =	simm.s32 $0x2;
	[tilespmem:$0x70] =	vst v1;
	s9 =	ssub.s32 s4, s3  }
0xb: {  	s8 =	simm.s32 $0x8;
	s31 =	simm.s32 $0x9;
	[tilespmem:$0x80] =	vst v1;
	p0 =	sgt.s32 s9, $0x0  }
0xc: {  	s16 =	simm.s32 $0x0;
	s17 =	simm.s32 $0xF0;
	v1 =	vimm.s32 $0x0;
	[tilespmem:$0xB0] =	vst v0;
	s9 =	simm.s32 @!p0 $0x0  }
0xd: {  	s18 =	simm.s32 $0xFFFFFFFF;
	s19 =	simm.s32 $0xFFFFD220;
	[tilespmem:$0x90] =	vst v1;
	s5 =	smulhi.u32 $0x57619F1, s9  }
0xe: {  	s20 =	simm.s32 $0xFFFFFFFE;
	[tilespmem:$0xA0] =	vst v1;
	[sflag:s7] =	ssyncpa.u1 $0x0;
	s7 =	simm.s32 $0x7  }
0xf: {  	s21 =	simm.s32 $0xF;
	[sflag:s7] =	ssyncpa.u1 $0x0;
	s10 =	sshrl.u32 s5, $0x7  }
0x10: {  	s25 =	simm.s32 $0x0;
	[sflag:s8] =	ssyncpa.u1 $0x0;
	s11 =	smul.u32 $0x1770, s10  }
0x11: {  	s24 =	simm.s32 $0x0;
	s14 =	sshllo.u32 s6, $0x1;
	[sflag:s31] =	ssyncpa.u1 $0x0  }
.Ltmp0:
0x12: {  	s1 =	sadd.s32 $0x43E00, s0;
	p0 =	sne.s32 s9, s11;
	(pc) =	sbr.rel .LBB2_1-.Ltmp0, $4  }
0x13: {  	s5 =	sadd.s32 $0x5000, s0;
	s0 =	sadd.s32 $0x39C00, s0;
	s2 =	simm.s32 @!p0 $0x0  }
0x14: {  	s23 =	smov.u32 s3;
	[dreg:$0x2] =	wrdreg s0;
	s9 =	sadd.s32 s2, s10  }
0x15: {  	vm0 =	vmmov $0xffff;
	v2 =	vlaneseq.u32;
	p0 =	por $0x0, $0x0;
	s10 =	sshll.u32 s6, $0x1;
	s11 =	sadd.s32 $0x1, s9  }
0x16: {  	vm1 =	vmxor vm1, vm1;
	vm2 =	vmmov $0x1;
	vm3 =	vcmask $0x3F3C;
	s12 =	sadd.s32 $0x2, s9;
	s13 =	sor.u32 $0x81, s10;
	s15 =	sor.u32 $0x80, s10  }
.LBB2_9:
0x17: {  	p1 =	slt.u32 s24, $0x3  }
0x18: {  	s0 =	simm.s32 @!p1 $0x2  }
0x19: {  	_ =	swait.ge @!p1 [sflag:s0], $0x1770  }
0x1a: {  	[sflag:s0] =	ssyncset.done @!p1 $0x0  }
0x1b: {  	[sflag:s0] =	ssyncadd.s32 @!p1 $0xFFFFE890;
	s0 =	simm.s32 @!p1 $0x9  }
0x1c: {  	_ =	swait.ge @!p1 [sflag:s0], $0x10  }
0x1d: {  	[sflag:s0] =	ssyncset.done @!p1 $0x0  }
0x1e: {  	[sflag:s0] =	ssyncadd.s32 @!p1 $0xFFFFFFF0;
	p1 =	sne.s32 s24, s12  }
.Ltmp1:
0x1f: {  	s2 =	sadd.s32 $0x1770, s23;
	(pc) =	sbr.rel @!p1 .LBB2_10-.Ltmp1, $4  }
0x20: {  	s6 =	smov.u32 s3;
	s31 =	sadd.s32 $0x1, s24;
	s17 =	sadd.s32 $0x1770, s17  }
0x21: {  	s18 =	sadd.s32 $0x1, s18;
	s25 =	smov.u32 s23;
	p2 =	slt.s32 s2, s4  }
0x22: {  	p0 =	por !p0, !p0;
	s19 =	sadd.s32 $0x1770, s19;
	s6 =	smov.u32 @p2 s2  }
0x23: {  	s20 =	sadd.s32 $0x1, s20;
	s23 =	smov.u32 s6;
	s24 =	smov.u32 s31  }
.LBB2_1:
0x24: {  	p1 =	sge.u32 s24, s9  }
0x25: {  	s0 =	smulhi.u32 @!p1 $0xAAAAAAAB, s24;
	_ =	sdelay $0x1  }
0x26: {  	s0 =	sshrl.u32 @!p1 s0, $0x1  }
0x27: {  	s0 =	smul.u32 @!p1 $0x3, s0;
	_ =	sdelay $0x1  }
0x28: {  	s0 =	ssub.s32 @!p1 s24, s0  }
0x29: {  	s0 =	smul.u32 @!p1 $0x5DC0, s0;
	_ =	sdelay $0x1  }
0x2a: {  	s2 =	sshrl.u32 @!p1 s23, $0x3;
	s0 =	sshrl.u32 @!p1 s0, $0x2  }
0x2b: {  	s22 =	sand.u32 @!p1 $0x7, s23;
	s2 =	sadd.s32 @!p1 s5, s2;
	s0 =	sadd.s32 @!p1 $0x100, s0  }
0x2c: {  	[tilespmem:s0], [sflag:$0x7] =	stream.linear.gather @!p1 [hbm4b:s2+s22], $0x1770, $0x38;
	[tilespmem:$0xD410] =	vst v63  }
0x2d: {  	s0 =	sadd.s32 $0xFFFFFFFF, s24  }
0x2e: {  	p1 =	sge.u32 s0, s9  }
.Ltmp2:
0x2f: {  	_ = 	snop;
	(pc) =	sbr.rel @p1 .LBB2_5-.Ltmp2, $1  }
0x30: {  	_ =	sdelay $0x3  }
0x31: {  	s2 =	smulhi.u32 $0xAAAAAAAB, s0;
	_ =	sdelay $0x1  }
0x32: {  	s2 =	sshrl.u32 s2, $0x1  }
0x33: {  	s2 =	smul.u32 $0x3, s2;
	_ =	sdelay $0x1  }
0x34: {  	s2 =	ssub.s32 s0, s2  }
0x35: {  	s2 =	smul.u32 $0x5DC0, s2  }
0x36: {  	_ =	swait.ge [sflag:s7], $0x1770  }
0x37: {  	[sflag:s7] =	ssyncset.done $0x0;
	s2 =	sshrl.u32 s2, $0x2  }
0x38: {  	[sflag:s7] =	ssyncadd.s32 $0xFFFFE890;
	(ifvalue) =	ssetifvalue $0xFFFFFFFF;
	v3 =	vld.msk [tilespmem:s2+$0x100 ss:$0x1], $0xffff;
	_ =	sdelay $0x2  }
0x39: {  	s30 =	smulhi.u32 $0xAAAAAAAB, s18;
	p1 =	sne.s32 s24, $0x1  }
0x3a: {  	v4 =	vimm.s32 @!p1 $0x0  }
0x3b: {  	s2 =	sshrl.u32 s30, $0x1;
	v4 =	vperm.xlane @!p1 v3, v4  }
0x3c: {  	s22 =	sshll.u32 s24, $0x4;
	s2 =	smul.u32 $0xFFFEE6C0, s2;
	vm4 =	vlt.u32 v3, $0x2800  }
0x3d: {  	s22 =	sand.u32 $0x10, s22;
	v3 =	vnsel vm4, $0xFFFFFFFE, v3;
	vm4 =	vlt.u32 @!p1 v4, $0x2800  }
0x3e: {  	s2 =	sshra.s32 s2, $0x2;
	[tilespmem:s22+$0x60] =	vst v3;
	v3 =	vnsel @!p1 vm4, $0xFFFFFFFE, v4  }
0x3f: {  	s28 =	sadd.s32 s2, s17;
	[tilespmem:$0x80] =	vst @!p1 v3  }
0x40: {  	v3 =	vld.msk [tilespmem:s28+$0x0 ss:$0x1], $0xffff;
	_ =	sdelay $0x4  }
0x41: {  	(xrf1) =	vunique.msk.u32 $0xffff, v3;
	_ =	sdelay $0xd  }
0x42: {  	v4 =	vimm.s32 $0xFFFFFFFF;
	v5, _, _ =	vpop (xrf1)  }
0x43: {  	vm5 =	vne.s32 v3, v4;
	vm4 =	veq.s32 v5, v2  }
0x44: {  	vm6 =	vlt.u32 v3, $0x2800;
	vm4 =	vmand vm5, vm4  }
0x45: {  	vm4 =	vmand vm6, vm4  }
0x46: {  	v4 =	vnsel vm4, $0xFFFFFFFF, v3  }
0x47: {  	s31 =	sand.u32 $0x1, s0  }
0x48: {  	s0 =	simm.s32 $0x1770;
	p1 =	seq.s32 s31, $0x1  }
0x49: {  	s0 =	simm.s32 @!p1 $0x0  }
0x4a: {  	s26 =	sadd.s32 $0x5EB0, s0;
	(ifvalue) =	ssetifvalue $0xFFFFFFFF  }
0x4b: {  	v3 =	vperm.xlane v3, v1;
	[tilespmem:s26], [sflag:$0x8] =	stream.indirect_vreg.gather [hbm4b:s1+s16], $0x1, v4, vm0, $0x4038;
	v4 =	vnsel vm6, $0xFFFFFFFE, v4;
	[tilespmem:$0xD410] =	vst v63  }
0x4c: {  	s2 =	simm.s32 $0x0;
	s22 =	sadd.s32 $0xFFFFFFF0, s28;
	[tilespmem:s28+$0x0] =	vst v4  }
.LBB2_3:
0x4d: {  	v4 =	vld.msk [tilespmem:s22+$0x0 ss:$0x1], $0xffff;
	s2 =	sadd.s32 $0x10, s2;
	v5 =	vmov v3;
	s28 =	smov.u32 s22  }
0x4e: {  	p1 =	slt.u32 s2, $0x1760;
	_ =	sdelay $0x4  }
0x4f: {  	v3 =	vperm.xlane v4, v1;
	(xrf1) =	vunique.msk.u32 $0xffff, v4;
	_ =	sdelay $0xd  }
0x50: {  	v6, _, _ =	vpop (xrf1)  }
0x51: {  	vm5 =	vne.s32 v4, v5;
	vm4 =	veq.s32 v6, v2  }
0x52: {  	vm6 =	vlt.u32 v4, $0x2800;
	vm4 =	vmand vm5, vm4  }
0x53: {  	vm4 =	vmand vm6, vm4  }
0x54: {  	v4 =	vnsel vm4, $0xFFFFFFFF, v4  }
.Ltmp3:
0x55: {  	v5 =	vnsel vm6, $0xFFFFFFFE, v4;
	(pc) =	sbr.rel @p1 .LBB2_3-.Ltmp3, $3  }
0x56: {  	_ =	sdelay $0x1  }
0x57: {  	s22 =	sadd.s32 $0xFFFFFFF0, s22;
	s26 =	sadd.s32 $0xFFFFFFF0, s26;
	(ifvalue) =	ssetifvalue $0xFFFFFFFF  }
0x58: {  	[tilespmem:s26], [sflag:$0x8] =	stream.indirect_vreg.gather [hbm4b:s1+s16], $0x1, v4, vm0, $0x4038;
	[tilespmem:s28+$0x0] =	vst v5  }
0x59: {  	s2 =	sshrl.u32 s25, $0x3;
	s6 =	rddreg [dreg:$0x2]  }
0x5a: {  	s0 =	sadd.s32 $0x7630, s0;
	s2 =	sadd.s32 s6, s2  }
0x5b: {  	[tilespmem:s0], [sflag:$0x8] =	stream.linear.gather [hbm:s2], $0x1770, $0x38;
	[tilespmem:$0xD410] =	vst v63  }
.LBB2_5:
0x5c: {  	p1 =	slt.u32 s24, $0x2  }
0x5d: {  	p2 =	sge.u32 @!p1 s24, s12  }
0x5e: {  	p1 =	por p1, p2  }
.Ltmp4:
0x5f: {  	_ = 	snop;
	(pc) =	sbr.rel @p1 .LBB2_9-.Ltmp4, $1  }
0x60: {  	_ =	sdelay $0x3  }
0x61: {  	s0 =	sadd.s32 $0xFFFFFFFE, s24  }
0x62: {  	s2 =	smulhi.u32 $0xAAAAAAAB, s0;
	_ =	sdelay $0x1  }
0x63: {  	s2 =	sshrl.u32 s2, $0x1  }
0x64: {  	s2 =	smul.u32 $0x3, s2;
	_ =	sdelay $0x1  }
0x65: {  	s0 =	ssub.s32 s0, s2  }
0x66: {  	_ =	swait.ge [sflag:s8], $0x2EE0;
	s0 =	smul.u32 $0x1770, s0  }
0x67: {  	p1 =	sne.s32 s24, s11;
	[sflag:s8] =	ssyncset.done $0x0  }
0x68: {  	[sflag:s8] =	ssyncadd.s32 $0xFFFFD120;
	s2 =	sadd.s32 @!p1 $0x186F, s0  }
0x69: {  	[spmem:s13] =	stream.linear.scatter @!p1 [tilespmem:s2], [sflag:$0x1], $0x1, $0x38;
	[tilespmem:$0xD410] =	vst v63  }
0x6a: {  	s2 =	simm.s32 @!p1 $0x1  }
0x6b: {  	_ =	swait.ge @!p1 [sflag:s2], $0x1  }
0x6c: {  	s22 =	sshll.u32 s24, $0x4;
	[sflag:s2] =	ssyncset.done @!p1 $0x0  }
0x6d: {  	s25 =	sand.u32 $0x10, s22;
	[sflag:s2] =	ssyncadd.s32 @!p1 $0xFFFFFFFF  }
0x6e: {  	s2 =	sxor.u32 $0x10, s25;
	v4 =	vld [tilespmem:s25+$0x10]  }
0x6f: {  	v5 =	vld [tilespmem:s2+$0x60]  }
0x70: {  	v3 =	vld [tilespmem:$0x80];
	_ =	sdelay $0x2  }
0x71: {  	(v2sf) =	vpush v4, $0x0  }
0x72: {  	(v2sf) =	vpush v5, $0x0  }
0x73: {  	(v2sf) =	vpush v3, $0x0;
	_ =	sdelay $0xc  }
0x74: {  	s6 =	spop (v2sf)  }
0x75: {  	s28 =	spop (v2sf)  }
0x76: {  	s26 =	spop (v2sf)  }
0x77: {  	p2 =	seq.s32 s6, s28;
	p3 =	seq.s32 s26, s6  }
0x78: {  	p3 =	por p2, p3  }
0x79: {  	s6 =	sand.u32 $0x1, s24;
	v4 =	vpsel p3, $0xFFFFFFFF, v4  }
0x7a: {  	s28 =	smul.u32 $0x1770, s6;
	[tilespmem:s25+$0x10] =	vst.msk $0x1, v4  }
0x7b: {  	v4 =	vld [tilespmem:$0x30]  }
0x7c: {  	v5 =	vld [tilespmem:s28+$0x7630]  }
0x7d: {  	v6 =	vld [tilespmem:s25+$0x40];
	_ =	sdelay $0x3  }
0x7e: {  	vm4 =	vmmov vm1;
	v5 =	vadd.f32 v5, v4  }
0x7f: {  	vm5 =	vmmov vm2;
	vm4 =	vmmov @p2 vm2;
	v4 =	vadd.f32 v6, v4  }
0x80: {  	s22 =	sshll.u32 s6, $0x4;
	vm5 =	vmmov @p3 vm1;
	[tilespmem:s28+$0x7630] =	vst.msk vm4, v5  }
0x81: {  	[tilespmem:s22+$0xD3F0] =	vst.msk vm5, v4  }
0x82: {  	v4 =	vld [tilespmem:s28+$0x5EB0];
	_ =	sdelay $0x3  }
0x83: {  	v5 =	vimm.f32 $0.0e+00  }
0x84: {  	v4 =	vshift.insert v4, v5, s21  }
0x85: {  	s29 =	sor.u32 $0x40, s2  }
0x86: {  	[tilespmem:s29+$0x0] =	vst.msk $0x1, v4  }
0x87: {  	[tilespmem:s28+$0x5EBF] =	vst.msk $0x1, v5  }
0x88: {  	v4 =	vld [tilespmem:s0+$0x1860];
	_ =	sdelay $0x1  }
0x89: {  	s29 =	smulhi.u32 $0xAAAAAAAB, s20;
	s0 =	simm.s32 $0x1  }
0x8a: {  	s0 =	simm.s32 @!p0 $0x0  }
0x8b: {  	s29 =	sshrl.u32 s29, $0x1;
	s0 =	smul.u32 $0x5DC0, s0  }
0x8c: {  	s29 =	smul.u32 $0xFFFEE6C0, s29;
	v4 =	vshift.insert v4, v1, s21  }
0x8d: {  	s0 =	sshrl.u32 s0, $0x2  }
0x8e: {  	s29 =	sshra.s32 s29, $0x2;
	s30 =	sadd.s32 $0x7630, s0;
	[tilespmem:s2+$0x10] =	vst.msk $0x1, v4  }
0x8f: {  	s6 =	sadd.s32 s29, s19;
	v6 =	vld [tilespmem:s30+$0x0]  }
0x90: {  	v7 =	vld [tilespmem:s6+$0x0];
	_ =	sdelay $0x3  }
0x91: {  	v5 =	vadd.f32 v6, v5  }
0x92: {  	vm4 =	vne.s32 v7, $0xFFFFFFFF  }
0x93: {  	(xrf2) =	vadd.seg.scan.f32 vm4, v5;
	_ =	sdelay $0x3  }
0x94: {  	s31 =	sadd.s32 $0x4750, s0;
	v5 =	vperm.xlane v4, v1  }
0x95: {  	v6 =	vld [tilespmem:s31+$0x0]  }
0x96: {  	vm5 =	veq.s32 v7, v3;
	vm6 =	veq.s32 v7, v5  }
0x97: {  	vm7 =	vgt.u32 v7, $0xFFFFFFFD;
	vm6 =	vmor vm6, vm5  }
0x98: {  	vm6 =	vmor vm6, vm7  }
0x99: {  	v9 =	vld [tilespmem:$0xA0];
	v7 =	vsel vm6, $0xFFFFFFFF, v7  }
0x9a: {  	v10 =	vld [tilespmem:$0x90];
	v6 =	vsel vm5, $0x0, v6;
	v8, _, _ =	vpop (xrf2)  }
0x9b: {  	v6 =	vadd.f32 v8, v6  }
0x9c: {  	s0 =	sadd.s32 $0xA510, s0  }
0x9d: {  	vm4 =	vmand vm4, vm3;
	[tilespmem:s0+$0x0] =	vst v6;
	(ifvalue) =	ssetifvalue $0xFFFFFFFF  }
0x9e: {  	vm6 =	veq.s32 v9, $0x1;
	[hbm4b:s1+s16] =	stream.indirect_vreg.scatter [tilespmem:s0], [sflag:$0x2], $0x1, v7, vm0, $0x4038;
	v7 =	vsel vm4, $0x0, v8;
	[tilespmem:$0xD410] =	vst v63  }
0x9f: {  	s29 =	sadd.s32 $0xD3F0, s22;
	s22 =	sadd.s32 $0x10, s6;
	s2 =	simm.s32 $0x0;
	vm4 =	vmor vm6, vm5;
	v6 =	vsel vm5, v8, v10;
	v7 =	vshift.insert v7, v0, s21  }
.LBB2_7:
0xa0: {  	v8 =	vld [tilespmem:s22+$0x0];
	s30 =	sadd.s32 $0x10, s30  }
0xa1: {  	s31 =	sadd.s32 $0x10, s31;
	v9 =	vld [tilespmem:s30+$0x0]  }
0xa2: {  	s2 =	sadd.s32 $0x10, s2;
	v10 =	vld [tilespmem:s31+$0x0]  }
0xa3: {  	p2 =	slt.u32 s2, $0x1760;
	_ =	sdelay $0x2  }
0xa4: {  	v7 =	vadd.f32 v9, v7  }
0xa5: {  	vm5 =	vne.s32 v8, $0xFFFFFFFF  }
0xa6: {  	vm6 =	vmand vm5, vm3;
	(xrf2) =	vadd.seg.scan.f32 vm5, v7;
	_ =	sdelay $0x5  }
0xa7: {  	vm7 =	veq.s32 v8, v5;
	vm5 =	veq.s32 v8, v3  }
0xa8: {  	vm8 =	vgt.u32 v8, $0xFFFFFFFD;
	vm4 =	vmor vm4, vm5;
	vm7 =	vmor vm7, vm5  }
0xa9: {  	vm7 =	vmor vm7, vm8  }
0xaa: {  	v8 =	vsel vm7, $0xFFFFFFFF, v8  }
.Ltmp5:
0xab: {  	v7 =	vsel vm5, $0x0, v10;
	v9, _, _ =	vpop (xrf2);
	(pc) =	sbr.rel @p2 .LBB2_7-.Ltmp5, $4  }
0xac: {  	v6 =	vsel vm5, v9, v6;
	v10 =	vadd.f32 v9, v7;
	v7 =	vsel vm6, $0x0, v9  }
0xad: {  	s0 =	sadd.s32 $0x10, s0;
	v7 =	vshift.insert v7, v0, s21  }
0xae: {  	s22 =	sadd.s32 $0x10, s22;
	[tilespmem:s0+$0x0] =	vst v10;
	(ifvalue) =	ssetifvalue $0xFFFFFFFF  }
0xaf: {  	[hbm4b:s1+s16] =	stream.indirect_vreg.scatter [tilespmem:s0], [sflag:$0x2], $0x1, v8, vm0, $0x4038;
	[tilespmem:$0xD410] =	vst v63  }
0xb0: {  	v3 =	vld [tilespmem:s28+$0xBC70];
	_ =	sdelay $0x4  }
0xb1: {  	v3 =	vshift.insert v3, v0, s21  }
0xb2: {  	s0 =	simm.s32 $0x30  }
0xb3: {  	[tilespmem:s0+$0x0] =	vst.msk $0x1, v3  }
0xb4: {  	v3 =	vsel vm4, $0x1, v1;
	[tilespmem:$0x90] =	vst v6  }
0xb5: {  	s0 =	sadd.s32 @!p1 $0xBC7F, s28;
	[tilespmem:$0xA0] =	vst v3  }
0xb6: {  	[spmem:s14] =	stream.linear.scatter @!p1 [tilespmem:s0], [sflag:$0x1], $0x1, $0x38;
	[tilespmem:$0xD410] =	vst v63  }
0xb7: {  	s0 =	simm.s32 @!p1 $0x1  }
0xb8: {  	v3 =	vmctz.xlane @!p1 vm4;
	_ =	swait.ge @!p1 [sflag:s0], $0x1  }
0xb9: {  	(v2sf) =	vpush @!p1 v4, $0x0  }
0xba: {  	(v2sf) =	vpush @!p1 v3, $0x0;
	_ =	sdelay $0xd  }
0xbb: {  	s2 =	spop @!p1 (v2sf)  }
0xbc: {  	s6 =	spop @!p1 (v2sf)  }
0xbd: {  	p2 =	sne.s32 @!p1 s26, s2;
	p3 =	slt.s32 @!p1 s6, $0xF  }
0xbe: {  	[sflag:s0] =	ssyncset.done @!p1 $0x0;
	p2 =	por p2, p1;
	p3 =	por !p3, p1  }
0xbf: {  	[sflag:s0] =	ssyncadd.s32 @!p1 $0xFFFFFFFF;
	v3 =	vimm.s32 @!p2 $0xFFFFFFFF;
	s6 =	simm.s32 @p3 $0xF  }
0xc0: {  	[tilespmem:$0x80] =	vst @!p2 v3;
	s2 =	sadd.s32 @!p1 $0x90, s6  }
0xc1: {  	[spmem:s10] =	stream.linear.scatter @!p1 [tilespmem:s2], [sflag:$0x1], $0x1, $0x38;
	[tilespmem:$0xD410] =	vst v63  }
0xc2: {  	_ =	swait.ge @!p1 [sflag:s0], $0x1  }
0xc3: {  	[sflag:s0] =	ssyncset.done @!p1 $0x0  }
0xc4: {  	s2 =	simm.s32 @!p1 $0x80;
	[sflag:s0] =	ssyncadd.s32 @!p1 $0xFFFFFFFF  }
0xc5: {  	[spmem:s15] =	stream.linear.scatter @!p1 [tilespmem:s2], [sflag:$0x1], $0x1, $0x38;
	[tilespmem:$0xD410] =	vst v63  }
0xc6: {  	_ =	swait.ge @!p1 [sflag:s0], $0x1  }
0xc7: {  	[sflag:s0] =	ssyncset.done @!p1 $0x0  }
0xc8: {  	[sflag:s0] =	ssyncadd.s32 @!p1 $0xFFFFFFFF;
	(ifvalue) =	ssetifvalue $0xFFFFFFFF;
	v3 =	vld [tilespmem:s25+$0x10];
	_ =	sdelay $0x3  }
.Ltmp6:
0xc9: {  	_ = 	snop;
	(pc) =	sbr.rel .LBB2_9-.Ltmp6, $3  }
0xca: {  	_ =	sdelay $0x1  }
0xcb: {  	(ifvalue) =	ssetifvalue $0xFFFFFFFF  }
0xcc: {  	[hbm4b:s1+s16] =	stream.indirect_vreg.scatter [tilespmem:s29], [sflag:$0x9], $0x1, v3, vm0, $0x4038;
	[tilespmem:$0xD410] =	vst v63  }
.LBB2_10:
0xcd: {  	_ =	sfence.sel $0x180000  }
0xce: {  	s0 =	simm.s32 $0x7;
	[bflag:$0x0] =	sbarrier.arrive $0xFFFF  }
0xcf: {  	s26 =	simm.s32 $0x8;
	[sflag:s0] =	ssyncpa.u1 $0x1  }
0xd0: {  	s28 =	simm.s32 $0x9;
	[sflag:s26] =	ssyncpa.u1 $0x1  }
0xd1: {  	[sflag:s28] =	ssyncpa.u1 $0x1  }
0xd2: {  	_ =	sfence.stream.spmem  }
0xd3: {  	s29 =	simm.s32 $0x3;
	[bflag:$0x0] =	sbarrier.arrive $0xFFFF  }
0xd4: {  	s30 =	simm.s32 $0x4;
	[sflag:s29] =	ssyncpa.u1 $0x1  }
0xd5: {  	s31 =	simm.s32 $0x3C;
	s2 =	stileid.u32;
	[sflag:s30] =	ssyncpa.u1 $0x1  }
0xd6: {  	p0 =	sne.s32 s2, $0x0;
	[sflag:s31] =	ssyncpa.u1 $0x1  }
0xd7: {  	s0 =	simm.s32 @p0 $0x1;
	_ =	sfence @p0  }
0xd8: {  	[sflag:s0] =	ssyncpa.u1 @p0 $0x1;
	s0 =	simm.s32 @p0 $0x2  }
0xd9: {  	[sflag:s0] =	ssyncpa.u1 @p0 $0x1  }
0xda: {  	_ =	strace @p0 $0x90000062  }
0xdb: {  	[bflag:$0x2] =	sbarrier.arrive @p0 $0xFFFF  }
0xdc: {  	_ =	shalt @p0  }
.LBB2_11:
0xdd: {  	_ =	sfence.stream.spmem;
	s0 =	simm.s32 $0x5  }
0xde: {  	s2 =	simm.s32 $0x80;
	s3 =	simm.s32 $0xC0;
	[sflag:s0] =	ssyncpa.u1 $0x0  }
0xdf: {  	[tilespmem:s3], [sflag:$0x5] =	stream.linear.gather [spmem:s2], $0x20, $0x38;
	[tilespmem:$0xD410] =	vst v63  }
0xe0: {  	s2 =	simm.s32 $0x0;
	s3 =	simm.s32 $0xE0  }
0xe1: {  	[tilespmem:s3], [sflag:$0x5] =	stream.linear.gather [spmem:s2], $0x20, $0x38;
	[tilespmem:$0xD410] =	vst v63  }
.Ltmp7:
0xe2: {  	_ = 	snop;
	(pc) =	sbr.rel .LBB2_12-.Ltmp7, $4  }
0xe3: {  	_ =	swait.ge [sflag:s0], $0x40  }
0xe4: {  	[sflag:s0] =	ssyncset.done $0x0  }
0xe5: {  	s31 =	simm.s32 $0x6;
	[sflag:s0] =	ssyncadd.s32 $0xFFFFFFC0  }
0xe6: {  	s4 =	simm.s32 $0x0;
	[sflag:s31] =	ssyncpa.u1 $0x0  }
.LBB2_17:
0xe7: {  	p0 =	sgt.u32 s5, $0x27FF  }
0xe8: {  	s0 =	sshrl.u32 @!p0 s5, $0x3  }
0xe9: {  	s5 =	sand.u32 @!p0 $0x7, s5;
	s6 =	simm.s32 @!p0 $0xB0;
	s0 =	sadd.s32 @!p0 s1, s0  }
0xea: {  	[tilespmem:s6], [sflag:$0x6] =	stream.linear.gather @!p0 [hbm4b:s0+s5], $0x1, $0x38;
	[tilespmem:$0xD410] =	vst v63  }
0xeb: {  	s0 =	simm.s32 @!p0 $0x6  }
0xec: {  	_ =	swait.ge @!p0 [sflag:s0], $0x1  }
0xed: {  	[sflag:s0] =	ssyncset.done @!p0 $0x0  }
0xee: {  	[sflag:s0] =	ssyncadd.s32 @!p0 $0xFFFFFFFF  }
0xef: {  	v2 =	vmov @!p0 s4;
	v1 =	vld.msk @!p0 [tilespmem:$0xB0], $0x1;
	_ =	sdelay $0x3  }
0xf0: {  	s0 =	simm.s32 @!p0 $0xE0  }
0xf1: {  	[tilespmem:v2+s0+$0x0], v1 =	vst.idx.ret.add.f32.msk @!p0 $0x1, v1  }
0xf2: {  	[tilespmem:s2+$0xC0] =	vst.msk $0x1, v0  }
0xf3: {  	v0 =	vld.msk [tilespmem:s4+$0xE0], $0x1;
	_ =	sdelay $0x4  }
0xf4: {  	[tilespmem:s2+$0xE0] =	vst.msk $0x1, v0;
	s2 =	sadd.s32 $0x1, s2  }
.LBB2_19:
0xf5: {  	s4 =	sadd.s32 $0x1, s4  }
0xf6: {  	p0 =	sne.s32 s4, $0x20  }
.Ltmp8:
0xf7: {  	_ = 	snop;
	(pc) =	sbr.rel @!p0 .LBB2_20-.Ltmp8, $1  }
0xf8: {  	_ =	sdelay $0x3  }
.LBB2_12:
0xf9: {  	v0 =	vld.msk [tilespmem:s4+$0xC0], $0x1;
	_ =	sdelay $0x4  }
0xfa: {  	(v2sf) =	vpush v0, $0x0;
	_ =	sdelay $0xe  }
0xfb: {  	s5 =	spop (v2sf)  }
0xfc: {  	p0 =	seq.s32 s5, $0xFFFFFFFF  }
.Ltmp9:
0xfd: {  	_ = 	snop;
	(pc) =	sbr.rel @p0 .LBB2_19-.Ltmp9, $1  }
0xfe: {  	_ =	sdelay $0x3  }
0xff: {  	p0 =	slt.s32 s2, $0x1  }
.Ltmp10:
0x100: {  	_ = 	snop;
	(pc) =	sbr.rel @p0 .LBB2_17-.Ltmp10, $1  }
0x101: {  	_ =	sdelay $0x3  }
0x102: {  	s0 =	simm.s32 $0xC0;
	p0 =	por $0x0, $0x0  }
0x103: {  	v1 =	vld.msk @!p0 [tilespmem:s0+$0x0], $0x1;
	_ =	sdelay $0x4  }
0x104: {  	(v2sf) =	vpush @!p0 v1, $0x0;
	_ =	sdelay $0xd  }
0x105: {  	p2 =	sne.s32 s2, $0x1  }
.Ltmp11:
0x106: {  	s6 =	spop @!p0 (v2sf);
	(pc) =	sbr.rel @!p2 .LBB2_16-.Ltmp11, $4  }
0x107: {  	p1 =	seq.s32 @!p0 s5, s6  }
0x108: {  	s6 =	simm.s32 $0x0;
	p1 =	por !p1, p0  }
0x109: {  	s8 =	simm.s32 $0xFFFFFFFF;
	s6 =	simm.s32 @p1 $0xFFFFFFFF  }
0x10a: {  	s7 =	simm.s32 $0x1;
	s6 =	smov.u32 @p0 s8  }
.LBB2_15:
0x10b: {  	s8 =	smov.u32 s6;
	p0 =	sne.s32 s6, $0xFFFFFFFF  }
0x10c: {  	s0 =	sadd.s32 $0x1, s0;
	s6 =	smov.u32 s7;
	s7 =	sadd.s32 $0x1, s7  }
0x10d: {  	p1 =	sne.s32 s2, s7;
	v1 =	vld.msk @!p0 [tilespmem:s0+$0x0], $0x1;
	_ =	sdelay $0x4  }
0x10e: {  	(v2sf) =	vpush @!p0 v1, $0x0;
	_ =	sdelay $0xe  }
.Ltmp12:
0x10f: {  	s9 =	spop @!p0 (v2sf);
	(pc) =	sbr.rel @p1 .LBB2_15-.Ltmp12, $4  }
0x110: {  	p2 =	seq.s32 @!p0 s5, s9  }
0x111: {  	p2 =	por !p2, p0  }
0x112: {  	s6 =	simm.s32 @p2 $0xFFFFFFFF  }
0x113: {  	s6 =	smov.u32 @p0 s8  }
.LBB2_16:
0x114: {  	p0 =	sne.s32 s6, $0xFFFFFFFF  }
.Ltmp13:
0x115: {  	_ = 	snop;
	(pc) =	sbr.rel @!p0 .LBB2_17-.Ltmp13, $1  }
0x116: {  	_ =	sdelay $0x3  }
0x117: {  	v0 =	vld.msk [tilespmem:s4+$0xE0], $0x1;
	v1 =	vmov s6  }
.Ltmp14:
0x118: {  	_ = 	snop;
	(pc) =	sbr.rel .LBB2_19-.Ltmp14, $2  }
0x119: {  	_ =	sdelay $0x2  }
0x11a: {  	[tilespmem:v1+s3+$0x0], v0 =	vst.idx.ret.add.f32.msk $0x1, v0  }
.LBB2_20:
0x11b: {  	p0 =	slt.s32 s2, $0x1  }
.Ltmp15:
0x11c: {  	_ = 	snop;
	(pc) =	sbr.rel @p0 .LBB2_24-.Ltmp15, $3  }
0x11d: {  	_ =	sdelay $0x1  }
0x11e: {  	s0 =	simm.s32 $0x6  }
0x11f: {  	s3 =	simm.s32 $0x0;
	[sflag:s0] =	ssyncpa.u1 $0x1  }
0x120: {  	s0 =	simm.s32 $0xC0  }
0x121: {  	v0 =	vld.msk [tilespmem:s0+$0x0], $0x1;
	_ =	sdelay $0x4  }
0x122: {  	(v2sf) =	vpush v0, $0x0;
	_ =	sdelay $0xe  }
0x123: {  	s2 =	sadd.s32 $0xFFFFFFFF, s2;
	s4 =	spop (v2sf)  }
0x124: {  	p1 =	sne.s32 s2, $0x0;
	p0 =	sgt.u32 s4, $0x27FF  }
.Ltmp16:
0x125: {  	s5 =	sshrl.u32 @!p0 s4, $0x3;
	(pc) =	sbr.rel @!p1 .LBB2_23-.Ltmp16, $4  }
0x126: {  	s0 =	simm.s32 $0xE0;
	s4 =	sand.u32 @!p0 $0x7, s4;
	s5 =	sadd.s32 @!p0 s1, s5  }
0x127: {  	[hbm4b:s5+s4] =	stream.linear.scatter @!p0 [tilespmem:s0], [sflag:$0x5], $0x1, $0x38;
	[tilespmem:$0xD410] =	vst v63  }
0x128: {  	s5 =	simm.s32 $0x0  }
0x129: {  	s4 =	simm.s32 $0xC1;
	s5 =	simm.s32 @!p0 $0x4  }
.LBB2_22:
0x12a: {  	v0 =	vld.msk [tilespmem:s4+$0x0], $0x1;
	s2 =	sadd.s32 $0xFFFFFFFF, s2;
	s3 =	sadd.s32 s3, s5  }
0x12b: {  	p0 =	sne.s32 s2, $0x0;
	_ =	sdelay $0x3  }
0x12c: {  	(v2sf) =	vpush v0, $0x0;
	_ =	sdelay $0xe  }
.Ltmp17:
0x12d: {  	s6 =	spop (v2sf);
	(pc) =	sbr.rel @p0 .LBB2_22-.Ltmp17, $4  }
0x12e: {  	s5 =	simm.s32 $0x0;
	p1 =	sgt.u32 s6, $0x27FF  }
0x12f: {  	s0 =	sadd.s32 $0x1, s0;
	s5 =	simm.s32 @!p1 $0x4;
	s7 =	sshrl.u32 @!p1 s6, $0x3  }
0x130: {  	s4 =	sadd.s32 $0x1, s4;
	s6 =	sand.u32 @!p1 $0x7, s6;
	s7 =	sadd.s32 @!p1 s1, s7  }
0x131: {  	[hbm4b:s7+s6] =	stream.linear.scatter @!p1 [tilespmem:s0], [sflag:$0x5], $0x1, $0x38;
	[tilespmem:$0xD410] =	vst v63  }
.LBB2_23:
0x132: {  	s0 =	sadd.s32 s3, s5  }
0x133: {  	s3 =	sshrl.u32 s0, $0x2  }
.LBB2_24:
0x134: {  	s0 =	simm.s32 $0x5  }
0x135: {  	_ =	swait.ge [sflag:s0], s3  }
0x136: {  	s1 =	ssub.s32 $0x0, s3;
	[sflag:s0] =	ssyncset.done $0x0  }
0x137: {  	[sflag:s0] =	ssyncadd.s32 s1  }
0x138: {  	[sflag:s0] =	ssyncpa.u1 $0x1  }
0x139: {  	s29 =	simm.s32 $0x1;
	_ =	sfence  }
0x13a: {  	s30 =	simm.s32 $0x2;
	[sflag:s29] =	ssyncpa.u1 $0x1  }
0x13b: {  	[sflag:s30] =	ssyncpa.u1 $0x1  }
0x13c: {  	_ =	strace $0x90000062  }
0x13d: {  	[bflag:$0x2] =	sbarrier.arrive $0xFFFF  }
0x13e: {  	s31 =	rddreg [dreg:$0x1]  }
0x13f: {  	s0 =	sadd.s32 $0x100000, s31  }
0x140: {  	[sflag:s0] =	ssyncadd.tile.s32 $0x1;
	_ =	shalt  }
.Lfunc_end2:
_tile_overlayer_lowered:
.L_overlay_start_2:
0x141: {  	(tag) =	ssettag $0x2  }
0x142: {  	s0 =	rddreg [dreg:$0x0];
	s2 =	stileid.u32  }
0x143: {  	s1 =	rddreg [dreg:$0x1];
	p0 =	sne.s32 s2, $0x0  }
0x144: {  	s3 =	rddreg [dreg:$0x2];
	[bflag:$0x3] =	sbarrier.arrive $0xFFFF;
	s2 =	simm.s32 @!p0 $0x1C01  }
0x145: {  	[timem:s3], [sflag:s2] =	dma.local @!p0 [hbm:s0], s1  }
0x146: {  	s0 =	simm.s32 @!p0 $0x1  }
0x147: {  	_ =	swait.ge @!p0 [sflag:s0], s1  }
0x148: {  	s1 =	ssub.s32 @!p0 $0x0, s1;
	[sflag:s0] =	ssyncset.done @!p0 $0x0  }
0x149: {  	[sflag:s0] =	ssyncadd.s32 @!p0 s1  }
0x14a: {  	[bflag:$0x3] =	sbarrier.arrive $0xFFFF  }
0x14b: {  	_ =	shalt  }

// kernel: scatter_offload_async_start
scs
__scs_entry_jumppad:
0x0: {  	(pc) =	sbr.rel $0x88, $3  }
0x1: {  	(tag) =	ssettag $0x0;
	lr =	simm.s32 $0x1  }
0x2: {  	[smem:$0x3F8D] =	sst lr;
	_ =	strace $0xD0000000  }
0x3: {  	_ = 	snop  }
0x4: {  	_ = 	snop  }
0x5: {  	_ = 	snop  }
0x6: {  	_ = 	snop  }
0x7: {  	_ = 	snop  }
__scs_overlays_trampoline_lowered:
0x8: {  	[smem:$0x3F9C] =	sst s0  }
0x9: {  	[smem:$0x3F9D] =	sst s1  }
0xa: {  	[smem:$0x3F9E] =	sst s2  }
0xb: {  	[smem:$0x3F9F] =	sst s3  }
0xc: {  	[smem:$0x3FA0] =	sst s4  }
0xd: {  	[smem:$0x3FA1] =	sst s5  }
0xe: {  	[smem:$0x3FA2] =	sst s6  }
0xf: {  	[smem:$0x3FA3] =	sst s7  }
0x10: {  	[smem:$0x3FA4] =	sst s8  }
0x11: {  	[smem:$0x3FA5] =	sst s9;
	s0 =	simm.s32 @!p0 $0x0  }
0x12: {  	s1 =	sld [smem:$0x3F8B];
	s0 =	simm.s32 @p0 $0x1  }
0x13: {  	[smem:$0x3FA6] =	sst s0;
	s0 =	simm.s32 @!p1 $0x0  }
0x14: {  	s2 =	sld [smem:$0x3F8A];
	s0 =	simm.s32 @p1 $0x1  }
0x15: {  	[smem:$0x3FA7] =	sst s0;
	s0 =	simm.s32 @!p2 $0x0  }
0x16: {  	s3 =	sld [smem:$0x3FDB];
	s0 =	simm.s32 @p2 $0x1  }
0x17: {  	s4 =	simm.s32 $0x1BF5;
	[smem:$0x3FA9] =	sst s0  }
0x18: {  	s0 =	sld [smem:$0x3F8C];
	_ =	swait.ge [sflag:s4], $0x0  }
0x19: {  	s7 =	sld [smem:$0x3F8D]  }
0x1a: {  	s8 =	sadd.s32 $0xFFFFE003, lr  }
0x1b: {  	s9 =	sadd.s32 $0xFFFFFEF7, lr;
	s5 =	simm.s32 $0xFFFFFFFF;
	p2 =	slt.u32 s8, $0xFFFFF086  }
0x1c: {  	p1 =	slt.u32 s9, $0xF7A;
	s5 =	simm.s32 @!p2 $0x0  }
0x1d: {  	s5 =	simm.s32 @p1 $0x1;
	p0 =	seq.s32 s7, s2  }
0x1e: {  	s7 =	smul.u32 @!p0 $0xF7A, s2;
	p2 =	seq.s32 @!p0 s5, $0x0  }
0x1f: {  	s9 =	smul.u32 $0xF7A, s1;
	s8 =	simm.s32 @!p0 $0x1BF5;
	p2 =	por !p2, p0  }
0x20: {  	[sflag:s8] =	ssyncset.s32 @!p0 $0xFFFFF086;
	s6 =	sadd.s32 @!p0 s3, s7;
	s7 =	simm.s32 @!p0 $0x108  }
0x21: {  	s3 =	sadd.s32 s3, s9;
	s6 =	sadd.s32 @!p0 $0x88, s6;
	s7 =	simm.s32 @p2 $0x1082  }
0x22: {  	[simem:s7], [sflag:s8] =	dma.local @!p0 [hbm:s6], $0xF7A  }
0x23: {  	s9 =	sor.u32 $0xD0000000, s2;
	s6 =	simm.s32 $0x108;
	_ =	swait.ge @!p0 [sflag:s8], $0x0  }
0x24: {  	s3 =	sadd.s32 $0x88, s3;
	s6 =	simm.s32 @!p1 $0x1082;
	[sflag:s4] =	ssyncset.s32 $0xFFFFF086  }
0x25: {  	[simem:s6], [sflag:s4] =	dma.local [hbm:s3], $0xF7A  }
0x26: {  	[smem:$0x3F8D] =	sst s1;
	(tag) =	ssettag s2;
	_ =	strace s9  }
0x27: {  	s1 =	sld [smem:$0x3F9D]  }
0x28: {  	s2 =	sld [smem:$0x3F9E]  }
0x29: {  	s4 =	sld [smem:$0x3FA0]  }
0x2a: {  	p0 =	seq.s32 s5, $0x0;
	s5 =	sld [smem:$0x3FA1]  }
0x2b: {  	s6 =	sld [smem:$0x3FA2]  }
0x2c: {  	s7 =	sld [smem:$0x3FA3]  }
0x2d: {  	s3 =	simm.s32 $0x108;
	s8 =	sld [smem:$0x3FA4]  }
0x2e: {  	s3 =	simm.s32 @!p0 $0x1082;
	s9 =	sld [smem:$0x3FA5]  }
0x2f: {  	lr =	sadd.s32 s0, s3;
	s0 =	sld [smem:$0x3F9C]  }
0x30: {  	s3 =	sld [smem:$0x3F9F]  }
0x31: {  	[smem:$0x3FA8] =	sst s10  }
0x32: {  	s10 =	sld [smem:$0x3FA6];
	_ =	sdelay $0x3  }
0x33: {  	p0 =	seq.s32 s10, $0x1;
	s10 =	sld [smem:$0x3FA8];
	_ =	sdelay $0x3  }
0x34: {  	[smem:$0x3FA8] =	sst s10  }
0x35: {  	s10 =	sld [smem:$0x3FA7];
	_ =	sdelay $0x3  }
0x36: {  	p1 =	seq.s32 s10, $0x1;
	s10 =	sld [smem:$0x3FA8];
	_ =	sdelay $0x3  }
0x37: {  	[smem:$0x3FA8] =	sst s10  }
0x38: {  	s10 =	sld [smem:$0x3FA9]  }
0x39: {  	_ = 	snop;
	(pc) =	sbr.ind lr, $3  }
0x3a: {  	_ = 	snop  }
0x3b: {  	_ = 	snop  }
0x3c: {  	p2 =	seq.s32 s10, $0x1;
	s10 =	sld [smem:$0x3FA8]  }
0x3d: {  	_ =	shalt  }
0x3e: {  	_ =	shalt  }
0x3f: {  	_ =	shalt  }
0x40: {  	_ =	shalt  }
0x41: {  	_ =	shalt  }
0x42: {  	_ =	shalt  }
0x43: {  	_ =	shalt  }
0x44: {  	_ =	shalt  }
0x45: {  	_ =	shalt  }
0x46: {  	_ =	shalt  }
0x47: {  	_ =	shalt  }
0x48: {  	_ =	shalt  }
0x49: {  	_ =	shalt  }
0x4a: {  	_ =	shalt  }
0x4b: {  	_ =	shalt  }
0x4c: {  	_ =	shalt  }
0x4d: {  	_ =	shalt  }
0x4e: {  	_ =	shalt  }
0x4f: {  	_ =	shalt  }
0x50: {  	_ =	shalt  }
0x51: {  	_ =	shalt  }
0x52: {  	_ =	shalt  }
0x53: {  	_ =	shalt  }
0x54: {  	_ =	shalt  }
0x55: {  	_ =	shalt  }
0x56: {  	_ =	shalt  }
0x57: {  	_ =	shalt  }
0x58: {  	_ =	shalt  }
0x59: {  	_ =	shalt  }
0x5a: {  	_ =	shalt  }
0x5b: {  	_ =	shalt  }
0x5c: {  	_ =	shalt  }
0x5d: {  	_ =	shalt  }
0x5e: {  	_ =	shalt  }
0x5f: {  	_ =	shalt  }
0x60: {  	_ =	shalt  }
0x61: {  	_ =	shalt  }
0x62: {  	_ =	shalt  }
0x63: {  	_ =	shalt  }
0x64: {  	_ =	shalt  }
0x65: {  	_ =	shalt  }
0x66: {  	_ =	shalt  }
0x67: {  	_ =	shalt  }
0x68: {  	_ =	shalt  }
0x69: {  	_ =	shalt  }
0x6a: {  	_ =	shalt  }
0x6b: {  	_ =	shalt  }
0x6c: {  	_ =	shalt  }
0x6d: {  	_ =	shalt  }
0x6e: {  	_ =	shalt  }
0x6f: {  	_ =	shalt  }
0x70: {  	_ =	shalt  }
0x71: {  	_ =	shalt  }
0x72: {  	_ =	shalt  }
0x73: {  	_ =	shalt  }
0x74: {  	_ =	shalt  }
0x75: {  	_ =	shalt  }
0x76: {  	_ =	shalt  }
0x77: {  	_ =	shalt  }
0x78: {  	_ =	shalt  }
0x79: {  	_ =	shalt  }
0x7a: {  	_ =	shalt  }
0x7b: {  	_ =	shalt  }
0x7c: {  	_ =	shalt  }
0x7d: {  	_ =	shalt  }
0x7e: {  	_ =	shalt  }
0x7f: {  	_ =	shalt  }
0x80: {  	_ =	shalt  }
0x81: {  	_ =	shalt  }
0x82: {  	_ =	shalt  }
0x83: {  	_ =	shalt  }
0x84: {  	_ =	shalt  }
0x85: {  	_ =	shalt  }
0x86: {  	_ =	shalt  }
0x87: {  	_ =	shalt  }
.Lfunc_end0:
.L_simem_size_0:
called_computation_lowered:
.L_overlay_start_0:
0x88: {  	s0 =	sld [smem:$0x3FD9]  }
0x89: {  	s1 =	sld [smem:$0x3FFE];
	_ =	sdelay $0x3  }
0x8a: {  	s0 =	sadd.s32 s1, s0  }
0x8b: {  	[smem:$0x3FB4] =	sst s0  }
0x8c: {  	_ = 	snop  }
0x8d: {  	(tm) =	ssettm $0x1  }
0x8e: {  	s15 =	sld [smem:$0x3FFB];
	_ =	sdelay $0x3  }
0x8f: {  	_ =	strace s15  }
0x90: {  	s0 =	sld [smem:$0x3FFC];
	_ =	sdelay $0x3  }
0x91: {  	_ =	strace s0  }
0x92: {  	s0 =	sld [smem:$0x3FFD];
	_ =	sdelay $0x3  }
0x93: {  	_ =	strace s0  }
0x94: {  	_ =	strace $0x8FFFFFFF  }
0x95: {  	s16 =	sld [smem:$0x3FDB];
	_ =	sdelay $0x1  }
0x96: {  	s17 =	simm.s32 $_scs_section_size  }
0x97: {  	s2 =	simm.s32 $_size__tile_overlayer_lowered;
	s3 =	simm.s32 $_tile_overlayer_lowered  }
0x98: {  	s20 =	simm.s32 $0x1BFF;
	s19 =	sshll.u32 s3, $0x1;
	s0 =	sadd.s32 s17, s16  }
0x99: {  	s4 =	simm.s32 $0x0;
	s18 =	sshll.u32 s2, $0x1;
	s2 =	sadd.s32 s19, s0  }
0x9a: {  	[timem:s4], [sflag:s20] =	dma.local [hbm:s2], s18  }
0x9b: {  	_ =	swait.ge [sflag:s20], s18  }
0x9c: {  	s1 =	ssub.s32 $0x0, s18;
	[sflag:s20] =	ssyncset.done $0x0  }
0x9d: {  	[sflag:s20] =	ssyncadd.s32 s1;
	_ =	sdelay $0x1  }
0x9e: {  	s21 =	simm.s32 $0x1B8B  }
0x9f: {  	_ =	swait.ge [sflag:s21], $0x1  }
0xa0: {  	[sflag:s21] =	ssyncset.done $0x0  }
0xa1: {  	s23 =	simm.s32 $0x1B8E;
	s22 =	sld [smem:$0x3FFE];
	[sflag:s21] =	ssyncadd.s32 $0xFFFFFFFF  }
0xa2: {  	s24 =	simm.s32 $execute0_lowered;
	[smem:$0x3FD2] =	sst s23  }
0xa3: {  	s2 =	sshll.u32 s24, $0x1;
	_ =	strace $0x80000046;
	[dreg:$0x1] =	wrdreg $0xFFFFFFFF  }
0xa4: {  	s25 =	simm.s32 $_size_execute0_lowered;
	s0 =	sadd.s32 s0, s2;
	[dreg:$0x0] =	wrdreg $0x0  }
0xa5: {  	s2 =	sshll.u32 s25, $0x1;
	[dreg:$0x2] =	wrdreg s0  }
0xa6: {  	[dreg:$0x3] =	wrdreg s2  }
0xa7: {  	[dreg:$0x4] =	wrdreg $0xC0  }
0xa8: {  	_ =	task [dreg:s4], $0x5FFFF  }
0xa9: {  	[dreg:$0x1] =	wrdreg $0xFFFFFFFF  }
0xaa: {  	[dreg:$0x0] =	wrdreg $0x60  }
0xab: {  	[dreg:$0x2] =	wrdreg s22  }
0xac: {  	[dreg:$0x3] =	wrdreg $0x9  }
0xad: {  	_ =	task.clear_ibuf [dreg:s4], $0x4FFFF;
	_ =	strace $0x90000046  }
0xae: {  	s26 =	simm.s32 $0x9;
	_ =	strace $0x80000048  }
0xaf: {  	_ =	swait.ge [sflag:s26], $0x1  }
0xb0: {  	[sflag:s26] =	ssyncadd.s32 $0xFFFFFFFF  }
0xb1: {  	_ =	strace $0x90000048  }
0xb2: {  	_ =	sfence  }
0xb3: {  	s28 =	sld [smem:$0x0];
	_ =	sdelay $0x1  }
0xb4: {  	s29 =	srdreg.scid  }
0xb5: {  	s30 =	sshll.u32 s29, $0xD;
	s31 =	sshrl.u32 s29, $0x2  }
0xb6: {  	s1 =	sand.u32 $0x1, s29;
	s2 =	sand.u32 $0x4000, s30;
	s0 =	sadd.s32 s31, s28  }
0xb7: {  	s1 =	sor.u32 s2, s1;
	s0 =	sshll.u32 s0, $0x11  }
0xb8: {  	s0 =	sor.u32 s0, s1  }
0xb9: {  	s0 =	sadd.s32 $0x8F2B, s0  }
0xba: {  	[sflag:s0] =	ssyncadd.remote.s32 $0x1  }
0xbb: {  	_ =	sfence.sel $0xFFFF  }
0xbc: {  	[dreg:$0x0] =	wrdreg $0xFFFFFFFF;
	(pc) =	sbr.abs _section_cstart, $3  }
0xbd: {  	[dreg:$0x1] =	wrdreg $0xFFFFFFFF  }
0xbe: {  	_ =	task.clear_ibuf [dreg:s4], $0x2FFFF;
	_ =	strace $0x9FFFFFFF  }
0xbf: {  	(tm) =	ssettm $0x7FFFFFFF  }
tec
execute0_lowered:
.L_overlay_start_1:
0x0: {  	(tag) =	ssettag $0x1  }
0x1: {  	s0 =	rddreg [dreg:$0x0];
	_ =	strace $0x80000047;
	s15 =	stileid.u32  }
0x2: {  	s2 =	simm.s32 $0x1;
	s1 =	smin.u32 s15, $0x8;
	s3 =	sshll.u32 s15, $0x1  }
0x3: {  	v1 =	vimm.s32 $0xFFFFFFFF;
	[sflag:s2] =	ssyncpa.u1 $0x0;
	s1 =	sadd.s32 s1, s3  }
0x4: {  	p0 =	slt.u32 s15, $0x8;
	[tilespmem:$0x10] =	vst v1;
	s4 =	smul.u32 $0x1F40, s1;
	s1 =	simm.s32 $0x5DC0  }
0x5: {  	v0 =	vimm.f32 $0.0e+00;
	[tilespmem:$0x20] =	vst v1;
	s1 =	simm.s32 @!p0 $0x3E80  }
0x6: {  	[tilespmem:$0x30] =	vst v0;
	s1 =	sadd.s32 s1, s4  }
0x7: {  	[tilespmem:$0x40] =	vst v0;
	s5 =	smin.u32 s1, $0x4E200  }
0x8: {  	s7 =	simm.s32 $0x2;
	s8 =	simm.s32 $0x8;
	[tilespmem:$0x50] =	vst v0;
	s9 =	ssub.s32 s5, s4  }
0x9: {  	s31 =	simm.s32 $0x9;
	s16 =	simm.s32 $0x0;
	[tilespmem:$0x60] =	vst v1;
	p0 =	sgt.s32 s9, $0x0  }
0xa: {  	s17 =	simm.s32 $0xF0;
	s18 =	simm.s32 $0xFFFFFFFF;
	[tilespmem:$0x70] =	vst v1;
	s9 =	simm.s32 @!p0 $0x0  }
0xb: {  	s19 =	simm.s32 $0xFFFFC280;
	s20 =	simm.s32 $0xFFFFFFFE;
	[tilespmem:$0x80] =	vst v1;
	s30 =	smulhi.u32 $0x10624DD3, s9  }
0xc: {  	s21 =	simm.s32 $0xF;
	s25 =	simm.s32 $0x0;
	s24 =	simm.s32 $0x0;
	v1 =	vimm.s32 $0x0;
	[tilespmem:$0xB0] =	vst v0  }
0xd: {  	s6 =	sadd.s32 $0x18C00, s0;
	s15 =	sshllo.u32 s15, $0x1;
	[tilespmem:$0x90] =	vst v1;
	s10 =	sshrl.u32 s30, $0x9  }
0xe: {  	[tilespmem:$0xA0] =	vst v1;
	[sflag:s7] =	ssyncpa.u1 $0x0;
	s7 =	simm.s32 $0x7;
	s11 =	smul.u32 $0x1F40, s10  }
.Ltmp0:
0xf: {  	s13 =	sor.u32 $0x80, s3;
	[sflag:s7] =	ssyncpa.u1 $0x0;
	(pc) =	sbr.rel .LBB2_1-.Ltmp0, $4  }
0x10: {  	s14 =	sor.u32 $0x81, s3;
	[sflag:s8] =	ssyncpa.u1 $0x0;
	p0 =	sne.s32 s9, s11  }
0x11: {  	s23 =	smov.u32 s4;
	s1 =	sadd.s32 $0x68C00, s0;
	s2 =	simm.s32 @!p0 $0x0  }
0x12: {  	vm0 =	vmmov $0xffff;
	v2 =	vlaneseq.u32;
	[sflag:s31] =	ssyncpa.u1 $0x0;
	s9 =	sadd.s32 $0x22A00, s0;
	s10 =	sadd.s32 s2, s10  }
0x13: {  	vm1 =	vmxor vm1, vm1;
	vm2 =	vmmov $0x1;
	vm3 =	vcmask $0x3F3C;
	p0 =	por $0x0, $0x0;
	s11 =	sadd.s32 $0x1, s10;
	s12 =	sadd.s32 $0x2, s10  }
.LBB2_9:
0x14: {  	p1 =	slt.u32 s24, $0x3  }
0x15: {  	s0 =	simm.s32 @!p1 $0x2  }
0x16: {  	_ =	swait.ge @!p1 [sflag:s0], $0x1F40  }
0x17: {  	[sflag:s0] =	ssyncset.done @!p1 $0x0  }
0x18: {  	[sflag:s0] =	ssyncadd.s32 @!p1 $0xFFFFE0C0;
	s0 =	simm.s32 @!p1 $0x9  }
0x19: {  	_ =	swait.ge @!p1 [sflag:s0], $0x10  }
0x1a: {  	[sflag:s0] =	ssyncset.done @!p1 $0x0  }
0x1b: {  	[sflag:s0] =	ssyncadd.s32 @!p1 $0xFFFFFFF0;
	p1 =	sne.s32 s24, s12  }
.Ltmp1:
0x1c: {  	s2 =	sadd.s32 $0x1F40, s23;
	(pc) =	sbr.rel @!p1 .LBB2_10-.Ltmp1, $4  }
0x1d: {  	s22 =	smov.u32 s4;
	s31 =	sadd.s32 $0x1, s24;
	s17 =	sadd.s32 $0x1F40, s17  }
0x1e: {  	s18 =	sadd.s32 $0x1, s18;
	s25 =	smov.u32 s23;
	p2 =	slt.s32 s2, s5  }
0x1f: {  	p0 =	por !p0, !p0;
	s19 =	sadd.s32 $0x1F40, s19;
	s22 =	smov.u32 @p2 s2  }
0x20: {  	s20 =	sadd.s32 $0x1, s20;
	s23 =	smov.u32 s22;
	s24 =	smov.u32 s31  }
.LBB2_1:
0x21: {  	p1 =	sge.u32 s24, s10  }
0x22: {  	s0 =	smulhi.u32 @!p1 $0xAAAAAAAB, s24;
	_ =	sdelay $0x1  }
0x23: {  	s0 =	sshrl.u32 @!p1 s0, $0x1  }
0x24: {  	s0 =	smul.u32 @!p1 $0x3, s0;
	_ =	sdelay $0x1  }
0x25: {  	s0 =	ssub.s32 @!p1 s24, s0  }
0x26: {  	s0 =	smul.u32 @!p1 $0x7D00, s0;
	_ =	sdelay $0x1  }
0x27: {  	s2 =	sshrl.u32 @!p1 s23, $0x3;
	s0 =	sshrl.u32 @!p1 s0, $0x2  }
0x28: {  	s22 =	sand.u32 @!p1 $0x7, s23;
	s2 =	sadd.s32 @!p1 s6, s2;
	s0 =	sadd.s32 @!p1 $0x100, s0  }
0x29: {  	[tilespmem:s0], [sflag:$0x7] =	stream.linear.gather @!p1 [hbm4b:s2+s22], $0x1F40, $0x38;
	[tilespmem:$0x11A60] =	vst v63  }
0x2a: {  	s0 =	sadd.s32 $0xFFFFFFFF, s24  }
0x2b: {  	p1 =	sge.u32 s0, s10  }
.Ltmp2:
0x2c: {  	_ = 	snop;
	(pc) =	sbr.rel @p1 .LBB2_5-.Ltmp2, $1  }
0x2d: {  	_ =	sdelay $0x3  }
0x2e: {  	s2 =	smulhi.u32 $0xAAAAAAAB, s0;
	_ =	sdelay $0x1  }
0x2f: {  	s2 =	sshrl.u32 s2, $0x1  }
0x30: {  	s2 =	smul.u32 $0x3, s2;
	_ =	sdelay $0x1  }
0x31: {  	s2 =	ssub.s32 s0, s2  }
0x32: {  	s2 =	smul.u32 $0x7D00, s2  }
0x33: {  	_ =	swait.ge [sflag:s7], $0x1F40  }
0x34: {  	[sflag:s7] =	ssyncset.done $0x0;
	s2 =	sshrl.u32 s2, $0x2  }
0x35: {  	[sflag:s7] =	ssyncadd.s32 $0xFFFFE0C0;
	(ifvalue) =	ssetifvalue $0xFFFFFFFF;
	v3 =	vld.msk [tilespmem:s2+$0x100 ss:$0x1], $0xffff;
	_ =	sdelay $0x2  }
0x36: {  	s30 =	smulhi.u32 $0xAAAAAAAB, s18;
	p1 =	sne.s32 s24, $0x1  }
0x37: {  	v4 =	vimm.s32 @!p1 $0x0  }
0x38: {  	s2 =	sshrl.u32 s30, $0x1;
	v4 =	vperm.xlane @!p1 v3, v4  }
0x39: {  	s22 =	sshll.u32 s24, $0x4;
	s2 =	smul.u32 $0xFFFE8900, s2;
	vm4 =	vlt.u32 v3, $0x2800  }
0x3a: {  	s22 =	sand.u32 $0x10, s22;
	v3 =	vnsel vm4, $0xFFFFFFFE, v3;
	vm4 =	vlt.u32 @!p1 v4, $0x2800  }
0x3b: {  	s2 =	sshra.s32 s2, $0x2;
	[tilespmem:s22+$0x60] =	vst v3;
	v3 =	vnsel @!p1 vm4, $0xFFFFFFFE, v4  }
0x3c: {  	s28 =	sadd.s32 s2, s17;
	[tilespmem:$0x80] =	vst @!p1 v3  }
0x3d: {  	v3 =	vld.msk [tilespmem:s28+$0x0 ss:$0x1], $0xffff;
	_ =	sdelay $0x4  }
0x3e: {  	(xrf1) =	vunique.msk.u32 $0xffff, v3;
	_ =	sdelay $0xd  }
0x3f: {  	v4 =	vimm.s32 $0xFFFFFFFF;
	v5, _, _ =	vpop (xrf1)  }
0x40: {  	vm5 =	vne.s32 v3, v4;
	vm4 =	veq.s32 v5, v2  }
0x41: {  	vm6 =	vlt.u32 v3, $0x2800;
	vm4 =	vmand vm5, vm4  }
0x42: {  	vm4 =	vmand vm6, vm4  }
0x43: {  	v4 =	vnsel vm4, $0xFFFFFFFF, v3  }
0x44: {  	s31 =	sand.u32 $0x1, s0  }
0x45: {  	s0 =	simm.s32 $0x1F40;
	p1 =	seq.s32 s31, $0x1  }
0x46: {  	s0 =	simm.s32 @!p1 $0x0  }
0x47: {  	s26 =	sadd.s32 $0x7DF0, s0;
	(ifvalue) =	ssetifvalue $0xFFFFFFFF  }
0x48: {  	v3 =	vperm.xlane v3, v1;
	[tilespmem:s26], [sflag:$0x8] =	stream.indirect_vreg.gather [hbm4b:s1+s16], $0x1, v4, vm0, $0x4038;
	v4 =	vnsel vm6, $0xFFFFFFFE, v4;
	[tilespmem:$0x11A60] =	vst v63  }
0x49: {  	s2 =	simm.s32 $0x0;
	s22 =	sadd.s32 $0xFFFFFFF0, s28;
	[tilespmem:s28+$0x0] =	vst v4  }
.LBB2_3:
0x4a: {  	v4 =	vld.msk [tilespmem:s22+$0x0 ss:$0x1], $0xffff;
	s2 =	sadd.s32 $0x10, s2;
	v5 =	vmov v3;
	s28 =	smov.u32 s22  }
0x4b: {  	p1 =	slt.u32 s2, $0x1F30;
	_ =	sdelay $0x4  }
0x4c: {  	v3 =	vperm.xlane v4, v1;
	(xrf1) =	vunique.msk.u32 $0xffff, v4;
	_ =	sdelay $0xd  }
0x4d: {  	v6, _, _ =	vpop (xrf1)  }
0x4e: {  	vm5 =	vne.s32 v4, v5;
	vm4 =	veq.s32 v6, v2  }
0x4f: {  	vm6 =	vlt.u32 v4, $0x2800;
	vm4 =	vmand vm5, vm4  }
0x50: {  	vm4 =	vmand vm6, vm4  }
0x51: {  	v4 =	vnsel vm4, $0xFFFFFFFF, v4  }
.Ltmp3:
0x52: {  	v5 =	vnsel vm6, $0xFFFFFFFE, v4;
	(pc) =	sbr.rel @p1 .LBB2_3-.Ltmp3, $3  }
0x53: {  	_ =	sdelay $0x1  }
0x54: {  	s22 =	sadd.s32 $0xFFFFFFF0, s22;
	s26 =	sadd.s32 $0xFFFFFFF0, s26;
	(ifvalue) =	ssetifvalue $0xFFFFFFFF  }
0x55: {  	[tilespmem:s26], [sflag:$0x8] =	stream.indirect_vreg.gather [hbm4b:s1+s16], $0x1, v4, vm0, $0x4038;
	[tilespmem:s28+$0x0] =	vst v5  }
0x56: {  	s2 =	sshrl.u32 s25, $0x3  }
0x57: {  	s0 =	sadd.s32 $0x9D40, s0;
	s2 =	sadd.s32 s9, s2  }
0x58: {  	[tilespmem:s0], [sflag:$0x8] =	stream.linear.gather [hbm:s2], $0x1F40, $0x38;
	[tilespmem:$0x11A60] =	vst v63  }
.LBB2_5:
0x59: {  	p1 =	slt.u32 s24, $0x2  }
0x5a: {  	p2 =	sge.u32 @!p1 s24, s12  }
0x5b: {  	p1 =	por p1, p2  }
.Ltmp4:
0x5c: {  	_ = 	snop;
	(pc) =	sbr.rel @p1 .LBB2_9-.Ltmp4, $1  }
0x5d: {  	_ =	sdelay $0x3  }
0x5e: {  	s0 =	sadd.s32 $0xFFFFFFFE, s24  }
0x5f: {  	s2 =	smulhi.u32 $0xAAAAAAAB, s0;
	_ =	sdelay $0x1  }
0x60: {  	s2 =	sshrl.u32 s2, $0x1  }
0x61: {  	s2 =	smul.u32 $0x3, s2;
	_ =	sdelay $0x1  }
0x62: {  	s0 =	ssub.s32 s0, s2  }
0x63: {  	_ =	swait.ge [sflag:s8], $0x3E80;
	s0 =	smul.u32 $0x1F40, s0  }
0x64: {  	p1 =	sne.s32 s24, s11;
	[sflag:s8] =	ssyncset.done $0x0  }
0x65: {  	[sflag:s8] =	ssyncadd.s32 $0xFFFFC180;
	s2 =	sadd.s32 @!p1 $0x203F, s0  }
0x66: {  	[spmem:s14] =	stream.linear.scatter @!p1 [tilespmem:s2], [sflag:$0x1], $0x1, $0x38;
	[tilespmem:$0x11A60] =	vst v63  }
0x67: {  	s2 =	simm.s32 @!p1 $0x1  }
0x68: {  	_ =	swait.ge @!p1 [sflag:s2], $0x1  }
0x69: {  	s22 =	sshll.u32 s24, $0x4;
	[sflag:s2] =	ssyncset.done @!p1 $0x0  }
0x6a: {  	s25 =	sand.u32 $0x10, s22;
	[sflag:s2] =	ssyncadd.s32 @!p1 $0xFFFFFFFF  }
0x6b: {  	s2 =	sxor.u32 $0x10, s25;
	v4 =	vld [tilespmem:s25+$0x10]  }
0x6c: {  	v5 =	vld [tilespmem:s2+$0x60]  }
0x6d: {  	v3 =	vld [tilespmem:$0x80];
	_ =	sdelay $0x2  }
0x6e: {  	(v2sf) =	vpush v4, $0x0  }
0x6f: {  	(v2sf) =	vpush v5, $0x0  }
0x70: {  	(v2sf) =	vpush v3, $0x0;
	_ =	sdelay $0xc  }
0x71: {  	s22 =	spop (v2sf)  }
0x72: {  	s26 =	spop (v2sf)  }
0x73: {  	s28 =	spop (v2sf)  }
0x74: {  	p2 =	seq.s32 s22, s26;
	p3 =	seq.s32 s28, s22  }
0x75: {  	p3 =	por p2, p3  }
0x76: {  	s26 =	sand.u32 $0x1, s24;
	v4 =	vpsel p3, $0xFFFFFFFF, v4  }
0x77: {  	s29 =	smul.u32 $0x1F40, s26;
	[tilespmem:s25+$0x10] =	vst.msk $0x1, v4  }
0x78: {  	v4 =	vld [tilespmem:$0x30]  }
0x79: {  	v5 =	vld [tilespmem:s29+$0x9D40]  }
0x7a: {  	v6 =	vld [tilespmem:s25+$0x40];
	_ =	sdelay $0x3  }
0x7b: {  	vm4 =	vmmov vm1;
	v5 =	vadd.f32 v5, v4  }
0x7c: {  	vm5 =	vmmov vm2;
	vm4 =	vmmov @p2 vm2;
	s22 =	sshll.u32 s26, $0x4;
	v4 =	vadd.f32 v6, v4  }
0x7d: {  	s26 =	sor.u32 $0x11A40, s22;
	vm5 =	vmmov @p3 vm1;
	[tilespmem:s29+$0x9D40] =	vst.msk vm4, v5  }
0x7e: {  	[tilespmem:s26+$0x0] =	vst.msk vm5, v4  }
0x7f: {  	v4 =	vld [tilespmem:s29+$0x7DF0];
	_ =	sdelay $0x3  }
0x80: {  	v5 =	vimm.f32 $0.0e+00  }
0x81: {  	v4 =	vshift.insert v4, v5, s21  }
0x82: {  	s22 =	sor.u32 $0x40, s2  }
0x83: {  	[tilespmem:s22+$0x0] =	vst.msk $0x1, v4  }
0x84: {  	[tilespmem:s29+$0x7DFF] =	vst.msk $0x1, v5  }
0x85: {  	v4 =	vld [tilespmem:s0+$0x2030];
	_ =	sdelay $0x1  }
0x86: {  	s22 =	smulhi.u32 $0xAAAAAAAB, s20;
	s0 =	simm.s32 $0x1  }
0x87: {  	s0 =	simm.s32 @!p0 $0x0  }
0x88: {  	s22 =	sshrl.u32 s22, $0x1;
	s0 =	smul.u32 $0x7D00, s0  }
0x89: {  	s22 =	smul.u32 $0xFFFE8900, s22;
	v4 =	vshift.insert v4, v1, s21  }
0x8a: {  	s0 =	sshrl.u32 s0, $0x2  }
0x8b: {  	s22 =	sshra.s32 s22, $0x2;
	s30 =	sadd.s32 $0x9D40, s0;
	[tilespmem:s2+$0x10] =	vst.msk $0x1, v4  }
0x8c: {  	s22 =	sadd.s32 s22, s19;
	v6 =	vld [tilespmem:s30+$0x0]  }
0x8d: {  	v7 =	vld [tilespmem:s22+$0x0];
	_ =	sdelay $0x3  }
0x8e: {  	v5 =	vadd.f32 v6, v5  }
0x8f: {  	vm4 =	vne.s32 v7, $0xFFFFFFFF  }
0x90: {  	(xrf2) =	vadd.seg.scan.f32 vm4, v5;
	_ =	sdelay $0x3  }
0x91: {  	s31 =	sadd.s32 $0x5EC0, s0;
	v5 =	vperm.xlane v4, v1  }
0x92: {  	v6 =	vld [tilespmem:s31+$0x0]  }
0x93: {  	vm5 =	veq.s32 v7, v3;
	vm6 =	veq.s32 v7, v5  }
0x94: {  	vm7 =	vgt.u32 v7, $0xFFFFFFFD;
	vm6 =	vmor vm6, vm5  }
0x95: {  	vm6 =	vmor vm6, vm7  }
0x96: {  	v9 =	vld [tilespmem:$0xA0];
	v7 =	vsel vm6, $0xFFFFFFFF, v7  }
0x97: {  	v10 =	vld [tilespmem:$0x90];
	v6 =	vsel vm5, $0x0, v6;
	v8, _, _ =	vpop (xrf2)  }
0x98: {  	v6 =	vadd.f32 v8, v6  }
0x99: {  	s0 =	sadd.s32 $0xDBC0, s0  }
0x9a: {  	vm4 =	vmand vm4, vm3;
	[tilespmem:s0+$0x0] =	vst v6;
	(ifvalue) =	ssetifvalue $0xFFFFFFFF  }
0x9b: {  	vm6 =	veq.s32 v9, $0x1;
	[hbm4b:s1+s16] =	stream.indirect_vreg.scatter [tilespmem:s0], [sflag:$0x2], $0x1, v7, vm0, $0x4038;
	v7 =	vsel vm4, $0x0, v8;
	[tilespmem:$0x11A60] =	vst v63  }
0x9c: {  	s2 =	simm.s32 $0x0;
	s22 =	sadd.s32 $0x10, s22;
	vm4 =	vmor vm6, vm5;
	v6 =	vsel vm5, v8, v10;
	v7 =	vshift.insert v7, v0, s21  }
.LBB2_7:
0x9d: {  	v8 =	vld [tilespmem:s22+$0x0];
	s30 =	sadd.s32 $0x10, s30  }
0x9e: {  	s31 =	sadd.s32 $0x10, s31;
	v9 =	vld [tilespmem:s30+$0x0]  }
0x9f: {  	s2 =	sadd.s32 $0x10, s2;
	v10 =	vld [tilespmem:s31+$0x0]  }
0xa0: {  	p2 =	slt.u32 s2, $0x1F30;
	_ =	sdelay $0x2  }
0xa1: {  	v7 =	vadd.f32 v9, v7  }
0xa2: {  	vm5 =	vne.s32 v8, $0xFFFFFFFF  }
0xa3: {  	vm6 =	vmand vm5, vm3;
	(xrf2) =	vadd.seg.scan.f32 vm5, v7;
	_ =	sdelay $0x5  }
0xa4: {  	vm7 =	veq.s32 v8, v5;
	vm5 =	veq.s32 v8, v3  }
0xa5: {  	vm8 =	vgt.u32 v8, $0xFFFFFFFD;
	vm4 =	vmor vm4, vm5;
	vm7 =	vmor vm7, vm5  }
0xa6: {  	vm7 =	vmor vm7, vm8  }
0xa7: {  	v8 =	vsel vm7, $0xFFFFFFFF, v8  }
.Ltmp5:
0xa8: {  	v7 =	vsel vm5, $0x0, v10;
	v9, _, _ =	vpop (xrf2);
	(pc) =	sbr.rel @p2 .LBB2_7-.Ltmp5, $4  }
0xa9: {  	v6 =	vsel vm5, v9, v6;
	v10 =	vadd.f32 v9, v7;
	v7 =	vsel vm6, $0x0, v9  }
0xaa: {  	s0 =	sadd.s32 $0x10, s0;
	v7 =	vshift.insert v7, v0, s21  }
0xab: {  	s22 =	sadd.s32 $0x10, s22;
	[tilespmem:s0+$0x0] =	vst v10;
	(ifvalue) =	ssetifvalue $0xFFFFFFFF  }
0xac: {  	[hbm4b:s1+s16] =	stream.indirect_vreg.scatter [tilespmem:s0], [sflag:$0x2], $0x1, v8, vm0, $0x4038;
	[tilespmem:$0x11A60] =	vst v63  }
0xad: {  	v3 =	vld [tilespmem:s29+$0xFAF0];
	_ =	sdelay $0x4  }
0xae: {  	v3 =	vshift.insert v3, v0, s21  }
0xaf: {  	s0 =	simm.s32 $0x30  }
0xb0: {  	[tilespmem:s0+$0x0] =	vst.msk $0x1, v3  }
0xb1: {  	v3 =	vsel vm4, $0x1, v1;
	[tilespmem:$0x90] =	vst v6  }
0xb2: {  	s0 =	sadd.s32 @!p1 $0xFAFF, s29;
	[tilespmem:$0xA0] =	vst v3  }
0xb3: {  	[spmem:s15] =	stream.linear.scatter @!p1 [tilespmem:s0], [sflag:$0x1], $0x1, $0x38;
	[tilespmem:$0x11A60] =	vst v63  }
0xb4: {  	s0 =	simm.s32 @!p1 $0x1  }
0xb5: {  	v3 =	vmctz.xlane @!p1 vm4;
	_ =	swait.ge @!p1 [sflag:s0], $0x1  }
0xb6: {  	(v2sf) =	vpush @!p1 v4, $0x0  }
0xb7: {  	(v2sf) =	vpush @!p1 v3, $0x0;
	_ =	sdelay $0xd  }
0xb8: {  	s2 =	spop @!p1 (v2sf)  }
0xb9: {  	s22 =	spop @!p1 (v2sf)  }
0xba: {  	p2 =	sne.s32 @!p1 s28, s2;
	p3 =	slt.s32 @!p1 s22, $0xF  }
0xbb: {  	[sflag:s0] =	ssyncset.done @!p1 $0x0;
	p2 =	por p2, p1;
	p3 =	por !p3, p1  }
0xbc: {  	[sflag:s0] =	ssyncadd.s32 @!p1 $0xFFFFFFFF;
	v3 =	vimm.s32 @!p2 $0xFFFFFFFF;
	s22 =	simm.s32 @p3 $0xF  }
0xbd: {  	[tilespmem:$0x80] =	vst @!p2 v3;
	s2 =	sadd.s32 @!p1 $0x90, s22  }
0xbe: {  	[spmem:s3] =	stream.linear.scatter @!p1 [tilespmem:s2], [sflag:$0x1], $0x1, $0x38;
	[tilespmem:$0x11A60] =	vst v63  }
0xbf: {  	_ =	swait.ge @!p1 [sflag:s0], $0x1  }
0xc0: {  	[sflag:s0] =	ssyncset.done @!p1 $0x0  }
0xc1: {  	s2 =	simm.s32 @!p1 $0x80;
	[sflag:s0] =	ssyncadd.s32 @!p1 $0xFFFFFFFF  }
0xc2: {  	[spmem:s13] =	stream.linear.scatter @!p1 [tilespmem:s2], [sflag:$0x1], $0x1, $0x38;
	[tilespmem:$0x11A60] =	vst v63  }
0xc3: {  	_ =	swait.ge @!p1 [sflag:s0], $0x1  }
0xc4: {  	[sflag:s0] =	ssyncset.done @!p1 $0x0  }
0xc5: {  	[sflag:s0] =	ssyncadd.s32 @!p1 $0xFFFFFFFF;
	(ifvalue) =	ssetifvalue $0xFFFFFFFF;
	v3 =	vld [tilespmem:s25+$0x10];
	_ =	sdelay $0x3  }
.Ltmp6:
0xc6: {  	_ = 	snop;
	(pc) =	sbr.rel .LBB2_9-.Ltmp6, $3  }
0xc7: {  	_ =	sdelay $0x1  }
0xc8: {  	(ifvalue) =	ssetifvalue $0xFFFFFFFF  }
0xc9: {  	[hbm4b:s1+s16] =	stream.indirect_vreg.scatter [tilespmem:s26], [sflag:$0x9], $0x1, v3, vm0, $0x4038;
	[tilespmem:$0x11A60] =	vst v63  }
.LBB2_10:
0xca: {  	_ =	sfence.sel $0x180000  }
0xcb: {  	s0 =	simm.s32 $0x7;
	[bflag:$0x0] =	sbarrier.arrive $0xFFFF  }
0xcc: {  	s26 =	simm.s32 $0x8;
	[sflag:s0] =	ssyncpa.u1 $0x1  }
0xcd: {  	s28 =	simm.s32 $0x9;
	[sflag:s26] =	ssyncpa.u1 $0x1  }
0xce: {  	[sflag:s28] =	ssyncpa.u1 $0x1  }
0xcf: {  	_ =	sfence.stream.spmem  }
0xd0: {  	s29 =	simm.s32 $0x3;
	[bflag:$0x0] =	sbarrier.arrive $0xFFFF  }
0xd1: {  	s30 =	simm.s32 $0x4;
	[sflag:s29] =	ssyncpa.u1 $0x1  }
0xd2: {  	s31 =	simm.s32 $0x3C;
	s2 =	stileid.u32;
	[sflag:s30] =	ssyncpa.u1 $0x1  }
0xd3: {  	p0 =	sne.s32 s2, $0x0;
	[sflag:s31] =	ssyncpa.u1 $0x1  }
0xd4: {  	s0 =	simm.s32 @p0 $0x1;
	_ =	sfence @p0  }
0xd5: {  	[sflag:s0] =	ssyncpa.u1 @p0 $0x1;
	s0 =	simm.s32 @p0 $0x2  }
0xd6: {  	[sflag:s0] =	ssyncpa.u1 @p0 $0x1  }
0xd7: {  	_ =	strace @p0 $0x90000047  }
0xd8: {  	[bflag:$0x2] =	sbarrier.arrive @p0 $0xFFFF  }
0xd9: {  	_ =	shalt @p0  }
.LBB2_11:
0xda: {  	_ =	sfence.stream.spmem;
	s0 =	simm.s32 $0x5  }
0xdb: {  	s2 =	simm.s32 $0x80;
	s3 =	simm.s32 $0xC0;
	[sflag:s0] =	ssyncpa.u1 $0x0  }
0xdc: {  	[tilespmem:s3], [sflag:$0x5] =	stream.linear.gather [spmem:s2], $0x20, $0x38;
	[tilespmem:$0x11A60] =	vst v63  }
0xdd: {  	s2 =	simm.s32 $0x0;
	s3 =	simm.s32 $0xE0  }
0xde: {  	[tilespmem:s3], [sflag:$0x5] =	stream.linear.gather [spmem:s2], $0x20, $0x38;
	[tilespmem:$0x11A60] =	vst v63  }
.Ltmp7:
0xdf: {  	_ = 	snop;
	(pc) =	sbr.rel .LBB2_12-.Ltmp7, $4  }
0xe0: {  	_ =	swait.ge [sflag:s0], $0x40  }
0xe1: {  	[sflag:s0] =	ssyncset.done $0x0  }
0xe2: {  	s31 =	simm.s32 $0x6;
	[sflag:s0] =	ssyncadd.s32 $0xFFFFFFC0  }
0xe3: {  	s4 =	simm.s32 $0x0;
	[sflag:s31] =	ssyncpa.u1 $0x0  }
.LBB2_17:
0xe4: {  	p0 =	sgt.u32 s5, $0x27FF  }
0xe5: {  	s0 =	sshrl.u32 @!p0 s5, $0x3  }
0xe6: {  	s5 =	sand.u32 @!p0 $0x7, s5;
	s6 =	simm.s32 @!p0 $0xB0;
	s0 =	sadd.s32 @!p0 s1, s0  }
0xe7: {  	[tilespmem:s6], [sflag:$0x6] =	stream.linear.gather @!p0 [hbm4b:s0+s5], $0x1, $0x38;
	[tilespmem:$0x11A60] =	vst v63  }
0xe8: {  	s0 =	simm.s32 @!p0 $0x6  }
0xe9: {  	_ =	swait.ge @!p0 [sflag:s0], $0x1  }
0xea: {  	[sflag:s0] =	ssyncset.done @!p0 $0x0  }
0xeb: {  	[sflag:s0] =	ssyncadd.s32 @!p0 $0xFFFFFFFF  }
0xec: {  	v2 =	vmov @!p0 s4;
	v1 =	vld.msk @!p0 [tilespmem:$0xB0], $0x1;
	_ =	sdelay $0x3  }
0xed: {  	s0 =	simm.s32 @!p0 $0xE0  }
0xee: {  	[tilespmem:v2+s0+$0x0], v1 =	vst.idx.ret.add.f32.msk @!p0 $0x1, v1  }
0xef: {  	[tilespmem:s2+$0xC0] =	vst.msk $0x1, v0  }
0xf0: {  	v0 =	vld.msk [tilespmem:s4+$0xE0], $0x1;
	_ =	sdelay $0x4  }
0xf1: {  	[tilespmem:s2+$0xE0] =	vst.msk $0x1, v0;
	s2 =	sadd.s32 $0x1, s2  }
.LBB2_19:
0xf2: {  	s4 =	sadd.s32 $0x1, s4  }
0xf3: {  	p0 =	sne.s32 s4, $0x20  }
.Ltmp8:
0xf4: {  	_ = 	snop;
	(pc) =	sbr.rel @!p0 .LBB2_20-.Ltmp8, $1  }
0xf5: {  	_ =	sdelay $0x3  }
.LBB2_12:
0xf6: {  	v0 =	vld.msk [tilespmem:s4+$0xC0], $0x1;
	_ =	sdelay $0x4  }
0xf7: {  	(v2sf) =	vpush v0, $0x0;
	_ =	sdelay $0xe  }
0xf8: {  	s5 =	spop (v2sf)  }
0xf9: {  	p0 =	seq.s32 s5, $0xFFFFFFFF  }
.Ltmp9:
0xfa: {  	_ = 	snop;
	(pc) =	sbr.rel @p0 .LBB2_19-.Ltmp9, $1  }
0xfb: {  	_ =	sdelay $0x3  }
0xfc: {  	p0 =	slt.s32 s2, $0x1  }
.Ltmp10:
0xfd: {  	_ = 	snop;
	(pc) =	sbr.rel @p0 .LBB2_17-.Ltmp10, $1  }
0xfe: {  	_ =	sdelay $0x3  }
0xff: {  	s0 =	simm.s32 $0xC0;
	p0 =	por $0x0, $0x0  }
0x100: {  	v1 =	vld.msk @!p0 [tilespmem:s0+$0x0], $0x1;
	_ =	sdelay $0x4  }
0x101: {  	(v2sf) =	vpush @!p0 v1, $0x0;
	_ =	sdelay $0xd  }
0x102: {  	p2 =	sne.s32 s2, $0x1  }
.Ltmp11:
0x103: {  	s6 =	spop @!p0 (v2sf);
	(pc) =	sbr.rel @!p2 .LBB2_16-.Ltmp11, $4  }
0x104: {  	p1 =	seq.s32 @!p0 s5, s6  }
0x105: {  	s6 =	simm.s32 $0x0;
	p1 =	por !p1, p0  }
0x106: {  	s8 =	simm.s32 $0xFFFFFFFF;
	s6 =	simm.s32 @p1 $0xFFFFFFFF  }
0x107: {  	s7 =	simm.s32 $0x1;
	s6 =	smov.u32 @p0 s8  }
.LBB2_15:
0x108: {  	s8 =	smov.u32 s6;
	p0 =	sne.s32 s6, $0xFFFFFFFF  }
0x109: {  	s0 =	sadd.s32 $0x1, s0;
	s6 =	smov.u32 s7;
	s7 =	sadd.s32 $0x1, s7  }
0x10a: {  	p1 =	sne.s32 s2, s7;
	v1 =	vld.msk @!p0 [tilespmem:s0+$0x0], $0x1;
	_ =	sdelay $0x4  }
0x10b: {  	(v2sf) =	vpush @!p0 v1, $0x0;
	_ =	sdelay $0xe  }
.Ltmp12:
0x10c: {  	s9 =	spop @!p0 (v2sf);
	(pc) =	sbr.rel @p1 .LBB2_15-.Ltmp12, $4  }
0x10d: {  	p2 =	seq.s32 @!p0 s5, s9  }
0x10e: {  	p2 =	por !p2, p0  }
0x10f: {  	s6 =	simm.s32 @p2 $0xFFFFFFFF  }
0x110: {  	s6 =	smov.u32 @p0 s8  }
.LBB2_16:
0x111: {  	p0 =	sne.s32 s6, $0xFFFFFFFF  }
.Ltmp13:
0x112: {  	_ = 	snop;
	(pc) =	sbr.rel @!p0 .LBB2_17-.Ltmp13, $1  }
0x113: {  	_ =	sdelay $0x3  }
0x114: {  	v0 =	vld.msk [tilespmem:s4+$0xE0], $0x1;
	v1 =	vmov s6  }
.Ltmp14:
0x115: {  	_ = 	snop;
	(pc) =	sbr.rel .LBB2_19-.Ltmp14, $2  }
0x116: {  	_ =	sdelay $0x2  }
0x117: {  	[tilespmem:v1+s3+$0x0], v0 =	vst.idx.ret.add.f32.msk $0x1, v0  }
.LBB2_20:
0x118: {  	p0 =	slt.s32 s2, $0x1  }
.Ltmp15:
0x119: {  	_ = 	snop;
	(pc) =	sbr.rel @p0 .LBB2_24-.Ltmp15, $3  }
0x11a: {  	_ =	sdelay $0x1  }
0x11b: {  	s0 =	simm.s32 $0x6  }
0x11c: {  	s3 =	simm.s32 $0x0;
	[sflag:s0] =	ssyncpa.u1 $0x1  }
0x11d: {  	s0 =	simm.s32 $0xC0  }
0x11e: {  	v0 =	vld.msk [tilespmem:s0+$0x0], $0x1;
	_ =	sdelay $0x4  }
0x11f: {  	(v2sf) =	vpush v0, $0x0;
	_ =	sdelay $0xe  }
0x120: {  	s2 =	sadd.s32 $0xFFFFFFFF, s2;
	s4 =	spop (v2sf)  }
0x121: {  	p1 =	sne.s32 s2, $0x0;
	p0 =	sgt.u32 s4, $0x27FF  }
.Ltmp16:
0x122: {  	s5 =	sshrl.u32 @!p0 s4, $0x3;
	(pc) =	sbr.rel @!p1 .LBB2_23-.Ltmp16, $4  }
0x123: {  	s0 =	simm.s32 $0xE0;
	s4 =	sand.u32 @!p0 $0x7, s4;
	s5 =	sadd.s32 @!p0 s1, s5  }
0x124: {  	[hbm4b:s5+s4] =	stream.linear.scatter @!p0 [tilespmem:s0], [sflag:$0x5], $0x1, $0x38;
	[tilespmem:$0x11A60] =	vst v63  }
0x125: {  	s5 =	simm.s32 $0x0  }
0x126: {  	s4 =	simm.s32 $0xC1;
	s5 =	simm.s32 @!p0 $0x4  }
.LBB2_22:
0x127: {  	v0 =	vld.msk [tilespmem:s4+$0x0], $0x1;
	s2 =	sadd.s32 $0xFFFFFFFF, s2;
	s3 =	sadd.s32 s3, s5  }
0x128: {  	p0 =	sne.s32 s2, $0x0;
	_ =	sdelay $0x3  }
0x129: {  	(v2sf) =	vpush v0, $0x0;
	_ =	sdelay $0xe  }
.Ltmp17:
0x12a: {  	s6 =	spop (v2sf);
	(pc) =	sbr.rel @p0 .LBB2_22-.Ltmp17, $4  }
0x12b: {  	s5 =	simm.s32 $0x0;
	p1 =	sgt.u32 s6, $0x27FF  }
0x12c: {  	s0 =	sadd.s32 $0x1, s0;
	s5 =	simm.s32 @!p1 $0x4;
	s7 =	sshrl.u32 @!p1 s6, $0x3  }
0x12d: {  	s4 =	sadd.s32 $0x1, s4;
	s6 =	sand.u32 @!p1 $0x7, s6;
	s7 =	sadd.s32 @!p1 s1, s7  }
0x12e: {  	[hbm4b:s7+s6] =	stream.linear.scatter @!p1 [tilespmem:s0], [sflag:$0x5], $0x1, $0x38;
	[tilespmem:$0x11A60] =	vst v63  }
.LBB2_23:
0x12f: {  	s0 =	sadd.s32 s3, s5  }
0x130: {  	s3 =	sshrl.u32 s0, $0x2  }
.LBB2_24:
0x131: {  	s0 =	simm.s32 $0x5  }
0x132: {  	_ =	swait.ge [sflag:s0], s3  }
0x133: {  	s1 =	ssub.s32 $0x0, s3;
	[sflag:s0] =	ssyncset.done $0x0  }
0x134: {  	[sflag:s0] =	ssyncadd.s32 s1  }
0x135: {  	[sflag:s0] =	ssyncpa.u1 $0x1  }
0x136: {  	s29 =	simm.s32 $0x1;
	_ =	sfence  }
0x137: {  	s30 =	simm.s32 $0x2;
	[sflag:s29] =	ssyncpa.u1 $0x1  }
0x138: {  	[sflag:s30] =	ssyncpa.u1 $0x1  }
0x139: {  	_ =	strace $0x90000047  }
0x13a: {  	[bflag:$0x2] =	sbarrier.arrive $0xFFFF  }
0x13b: {  	s31 =	rddreg [dreg:$0x1]  }
0x13c: {  	s0 =	sadd.s32 $0x100000, s31  }
0x13d: {  	[sflag:s0] =	ssyncadd.tile.s32 $0x1;
	_ =	shalt  }
.Lfunc_end2:
_tile_overlayer_lowered:
.L_overlay_start_2:
0x13e: {  	(tag) =	ssettag $0x2  }
0x13f: {  	s0 =	rddreg [dreg:$0x0];
	s2 =	stileid.u32  }
0x140: {  	s1 =	rddreg [dreg:$0x1];
	p0 =	sne.s32 s2, $0x0  }
0x141: {  	s3 =	rddreg [dreg:$0x2];
	[bflag:$0x3] =	sbarrier.arrive $0xFFFF;
	s2 =	simm.s32 @!p0 $0x1C01  }
0x142: {  	[timem:s3], [sflag:s2] =	dma.local @!p0 [hbm:s0], s1  }
0x143: {  	s0 =	simm.s32 @!p0 $0x1  }
0x144: {  	_ =	swait.ge @!p0 [sflag:s0], s1  }
0x145: {  	s1 =	ssub.s32 @!p0 $0x0, s1;
	[sflag:s0] =	ssyncset.done @!p0 $0x0  }
0x146: {  	[sflag:s0] =	ssyncadd.s32 @!p0 s1  }
0x147: {  	[bflag:$0x3] =	sbarrier.arrive $0xFFFF  }
0x148: {  	_ =	shalt  }

</sc_bundles>
